<compile_context>
chip_gen: v7x
topology: tpu7x:2x2x1
jax: 0.10.2.dev20260603
libtpu: 0.0.44.dev20260713+nightly
codegen_flags: <defaults>
</compile_context>

<pallas_src>
import jax
import jax.numpy as jnp
from jax import lax
from jax.experimental import pallas as pl
from jax.experimental.pallas import tpu as pltpu
from jax.experimental.pallas import tpu_sc as plsc

_N = 10000
_E = 320000
_DIN = 128
_DH = 128
_DOUT = 64

_NC = 2
_NS = 16
_NW = _NC * _NS
_CHUNK = 128
_EPW = _E // _NW
_G = 8
_NGRP = 10
_NCHUNK = _G * _NGRP
_EPW_PAD = _NCHUNK * _CHUNK
_NP = 10240
_RPT = _NP // _NS
_BLK = 2000


def _dotT(a, w):
    return lax.dot_general(a, w, (((1,), (1,)), ((), ())),
                           preferred_element_type=jnp.float32)


def _proj2(x, Wl, Wr, b, dout):
    n, din = x.shape

    def body(x_ref, wl_ref, wr_ref, b_ref, yl_ref, yr_ref):
        xv = x_ref[...]
        yl_ref[...] = _dotT(xv, wl_ref[...])
        yr_ref[...] = _dotT(xv, wr_ref[...]) + b_ref[...]

    return pl.pallas_call(
        body,
        grid=(n // _BLK,),
        in_specs=[
            pl.BlockSpec((_BLK, din), lambda i: (i, 0)),
            pl.BlockSpec(Wl.shape, lambda i: (0, 0)),
            pl.BlockSpec(Wr.shape, lambda i: (0, 0)),
            pl.BlockSpec((1, dout), lambda i: (0, 0)),
        ],
        out_specs=[
            pl.BlockSpec((_BLK, dout), lambda i: (i, 0)),
            pl.BlockSpec((_BLK, dout), lambda i: (i, 0)),
        ],
        out_shape=[
            jax.ShapeDtypeStruct((n, dout), jnp.float32),
            jax.ShapeDtypeStruct((n, dout), jnp.float32),
        ],
    )(x, Wl, Wr, b.reshape(1, -1))


def _combine_proj(parts, degp, yr, Wl, Wr, b, dout):
    n, d = yr.shape

    def body(p_ref, g_ref, yr_ref, wl_ref, wr_ref, b_ref, yl_ref, yr2_ref):
        p = p_ref[0] + p_ref[1]
        deg = g_ref[0, :, 0:1] + g_ref[1, :, 0:1]
        inv = 1.0 / jnp.maximum(deg, 1.0)
        h = jnp.maximum(p * inv + yr_ref[...], 0.0)
        yl_ref[...] = _dotT(h, wl_ref[...])
        yr2_ref[...] = _dotT(h, wr_ref[...]) + b_ref[...]

    return pl.pallas_call(
        body,
        grid=(n // _BLK,),
        in_specs=[
            pl.BlockSpec((2, _BLK, d), lambda i: (0, i, 0)),
            pl.BlockSpec((2, _BLK, degp.shape[2]), lambda i: (0, i, 0)),
            pl.BlockSpec((_BLK, d), lambda i: (i, 0)),
            pl.BlockSpec(Wl.shape, lambda i: (0, 0)),
            pl.BlockSpec(Wr.shape, lambda i: (0, 0)),
            pl.BlockSpec((1, dout), lambda i: (0, 0)),
        ],
        out_specs=[
            pl.BlockSpec((_BLK, dout), lambda i: (i, 0)),
            pl.BlockSpec((_BLK, dout), lambda i: (i, 0)),
        ],
        out_shape=[
            jax.ShapeDtypeStruct((n, dout), jnp.float32),
            jax.ShapeDtypeStruct((n, dout), jnp.float32),
        ],
    )(parts, degp, yr, Wl, Wr, b.reshape(1, -1))


def _finalize(parts, degp, yr):
    n, d = yr.shape

    def body(p_ref, g_ref, yr_ref, o_ref):
        p = p_ref[0, :, 0:d] + p_ref[1, :, 0:d]
        deg = g_ref[0, :, 0:1] + g_ref[1, :, 0:1]
        inv = 1.0 / jnp.maximum(deg, 1.0)
        z = p * inv + yr_ref[...]
        m = jnp.max(z, axis=1, keepdims=True)
        e = jnp.exp(z - m)
        o_ref[...] = z - m - jnp.log(jnp.sum(e, axis=1, keepdims=True))

    return pl.pallas_call(
        body,
        grid=(n // _BLK,),
        in_specs=[
            pl.BlockSpec((2, _BLK, parts.shape[2]), lambda i: (0, i, 0)),
            pl.BlockSpec((2, _BLK, degp.shape[2]), lambda i: (0, i, 0)),
            pl.BlockSpec((_BLK, d), lambda i: (i, 0)),
        ],
        out_specs=pl.BlockSpec((_BLK, d), lambda i: (i, 0)),
        out_shape=jax.ShapeDtypeStruct((n, d), jnp.float32),
    )(parts, degp, yr)


_MESH = plsc.VectorSubcoreMesh(core_axis_name="c", subcore_axis_name="s")


def _sc_segsum(d):
    out_type = jax.ShapeDtypeStruct((_NC, _NP, d), jnp.float32)
    scratch = [
        pltpu.VMEM((2, _G, _CHUNK), jnp.int32),
        pltpu.VMEM((2, _G, _CHUNK), jnp.int32),
        pltpu.VMEM((_CHUNK, d), jnp.float32),
        pltpu.VMEM((_CHUNK, d), jnp.float32),
        pltpu.VMEM_SHARED((_NP, d), jnp.float32),
        pltpu.SemaphoreType.DMA,
        pltpu.SemaphoreType.DMA,
        pltpu.SemaphoreType.DMA,
        pltpu.SemaphoreType.DMA,
        pltpu.SemaphoreType.DMA,
    ]

    def body(y_hbm, srcp, dstp, zrow, out_hbm,
             srcg, dstg, r0, r1, acc, g0, g1, s0, s1, isem):
        c = lax.axis_index("c")
        s = lax.axis_index("s")
        w = s * _NC + c
        pltpu.sync_copy(zrow, acc.at[pl.ds(s * _RPT, _RPT)])
        pltpu.sync_copy(srcp.at[w, pl.ds(0, _G)], srcg.at[0])
        pltpu.sync_copy(dstp.at[w, pl.ds(0, _G)], dstg.at[0])
        plsc.subcore_barrier()

        def group(g, carry):
            gb = g % 2
            nb = (g + 1) % 2

            @pl.when(g > 0)
            def _drain_idx():
                pltpu.make_async_copy(
                    srcp.at[w, pl.ds(g * _G, _G)], srcg.at[gb], isem).wait()
                pltpu.make_async_copy(
                    dstp.at[w, pl.ds(g * _G, _G)], dstg.at[gb], isem).wait()

            gd = [pltpu.async_copy(y_hbm.at[srcg.at[gb, 0]], r0, g0),
                  pltpu.async_copy(y_hbm.at[srcg.at[gb, 1]], r1, g1)]

            @pl.when(g + 1 < _NGRP)
            def _stage_next():
                pltpu.async_copy(srcp.at[w, pl.ds((g + 1) * _G, _G)],
                                 srcg.at[nb], isem)
                pltpu.async_copy(dstp.at[w, pl.ds((g + 1) * _G, _G)],
                                 dstg.at[nb], isem)

            sd = [None, None]
            for k in range(_G):
                r, gs, ss = (r0, g0, s0) if k % 2 == 0 else (r1, g1, s1)
                b = k % 2
                gd[b].wait()
                sd[b] = pltpu.async_copy(r, acc.at[dstg.at[gb, k]], ss,
                                         add=True)
                if k + 2 < _G:
                    sd[b].wait()
                    gd[b] = pltpu.async_copy(y_hbm.at[srcg.at[gb, k + 2]],
                                             r, gs)
            sd[0].wait()
            sd[1].wait()
            return carry

        lax.fori_loop(0, _NGRP, group, 0)
        plsc.subcore_barrier()
        pltpu.sync_copy(acc.at[pl.ds(s * _RPT, _RPT)],
                        out_hbm.at[c, pl.ds(s * _RPT, _RPT)])

    return pl.kernel(body, out_type=out_type, mesh=_MESH, scratch_types=scratch)


def _sc_deg(dstp, z128, ones):
    scratch = [
        pltpu.VMEM((_NCHUNK, _CHUNK), jnp.int32),
        pltpu.VMEM((_CHUNK, _DH), jnp.float32),
        pltpu.VMEM_SHARED((_NP, _DH), jnp.float32),
        pltpu.SemaphoreType.DMA,
    ]

    def body(dstp_hbm, z16_hbm, ones_hbm, deg_hbm, dst_v, ones_v, dacc, ssem):
        c = lax.axis_index("c")
        s = lax.axis_index("s")
        w = s * _NC + c
        pltpu.sync_copy(z16_hbm, dacc.at[pl.ds(s * _RPT, _RPT)])
        pltpu.sync_copy(dstp_hbm.at[w], dst_v)
        pltpu.sync_copy(ones_hbm, ones_v)
        plsc.subcore_barrier()

        def group(g, carry):
            sd = [pltpu.async_copy(ones_v, dacc.at[dst_v.at[g * _G + k]],
                                   ssem, add=True)
                  for k in range(_G)]
            for d_ in sd:
                d_.wait()
            return carry

        lax.fori_loop(0, _NGRP, group, 0)
        plsc.subcore_barrier()
        pltpu.sync_copy(dacc.at[pl.ds(s * _RPT, _RPT)],
                        deg_hbm.at[c, pl.ds(s * _RPT, _RPT)])

    return pl.kernel(
        body,
        out_type=jax.ShapeDtypeStruct((_NC, _NP, _DH), jnp.float32),
        mesh=_MESH,
        scratch_types=scratch,
    )(dstp, z128, ones)


def kernel(x, edge_index, Wl1, Wr1, b1, Wl2, Wr2, b2, Wl3, Wr3, b3):
    src = edge_index[0].reshape(_NW, _EPW)
    dst = edge_index[1].reshape(_NW, _EPW)
    npad = _EPW_PAD - _EPW
    pad_i = jnp.arange(npad, dtype=jnp.int32)
    pad_s = jnp.broadcast_to((pad_i * 41) % _N, (_NW, npad))
    pad_d = jnp.broadcast_to(_N + (pad_i % (_NP - _N)), (_NW, npad))
    srcp = jnp.concatenate([src, pad_s], axis=1).reshape(_NW, _NCHUNK, _CHUNK)
    dstp = jnp.concatenate([dst, pad_d], axis=1).reshape(_NW, _NCHUNK, _CHUNK)
    z128 = jnp.zeros((_RPT, _DH), jnp.float32)
    ones = jnp.ones((_CHUNK, _DH), jnp.float32)

    degp = _sc_deg(dstp, z128, ones)
    yl1, yr1 = _proj2(x, Wl1, Wr1, b1, _DH)
    parts1 = _sc_segsum(_DH)(yl1, srcp, dstp, z128)
    yl2, yr2 = _combine_proj(parts1, degp, yr1, Wl2, Wr2, b2, _DH)
    parts2 = _sc_segsum(_DH)(yl2, srcp, dstp, z128)
    wpad = jnp.zeros((_DH - _DOUT, _DH), jnp.float32)
    Wl3p = jnp.concatenate([Wl3, wpad], axis=0)
    Wr3p = jnp.concatenate([Wr3, wpad], axis=0)
    b3p = jnp.concatenate([b3, jnp.zeros((_DH - _DOUT,), jnp.float32)])
    yl3, yr3p = _combine_proj(parts2, degp, yr2, Wl3p, Wr3p, b3p, _DH)
    yr3 = yr3p[:, :_DOUT]
    parts3 = _sc_segsum(_DH)(yl3, srcp, dstp, z128)
    out = _finalize(parts3, degp, yr3)
    return out

# --- scband reference (transcript-rebuilt; emitter-appended) ---
"""Pipeline reference for scband-hierarchical-neighbor-network-2104533975109 (READ-ONLY COPY).

The authoritative reference and input builder live on the scoring server;
editing this copy changes nothing except your own understanding.
"""

import jax, jax.numpy as jnp
import numpy as np

N = 10000
E = 320000
DIN = 128
DH = 128
DOUT = 64


def setup_inputs(seed: int = 0) -> dict:
    key = jax.random.key(seed)
    ks = jax.random.split(key, 12)
    x = jax.random.normal(ks[0], (N, DIN), dtype=jnp.float32)
    edge_index = jax.random.randint(ks[1], (2, E), 0, N, dtype=jnp.int32)
    s1 = 1.0 / np.sqrt(DIN)
    s2 = 1.0 / np.sqrt(DH)
    Wl1 = jax.random.normal(ks[2], (DH, DIN), dtype=jnp.float32) * s1
    Wr1 = jax.random.normal(ks[3], (DH, DIN), dtype=jnp.float32) * s1
    b1 = jnp.zeros((DH,), dtype=jnp.float32)
    Wl2 = jax.random.normal(ks[4], (DH, DH), dtype=jnp.float32) * s2
    Wr2 = jax.random.normal(ks[5], (DH, DH), dtype=jnp.float32) * s2
    b2 = jnp.zeros((DH,), dtype=jnp.float32)
    Wl3 = jax.random.normal(ks[6], (DOUT, DH), dtype=jnp.float32) * s2
    Wr3 = jax.random.normal(ks[7], (DOUT, DH), dtype=jnp.float32) * s2
    b3 = jnp.zeros((DOUT,), dtype=jnp.float32)
    return {"x": x, "edge_index": edge_index, "Wl1": Wl1, "Wr1": Wr1, "b1": b1,
            "Wl2": Wl2, "Wr2": Wr2, "b2": b2, "Wl3": Wl3, "Wr3": Wr3, "b3": b3}


def _sage_conv(x, edge_index, Wl, Wr, b):
    # PyG SAGEConv (aggr='mean'): out = lin_l(mean_{j in N(i)} x_j) + lin_r(x_i)
    src = edge_index[0]
    dst = edge_index[1]
    msgs = jnp.take(x, src, axis=0)
    agg_sum = jax.ops.segment_sum(msgs, dst, num_segments=x.shape[0])
    deg = jax.ops.segment_sum(jnp.ones((edge_index.shape[1],), dtype=x.dtype), dst,
                              num_segments=x.shape[0])
    agg = agg_sum / jnp.clip(deg, 1.0, None)[:, None]
    return agg @ Wl.T + b + x @ Wr.T


def reference(x, edge_index, Wl1, Wr1, b1, Wl2, Wr2, b2, Wl3, Wr3, b3):
    x_local = jax.nn.relu(_sage_conv(x, edge_index, Wl1, Wr1, b1))
    x_regional = jax.nn.relu(_sage_conv(x_local, edge_index, Wl2, Wr2, b2))
    x_global = _sage_conv(x_regional, edge_index, Wl3, Wr3, b3)
    return jax.nn.log_softmax(x_global, axis=1)

if __name__ == "__main__":
    import jax
    _d = setup_inputs()
    print(jax.jit(kernel)(*tuple(_d.values())))

</pallas_src>

<mosaic_0001>
#map = affine_map<(d0, d1) -> (0, 0)>
#map1 = affine_map<(d0, d1) -> (0, 0, 0)>
module attributes {stable_mosaic.version = 14 : i64} {
  func.func @body(%arg0: i32, %arg1: i32, %arg2: memref<10000x128xf32, #tpu.memory_space<hbm>>, %arg3: memref<32x80x128xi32, #tpu.memory_space<hbm>>, %arg4: memref<32x80x128xi32, #tpu.memory_space<hbm>>, %arg5: memref<640x128xf32, #tpu.memory_space<hbm>>, %arg6: memref<2x10240x128xf32, #tpu.memory_space<hbm>>, %arg7: memref<2x8x128xi32, #tpu.memory_space<vmem>>, %arg8: memref<2x8x128xi32, #tpu.memory_space<vmem>>, %arg9: memref<128x128xf32, #tpu.memory_space<vmem>>, %arg10: memref<128x128xf32, #tpu.memory_space<vmem>>, %arg11: memref<10240x128xf32, #tpu.memory_space<vmem_shared>>, %arg12: memref<!tpu.dma_semaphore, #tpu.memory_space<semaphore_mem>>, %arg13: memref<!tpu.dma_semaphore, #tpu.memory_space<semaphore_mem>>, %arg14: memref<!tpu.dma_semaphore, #tpu.memory_space<semaphore_mem>>, %arg15: memref<!tpu.dma_semaphore, #tpu.memory_space<semaphore_mem>>, %arg16: memref<!tpu.dma_semaphore, #tpu.memory_space<semaphore_mem>>) attributes {dimension_semantics = [#tpu.dimension_semantics<core_parallel>, #tpu.dimension_semantics<subcore_parallel>], iteration_bounds = array<i64: 2, 16>, scalar_prefetch = 0 : i64, scratch_operands = 10 : i64, tpu.core_type = #tpu.core_type<sc_vector_subcore>, window_params = [{transform_indices = #map}, {transform_indices = #map1}, {transform_indices = #map1}, {transform_indices = #map}, {transform_indices = #map1}]} {
    %mul3A = arith.constant 2 : i32
    %mul3A_0 = arith.muli %arg1, %mul3A : i32
    %add3A = arith.addi %mul3A_0, %arg0 : i32
    %mul3A_1 = arith.constant 640 : i32
    %mul3A_2 = arith.muli %arg1, %mul3A_1 : i32
    "tpu.region"() ({
      %run_scoped3A_14 = tpu.sem_alloc : memref<!tpu.dma_semaphore, #tpu.memory_space<semaphore_mem>>
      %dma_start3A = arith.constant 0 : i32
      %dma_start3A_15 = tpu.memref_slice %arg11[%mul3A_2, %dma_start3A] : memref<10240x128xf32, #tpu.memory_space<vmem_shared>> -> memref<640x128xf32, #tpu.memory_space<vmem_shared>>
      tpu.enqueue_dma source(%arg5 : memref<640x128xf32, #tpu.memory_space<hbm>>) target(%dma_start3A_15 : memref<640x128xf32, #tpu.memory_space<vmem_shared>>) target_semaphore(%run_scoped3A_14 : memref<!tpu.dma_semaphore, #tpu.memory_space<semaphore_mem>>)
      %dma_wait3A = arith.constant 0 : i32
      %dma_wait3A_16 = tpu.memref_slice %arg11[%mul3A_2, %dma_wait3A] : memref<10240x128xf32, #tpu.memory_space<vmem_shared>> -> memref<640x128xf32, #tpu.memory_space<vmem_shared>>
      tpu.wait_dma2 semaphore(%run_scoped3A_14 : memref<!tpu.dma_semaphore, #tpu.memory_space<semaphore_mem>>) src(%arg5 : memref<640x128xf32, #tpu.memory_space<hbm>>) dst(%dma_wait3A_16 : memref<640x128xf32, #tpu.memory_space<vmem_shared>>)
      tpu.yield
    }) : () -> ()
    %run_scoped3A = arith.constant 0 : i32
    "tpu.region"() ({
      %run_scoped3A_14 = tpu.sem_alloc : memref<!tpu.dma_semaphore, #tpu.memory_space<semaphore_mem>>
      %dma_start3A = arith.constant 0 : i32
      %dma_start3A_15 = arith.constant 0 : i32
      %dma_start3A_16 = tpu.memref_slice %arg7[%run_scoped3A, %dma_start3A, %dma_start3A_15] : memref<2x8x128xi32, #tpu.memory_space<vmem>> -> memref<1x8x128xi32, #tpu.memory_space<vmem>>
      %dma_start3A_17 = tpu.memref_squeeze %dma_start3A_16 : memref<1x8x128xi32, #tpu.memory_space<vmem>> -> memref<8x128xi32, #tpu.memory_space<vmem>>
      %dma_start3A_18 = arith.constant 0 : i32
      %dma_start3A_19 = arith.constant 0 : i32
      %dma_start3A_20 = tpu.memref_slice %arg3[%add3A, %dma_start3A_18, %dma_start3A_19] : memref<32x80x128xi32, #tpu.memory_space<hbm>> -> memref<1x8x128xi32, #tpu.memory_space<hbm>>
      %dma_start3A_21 = tpu.memref_squeeze %dma_start3A_20 : memref<1x8x128xi32, #tpu.memory_space<hbm>> -> memref<8x128xi32, #tpu.memory_space<hbm>>
      %dma_start3A_22 = arith.constant 0 : i32
      %dma_start3A_23 = arith.constant 0 : i32
      %dma_start3A_24 = tpu.memref_slice %arg7[%run_scoped3A, %dma_start3A_22, %dma_start3A_23] : memref<2x8x128xi32, #tpu.memory_space<vmem>> -> memref<1x8x128xi32, #tpu.memory_space<vmem>>
      %dma_start3A_25 = tpu.memref_squeeze %dma_start3A_24 : memref<1x8x128xi32, #tpu.memory_space<vmem>> -> memref<8x128xi32, #tpu.memory_space<vmem>>
      %dma_start3A_26 = arith.constant 0 : i32
      %dma_start3A_27 = arith.constant 0 : i32
      %dma_start3A_28 = tpu.memref_slice %arg3[%add3A, %dma_start3A_26, %dma_start3A_27] : memref<32x80x128xi32, #tpu.memory_space<hbm>> -> memref<1x8x128xi32, #tpu.memory_space<hbm>>
      %dma_start3A_29 = tpu.memref_squeeze %dma_start3A_28 : memref<1x8x128xi32, #tpu.memory_space<hbm>> -> memref<8x128xi32, #tpu.memory_space<hbm>>
      tpu.enqueue_dma source(%dma_start3A_29 : memref<8x128xi32, #tpu.memory_space<hbm>>) target(%dma_start3A_25 : memref<8x128xi32, #tpu.memory_space<vmem>>) target_semaphore(%run_scoped3A_14 : memref<!tpu.dma_semaphore, #tpu.memory_space<semaphore_mem>>)
      %dma_wait3A = arith.constant 0 : i32
      %dma_wait3A_30 = arith.constant 0 : i32
      %dma_wait3A_31 = tpu.memref_slice %arg7[%run_scoped3A, %dma_wait3A, %dma_wait3A_30] : memref<2x8x128xi32, #tpu.memory_space<vmem>> -> memref<1x8x128xi32, #tpu.memory_space<vmem>>
      %dma_wait3A_32 = tpu.memref_squeeze %dma_wait3A_31 : memref<1x8x128xi32, #tpu.memory_space<vmem>> -> memref<8x128xi32, #tpu.memory_space<vmem>>
      %dma_wait3A_33 = arith.constant 0 : i32
      %dma_wait3A_34 = arith.constant 0 : i32
      %dma_wait3A_35 = tpu.memref_slice %arg3[%add3A, %dma_wait3A_33, %dma_wait3A_34] : memref<32x80x128xi32, #tpu.memory_space<hbm>> -> memref<1x8x128xi32, #tpu.memory_space<hbm>>
      %dma_wait3A_36 = tpu.memref_squeeze %dma_wait3A_35 : memref<1x8x128xi32, #tpu.memory_space<hbm>> -> memref<8x128xi32, #tpu.memory_space<hbm>>
      %dma_wait3A_37 = arith.constant 0 : i32
      %dma_wait3A_38 = arith.constant 0 : i32
      %dma_wait3A_39 = tpu.memref_slice %arg7[%run_scoped3A, %dma_wait3A_37, %dma_wait3A_38] : memref<2x8x128xi32, #tpu.memory_space<vmem>> -> memref<1x8x128xi32, #tpu.memory_space<vmem>>
      %dma_wait3A_40 = tpu.memref_squeeze %dma_wait3A_39 : memref<1x8x128xi32, #tpu.memory_space<vmem>> -> memref<8x128xi32, #tpu.memory_space<vmem>>
      %dma_wait3A_41 = arith.constant 0 : i32
      %dma_wait3A_42 = arith.constant 0 : i32
      %dma_wait3A_43 = tpu.memref_slice %arg3[%add3A, %dma_wait3A_41, %dma_wait3A_42] : memref<32x80x128xi32, #tpu.memory_space<hbm>> -> memref<1x8x128xi32, #tpu.memory_space<hbm>>
      %dma_wait3A_44 = tpu.memref_squeeze %dma_wait3A_43 : memref<1x8x128xi32, #tpu.memory_space<hbm>> -> memref<8x128xi32, #tpu.memory_space<hbm>>
      tpu.wait_dma2 semaphore(%run_scoped3A_14 : memref<!tpu.dma_semaphore, #tpu.memory_space<semaphore_mem>>) src(%dma_wait3A_44 : memref<8x128xi32, #tpu.memory_space<hbm>>) dst(%dma_wait3A_40 : memref<8x128xi32, #tpu.memory_space<vmem>>)
      tpu.yield
    }) : () -> ()
    %run_scoped3A_3 = arith.constant 0 : i32
    "tpu.region"() ({
      %run_scoped3A_14 = tpu.sem_alloc : memref<!tpu.dma_semaphore, #tpu.memory_space<semaphore_mem>>
      %dma_start3A = arith.constant 0 : i32
      %dma_start3A_15 = arith.constant 0 : i32
      %dma_start3A_16 = tpu.memref_slice %arg8[%run_scoped3A_3, %dma_start3A, %dma_start3A_15] : memref<2x8x128xi32, #tpu.memory_space<vmem>> -> memref<1x8x128xi32, #tpu.memory_space<vmem>>
      %dma_start3A_17 = tpu.memref_squeeze %dma_start3A_16 : memref<1x8x128xi32, #tpu.memory_space<vmem>> -> memref<8x128xi32, #tpu.memory_space<vmem>>
      %dma_start3A_18 = arith.constant 0 : i32
      %dma_start3A_19 = arith.constant 0 : i32
      %dma_start3A_20 = tpu.memref_slice %arg4[%add3A, %dma_start3A_18, %dma_start3A_19] : memref<32x80x128xi32, #tpu.memory_space<hbm>> -> memref<1x8x128xi32, #tpu.memory_space<hbm>>
      %dma_start3A_21 = tpu.memref_squeeze %dma_start3A_20 : memref<1x8x128xi32, #tpu.memory_space<hbm>> -> memref<8x128xi32, #tpu.memory_space<hbm>>
      %dma_start3A_22 = arith.constant 0 : i32
      %dma_start3A_23 = arith.constant 0 : i32
      %dma_start3A_24 = tpu.memref_slice %arg8[%run_scoped3A_3, %dma_start3A_22, %dma_start3A_23] : memref<2x8x128xi32, #tpu.memory_space<vmem>> -> memref<1x8x128xi32, #tpu.memory_space<vmem>>
      %dma_start3A_25 = tpu.memref_squeeze %dma_start3A_24 : memref<1x8x128xi32, #tpu.memory_space<vmem>> -> memref<8x128xi32, #tpu.memory_space<vmem>>
      %dma_start3A_26 = arith.constant 0 : i32
      %dma_start3A_27 = arith.constant 0 : i32
      %dma_start3A_28 = tpu.memref_slice %arg4[%add3A, %dma_start3A_26, %dma_start3A_27] : memref<32x80x128xi32, #tpu.memory_space<hbm>> -> memref<1x8x128xi32, #tpu.memory_space<hbm>>
      %dma_start3A_29 = tpu.memref_squeeze %dma_start3A_28 : memref<1x8x128xi32, #tpu.memory_space<hbm>> -> memref<8x128xi32, #tpu.memory_space<hbm>>
      tpu.enqueue_dma source(%dma_start3A_29 : memref<8x128xi32, #tpu.memory_space<hbm>>) target(%dma_start3A_25 : memref<8x128xi32, #tpu.memory_space<vmem>>) target_semaphore(%run_scoped3A_14 : memref<!tpu.dma_semaphore, #tpu.memory_space<semaphore_mem>>)
      %dma_wait3A = arith.constant 0 : i32
      %dma_wait3A_30 = arith.constant 0 : i32
      %dma_wait3A_31 = tpu.memref_slice %arg8[%run_scoped3A_3, %dma_wait3A, %dma_wait3A_30] : memref<2x8x128xi32, #tpu.memory_space<vmem>> -> memref<1x8x128xi32, #tpu.memory_space<vmem>>
      %dma_wait3A_32 = tpu.memref_squeeze %dma_wait3A_31 : memref<1x8x128xi32, #tpu.memory_space<vmem>> -> memref<8x128xi32, #tpu.memory_space<vmem>>
      %dma_wait3A_33 = arith.constant 0 : i32
      %dma_wait3A_34 = arith.constant 0 : i32
      %dma_wait3A_35 = tpu.memref_slice %arg4[%add3A, %dma_wait3A_33, %dma_wait3A_34] : memref<32x80x128xi32, #tpu.memory_space<hbm>> -> memref<1x8x128xi32, #tpu.memory_space<hbm>>
      %dma_wait3A_36 = tpu.memref_squeeze %dma_wait3A_35 : memref<1x8x128xi32, #tpu.memory_space<hbm>> -> memref<8x128xi32, #tpu.memory_space<hbm>>
      %dma_wait3A_37 = arith.constant 0 : i32
      %dma_wait3A_38 = arith.constant 0 : i32
      %dma_wait3A_39 = tpu.memref_slice %arg8[%run_scoped3A_3, %dma_wait3A_37, %dma_wait3A_38] : memref<2x8x128xi32, #tpu.memory_space<vmem>> -> memref<1x8x128xi32, #tpu.memory_space<vmem>>
      %dma_wait3A_40 = tpu.memref_squeeze %dma_wait3A_39 : memref<1x8x128xi32, #tpu.memory_space<vmem>> -> memref<8x128xi32, #tpu.memory_space<vmem>>
      %dma_wait3A_41 = arith.constant 0 : i32
      %dma_wait3A_42 = arith.constant 0 : i32
      %dma_wait3A_43 = tpu.memref_slice %arg4[%add3A, %dma_wait3A_41, %dma_wait3A_42] : memref<32x80x128xi32, #tpu.memory_space<hbm>> -> memref<1x8x128xi32, #tpu.memory_space<hbm>>
      %dma_wait3A_44 = tpu.memref_squeeze %dma_wait3A_43 : memref<1x8x128xi32, #tpu.memory_space<hbm>> -> memref<8x128xi32, #tpu.memory_space<hbm>>
      tpu.wait_dma2 semaphore(%run_scoped3A_14 : memref<!tpu.dma_semaphore, #tpu.memory_space<semaphore_mem>>) src(%dma_wait3A_44 : memref<8x128xi32, #tpu.memory_space<hbm>>) dst(%dma_wait3A_40 : memref<8x128xi32, #tpu.memory_space<vmem>>)
      tpu.yield
    }) : () -> ()
    %barrier3A = arith.constant 0 : index
    tpu.barrier barrier_id(%barrier3A)
    %scan3A = arith.constant 0 : i32
    %scan3A_4 = arith.constant 0 : i32
    %scan3A_5 = arith.constant 10 : i32
    %scan3A_6 = arith.addi %scan3A_4, %scan3A_5 : i32
    %scan3A_7 = arith.constant 1 : i32
    scf.for %scan3A_14 = %scan3A_4 to %scan3A_6 step %scan3A_7  : i32 {
      %jit3A = arith.constant 2 : i32
      %eq3A = arith.constant 0 : i32
      %eq3A_15 = arith.cmpi eq, %jit3A, %eq3A : i32
      %jit3A_16 = arith.constant 1 : i32
      %select_n3A = arith.select %eq3A_15, %jit3A_16, %jit3A : i32
      %rem3A = arith.remsi %scan3A_14, %select_n3A : i32
      %ne3A = arith.constant 0 : i32
      %ne3A_17 = arith.cmpi ne, %rem3A, %ne3A : i32
      %lt3A = arith.constant 0 : i32
      %lt3A_18 = arith.cmpi slt, %rem3A, %lt3A : i32
      %lt3A_19 = arith.constant 0 : i32
      %lt3A_20 = arith.cmpi slt, %select_n3A, %lt3A_19 : i32
      %ne3A_21 = arith.xori %lt3A_18, %lt3A_20 : i1
      %and3A = arith.andi %ne3A_21, %ne3A_17 : i1
      %add3A_22 = arith.addi %rem3A, %select_n3A : i32
      %select_n3A_23 = arith.select %and3A, %add3A_22, %rem3A : i32
      %add3A_24 = arith.constant 1 : i32
      %add3A_25 = arith.addi %scan3A_14, %add3A_24 : i32
      %jit3A_26 = arith.constant 2 : i32
      %eq3A_27 = arith.constant 0 : i32
      %eq3A_28 = arith.cmpi eq, %jit3A_26, %eq3A_27 : i32
      %jit3A_29 = arith.constant 1 : i32
      %select_n3A_30 = arith.select %eq3A_28, %jit3A_29, %jit3A_26 : i32
      %rem3A_31 = arith.remsi %add3A_25, %select_n3A_30 : i32
      %ne3A_32 = arith.constant 0 : i32
      %ne3A_33 = arith.cmpi ne, %rem3A_31, %ne3A_32 : i32
      %lt3A_34 = arith.constant 0 : i32
      %lt3A_35 = arith.cmpi slt, %rem3A_31, %lt3A_34 : i32
      %lt3A_36 = arith.constant 0 : i32
      %lt3A_37 = arith.cmpi slt, %select_n3A_30, %lt3A_36 : i32
      %ne3A_38 = arith.xori %lt3A_35, %lt3A_37 : i1
      %and3A_39 = arith.andi %ne3A_38, %ne3A_33 : i1
      %add3A_40 = arith.addi %rem3A_31, %select_n3A_30 : i32
      %select_n3A_41 = arith.select %and3A_39, %add3A_40, %rem3A_31 : i32
      %gt3A = arith.constant 0 : i32
      %gt3A_42 = arith.cmpi sgt, %scan3A_14, %gt3A : i32
      %convert_element_type3A = arith.extui %gt3A_42 : i1 to i32
      %cond3A = arith.constant 0 : i32
      %cond3A_43 = arith.cmpi ne, %convert_element_type3A, %cond3A : i32
      scf.if %cond3A_43 {
        %mul3A_273 = arith.constant 8 : i32
        %mul3A_274 = arith.muli %scan3A_14, %mul3A_273 : i32
        %dma_wait3A_275 = arith.constant 0 : i32
        %dma_wait3A_276 = arith.constant 0 : i32
        %dma_wait3A_277 = tpu.memref_slice %arg7[%select_n3A_23, %dma_wait3A_275, %dma_wait3A_276] : memref<2x8x128xi32, #tpu.memory_space<vmem>> -> memref<1x8x128xi32, #tpu.memory_space<vmem>>
        %dma_wait3A_278 = tpu.memref_squeeze %dma_wait3A_277 : memref<1x8x128xi32, #tpu.memory_space<vmem>> -> memref<8x128xi32, #tpu.memory_space<vmem>>
        %dma_wait3A_279 = arith.constant 0 : i32
        %dma_wait3A_280 = tpu.memref_slice %arg3[%add3A, %mul3A_274, %dma_wait3A_279] : memref<32x80x128xi32, #tpu.memory_space<hbm>> -> memref<1x8x128xi32, #tpu.memory_space<hbm>>
        %dma_wait3A_281 = tpu.memref_squeeze %dma_wait3A_280 : memref<1x8x128xi32, #tpu.memory_space<hbm>> -> memref<8x128xi32, #tpu.memory_space<hbm>>
        %dma_wait3A_282 = arith.constant 0 : i32
        %dma_wait3A_283 = arith.constant 0 : i32
        %dma_wait3A_284 = tpu.memref_slice %arg7[%select_n3A_23, %dma_wait3A_282, %dma_wait3A_283] : memref<2x8x128xi32, #tpu.memory_space<vmem>> -> memref<1x8x128xi32, #tpu.memory_space<vmem>>
        %dma_wait3A_285 = tpu.memref_squeeze %dma_wait3A_284 : memref<1x8x128xi32, #tpu.memory_space<vmem>> -> memref<8x128xi32, #tpu.memory_space<vmem>>
        %dma_wait3A_286 = arith.constant 0 : i32
        %dma_wait3A_287 = tpu.memref_slice %arg3[%add3A, %mul3A_274, %dma_wait3A_286] : memref<32x80x128xi32, #tpu.memory_space<hbm>> -> memref<1x8x128xi32, #tpu.memory_space<hbm>>
        %dma_wait3A_288 = tpu.memref_squeeze %dma_wait3A_287 : memref<1x8x128xi32, #tpu.memory_space<hbm>> -> memref<8x128xi32, #tpu.memory_space<hbm>>
        tpu.wait_dma2 semaphore(%arg16 : memref<!tpu.dma_semaphore, #tpu.memory_space<semaphore_mem>>) src(%dma_wait3A_288 : memref<8x128xi32, #tpu.memory_space<hbm>>) dst(%dma_wait3A_285 : memref<8x128xi32, #tpu.memory_space<vmem>>)
        %mul3A_289 = arith.constant 8 : i32
        %mul3A_290 = arith.muli %scan3A_14, %mul3A_289 : i32
        %dma_wait3A_291 = arith.constant 0 : i32
        %dma_wait3A_292 = arith.constant 0 : i32
        %dma_wait3A_293 = tpu.memref_slice %arg8[%select_n3A_23, %dma_wait3A_291, %dma_wait3A_292] : memref<2x8x128xi32, #tpu.memory_space<vmem>> -> memref<1x8x128xi32, #tpu.memory_space<vmem>>
        %dma_wait3A_294 = tpu.memref_squeeze %dma_wait3A_293 : memref<1x8x128xi32, #tpu.memory_space<vmem>> -> memref<8x128xi32, #tpu.memory_space<vmem>>
        %dma_wait3A_295 = arith.constant 0 : i32
        %dma_wait3A_296 = tpu.memref_slice %arg4[%add3A, %mul3A_290, %dma_wait3A_295] : memref<32x80x128xi32, #tpu.memory_space<hbm>> -> memref<1x8x128xi32, #tpu.memory_space<hbm>>
        %dma_wait3A_297 = tpu.memref_squeeze %dma_wait3A_296 : memref<1x8x128xi32, #tpu.memory_space<hbm>> -> memref<8x128xi32, #tpu.memory_space<hbm>>
        %dma_wait3A_298 = arith.constant 0 : i32
        %dma_wait3A_299 = arith.constant 0 : i32
        %dma_wait3A_300 = tpu.memref_slice %arg8[%select_n3A_23, %dma_wait3A_298, %dma_wait3A_299] : memref<2x8x128xi32, #tpu.memory_space<vmem>> -> memref<1x8x128xi32, #tpu.memory_space<vmem>>
        %dma_wait3A_301 = tpu.memref_squeeze %dma_wait3A_300 : memref<1x8x128xi32, #tpu.memory_space<vmem>> -> memref<8x128xi32, #tpu.memory_space<vmem>>
        %dma_wait3A_302 = arith.constant 0 : i32
        %dma_wait3A_303 = tpu.memref_slice %arg4[%add3A, %mul3A_290, %dma_wait3A_302] : memref<32x80x128xi32, #tpu.memory_space<hbm>> -> memref<1x8x128xi32, #tpu.memory_space<hbm>>
        %dma_wait3A_304 = tpu.memref_squeeze %dma_wait3A_303 : memref<1x8x128xi32, #tpu.memory_space<hbm>> -> memref<8x128xi32, #tpu.memory_space<hbm>>
        tpu.wait_dma2 semaphore(%arg16 : memref<!tpu.dma_semaphore, #tpu.memory_space<semaphore_mem>>) src(%dma_wait3A_304 : memref<8x128xi32, #tpu.memory_space<hbm>>) dst(%dma_wait3A_301 : memref<8x128xi32, #tpu.memory_space<vmem>>)
      } else {
      }
      %dma_start3A = arith.constant 0 : i32
      %dma_start3A_44 = arith.constant 0 : i32
      %dma_start3A_45 = tpu.memref_slice %arg7[%select_n3A_23, %dma_start3A, %dma_start3A_44] : memref<2x8x128xi32, #tpu.memory_space<vmem>> -> memref<1x1x128xi32, #tpu.memory_space<vmem>>
      %dma_start3A_46 = tpu.memref_squeeze %dma_start3A_45 : memref<1x1x128xi32, #tpu.memory_space<vmem>> -> memref<128xi32, #tpu.memory_space<vmem>>
      %dma_start3A_47 = arith.constant 0 : i32
      %dma_start3A_48 = arith.constant 0 : i32
      %dma_start3A_49 = tpu.memref_slice %arg2[%dma_start3A_47, %dma_start3A_48] : memref<10000x128xf32, #tpu.memory_space<hbm>> -> memref<10000x128xf32, #tpu.memory_space<hbm>>
      tpu.enqueue_indirect_dma source(%dma_start3A_49 : memref<10000x128xf32, #tpu.memory_space<hbm>>) target(%arg9 : memref<128x128xf32, #tpu.memory_space<vmem>>) offsets(%dma_start3A_46 : memref<128xi32, #tpu.memory_space<vmem>>) semaphore(%arg12 : memref<!tpu.dma_semaphore, #tpu.memory_space<semaphore_mem>>)
      %dma_start3A_50 = arith.constant 1 : i32
      %dma_start3A_51 = arith.constant 0 : i32
      %dma_start3A_52 = tpu.memref_slice %arg7[%select_n3A_23, %dma_start3A_50, %dma_start3A_51] : memref<2x8x128xi32, #tpu.memory_space<vmem>> -> memref<1x1x128xi32, #tpu.memory_space<vmem>>
      %dma_start3A_53 = tpu.memref_squeeze %dma_start3A_52 : memref<1x1x128xi32, #tpu.memory_space<vmem>> -> memref<128xi32, #tpu.memory_space<vmem>>
      %dma_start3A_54 = arith.constant 0 : i32
      %dma_start3A_55 = arith.constant 0 : i32
      %dma_start3A_56 = tpu.memref_slice %arg2[%dma_start3A_54, %dma_start3A_55] : memref<10000x128xf32, #tpu.memory_space<hbm>> -> memref<10000x128xf32, #tpu.memory_space<hbm>>
      tpu.enqueue_indirect_dma source(%dma_start3A_56 : memref<10000x128xf32, #tpu.memory_space<hbm>>) target(%arg10 : memref<128x128xf32, #tpu.memory_space<vmem>>) offsets(%dma_start3A_53 : memref<128xi32, #tpu.memory_space<vmem>>) semaphore(%arg13 : memref<!tpu.dma_semaphore, #tpu.memory_space<semaphore_mem>>)
      %add3A_57 = arith.constant 1 : i32
      %add3A_58 = arith.addi %scan3A_14, %add3A_57 : i32
      %lt3A_59 = arith.constant 10 : i32
      %lt3A_60 = arith.cmpi slt, %add3A_58, %lt3A_59 : i32
      %convert_element_type3A_61 = arith.extui %lt3A_60 : i1 to i32
      %cond3A_62 = arith.constant 0 : i32
      %cond3A_63 = arith.cmpi ne, %convert_element_type3A_61, %cond3A_62 : i32
      scf.if %cond3A_63 {
        %add3A_273 = arith.constant 1 : i32
        %add3A_274 = arith.addi %scan3A_14, %add3A_273 : i32
        %mul3A_275 = arith.constant 8 : i32
        %mul3A_276 = arith.muli %add3A_274, %mul3A_275 : i32
        %dma_start3A_277 = arith.constant 0 : i32
        %dma_start3A_278 = arith.constant 0 : i32
        %dma_start3A_279 = tpu.memref_slice %arg7[%select_n3A_41, %dma_start3A_277, %dma_start3A_278] : memref<2x8x128xi32, #tpu.memory_space<vmem>> -> memref<1x8x128xi32, #tpu.memory_space<vmem>>
        %dma_start3A_280 = tpu.memref_squeeze %dma_start3A_279 : memref<1x8x128xi32, #tpu.memory_space<vmem>> -> memref<8x128xi32, #tpu.memory_space<vmem>>
        %dma_start3A_281 = arith.constant 0 : i32
        %dma_start3A_282 = tpu.memref_slice %arg3[%add3A, %mul3A_276, %dma_start3A_281] : memref<32x80x128xi32, #tpu.memory_space<hbm>> -> memref<1x8x128xi32, #tpu.memory_space<hbm>>
        %dma_start3A_283 = tpu.memref_squeeze %dma_start3A_282 : memref<1x8x128xi32, #tpu.memory_space<hbm>> -> memref<8x128xi32, #tpu.memory_space<hbm>>
        %dma_start3A_284 = arith.constant 0 : i32
        %dma_start3A_285 = arith.constant 0 : i32
        %dma_start3A_286 = tpu.memref_slice %arg7[%select_n3A_41, %dma_start3A_284, %dma_start3A_285] : memref<2x8x128xi32, #tpu.memory_space<vmem>> -> memref<1x8x128xi32, #tpu.memory_space<vmem>>
        %dma_start3A_287 = tpu.memref_squeeze %dma_start3A_286 : memref<1x8x128xi32, #tpu.memory_space<vmem>> -> memref<8x128xi32, #tpu.memory_space<vmem>>
        %dma_start3A_288 = arith.constant 0 : i32
        %dma_start3A_289 = tpu.memref_slice %arg3[%add3A, %mul3A_276, %dma_start3A_288] : memref<32x80x128xi32, #tpu.memory_space<hbm>> -> memref<1x8x128xi32, #tpu.memory_space<hbm>>
        %dma_start3A_290 = tpu.memref_squeeze %dma_start3A_289 : memref<1x8x128xi32, #tpu.memory_space<hbm>> -> memref<8x128xi32, #tpu.memory_space<hbm>>
        tpu.enqueue_dma source(%dma_start3A_290 : memref<8x128xi32, #tpu.memory_space<hbm>>) target(%dma_start3A_287 : memref<8x128xi32, #tpu.memory_space<vmem>>) target_semaphore(%arg16 : memref<!tpu.dma_semaphore, #tpu.memory_space<semaphore_mem>>)
        %add3A_291 = arith.constant 1 : i32
        %add3A_292 = arith.addi %scan3A_14, %add3A_291 : i32
        %mul3A_293 = arith.constant 8 : i32
        %mul3A_294 = arith.muli %add3A_292, %mul3A_293 : i32
        %dma_start3A_295 = arith.constant 0 : i32
        %dma_start3A_296 = arith.constant 0 : i32
        %dma_start3A_297 = tpu.memref_slice %arg8[%select_n3A_41, %dma_start3A_295, %dma_start3A_296] : memref<2x8x128xi32, #tpu.memory_space<vmem>> -> memref<1x8x128xi32, #tpu.memory_space<vmem>>
        %dma_start3A_298 = tpu.memref_squeeze %dma_start3A_297 : memref<1x8x128xi32, #tpu.memory_space<vmem>> -> memref<8x128xi32, #tpu.memory_space<vmem>>
        %dma_start3A_299 = arith.constant 0 : i32
        %dma_start3A_300 = tpu.memref_slice %arg4[%add3A, %mul3A_294, %dma_start3A_299] : memref<32x80x128xi32, #tpu.memory_space<hbm>> -> memref<1x8x128xi32, #tpu.memory_space<hbm>>
        %dma_start3A_301 = tpu.memref_squeeze %dma_start3A_300 : memref<1x8x128xi32, #tpu.memory_space<hbm>> -> memref<8x128xi32, #tpu.memory_space<hbm>>
        %dma_start3A_302 = arith.constant 0 : i32
        %dma_start3A_303 = arith.constant 0 : i32
        %dma_start3A_304 = tpu.memref_slice %arg8[%select_n3A_41, %dma_start3A_302, %dma_start3A_303] : memref<2x8x128xi32, #tpu.memory_space<vmem>> -> memref<1x8x128xi32, #tpu.memory_space<vmem>>
        %dma_start3A_305 = tpu.memref_squeeze %dma_start3A_304 : memref<1x8x128xi32, #tpu.memory_space<vmem>> -> memref<8x128xi32, #tpu.memory_space<vmem>>
        %dma_start3A_306 = arith.constant 0 : i32
        %dma_start3A_307 = tpu.memref_slice %arg4[%add3A, %mul3A_294, %dma_start3A_306] : memref<32x80x128xi32, #tpu.memory_space<hbm>> -> memref<1x8x128xi32, #tpu.memory_space<hbm>>
        %dma_start3A_308 = tpu.memref_squeeze %dma_start3A_307 : memref<1x8x128xi32, #tpu.memory_space<hbm>> -> memref<8x128xi32, #tpu.memory_space<hbm>>
        tpu.enqueue_dma source(%dma_start3A_308 : memref<8x128xi32, #tpu.memory_space<hbm>>) target(%dma_start3A_305 : memref<8x128xi32, #tpu.memory_space<vmem>>) target_semaphore(%arg16 : memref<!tpu.dma_semaphore, #tpu.memory_space<semaphore_mem>>)
      } else {
      }
      %dma_wait3A = arith.constant 0 : i32
      %dma_wait3A_64 = arith.constant 0 : i32
      %dma_wait3A_65 = tpu.memref_slice %arg7[%select_n3A_23, %dma_wait3A, %dma_wait3A_64] : memref<2x8x128xi32, #tpu.memory_space<vmem>> -> memref<1x1x128xi32, #tpu.memory_space<vmem>>
      %dma_wait3A_66 = tpu.memref_squeeze %dma_wait3A_65 : memref<1x1x128xi32, #tpu.memory_space<vmem>> -> memref<128xi32, #tpu.memory_space<vmem>>
      %dma_wait3A_67 = arith.constant 0 : i32
      %dma_wait3A_68 = arith.constant 0 : i32
      %dma_wait3A_69 = tpu.memref_slice %arg2[%dma_wait3A_67, %dma_wait3A_68] : memref<10000x128xf32, #tpu.memory_space<hbm>> -> memref<10000x128xf32, #tpu.memory_space<hbm>>
      tpu.wait_indirect_dma semaphore(%arg12 : memref<!tpu.dma_semaphore, #tpu.memory_space<semaphore_mem>>) src(%dma_wait3A_69 : memref<10000x128xf32, #tpu.memory_space<hbm>>) dst(%arg9 : memref<128x128xf32, #tpu.memory_space<vmem>>)
      %dma_start3A_70 = arith.constant 0 : i32
      %dma_start3A_71 = arith.constant 0 : i32
      %dma_start3A_72 = tpu.memref_slice %arg8[%select_n3A_23, %dma_start3A_70, %dma_start3A_71] : memref<2x8x128xi32, #tpu.memory_space<vmem>> -> memref<1x1x128xi32, #tpu.memory_space<vmem>>
      %dma_start3A_73 = tpu.memref_squeeze %dma_start3A_72 : memref<1x1x128xi32, #tpu.memory_space<vmem>> -> memref<128xi32, #tpu.memory_space<vmem>>
      %dma_start3A_74 = arith.constant 0 : i32
      %dma_start3A_75 = arith.constant 0 : i32
      %dma_start3A_76 = tpu.memref_slice %arg11[%dma_start3A_74, %dma_start3A_75] : memref<10240x128xf32, #tpu.memory_space<vmem_shared>> -> memref<10240x128xf32, #tpu.memory_space<vmem_shared>>
      tpu.enqueue_indirect_dma source(%arg9 : memref<128x128xf32, #tpu.memory_space<vmem>>) target(%dma_start3A_76 : memref<10240x128xf32, #tpu.memory_space<vmem_shared>>) offsets(%dma_start3A_73 : memref<128xi32, #tpu.memory_space<vmem>>) semaphore(%arg14 : memref<!tpu.dma_semaphore, #tpu.memory_space<semaphore_mem>>) {add = true}
      %dma_wait3A_77 = arith.constant 0 : i32
      %dma_wait3A_78 = arith.constant 0 : i32
      %dma_wait3A_79 = tpu.memref_slice %arg8[%select_n3A_23, %dma_wait3A_77, %dma_wait3A_78] : memref<2x8x128xi32, #tpu.memory_space<vmem>> -> memref<1x1x128xi32, #tpu.memory_space<vmem>>
      %dma_wait3A_80 = tpu.memref_squeeze %dma_wait3A_79 : memref<1x1x128xi32, #tpu.memory_space<vmem>> -> memref<128xi32, #tpu.memory_space<vmem>>
      %dma_wait3A_81 = arith.constant 0 : i32
      %dma_wait3A_82 = arith.constant 0 : i32
      %dma_wait3A_83 = tpu.memref_slice %arg11[%dma_wait3A_81, %dma_wait3A_82] : memref<10240x128xf32, #tpu.memory_space<vmem_shared>> -> memref<10240x128xf32, #tpu.memory_space<vmem_shared>>
      tpu.wait_indirect_dma semaphore(%arg14 : memref<!tpu.dma_semaphore, #tpu.memory_space<semaphore_mem>>) src(%arg9 : memref<128x128xf32, #tpu.memory_space<vmem>>) dst(%dma_wait3A_83 : memref<10240x128xf32, #tpu.memory_space<vmem_shared>>)
      %dma_start3A_84 = arith.constant 2 : i32
      %dma_start3A_85 = arith.constant 0 : i32
      %dma_start3A_86 = tpu.memref_slice %arg7[%select_n3A_23, %dma_start3A_84, %dma_start3A_85] : memref<2x8x128xi32, #tpu.memory_space<vmem>> -> memref<1x1x128xi32, #tpu.memory_space<vmem>>
      %dma_start3A_87 = tpu.memref_squeeze %dma_start3A_86 : memref<1x1x128xi32, #tpu.memory_space<vmem>> -> memref<128xi32, #tpu.memory_space<vmem>>
      %dma_start3A_88 = arith.constant 0 : i32
      %dma_start3A_89 = arith.constant 0 : i32
      %dma_start3A_90 = tpu.memref_slice %arg2[%dma_start3A_88, %dma_start3A_89] : memref<10000x128xf32, #tpu.memory_space<hbm>> -> memref<10000x128xf32, #tpu.memory_space<hbm>>
      tpu.enqueue_indirect_dma source(%dma_start3A_90 : memref<10000x128xf32, #tpu.memory_space<hbm>>) target(%arg9 : memref<128x128xf32, #tpu.memory_space<vmem>>) offsets(%dma_start3A_87 : memref<128xi32, #tpu.memory_space<vmem>>) semaphore(%arg12 : memref<!tpu.dma_semaphore, #tpu.memory_space<semaphore_mem>>)
      %dma_wait3A_91 = arith.constant 1 : i32
      %dma_wait3A_92 = arith.constant 0 : i32
      %dma_wait3A_93 = tpu.memref_slice %arg7[%select_n3A_23, %dma_wait3A_91, %dma_wait3A_92] : memref<2x8x128xi32, #tpu.memory_space<vmem>> -> memref<1x1x128xi32, #tpu.memory_space<vmem>>
      %dma_wait3A_94 = tpu.memref_squeeze %dma_wait3A_93 : memref<1x1x128xi32, #tpu.memory_space<vmem>> -> memref<128xi32, #tpu.memory_space<vmem>>
      %dma_wait3A_95 = arith.constant 0 : i32
      %dma_wait3A_96 = arith.constant 0 : i32
      %dma_wait3A_97 = tpu.memref_slice %arg2[%dma_wait3A_95, %dma_wait3A_96] : memref<10000x128xf32, #tpu.memory_space<hbm>> -> memref<10000x128xf32, #tpu.memory_space<hbm>>
      tpu.wait_indirect_dma semaphore(%arg13 : memref<!tpu.dma_semaphore, #tpu.memory_space<semaphore_mem>>) src(%dma_wait3A_97 : memref<10000x128xf32, #tpu.memory_space<hbm>>) dst(%arg10 : memref<128x128xf32, #tpu.memory_space<vmem>>)
      %dma_start3A_98 = arith.constant 1 : i32
      %dma_start3A_99 = arith.constant 0 : i32
      %dma_start3A_100 = tpu.memref_slice %arg8[%select_n3A_23, %dma_start3A_98, %dma_start3A_99] : memref<2x8x128xi32, #tpu.memory_space<vmem>> -> memref<1x1x128xi32, #tpu.memory_space<vmem>>
      %dma_start3A_101 = tpu.memref_squeeze %dma_start3A_100 : memref<1x1x128xi32, #tpu.memory_space<vmem>> -> memref<128xi32, #tpu.memory_space<vmem>>
      %dma_start3A_102 = arith.constant 0 : i32
      %dma_start3A_103 = arith.constant 0 : i32
      %dma_start3A_104 = tpu.memref_slice %arg11[%dma_start3A_102, %dma_start3A_103] : memref<10240x128xf32, #tpu.memory_space<vmem_shared>> -> memref<10240x128xf32, #tpu.memory_space<vmem_shared>>
      tpu.enqueue_indirect_dma source(%arg10 : memref<128x128xf32, #tpu.memory_space<vmem>>) target(%dma_start3A_104 : memref<10240x128xf32, #tpu.memory_space<vmem_shared>>) offsets(%dma_start3A_101 : memref<128xi32, #tpu.memory_space<vmem>>) semaphore(%arg15 : memref<!tpu.dma_semaphore, #tpu.memory_space<semaphore_mem>>) {add = true}
      %dma_wait3A_105 = arith.constant 1 : i32
      %dma_wait3A_106 = arith.constant 0 : i32
      %dma_wait3A_107 = tpu.memref_slice %arg8[%select_n3A_23, %dma_wait3A_105, %dma_wait3A_106] : memref<2x8x128xi32, #tpu.memory_space<vmem>> -> memref<1x1x128xi32, #tpu.memory_space<vmem>>
      %dma_wait3A_108 = tpu.memref_squeeze %dma_wait3A_107 : memref<1x1x128xi32, #tpu.memory_space<vmem>> -> memref<128xi32, #tpu.memory_space<vmem>>
      %dma_wait3A_109 = arith.constant 0 : i32
      %dma_wait3A_110 = arith.constant 0 : i32
      %dma_wait3A_111 = tpu.memref_slice %arg11[%dma_wait3A_109, %dma_wait3A_110] : memref<10240x128xf32, #tpu.memory_space<vmem_shared>> -> memref<10240x128xf32, #tpu.memory_space<vmem_shared>>
      tpu.wait_indirect_dma semaphore(%arg15 : memref<!tpu.dma_semaphore, #tpu.memory_space<semaphore_mem>>) src(%arg10 : memref<128x128xf32, #tpu.memory_space<vmem>>) dst(%dma_wait3A_111 : memref<10240x128xf32, #tpu.memory_space<vmem_shared>>)
      %dma_start3A_112 = arith.constant 3 : i32
      %dma_start3A_113 = arith.constant 0 : i32
      %dma_start3A_114 = tpu.memref_slice %arg7[%select_n3A_23, %dma_start3A_112, %dma_start3A_113] : memref<2x8x128xi32, #tpu.memory_space<vmem>> -> memref<1x1x128xi32, #tpu.memory_space<vmem>>
      %dma_start3A_115 = tpu.memref_squeeze %dma_start3A_114 : memref<1x1x128xi32, #tpu.memory_space<vmem>> -> memref<128xi32, #tpu.memory_space<vmem>>
      %dma_start3A_116 = arith.constant 0 : i32
      %dma_start3A_117 = arith.constant 0 : i32
      %dma_start3A_118 = tpu.memref_slice %arg2[%dma_start3A_116, %dma_start3A_117] : memref<10000x128xf32, #tpu.memory_space<hbm>> -> memref<10000x128xf32, #tpu.memory_space<hbm>>
      tpu.enqueue_indirect_dma source(%dma_start3A_118 : memref<10000x128xf32, #tpu.memory_space<hbm>>) target(%arg10 : memref<128x128xf32, #tpu.memory_space<vmem>>) offsets(%dma_start3A_115 : memref<128xi32, #tpu.memory_space<vmem>>) semaphore(%arg13 : memref<!tpu.dma_semaphore, #tpu.memory_space<semaphore_mem>>)
      %dma_wait3A_119 = arith.constant 2 : i32
      %dma_wait3A_120 = arith.constant 0 : i32
      %dma_wait3A_121 = tpu.memref_slice %arg7[%select_n3A_23, %dma_wait3A_119, %dma_wait3A_120] : memref<2x8x128xi32, #tpu.memory_space<vmem>> -> memref<1x1x128xi32, #tpu.memory_space<vmem>>
      %dma_wait3A_122 = tpu.memref_squeeze %dma_wait3A_121 : memref<1x1x128xi32, #tpu.memory_space<vmem>> -> memref<128xi32, #tpu.memory_space<vmem>>
      %dma_wait3A_123 = arith.constant 0 : i32
      %dma_wait3A_124 = arith.constant 0 : i32
      %dma_wait3A_125 = tpu.memref_slice %arg2[%dma_wait3A_123, %dma_wait3A_124] : memref<10000x128xf32, #tpu.memory_space<hbm>> -> memref<10000x128xf32, #tpu.memory_space<hbm>>
      tpu.wait_indirect_dma semaphore(%arg12 : memref<!tpu.dma_semaphore, #tpu.memory_space<semaphore_mem>>) src(%dma_wait3A_125 : memref<10000x128xf32, #tpu.memory_space<hbm>>) dst(%arg9 : memref<128x128xf32, #tpu.memory_space<vmem>>)
      %dma_start3A_126 = arith.constant 2 : i32
      %dma_start3A_127 = arith.constant 0 : i32
      %dma_start3A_128 = tpu.memref_slice %arg8[%select_n3A_23, %dma_start3A_126, %dma_start3A_127] : memref<2x8x128xi32, #tpu.memory_space<vmem>> -> memref<1x1x128xi32, #tpu.memory_space<vmem>>
      %dma_start3A_129 = tpu.memref_squeeze %dma_start3A_128 : memref<1x1x128xi32, #tpu.memory_space<vmem>> -> memref<128xi32, #tpu.memory_space<vmem>>
      %dma_start3A_130 = arith.constant 0 : i32
      %dma_start3A_131 = arith.constant 0 : i32
      %dma_start3A_132 = tpu.memref_slice %arg11[%dma_start3A_130, %dma_start3A_131] : memref<10240x128xf32, #tpu.memory_space<vmem_shared>> -> memref<10240x128xf32, #tpu.memory_space<vmem_shared>>
      tpu.enqueue_indirect_dma source(%arg9 : memref<128x128xf32, #tpu.memory_space<vmem>>) target(%dma_start3A_132 : memref<10240x128xf32, #tpu.memory_space<vmem_shared>>) offsets(%dma_start3A_129 : memref<128xi32, #tpu.memory_space<vmem>>) semaphore(%arg14 : memref<!tpu.dma_semaphore, #tpu.memory_space<semaphore_mem>>) {add = true}
      %dma_wait3A_133 = arith.constant 2 : i32
      %dma_wait3A_134 = arith.constant 0 : i32
      %dma_wait3A_135 = tpu.memref_slice %arg8[%select_n3A_23, %dma_wait3A_133, %dma_wait3A_134] : memref<2x8x128xi32, #tpu.memory_space<vmem>> -> memref<1x1x128xi32, #tpu.memory_space<vmem>>
      %dma_wait3A_136 = tpu.memref_squeeze %dma_wait3A_135 : memref<1x1x128xi32, #tpu.memory_space<vmem>> -> memref<128xi32, #tpu.memory_space<vmem>>
      %dma_wait3A_137 = arith.constant 0 : i32
      %dma_wait3A_138 = arith.constant 0 : i32
      %dma_wait3A_139 = tpu.memref_slice %arg11[%dma_wait3A_137, %dma_wait3A_138] : memref<10240x128xf32, #tpu.memory_space<vmem_shared>> -> memref<10240x128xf32, #tpu.memory_space<vmem_shared>>
      tpu.wait_indirect_dma semaphore(%arg14 : memref<!tpu.dma_semaphore, #tpu.memory_space<semaphore_mem>>) src(%arg9 : memref<128x128xf32, #tpu.memory_space<vmem>>) dst(%dma_wait3A_139 : memref<10240x128xf32, #tpu.memory_space<vmem_shared>>)
      %dma_start3A_140 = arith.constant 4 : i32
      %dma_start3A_141 = arith.constant 0 : i32
      %dma_start3A_142 = tpu.memref_slice %arg7[%select_n3A_23, %dma_start3A_140, %dma_start3A_141] : memref<2x8x128xi32, #tpu.memory_space<vmem>> -> memref<1x1x128xi32, #tpu.memory_space<vmem>>
      %dma_start3A_143 = tpu.memref_squeeze %dma_start3A_142 : memref<1x1x128xi32, #tpu.memory_space<vmem>> -> memref<128xi32, #tpu.memory_space<vmem>>
      %dma_start3A_144 = arith.constant 0 : i32
      %dma_start3A_145 = arith.constant 0 : i32
      %dma_start3A_146 = tpu.memref_slice %arg2[%dma_start3A_144, %dma_start3A_145] : memref<10000x128xf32, #tpu.memory_space<hbm>> -> memref<10000x128xf32, #tpu.memory_space<hbm>>
      tpu.enqueue_indirect_dma source(%dma_start3A_146 : memref<10000x128xf32, #tpu.memory_space<hbm>>) target(%arg9 : memref<128x128xf32, #tpu.memory_space<vmem>>) offsets(%dma_start3A_143 : memref<128xi32, #tpu.memory_space<vmem>>) semaphore(%arg12 : memref<!tpu.dma_semaphore, #tpu.memory_space<semaphore_mem>>)
      %dma_wait3A_147 = arith.constant 3 : i32
      %dma_wait3A_148 = arith.constant 0 : i32
      %dma_wait3A_149 = tpu.memref_slice %arg7[%select_n3A_23, %dma_wait3A_147, %dma_wait3A_148] : memref<2x8x128xi32, #tpu.memory_space<vmem>> -> memref<1x1x128xi32, #tpu.memory_space<vmem>>
      %dma_wait3A_150 = tpu.memref_squeeze %dma_wait3A_149 : memref<1x1x128xi32, #tpu.memory_space<vmem>> -> memref<128xi32, #tpu.memory_space<vmem>>
      %dma_wait3A_151 = arith.constant 0 : i32
      %dma_wait3A_152 = arith.constant 0 : i32
      %dma_wait3A_153 = tpu.memref_slice %arg2[%dma_wait3A_151, %dma_wait3A_152] : memref<10000x128xf32, #tpu.memory_space<hbm>> -> memref<10000x128xf32, #tpu.memory_space<hbm>>
      tpu.wait_indirect_dma semaphore(%arg13 : memref<!tpu.dma_semaphore, #tpu.memory_space<semaphore_mem>>) src(%dma_wait3A_153 : memref<10000x128xf32, #tpu.memory_space<hbm>>) dst(%arg10 : memref<128x128xf32, #tpu.memory_space<vmem>>)
      %dma_start3A_154 = arith.constant 3 : i32
      %dma_start3A_155 = arith.constant 0 : i32
      %dma_start3A_156 = tpu.memref_slice %arg8[%select_n3A_23, %dma_start3A_154, %dma_start3A_155] : memref<2x8x128xi32, #tpu.memory_space<vmem>> -> memref<1x1x128xi32, #tpu.memory_space<vmem>>
      %dma_start3A_157 = tpu.memref_squeeze %dma_start3A_156 : memref<1x1x128xi32, #tpu.memory_space<vmem>> -> memref<128xi32, #tpu.memory_space<vmem>>
      %dma_start3A_158 = arith.constant 0 : i32
      %dma_start3A_159 = arith.constant 0 : i32
      %dma_start3A_160 = tpu.memref_slice %arg11[%dma_start3A_158, %dma_start3A_159] : memref<10240x128xf32, #tpu.memory_space<vmem_shared>> -> memref<10240x128xf32, #tpu.memory_space<vmem_shared>>
      tpu.enqueue_indirect_dma source(%arg10 : memref<128x128xf32, #tpu.memory_space<vmem>>) target(%dma_start3A_160 : memref<10240x128xf32, #tpu.memory_space<vmem_shared>>) offsets(%dma_start3A_157 : memref<128xi32, #tpu.memory_space<vmem>>) semaphore(%arg15 : memref<!tpu.dma_semaphore, #tpu.memory_space<semaphore_mem>>) {add = true}
      %dma_wait3A_161 = arith.constant 3 : i32
      %dma_wait3A_162 = arith.constant 0 : i32
      %dma_wait3A_163 = tpu.memref_slice %arg8[%select_n3A_23, %dma_wait3A_161, %dma_wait3A_162] : memref<2x8x128xi32, #tpu.memory_space<vmem>> -> memref<1x1x128xi32, #tpu.memory_space<vmem>>
      %dma_wait3A_164 = tpu.memref_squeeze %dma_wait3A_163 : memref<1x1x128xi32, #tpu.memory_space<vmem>> -> memref<128xi32, #tpu.memory_space<vmem>>
      %dma_wait3A_165 = arith.constant 0 : i32
      %dma_wait3A_166 = arith.constant 0 : i32
      %dma_wait3A_167 = tpu.memref_slice %arg11[%dma_wait3A_165, %dma_wait3A_166] : memref<10240x128xf32, #tpu.memory_space<vmem_shared>> -> memref<10240x128xf32, #tpu.memory_space<vmem_shared>>
      tpu.wait_indirect_dma semaphore(%arg15 : memref<!tpu.dma_semaphore, #tpu.memory_space<semaphore_mem>>) src(%arg10 : memref<128x128xf32, #tpu.memory_space<vmem>>) dst(%dma_wait3A_167 : memref<10240x128xf32, #tpu.memory_space<vmem_shared>>)
      %dma_start3A_168 = arith.constant 5 : i32
      %dma_start3A_169 = arith.constant 0 : i32
      %dma_start3A_170 = tpu.memref_slice %arg7[%select_n3A_23, %dma_start3A_168, %dma_start3A_169] : memref<2x8x128xi32, #tpu.memory_space<vmem>> -> memref<1x1x128xi32, #tpu.memory_space<vmem>>
      %dma_start3A_171 = tpu.memref_squeeze %dma_start3A_170 : memref<1x1x128xi32, #tpu.memory_space<vmem>> -> memref<128xi32, #tpu.memory_space<vmem>>
      %dma_start3A_172 = arith.constant 0 : i32
      %dma_start3A_173 = arith.constant 0 : i32
      %dma_start3A_174 = tpu.memref_slice %arg2[%dma_start3A_172, %dma_start3A_173] : memref<10000x128xf32, #tpu.memory_space<hbm>> -> memref<10000x128xf32, #tpu.memory_space<hbm>>
      tpu.enqueue_indirect_dma source(%dma_start3A_174 : memref<10000x128xf32, #tpu.memory_space<hbm>>) target(%arg10 : memref<128x128xf32, #tpu.memory_space<vmem>>) offsets(%dma_start3A_171 : memref<128xi32, #tpu.memory_space<vmem>>) semaphore(%arg13 : memref<!tpu.dma_semaphore, #tpu.memory_space<semaphore_mem>>)
      %dma_wait3A_175 = arith.constant 4 : i32
      %dma_wait3A_176 = arith.constant 0 : i32
      %dma_wait3A_177 = tpu.memref_slice %arg7[%select_n3A_23, %dma_wait3A_175, %dma_wait3A_176] : memref<2x8x128xi32, #tpu.memory_space<vmem>> -> memref<1x1x128xi32, #tpu.memory_space<vmem>>
      %dma_wait3A_178 = tpu.memref_squeeze %dma_wait3A_177 : memref<1x1x128xi32, #tpu.memory_space<vmem>> -> memref<128xi32, #tpu.memory_space<vmem>>
      %dma_wait3A_179 = arith.constant 0 : i32
      %dma_wait3A_180 = arith.constant 0 : i32
      %dma_wait3A_181 = tpu.memref_slice %arg2[%dma_wait3A_179, %dma_wait3A_180] : memref<10000x128xf32, #tpu.memory_space<hbm>> -> memref<10000x128xf32, #tpu.memory_space<hbm>>
      tpu.wait_indirect_dma semaphore(%arg12 : memref<!tpu.dma_semaphore, #tpu.memory_space<semaphore_mem>>) src(%dma_wait3A_181 : memref<10000x128xf32, #tpu.memory_space<hbm>>) dst(%arg9 : memref<128x128xf32, #tpu.memory_space<vmem>>)
      %dma_start3A_182 = arith.constant 4 : i32
      %dma_start3A_183 = arith.constant 0 : i32
      %dma_start3A_184 = tpu.memref_slice %arg8[%select_n3A_23, %dma_start3A_182, %dma_start3A_183] : memref<2x8x128xi32, #tpu.memory_space<vmem>> -> memref<1x1x128xi32, #tpu.memory_space<vmem>>
      %dma_start3A_185 = tpu.memref_squeeze %dma_start3A_184 : memref<1x1x128xi32, #tpu.memory_space<vmem>> -> memref<128xi32, #tpu.memory_space<vmem>>
      %dma_start3A_186 = arith.constant 0 : i32
      %dma_start3A_187 = arith.constant 0 : i32
      %dma_start3A_188 = tpu.memref_slice %arg11[%dma_start3A_186, %dma_start3A_187] : memref<10240x128xf32, #tpu.memory_space<vmem_shared>> -> memref<10240x128xf32, #tpu.memory_space<vmem_shared>>
      tpu.enqueue_indirect_dma source(%arg9 : memref<128x128xf32, #tpu.memory_space<vmem>>) target(%dma_start3A_188 : memref<10240x128xf32, #tpu.memory_space<vmem_shared>>) offsets(%dma_start3A_185 : memref<128xi32, #tpu.memory_space<vmem>>) semaphore(%arg14 : memref<!tpu.dma_semaphore, #tpu.memory_space<semaphore_mem>>) {add = true}
      %dma_wait3A_189 = arith.constant 4 : i32
      %dma_wait3A_190 = arith.constant 0 : i32
      %dma_wait3A_191 = tpu.memref_slice %arg8[%select_n3A_23, %dma_wait3A_189, %dma_wait3A_190] : memref<2x8x128xi32, #tpu.memory_space<vmem>> -> memref<1x1x128xi32, #tpu.memory_space<vmem>>
      %dma_wait3A_192 = tpu.memref_squeeze %dma_wait3A_191 : memref<1x1x128xi32, #tpu.memory_space<vmem>> -> memref<128xi32, #tpu.memory_space<vmem>>
      %dma_wait3A_193 = arith.constant 0 : i32
      %dma_wait3A_194 = arith.constant 0 : i32
      %dma_wait3A_195 = tpu.memref_slice %arg11[%dma_wait3A_193, %dma_wait3A_194] : memref<10240x128xf32, #tpu.memory_space<vmem_shared>> -> memref<10240x128xf32, #tpu.memory_space<vmem_shared>>
      tpu.wait_indirect_dma semaphore(%arg14 : memref<!tpu.dma_semaphore, #tpu.memory_space<semaphore_mem>>) src(%arg9 : memref<128x128xf32, #tpu.memory_space<vmem>>) dst(%dma_wait3A_195 : memref<10240x128xf32, #tpu.memory_space<vmem_shared>>)
      %dma_start3A_196 = arith.constant 6 : i32
      %dma_start3A_197 = arith.constant 0 : i32
      %dma_start3A_198 = tpu.memref_slice %arg7[%select_n3A_23, %dma_start3A_196, %dma_start3A_197] : memref<2x8x128xi32, #tpu.memory_space<vmem>> -> memref<1x1x128xi32, #tpu.memory_space<vmem>>
      %dma_start3A_199 = tpu.memref_squeeze %dma_start3A_198 : memref<1x1x128xi32, #tpu.memory_space<vmem>> -> memref<128xi32, #tpu.memory_space<vmem>>
      %dma_start3A_200 = arith.constant 0 : i32
      %dma_start3A_201 = arith.constant 0 : i32
      %dma_start3A_202 = tpu.memref_slice %arg2[%dma_start3A_200, %dma_start3A_201] : memref<10000x128xf32, #tpu.memory_space<hbm>> -> memref<10000x128xf32, #tpu.memory_space<hbm>>
      tpu.enqueue_indirect_dma source(%dma_start3A_202 : memref<10000x128xf32, #tpu.memory_space<hbm>>) target(%arg9 : memref<128x128xf32, #tpu.memory_space<vmem>>) offsets(%dma_start3A_199 : memref<128xi32, #tpu.memory_space<vmem>>) semaphore(%arg12 : memref<!tpu.dma_semaphore, #tpu.memory_space<semaphore_mem>>)
      %dma_wait3A_203 = arith.constant 5 : i32
      %dma_wait3A_204 = arith.constant 0 : i32
      %dma_wait3A_205 = tpu.memref_slice %arg7[%select_n3A_23, %dma_wait3A_203, %dma_wait3A_204] : memref<2x8x128xi32, #tpu.memory_space<vmem>> -> memref<1x1x128xi32, #tpu.memory_space<vmem>>
      %dma_wait3A_206 = tpu.memref_squeeze %dma_wait3A_205 : memref<1x1x128xi32, #tpu.memory_space<vmem>> -> memref<128xi32, #tpu.memory_space<vmem>>
      %dma_wait3A_207 = arith.constant 0 : i32
      %dma_wait3A_208 = arith.constant 0 : i32
      %dma_wait3A_209 = tpu.memref_slice %arg2[%dma_wait3A_207, %dma_wait3A_208] : memref<10000x128xf32, #tpu.memory_space<hbm>> -> memref<10000x128xf32, #tpu.memory_space<hbm>>
      tpu.wait_indirect_dma semaphore(%arg13 : memref<!tpu.dma_semaphore, #tpu.memory_space<semaphore_mem>>) src(%dma_wait3A_209 : memref<10000x128xf32, #tpu.memory_space<hbm>>) dst(%arg10 : memref<128x128xf32, #tpu.memory_space<vmem>>)
      %dma_start3A_210 = arith.constant 5 : i32
      %dma_start3A_211 = arith.constant 0 : i32
      %dma_start3A_212 = tpu.memref_slice %arg8[%select_n3A_23, %dma_start3A_210, %dma_start3A_211] : memref<2x8x128xi32, #tpu.memory_space<vmem>> -> memref<1x1x128xi32, #tpu.memory_space<vmem>>
      %dma_start3A_213 = tpu.memref_squeeze %dma_start3A_212 : memref<1x1x128xi32, #tpu.memory_space<vmem>> -> memref<128xi32, #tpu.memory_space<vmem>>
      %dma_start3A_214 = arith.constant 0 : i32
      %dma_start3A_215 = arith.constant 0 : i32
      %dma_start3A_216 = tpu.memref_slice %arg11[%dma_start3A_214, %dma_start3A_215] : memref<10240x128xf32, #tpu.memory_space<vmem_shared>> -> memref<10240x128xf32, #tpu.memory_space<vmem_shared>>
      tpu.enqueue_indirect_dma source(%arg10 : memref<128x128xf32, #tpu.memory_space<vmem>>) target(%dma_start3A_216 : memref<10240x128xf32, #tpu.memory_space<vmem_shared>>) offsets(%dma_start3A_213 : memref<128xi32, #tpu.memory_space<vmem>>) semaphore(%arg15 : memref<!tpu.dma_semaphore, #tpu.memory_space<semaphore_mem>>) {add = true}
      %dma_wait3A_217 = arith.constant 5 : i32
      %dma_wait3A_218 = arith.constant 0 : i32
      %dma_wait3A_219 = tpu.memref_slice %arg8[%select_n3A_23, %dma_wait3A_217, %dma_wait3A_218] : memref<2x8x128xi32, #tpu.memory_space<vmem>> -> memref<1x1x128xi32, #tpu.memory_space<vmem>>
      %dma_wait3A_220 = tpu.memref_squeeze %dma_wait3A_219 : memref<1x1x128xi32, #tpu.memory_space<vmem>> -> memref<128xi32, #tpu.memory_space<vmem>>
      %dma_wait3A_221 = arith.constant 0 : i32
      %dma_wait3A_222 = arith.constant 0 : i32
      %dma_wait3A_223 = tpu.memref_slice %arg11[%dma_wait3A_221, %dma_wait3A_222] : memref<10240x128xf32, #tpu.memory_space<vmem_shared>> -> memref<10240x128xf32, #tpu.memory_space<vmem_shared>>
      tpu.wait_indirect_dma semaphore(%arg15 : memref<!tpu.dma_semaphore, #tpu.memory_space<semaphore_mem>>) src(%arg10 : memref<128x128xf32, #tpu.memory_space<vmem>>) dst(%dma_wait3A_223 : memref<10240x128xf32, #tpu.memory_space<vmem_shared>>)
      %dma_start3A_224 = arith.constant 7 : i32
      %dma_start3A_225 = arith.constant 0 : i32
      %dma_start3A_226 = tpu.memref_slice %arg7[%select_n3A_23, %dma_start3A_224, %dma_start3A_225] : memref<2x8x128xi32, #tpu.memory_space<vmem>> -> memref<1x1x128xi32, #tpu.memory_space<vmem>>
      %dma_start3A_227 = tpu.memref_squeeze %dma_start3A_226 : memref<1x1x128xi32, #tpu.memory_space<vmem>> -> memref<128xi32, #tpu.memory_space<vmem>>
      %dma_start3A_228 = arith.constant 0 : i32
      %dma_start3A_229 = arith.constant 0 : i32
      %dma_start3A_230 = tpu.memref_slice %arg2[%dma_start3A_228, %dma_start3A_229] : memref<10000x128xf32, #tpu.memory_space<hbm>> -> memref<10000x128xf32, #tpu.memory_space<hbm>>
      tpu.enqueue_indirect_dma source(%dma_start3A_230 : memref<10000x128xf32, #tpu.memory_space<hbm>>) target(%arg10 : memref<128x128xf32, #tpu.memory_space<vmem>>) offsets(%dma_start3A_227 : memref<128xi32, #tpu.memory_space<vmem>>) semaphore(%arg13 : memref<!tpu.dma_semaphore, #tpu.memory_space<semaphore_mem>>)
      %dma_wait3A_231 = arith.constant 6 : i32
      %dma_wait3A_232 = arith.constant 0 : i32
      %dma_wait3A_233 = tpu.memref_slice %arg7[%select_n3A_23, %dma_wait3A_231, %dma_wait3A_232] : memref<2x8x128xi32, #tpu.memory_space<vmem>> -> memref<1x1x128xi32, #tpu.memory_space<vmem>>
      %dma_wait3A_234 = tpu.memref_squeeze %dma_wait3A_233 : memref<1x1x128xi32, #tpu.memory_space<vmem>> -> memref<128xi32, #tpu.memory_space<vmem>>
      %dma_wait3A_235 = arith.constant 0 : i32
      %dma_wait3A_236 = arith.constant 0 : i32
      %dma_wait3A_237 = tpu.memref_slice %arg2[%dma_wait3A_235, %dma_wait3A_236] : memref<10000x128xf32, #tpu.memory_space<hbm>> -> memref<10000x128xf32, #tpu.memory_space<hbm>>
      tpu.wait_indirect_dma semaphore(%arg12 : memref<!tpu.dma_semaphore, #tpu.memory_space<semaphore_mem>>) src(%dma_wait3A_237 : memref<10000x128xf32, #tpu.memory_space<hbm>>) dst(%arg9 : memref<128x128xf32, #tpu.memory_space<vmem>>)
      %dma_start3A_238 = arith.constant 6 : i32
      %dma_start3A_239 = arith.constant 0 : i32
      %dma_start3A_240 = tpu.memref_slice %arg8[%select_n3A_23, %dma_start3A_238, %dma_start3A_239] : memref<2x8x128xi32, #tpu.memory_space<vmem>> -> memref<1x1x128xi32, #tpu.memory_space<vmem>>
      %dma_start3A_241 = tpu.memref_squeeze %dma_start3A_240 : memref<1x1x128xi32, #tpu.memory_space<vmem>> -> memref<128xi32, #tpu.memory_space<vmem>>
      %dma_start3A_242 = arith.constant 0 : i32
      %dma_start3A_243 = arith.constant 0 : i32
      %dma_start3A_244 = tpu.memref_slice %arg11[%dma_start3A_242, %dma_start3A_243] : memref<10240x128xf32, #tpu.memory_space<vmem_shared>> -> memref<10240x128xf32, #tpu.memory_space<vmem_shared>>
      tpu.enqueue_indirect_dma source(%arg9 : memref<128x128xf32, #tpu.memory_space<vmem>>) target(%dma_start3A_244 : memref<10240x128xf32, #tpu.memory_space<vmem_shared>>) offsets(%dma_start3A_241 : memref<128xi32, #tpu.memory_space<vmem>>) semaphore(%arg14 : memref<!tpu.dma_semaphore, #tpu.memory_space<semaphore_mem>>) {add = true}
      %dma_wait3A_245 = arith.constant 7 : i32
      %dma_wait3A_246 = arith.constant 0 : i32
      %dma_wait3A_247 = tpu.memref_slice %arg7[%select_n3A_23, %dma_wait3A_245, %dma_wait3A_246] : memref<2x8x128xi32, #tpu.memory_space<vmem>> -> memref<1x1x128xi32, #tpu.memory_space<vmem>>
      %dma_wait3A_248 = tpu.memref_squeeze %dma_wait3A_247 : memref<1x1x128xi32, #tpu.memory_space<vmem>> -> memref<128xi32, #tpu.memory_space<vmem>>
      %dma_wait3A_249 = arith.constant 0 : i32
      %dma_wait3A_250 = arith.constant 0 : i32
      %dma_wait3A_251 = tpu.memref_slice %arg2[%dma_wait3A_249, %dma_wait3A_250] : memref<10000x128xf32, #tpu.memory_space<hbm>> -> memref<10000x128xf32, #tpu.memory_space<hbm>>
      tpu.wait_indirect_dma semaphore(%arg13 : memref<!tpu.dma_semaphore, #tpu.memory_space<semaphore_mem>>) src(%dma_wait3A_251 : memref<10000x128xf32, #tpu.memory_space<hbm>>) dst(%arg10 : memref<128x128xf32, #tpu.memory_space<vmem>>)
      %dma_start3A_252 = arith.constant 7 : i32
      %dma_start3A_253 = arith.constant 0 : i32
      %dma_start3A_254 = tpu.memref_slice %arg8[%select_n3A_23, %dma_start3A_252, %dma_start3A_253] : memref<2x8x128xi32, #tpu.memory_space<vmem>> -> memref<1x1x128xi32, #tpu.memory_space<vmem>>
      %dma_start3A_255 = tpu.memref_squeeze %dma_start3A_254 : memref<1x1x128xi32, #tpu.memory_space<vmem>> -> memref<128xi32, #tpu.memory_space<vmem>>
      %dma_start3A_256 = arith.constant 0 : i32
      %dma_start3A_257 = arith.constant 0 : i32
      %dma_start3A_258 = tpu.memref_slice %arg11[%dma_start3A_256, %dma_start3A_257] : memref<10240x128xf32, #tpu.memory_space<vmem_shared>> -> memref<10240x128xf32, #tpu.memory_space<vmem_shared>>
      tpu.enqueue_indirect_dma source(%arg10 : memref<128x128xf32, #tpu.memory_space<vmem>>) target(%dma_start3A_258 : memref<10240x128xf32, #tpu.memory_space<vmem_shared>>) offsets(%dma_start3A_255 : memref<128xi32, #tpu.memory_space<vmem>>) semaphore(%arg15 : memref<!tpu.dma_semaphore, #tpu.memory_space<semaphore_mem>>) {add = true}
      %dma_wait3A_259 = arith.constant 6 : i32
      %dma_wait3A_260 = arith.constant 0 : i32
      %dma_wait3A_261 = tpu.memref_slice %arg8[%select_n3A_23, %dma_wait3A_259, %dma_wait3A_260] : memref<2x8x128xi32, #tpu.memory_space<vmem>> -> memref<1x1x128xi32, #tpu.memory_space<vmem>>
      %dma_wait3A_262 = tpu.memref_squeeze %dma_wait3A_261 : memref<1x1x128xi32, #tpu.memory_space<vmem>> -> memref<128xi32, #tpu.memory_space<vmem>>
      %dma_wait3A_263 = arith.constant 0 : i32
      %dma_wait3A_264 = arith.constant 0 : i32
      %dma_wait3A_265 = tpu.memref_slice %arg11[%dma_wait3A_263, %dma_wait3A_264] : memref<10240x128xf32, #tpu.memory_space<vmem_shared>> -> memref<10240x128xf32, #tpu.memory_space<vmem_shared>>
      tpu.wait_indirect_dma semaphore(%arg14 : memref<!tpu.dma_semaphore, #tpu.memory_space<semaphore_mem>>) src(%arg9 : memref<128x128xf32, #tpu.memory_space<vmem>>) dst(%dma_wait3A_265 : memref<10240x128xf32, #tpu.memory_space<vmem_shared>>)
      %dma_wait3A_266 = arith.constant 7 : i32
      %dma_wait3A_267 = arith.constant 0 : i32
      %dma_wait3A_268 = tpu.memref_slice %arg8[%select_n3A_23, %dma_wait3A_266, %dma_wait3A_267] : memref<2x8x128xi32, #tpu.memory_space<vmem>> -> memref<1x1x128xi32, #tpu.memory_space<vmem>>
      %dma_wait3A_269 = tpu.memref_squeeze %dma_wait3A_268 : memref<1x1x128xi32, #tpu.memory_space<vmem>> -> memref<128xi32, #tpu.memory_space<vmem>>
      %dma_wait3A_270 = arith.constant 0 : i32
      %dma_wait3A_271 = arith.constant 0 : i32
      %dma_wait3A_272 = tpu.memref_slice %arg11[%dma_wait3A_270, %dma_wait3A_271] : memref<10240x128xf32, #tpu.memory_space<vmem_shared>> -> memref<10240x128xf32, #tpu.memory_space<vmem_shared>>
      tpu.wait_indirect_dma semaphore(%arg15 : memref<!tpu.dma_semaphore, #tpu.memory_space<semaphore_mem>>) src(%arg10 : memref<128x128xf32, #tpu.memory_space<vmem>>) dst(%dma_wait3A_272 : memref<10240x128xf32, #tpu.memory_space<vmem_shared>>)
    }
    %scan3A_8 = arith.constant 10 : i32
    %barrier3A_9 = arith.constant 0 : index
    tpu.barrier barrier_id(%barrier3A_9)
    %mul3A_10 = arith.constant 640 : i32
    %mul3A_11 = arith.muli %arg1, %mul3A_10 : i32
    %mul3A_12 = arith.constant 640 : i32
    %mul3A_13 = arith.muli %arg1, %mul3A_12 : i32
    "tpu.region"() ({
      %run_scoped3A_14 = tpu.sem_alloc : memref<!tpu.dma_semaphore, #tpu.memory_space<semaphore_mem>>
      %dma_start3A = arith.constant 0 : i32
      %dma_start3A_15 = tpu.memref_slice %arg6[%arg0, %mul3A_13, %dma_start3A] : memref<2x10240x128xf32, #tpu.memory_space<hbm>> -> memref<1x640x128xf32, #tpu.memory_space<hbm>>
      %dma_start3A_16 = tpu.memref_squeeze %dma_start3A_15 : memref<1x640x128xf32, #tpu.memory_space<hbm>> -> memref<640x128xf32, #tpu.memory_space<hbm>>
      %dma_start3A_17 = arith.constant 0 : i32
      %dma_start3A_18 = tpu.memref_slice %arg11[%mul3A_11, %dma_start3A_17] : memref<10240x128xf32, #tpu.memory_space<vmem_shared>> -> memref<640x128xf32, #tpu.memory_space<vmem_shared>>
      tpu.enqueue_dma source(%dma_start3A_18 : memref<640x128xf32, #tpu.memory_space<vmem_shared>>) target(%dma_start3A_16 : memref<640x128xf32, #tpu.memory_space<hbm>>) target_semaphore(%run_scoped3A_14 : memref<!tpu.dma_semaphore, #tpu.memory_space<semaphore_mem>>)
      %dma_wait3A = arith.constant 0 : i32
      %dma_wait3A_19 = tpu.memref_slice %arg6[%arg0, %mul3A_13, %dma_wait3A] : memref<2x10240x128xf32, #tpu.memory_space<hbm>> -> memref<1x640x128xf32, #tpu.memory_space<hbm>>
      %dma_wait3A_20 = tpu.memref_squeeze %dma_wait3A_19 : memref<1x640x128xf32, #tpu.memory_space<hbm>> -> memref<640x128xf32, #tpu.memory_space<hbm>>
      %dma_wait3A_21 = arith.constant 0 : i32
      %dma_wait3A_22 = tpu.memref_slice %arg11[%mul3A_11, %dma_wait3A_21] : memref<10240x128xf32, #tpu.memory_space<vmem_shared>> -> memref<640x128xf32, #tpu.memory_space<vmem_shared>>
      tpu.wait_dma2 semaphore(%run_scoped3A_14 : memref<!tpu.dma_semaphore, #tpu.memory_space<semaphore_mem>>) src(%dma_wait3A_22 : memref<640x128xf32, #tpu.memory_space<vmem_shared>>) dst(%dma_wait3A_20 : memref<640x128xf32, #tpu.memory_space<hbm>>)
      tpu.yield
    }) : () -> ()
    return
  }
}

#map = affine_map<(d0, d1) -> (0, 0)>
#map1 = affine_map<(d0, d1) -> (0, 0, 0)>
module attributes {stable_mosaic.version = 14 : i64} {
  func.func @body(%arg0: i32, %arg1: i32, %arg2: memref<10000x128xf32, #tpu.memory_space<hbm>>, %arg3: memref<32x80x128xi32, #tpu.memory_space<hbm>>, %arg4: memref<32x80x128xi32, #tpu.memory_space<hbm>>, %arg5: memref<640x128xf32, #tpu.memory_space<hbm>>, %arg6: memref<2x10240x128xf32, #tpu.memory_space<hbm>>, %arg7: memref<2x8x128xi32, #tpu.memory_space<vmem>>, %arg8: memref<2x8x128xi32, #tpu.memory_space<vmem>>, %arg9: memref<128x128xf32, #tpu.memory_space<vmem>>, %arg10: memref<128x128xf32, #tpu.memory_space<vmem>>, %arg11: memref<10240x128xf32, #tpu.memory_space<vmem_shared>>, %arg12: memref<!tpu.dma_semaphore, #tpu.memory_space<semaphore_mem>>, %arg13: memref<!tpu.dma_semaphore, #tpu.memory_space<semaphore_mem>>, %arg14: memref<!tpu.dma_semaphore, #tpu.memory_space<semaphore_mem>>, %arg15: memref<!tpu.dma_semaphore, #tpu.memory_space<semaphore_mem>>, %arg16: memref<!tpu.dma_semaphore, #tpu.memory_space<semaphore_mem>>) attributes {dimension_semantics = [#tpu.dimension_semantics<core_parallel>, #tpu.dimension_semantics<subcore_parallel>], iteration_bounds = array<i64: 2, 16>, scalar_prefetch = 0 : i64, scratch_operands = 10 : i64, tpu.core_type = #tpu.core_type<sc_vector_subcore>, window_params = [{transform_indices = #map}, {transform_indices = #map1}, {transform_indices = #map1}, {transform_indices = #map}, {transform_indices = #map1}]} {
    %mul3A = arith.constant 2 : i32
    %mul3A_0 = arith.muli %arg1, %mul3A : i32
    %add3A = arith.addi %mul3A_0, %arg0 : i32
    %mul3A_1 = arith.constant 640 : i32
    %mul3A_2 = arith.muli %arg1, %mul3A_1 : i32
    "tpu.region"() ({
      %run_scoped3A_14 = tpu.sem_alloc : memref<!tpu.dma_semaphore, #tpu.memory_space<semaphore_mem>>
      %dma_start3A = arith.constant 0 : i32
      %dma_start3A_15 = tpu.memref_slice %arg11[%mul3A_2, %dma_start3A] : memref<10240x128xf32, #tpu.memory_space<vmem_shared>> -> memref<640x128xf32, #tpu.memory_space<vmem_shared>>
      tpu.enqueue_dma source(%arg5 : memref<640x128xf32, #tpu.memory_space<hbm>>) target(%dma_start3A_15 : memref<640x128xf32, #tpu.memory_space<vmem_shared>>) target_semaphore(%run_scoped3A_14 : memref<!tpu.dma_semaphore, #tpu.memory_space<semaphore_mem>>)
      %dma_wait3A = arith.constant 0 : i32
      %dma_wait3A_16 = tpu.memref_slice %arg11[%mul3A_2, %dma_wait3A] : memref<10240x128xf32, #tpu.memory_space<vmem_shared>> -> memref<640x128xf32, #tpu.memory_space<vmem_shared>>
      tpu.wait_dma2 semaphore(%run_scoped3A_14 : memref<!tpu.dma_semaphore, #tpu.memory_space<semaphore_mem>>) src(%arg5 : memref<640x128xf32, #tpu.memory_space<hbm>>) dst(%dma_wait3A_16 : memref<640x128xf32, #tpu.memory_space<vmem_shared>>)
      tpu.yield
    }) : () -> ()
    %run_scoped3A = arith.constant 0 : i32
    "tpu.region"() ({
      %run_scoped3A_14 = tpu.sem_alloc : memref<!tpu.dma_semaphore, #tpu.memory_space<semaphore_mem>>
      %dma_start3A = arith.constant 0 : i32
      %dma_start3A_15 = arith.constant 0 : i32
      %dma_start3A_16 = tpu.memref_slice %arg7[%run_scoped3A, %dma_start3A, %dma_start3A_15] : memref<2x8x128xi32, #tpu.memory_space<vmem>> -> memref<1x8x128xi32, #tpu.memory_space<vmem>>
      %dma_start3A_17 = tpu.memref_squeeze %dma_start3A_16 : memref<1x8x128xi32, #tpu.memory_space<vmem>> -> memref<8x128xi32, #tpu.memory_space<vmem>>
      %dma_start3A_18 = arith.constant 0 : i32
      %dma_start3A_19 = arith.constant 0 : i32
      %dma_start3A_20 = tpu.memref_slice %arg3[%add3A, %dma_start3A_18, %dma_start3A_19] : memref<32x80x128xi32, #tpu.memory_space<hbm>> -> memref<1x8x128xi32, #tpu.memory_space<hbm>>
      %dma_start3A_21 = tpu.memref_squeeze %dma_start3A_20 : memref<1x8x128xi32, #tpu.memory_space<hbm>> -> memref<8x128xi32, #tpu.memory_space<hbm>>
      %dma_start3A_22 = arith.constant 0 : i32
      %dma_start3A_23 = arith.constant 0 : i32
      %dma_start3A_24 = tpu.memref_slice %arg7[%run_scoped3A, %dma_start3A_22, %dma_start3A_23] : memref<2x8x128xi32, #tpu.memory_space<vmem>> -> memref<1x8x128xi32, #tpu.memory_space<vmem>>
      %dma_start3A_25 = tpu.memref_squeeze %dma_start3A_24 : memref<1x8x128xi32, #tpu.memory_space<vmem>> -> memref<8x128xi32, #tpu.memory_space<vmem>>
      %dma_start3A_26 = arith.constant 0 : i32
      %dma_start3A_27 = arith.constant 0 : i32
      %dma_start3A_28 = tpu.memref_slice %arg3[%add3A, %dma_start3A_26, %dma_start3A_27] : memref<32x80x128xi32, #tpu.memory_space<hbm>> -> memref<1x8x128xi32, #tpu.memory_space<hbm>>
      %dma_start3A_29 = tpu.memref_squeeze %dma_start3A_28 : memref<1x8x128xi32, #tpu.memory_space<hbm>> -> memref<8x128xi32, #tpu.memory_space<hbm>>
      tpu.enqueue_dma source(%dma_start3A_29 : memref<8x128xi32, #tpu.memory_space<hbm>>) target(%dma_start3A_25 : memref<8x128xi32, #tpu.memory_space<vmem>>) target_semaphore(%run_scoped3A_14 : memref<!tpu.dma_semaphore, #tpu.memory_space<semaphore_mem>>)
      %dma_wait3A = arith.constant 0 : i32
      %dma_wait3A_30 = arith.constant 0 : i32
      %dma_wait3A_31 = tpu.memref_slice %arg7[%run_scoped3A, %dma_wait3A, %dma_wait3A_30] : memref<2x8x128xi32, #tpu.memory_space<vmem>> -> memref<1x8x128xi32, #tpu.memory_space<vmem>>
      %dma_wait3A_32 = tpu.memref_squeeze %dma_wait3A_31 : memref<1x8x128xi32, #tpu.memory_space<vmem>> -> memref<8x128xi32, #tpu.memory_space<vmem>>
      %dma_wait3A_33 = arith.constant 0 : i32
      %dma_wait3A_34 = arith.constant 0 : i32
      %dma_wait3A_35 = tpu.memref_slice %arg3[%add3A, %dma_wait3A_33, %dma_wait3A_34] : memref<32x80x128xi32, #tpu.memory_space<hbm>> -> memref<1x8x128xi32, #tpu.memory_space<hbm>>
      %dma_wait3A_36 = tpu.memref_squeeze %dma_wait3A_35 : memref<1x8x128xi32, #tpu.memory_space<hbm>> -> memref<8x128xi32, #tpu.memory_space<hbm>>
      %dma_wait3A_37 = arith.constant 0 : i32
      %dma_wait3A_38 = arith.constant 0 : i32
      %dma_wait3A_39 = tpu.memref_slice %arg7[%run_scoped3A, %dma_wait3A_37, %dma_wait3A_38] : memref<2x8x128xi32, #tpu.memory_space<vmem>> -> memref<1x8x128xi32, #tpu.memory_space<vmem>>
      %dma_wait3A_40 = tpu.memref_squeeze %dma_wait3A_39 : memref<1x8x128xi32, #tpu.memory_space<vmem>> -> memref<8x128xi32, #tpu.memory_space<vmem>>
      %dma_wait3A_41 = arith.constant 0 : i32
      %dma_wait3A_42 = arith.constant 0 : i32
      %dma_wait3A_43 = tpu.memref_slice %arg3[%add3A, %dma_wait3A_41, %dma_wait3A_42] : memref<32x80x128xi32, #tpu.memory_space<hbm>> -> memref<1x8x128xi32, #tpu.memory_space<hbm>>
      %dma_wait3A_44 = tpu.memref_squeeze %dma_wait3A_43 : memref<1x8x128xi32, #tpu.memory_space<hbm>> -> memref<8x128xi32, #tpu.memory_space<hbm>>
      tpu.wait_dma2 semaphore(%run_scoped3A_14 : memref<!tpu.dma_semaphore, #tpu.memory_space<semaphore_mem>>) src(%dma_wait3A_44 : memref<8x128xi32, #tpu.memory_space<hbm>>) dst(%dma_wait3A_40 : memref<8x128xi32, #tpu.memory_space<vmem>>)
      tpu.yield
    }) : () -> ()
    %run_scoped3A_3 = arith.constant 0 : i32
    "tpu.region"() ({
      %run_scoped3A_14 = tpu.sem_alloc : memref<!tpu.dma_semaphore, #tpu.memory_space<semaphore_mem>>
      %dma_start3A = arith.constant 0 : i32
      %dma_start3A_15 = arith.constant 0 : i32
      %dma_start3A_16 = tpu.memref_slice %arg8[%run_scoped3A_3, %dma_start3A, %dma_start3A_15] : memref<2x8x128xi32, #tpu.memory_space<vmem>> -> memref<1x8x128xi32, #tpu.memory_space<vmem>>
      %dma_start3A_17 = tpu.memref_squeeze %dma_start3A_16 : memref<1x8x128xi32, #tpu.memory_space<vmem>> -> memref<8x128xi32, #tpu.memory_space<vmem>>
      %dma_start3A_18 = arith.constant 0 : i32
      %dma_start3A_19 = arith.constant 0 : i32
      %dma_start3A_20 = tpu.memref_slice %arg4[%add3A, %dma_start3A_18, %dma_start3A_19] : memref<32x80x128xi32, #tpu.memory_space<hbm>> -> memref<1x8x128xi32, #tpu.memory_space<hbm>>
      %dma_start3A_21 = tpu.memref_squeeze %dma_start3A_20 : memref<1x8x128xi32, #tpu.memory_space<hbm>> -> memref<8x128xi32, #tpu.memory_space<hbm>>
      %dma_start3A_22 = arith.constant 0 : i32
      %dma_start3A_23 = arith.constant 0 : i32
      %dma_start3A_24 = tpu.memref_slice %arg8[%run_scoped3A_3, %dma_start3A_22, %dma_start3A_23] : memref<2x8x128xi32, #tpu.memory_space<vmem>> -> memref<1x8x128xi32, #tpu.memory_space<vmem>>
      %dma_start3A_25 = tpu.memref_squeeze %dma_start3A_24 : memref<1x8x128xi32, #tpu.memory_space<vmem>> -> memref<8x128xi32, #tpu.memory_space<vmem>>
      %dma_start3A_26 = arith.constant 0 : i32
      %dma_start3A_27 = arith.constant 0 : i32
      %dma_start3A_28 = tpu.memref_slice %arg4[%add3A, %dma_start3A_26, %dma_start3A_27] : memref<32x80x128xi32, #tpu.memory_space<hbm>> -> memref<1x8x128xi32, #tpu.memory_space<hbm>>
      %dma_start3A_29 = tpu.memref_squeeze %dma_start3A_28 : memref<1x8x128xi32, #tpu.memory_space<hbm>> -> memref<8x128xi32, #tpu.memory_space<hbm>>
      tpu.enqueue_dma source(%dma_start3A_29 : memref<8x128xi32, #tpu.memory_space<hbm>>) target(%dma_start3A_25 : memref<8x128xi32, #tpu.memory_space<vmem>>) target_semaphore(%run_scoped3A_14 : memref<!tpu.dma_semaphore, #tpu.memory_space<semaphore_mem>>)
      %dma_wait3A = arith.constant 0 : i32
      %dma_wait3A_30 = arith.constant 0 : i32
      %dma_wait3A_31 = tpu.memref_slice %arg8[%run_scoped3A_3, %dma_wait3A, %dma_wait3A_30] : memref<2x8x128xi32, #tpu.memory_space<vmem>> -> memref<1x8x128xi32, #tpu.memory_space<vmem>>
      %dma_wait3A_32 = tpu.memref_squeeze %dma_wait3A_31 : memref<1x8x128xi32, #tpu.memory_space<vmem>> -> memref<8x128xi32, #tpu.memory_space<vmem>>
      %dma_wait3A_33 = arith.constant 0 : i32
      %dma_wait3A_34 = arith.constant 0 : i32
      %dma_wait3A_35 = tpu.memref_slice %arg4[%add3A, %dma_wait3A_33, %dma_wait3A_34] : memref<32x80x128xi32, #tpu.memory_space<hbm>> -> memref<1x8x128xi32, #tpu.memory_space<hbm>>
      %dma_wait3A_36 = tpu.memref_squeeze %dma_wait3A_35 : memref<1x8x128xi32, #tpu.memory_space<hbm>> -> memref<8x128xi32, #tpu.memory_space<hbm>>
      %dma_wait3A_37 = arith.constant 0 : i32
      %dma_wait3A_38 = arith.constant 0 : i32
      %dma_wait3A_39 = tpu.memref_slice %arg8[%run_scoped3A_3, %dma_wait3A_37, %dma_wait3A_38] : memref<2x8x128xi32, #tpu.memory_space<vmem>> -> memref<1x8x128xi32, #tpu.memory_space<vmem>>
      %dma_wait3A_40 = tpu.memref_squeeze %dma_wait3A_39 : memref<1x8x128xi32, #tpu.memory_space<vmem>> -> memref<8x128xi32, #tpu.memory_space<vmem>>
      %dma_wait3A_41 = arith.constant 0 : i32
      %dma_wait3A_42 = arith.constant 0 : i32
      %dma_wait3A_43 = tpu.memref_slice %arg4[%add3A, %dma_wait3A_41, %dma_wait3A_42] : memref<32x80x128xi32, #tpu.memory_space<hbm>> -> memref<1x8x128xi32, #tpu.memory_space<hbm>>
      %dma_wait3A_44 = tpu.memref_squeeze %dma_wait3A_43 : memref<1x8x128xi32, #tpu.memory_space<hbm>> -> memref<8x128xi32, #tpu.memory_space<hbm>>
      tpu.wait_dma2 semaphore(%run_scoped3A_14 : memref<!tpu.dma_semaphore, #tpu.memory_space<semaphore_mem>>) src(%dma_wait3A_44 : memref<8x128xi32, #tpu.memory_space<hbm>>) dst(%dma_wait3A_40 : memref<8x128xi32, #tpu.memory_space<vmem>>)
      tpu.yield
    }) : () -> ()
    %barrier3A = arith.constant 0 : index
    tpu.barrier barrier_id(%barrier3A)
    %scan3A = arith.constant 0 : i32
    %scan3A_4 = arith.constant 0 : i32
    %scan3A_5 = arith.constant 10 : i32
    %scan3A_6 = arith.addi %scan3A_4, %scan3A_5 : i32
    %scan3A_7 = arith.constant 1 : i32
    scf.for %scan3A_14 = %scan3A_4 to %scan3A_6 step %scan3A_7  : i32 {
      %jit3A = arith.constant 2 : i32
      %eq3A = arith.constant 0 : i32
      %eq3A_15 = arith.cmpi eq, %jit3A, %eq3A : i32
      %jit3A_16 = arith.constant 1 : i32
      %select_n3A = arith.select %eq3A_15, %jit3A_16, %jit3A : i32
      %rem3A = arith.remsi %scan3A_14, %select_n3A : i32
      %ne3A = arith.constant 0 : i32
      %ne3A_17 = arith.cmpi ne, %rem3A, %ne3A : i32
      %lt3A = arith.constant 0 : i32
      %lt3A_18 = arith.cmpi slt, %rem3A, %lt3A : i32
      %lt3A_19 = arith.constant 0 : i32
      %lt3A_20 = arith.cmpi slt, %select_n3A, %lt3A_19 : i32
      %ne3A_21 = arith.xori %lt3A_18, %lt3A_20 : i1
      %and3A = arith.andi %ne3A_21, %ne3A_17 : i1
      %add3A_22 = arith.addi %rem3A, %select_n3A : i32
      %select_n3A_23 = arith.select %and3A, %add3A_22, %rem3A : i32
      %add3A_24 = arith.constant 1 : i32
      %add3A_25 = arith.addi %scan3A_14, %add3A_24 : i32
      %jit3A_26 = arith.constant 2 : i32
      %eq3A_27 = arith.constant 0 : i32
      %eq3A_28 = arith.cmpi eq, %jit3A_26, %eq3A_27 : i32
      %jit3A_29 = arith.constant 1 : i32
      %select_n3A_30 = arith.select %eq3A_28, %jit3A_29, %jit3A_26 : i32
      %rem3A_31 = arith.remsi %add3A_25, %select_n3A_30 : i32
      %ne3A_32 = arith.constant 0 : i32
      %ne3A_33 = arith.cmpi ne, %rem3A_31, %ne3A_32 : i32
      %lt3A_34 = arith.constant 0 : i32
      %lt3A_35 = arith.cmpi slt, %rem3A_31, %lt3A_34 : i32
      %lt3A_36 = arith.constant 0 : i32
      %lt3A_37 = arith.cmpi slt, %select_n3A_30, %lt3A_36 : i32
      %ne3A_38 = arith.xori %lt3A_35, %lt3A_37 : i1
      %and3A_39 = arith.andi %ne3A_38, %ne3A_33 : i1
      %add3A_40 = arith.addi %rem3A_31, %select_n3A_30 : i32
      %select_n3A_41 = arith.select %and3A_39, %add3A_40, %rem3A_31 : i32
      %gt3A = arith.constant 0 : i32
      %gt3A_42 = arith.cmpi sgt, %scan3A_14, %gt3A : i32
      %convert_element_type3A = arith.extui %gt3A_42 : i1 to i32
      %cond3A = arith.constant 0 : i32
      %cond3A_43 = arith.cmpi ne, %convert_element_type3A, %cond3A : i32
      scf.if %cond3A_43 {
        %mul3A_273 = arith.constant 8 : i32
        %mul3A_274 = arith.muli %scan3A_14, %mul3A_273 : i32
        %dma_wait3A_275 = arith.constant 0 : i32
        %dma_wait3A_276 = arith.constant 0 : i32
        %dma_wait3A_277 = tpu.memref_slice %arg7[%select_n3A_23, %dma_wait3A_275, %dma_wait3A_276] : memref<2x8x128xi32, #tpu.memory_space<vmem>> -> memref<1x8x128xi32, #tpu.memory_space<vmem>>
        %dma_wait3A_278 = tpu.memref_squeeze %dma_wait3A_277 : memref<1x8x128xi32, #tpu.memory_space<vmem>> -> memref<8x128xi32, #tpu.memory_space<vmem>>
        %dma_wait3A_279 = arith.constant 0 : i32
        %dma_wait3A_280 = tpu.memref_slice %arg3[%add3A, %mul3A_274, %dma_wait3A_279] : memref<32x80x128xi32, #tpu.memory_space<hbm>> -> memref<1x8x128xi32, #tpu.memory_space<hbm>>
        %dma_wait3A_281 = tpu.memref_squeeze %dma_wait3A_280 : memref<1x8x128xi32, #tpu.memory_space<hbm>> -> memref<8x128xi32, #tpu.memory_space<hbm>>
        %dma_wait3A_282 = arith.constant 0 : i32
        %dma_wait3A_283 = arith.constant 0 : i32
        %dma_wait3A_284 = tpu.memref_slice %arg7[%select_n3A_23, %dma_wait3A_282, %dma_wait3A_283] : memref<2x8x128xi32, #tpu.memory_space<vmem>> -> memref<1x8x128xi32, #tpu.memory_space<vmem>>
        %dma_wait3A_285 = tpu.memref_squeeze %dma_wait3A_284 : memref<1x8x128xi32, #tpu.memory_space<vmem>> -> memref<8x128xi32, #tpu.memory_space<vmem>>
        %dma_wait3A_286 = arith.constant 0 : i32
        %dma_wait3A_287 = tpu.memref_slice %arg3[%add3A, %mul3A_274, %dma_wait3A_286] : memref<32x80x128xi32, #tpu.memory_space<hbm>> -> memref<1x8x128xi32, #tpu.memory_space<hbm>>
        %dma_wait3A_288 = tpu.memref_squeeze %dma_wait3A_287 : memref<1x8x128xi32, #tpu.memory_space<hbm>> -> memref<8x128xi32, #tpu.memory_space<hbm>>
        tpu.wait_dma2 semaphore(%arg16 : memref<!tpu.dma_semaphore, #tpu.memory_space<semaphore_mem>>) src(%dma_wait3A_288 : memref<8x128xi32, #tpu.memory_space<hbm>>) dst(%dma_wait3A_285 : memref<8x128xi32, #tpu.memory_space<vmem>>)
        %mul3A_289 = arith.constant 8 : i32
        %mul3A_290 = arith.muli %scan3A_14, %mul3A_289 : i32
        %dma_wait3A_291 = arith.constant 0 : i32
        %dma_wait3A_292 = arith.constant 0 : i32
        %dma_wait3A_293 = tpu.memref_slice %arg8[%select_n3A_23, %dma_wait3A_291, %dma_wait3A_292] : memref<2x8x128xi32, #tpu.memory_space<vmem>> -> memref<1x8x128xi32, #tpu.memory_space<vmem>>
        %dma_wait3A_294 = tpu.memref_squeeze %dma_wait3A_293 : memref<1x8x128xi32, #tpu.memory_space<vmem>> -> memref<8x128xi32, #tpu.memory_space<vmem>>
        %dma_wait3A_295 = arith.constant 0 : i32
        %dma_wait3A_296 = tpu.memref_slice %arg4[%add3A, %mul3A_290, %dma_wait3A_295] : memref<32x80x128xi32, #tpu.memory_space<hbm>> -> memref<1x8x128xi32, #tpu.memory_space<hbm>>
        %dma_wait3A_297 = tpu.memref_squeeze %dma_wait3A_296 : memref<1x8x128xi32, #tpu.memory_space<hbm>> -> memref<8x128xi32, #tpu.memory_space<hbm>>
        %dma_wait3A_298 = arith.constant 0 : i32
        %dma_wait3A_299 = arith.constant 0 : i32
        %dma_wait3A_300 = tpu.memref_slice %arg8[%select_n3A_23, %dma_wait3A_298, %dma_wait3A_299] : memref<2x8x128xi32, #tpu.memory_space<vmem>> -> memref<1x8x128xi32, #tpu.memory_space<vmem>>
        %dma_wait3A_301 = tpu.memref_squeeze %dma_wait3A_300 : memref<1x8x128xi32, #tpu.memory_space<vmem>> -> memref<8x128xi32, #tpu.memory_space<vmem>>
        %dma_wait3A_302 = arith.constant 0 : i32
        %dma_wait3A_303 = tpu.memref_slice %arg4[%add3A, %mul3A_290, %dma_wait3A_302] : memref<32x80x128xi32, #tpu.memory_space<hbm>> -> memref<1x8x128xi32, #tpu.memory_space<hbm>>
        %dma_wait3A_304 = tpu.memref_squeeze %dma_wait3A_303 : memref<1x8x128xi32, #tpu.memory_space<hbm>> -> memref<8x128xi32, #tpu.memory_space<hbm>>
        tpu.wait_dma2 semaphore(%arg16 : memref<!tpu.dma_semaphore, #tpu.memory_space<semaphore_mem>>) src(%dma_wait3A_304 : memref<8x128xi32, #tpu.memory_space<hbm>>) dst(%dma_wait3A_301 : memref<8x128xi32, #tpu.memory_space<vmem>>)
      } else {
      }
      %dma_start3A = arith.constant 0 : i32
      %dma_start3A_44 = arith.constant 0 : i32
      %dma_start3A_45 = tpu.memref_slice %arg7[%select_n3A_23, %dma_start3A, %dma_start3A_44] : memref<2x8x128xi32, #tpu.memory_space<vmem>> -> memref<1x1x128xi32, #tpu.memory_space<vmem>>
      %dma_start3A_46 = tpu.memref_squeeze %dma_start3A_45 : memref<1x1x128xi32, #tpu.memory_space<vmem>> -> memref<128xi32, #tpu.memory_space<vmem>>
      %dma_start3A_47 = arith.constant 0 : i32
      %dma_start3A_48 = arith.constant 0 : i32
      %dma_start3A_49 = tpu.memref_slice %arg2[%dma_start3A_47, %dma_start3A_48] : memref<10000x128xf32, #tpu.memory_space<hbm>> -> memref<10000x128xf32, #tpu.memory_space<hbm>>
      tpu.enqueue_indirect_dma source(%dma_start3A_49 : memref<10000x128xf32, #tpu.memory_space<hbm>>) target(%arg9 : memref<128x128xf32, #tpu.memory_space<vmem>>) offsets(%dma_start3A_46 : memref<128xi32, #tpu.memory_space<vmem>>) semaphore(%arg12 : memref<!tpu.dma_semaphore, #tpu.memory_space<semaphore_mem>>)
      %dma_start3A_50 = arith.constant 1 : i32
      %dma_start3A_51 = arith.constant 0 : i32
      %dma_start3A_52 = tpu.memref_slice %arg7[%select_n3A_23, %dma_start3A_50, %dma_start3A_51] : memref<2x8x128xi32, #tpu.memory_space<vmem>> -> memref<1x1x128xi32, #tpu.memory_space<vmem>>
      %dma_start3A_53 = tpu.memref_squeeze %dma_start3A_52 : memref<1x1x128xi32, #tpu.memory_space<vmem>> -> memref<128xi32, #tpu.memory_space<vmem>>
      %dma_start3A_54 = arith.constant 0 : i32
      %dma_start3A_55 = arith.constant 0 : i32
      %dma_start3A_56 = tpu.memref_slice %arg2[%dma_start3A_54, %dma_start3A_55] : memref<10000x128xf32, #tpu.memory_space<hbm>> -> memref<10000x128xf32, #tpu.memory_space<hbm>>
      tpu.enqueue_indirect_dma source(%dma_start3A_56 : memref<10000x128xf32, #tpu.memory_space<hbm>>) target(%arg10 : memref<128x128xf32, #tpu.memory_space<vmem>>) offsets(%dma_start3A_53 : memref<128xi32, #tpu.memory_space<vmem>>) semaphore(%arg13 : memref<!tpu.dma_semaphore, #tpu.memory_space<semaphore_mem>>)
      %add3A_57 = arith.constant 1 : i32
      %add3A_58 = arith.addi %scan3A_14, %add3A_57 : i32
      %lt3A_59 = arith.constant 10 : i32
      %lt3A_60 = arith.cmpi slt, %add3A_58, %lt3A_59 : i32
      %convert_element_type3A_61 = arith.extui %lt3A_60 : i1 to i32
      %cond3A_62 = arith.constant 0 : i32
      %cond3A_63 = arith.cmpi ne, %convert_element_type3A_61, %cond3A_62 : i32
      scf.if %cond3A_63 {
        %add3A_273 = arith.constant 1 : i32
        %add3A_274 = arith.addi %scan3A_14, %add3A_273 : i32
        %mul3A_275 = arith.constant 8 : i32
        %mul3A_276 = arith.muli %add3A_274, %mul3A_275 : i32
        %dma_start3A_277 = arith.constant 0 : i32
        %dma_start3A_278 = arith.constant 0 : i32
        %dma_start3A_279 = tpu.memref_slice %arg7[%select_n3A_41, %dma_start3A_277, %dma_start3A_278] : memref<2x8x128xi32, #tpu.memory_space<vmem>> -> memref<1x8x128xi32, #tpu.memory_space<vmem>>
        %dma_start3A_280 = tpu.memref_squeeze %dma_start3A_279 : memref<1x8x128xi32, #tpu.memory_space<vmem>> -> memref<8x128xi32, #tpu.memory_space<vmem>>
        %dma_start3A_281 = arith.constant 0 : i32
        %dma_start3A_282 = tpu.memref_slice %arg3[%add3A, %mul3A_276, %dma_start3A_281] : memref<32x80x128xi32, #tpu.memory_space<hbm>> -> memref<1x8x128xi32, #tpu.memory_space<hbm>>
        %dma_start3A_283 = tpu.memref_squeeze %dma_start3A_282 : memref<1x8x128xi32, #tpu.memory_space<hbm>> -> memref<8x128xi32, #tpu.memory_space<hbm>>
        %dma_start3A_284 = arith.constant 0 : i32
        %dma_start3A_285 = arith.constant 0 : i32
        %dma_start3A_286 = tpu.memref_slice %arg7[%select_n3A_41, %dma_start3A_284, %dma_start3A_285] : memref<2x8x128xi32, #tpu.memory_space<vmem>> -> memref<1x8x128xi32, #tpu.memory_space<vmem>>
        %dma_start3A_287 = tpu.memref_squeeze %dma_start3A_286 : memref<1x8x128xi32, #tpu.memory_space<vmem>> -> memref<8x128xi32, #tpu.memory_space<vmem>>
        %dma_start3A_288 = arith.constant 0 : i32
        %dma_start3A_289 = tpu.memref_slice %arg3[%add3A, %mul3A_276, %dma_start3A_288] : memref<32x80x128xi32, #tpu.memory_space<hbm>> -> memref<1x8x128xi32, #tpu.memory_space<hbm>>
        %dma_start3A_290 = tpu.memref_squeeze %dma_start3A_289 : memref<1x8x128xi32, #tpu.memory_space<hbm>> -> memref<8x128xi32, #tpu.memory_space<hbm>>
        tpu.enqueue_dma source(%dma_start3A_290 : memref<8x128xi32, #tpu.memory_space<hbm>>) target(%dma_start3A_287 : memref<8x128xi32, #tpu.memory_space<vmem>>) target_semaphore(%arg16 : memref<!tpu.dma_semaphore, #tpu.memory_space<semaphore_mem>>)
        %add3A_291 = arith.constant 1 : i32
        %add3A_292 = arith.addi %scan3A_14, %add3A_291 : i32
        %mul3A_293 = arith.constant 8 : i32
        %mul3A_294 = arith.muli %add3A_292, %mul3A_293 : i32
        %dma_start3A_295 = arith.constant 0 : i32
        %dma_start3A_296 = arith.constant 0 : i32
        %dma_start3A_297 = tpu.memref_slice %arg8[%select_n3A_41, %dma_start3A_295, %dma_start3A_296] : memref<2x8x128xi32, #tpu.memory_space<vmem>> -> memref<1x8x128xi32, #tpu.memory_space<vmem>>
        %dma_start3A_298 = tpu.memref_squeeze %dma_start3A_297 : memref<1x8x128xi32, #tpu.memory_space<vmem>> -> memref<8x128xi32, #tpu.memory_space<vmem>>
        %dma_start3A_299 = arith.constant 0 : i32
        %dma_start3A_300 = tpu.memref_slice %arg4[%add3A, %mul3A_294, %dma_start3A_299] : memref<32x80x128xi32, #tpu.memory_space<hbm>> -> memref<1x8x128xi32, #tpu.memory_space<hbm>>
        %dma_start3A_301 = tpu.memref_squeeze %dma_start3A_300 : memref<1x8x128xi32, #tpu.memory_space<hbm>> -> memref<8x128xi32, #tpu.memory_space<hbm>>
        %dma_start3A_302 = arith.constant 0 : i32
        %dma_start3A_303 = arith.constant 0 : i32
        %dma_start3A_304 = tpu.memref_slice %arg8[%select_n3A_41, %dma_start3A_302, %dma_start3A_303] : memref<2x8x128xi32, #tpu.memory_space<vmem>> -> memref<1x8x128xi32, #tpu.memory_space<vmem>>
        %dma_start3A_305 = tpu.memref_squeeze %dma_start3A_304 : memref<1x8x128xi32, #tpu.memory_space<vmem>> -> memref<8x128xi32, #tpu.memory_space<vmem>>
        %dma_start3A_306 = arith.constant 0 : i32
        %dma_start3A_307 = tpu.memref_slice %arg4[%add3A, %mul3A_294, %dma_start3A_306] : memref<32x80x128xi32, #tpu.memory_space<hbm>> -> memref<1x8x128xi32, #tpu.memory_space<hbm>>
        %dma_start3A_308 = tpu.memref_squeeze %dma_start3A_307 : memref<1x8x128xi32, #tpu.memory_space<hbm>> -> memref<8x128xi32, #tpu.memory_space<hbm>>
        tpu.enqueue_dma source(%dma_start3A_308 : memref<8x128xi32, #tpu.memory_space<hbm>>) target(%dma_start3A_305 : memref<8x128xi32, #tpu.memory_space<vmem>>) target_semaphore(%arg16 : memref<!tpu.dma_semaphore, #tpu.memory_space<semaphore_mem>>)
      } else {
      }
      %dma_wait3A = arith.constant 0 : i32
      %dma_wait3A_64 = arith.constant 0 : i32
      %dma_wait3A_65 = tpu.memref_slice %arg7[%select_n3A_23, %dma_wait3A, %dma_wait3A_64] : memref<2x8x128xi32, #tpu.memory_space<vmem>> -> memref<1x1x128xi32, #tpu.memory_space<vmem>>
      %dma_wait3A_66 = tpu.memref_squeeze %dma_wait3A_65 : memref<1x1x128xi32, #tpu.memory_space<vmem>> -> memref<128xi32, #tpu.memory_space<vmem>>
      %dma_wait3A_67 = arith.constant 0 : i32
      %dma_wait3A_68 = arith.constant 0 : i32
      %dma_wait3A_69 = tpu.memref_slice %arg2[%dma_wait3A_67, %dma_wait3A_68] : memref<10000x128xf32, #tpu.memory_space<hbm>> -> memref<10000x128xf32, #tpu.memory_space<hbm>>
      tpu.wait_indirect_dma semaphore(%arg12 : memref<!tpu.dma_semaphore, #tpu.memory_space<semaphore_mem>>) src(%dma_wait3A_69 : memref<10000x128xf32, #tpu.memory_space<hbm>>) dst(%arg9 : memref<128x128xf32, #tpu.memory_space<vmem>>)
      %dma_start3A_70 = arith.constant 0 : i32
      %dma_start3A_71 = arith.constant 0 : i32
      %dma_start3A_72 = tpu.memref_slice %arg8[%select_n3A_23, %dma_start3A_70, %dma_start3A_71] : memref<2x8x128xi32, #tpu.memory_space<vmem>> -> memref<1x1x128xi32, #tpu.memory_space<vmem>>
      %dma_start3A_73 = tpu.memref_squeeze %dma_start3A_72 : memref<1x1x128xi32, #tpu.memory_space<vmem>> -> memref<128xi32, #tpu.memory_space<vmem>>
      %dma_start3A_74 = arith.constant 0 : i32
      %dma_start3A_75 = arith.constant 0 : i32
      %dma_start3A_76 = tpu.memref_slice %arg11[%dma_start3A_74, %dma_start3A_75] : memref<10240x128xf32, #tpu.memory_space<vmem_shared>> -> memref<10240x128xf32, #tpu.memory_space<vmem_shared>>
      tpu.enqueue_indirect_dma source(%arg9 : memref<128x128xf32, #tpu.memory_space<vmem>>) target(%dma_start3A_76 : memref<10240x128xf32, #tpu.memory_space<vmem_shared>>) offsets(%dma_start3A_73 : memref<128xi32, #tpu.memory_space<vmem>>) semaphore(%arg14 : memref<!tpu.dma_semaphore, #tpu.memory_space<semaphore_mem>>) {add = true}
      %dma_wait3A_77 = arith.constant 0 : i32
      %dma_wait3A_78 = arith.constant 0 : i32
      %dma_wait3A_79 = tpu.memref_slice %arg8[%select_n3A_23, %dma_wait3A_77, %dma_wait3A_78] : memref<2x8x128xi32, #tpu.memory_space<vmem>> -> memref<1x1x128xi32, #tpu.memory_space<vmem>>
      %dma_wait3A_80 = tpu.memref_squeeze %dma_wait3A_79 : memref<1x1x128xi32, #tpu.memory_space<vmem>> -> memref<128xi32, #tpu.memory_space<vmem>>
      %dma_wait3A_81 = arith.constant 0 : i32
      %dma_wait3A_82 = arith.constant 0 : i32
      %dma_wait3A_83 = tpu.memref_slice %arg11[%dma_wait3A_81, %dma_wait3A_82] : memref<10240x128xf32, #tpu.memory_space<vmem_shared>> -> memref<10240x128xf32, #tpu.memory_space<vmem_shared>>
      tpu.wait_indirect_dma semaphore(%arg14 : memref<!tpu.dma_semaphore, #tpu.memory_space<semaphore_mem>>) src(%arg9 : memref<128x128xf32, #tpu.memory_space<vmem>>) dst(%dma_wait3A_83 : memref<10240x128xf32, #tpu.memory_space<vmem_shared>>)
      %dma_start3A_84 = arith.constant 2 : i32
      %dma_start3A_85 = arith.constant 0 : i32
      %dma_start3A_86 = tpu.memref_slice %arg7[%select_n3A_23, %dma_start3A_84, %dma_start3A_85] : memref<2x8x128xi32, #tpu.memory_space<vmem>> -> memref<1x1x128xi32, #tpu.memory_space<vmem>>
      %dma_start3A_87 = tpu.memref_squeeze %dma_start3A_86 : memref<1x1x128xi32, #tpu.memory_space<vmem>> -> memref<128xi32, #tpu.memory_space<vmem>>
      %dma_start3A_88 = arith.constant 0 : i32
      %dma_start3A_89 = arith.constant 0 : i32
      %dma_start3A_90 = tpu.memref_slice %arg2[%dma_start3A_88, %dma_start3A_89] : memref<10000x128xf32, #tpu.memory_space<hbm>> -> memref<10000x128xf32, #tpu.memory_space<hbm>>
      tpu.enqueue_indirect_dma source(%dma_start3A_90 : memref<10000x128xf32, #tpu.memory_space<hbm>>) target(%arg9 : memref<128x128xf32, #tpu.memory_space<vmem>>) offsets(%dma_start3A_87 : memref<128xi32, #tpu.memory_space<vmem>>) semaphore(%arg12 : memref<!tpu.dma_semaphore, #tpu.memory_space<semaphore_mem>>)
      %dma_wait3A_91 = arith.constant 1 : i32
      %dma_wait3A_92 = arith.constant 0 : i32
      %dma_wait3A_93 = tpu.memref_slice %arg7[%select_n3A_23, %dma_wait3A_91, %dma_wait3A_92] : memref<2x8x128xi32, #tpu.memory_space<vmem>> -> memref<1x1x128xi32, #tpu.memory_space<vmem>>
      %dma_wait3A_94 = tpu.memref_squeeze %dma_wait3A_93 : memref<1x1x128xi32, #tpu.memory_space<vmem>> -> memref<128xi32, #tpu.memory_space<vmem>>
      %dma_wait3A_95 = arith.constant 0 : i32
      %dma_wait3A_96 = arith.constant 0 : i32
      %dma_wait3A_97 = tpu.memref_slice %arg2[%dma_wait3A_95, %dma_wait3A_96] : memref<10000x128xf32, #tpu.memory_space<hbm>> -> memref<10000x128xf32, #tpu.memory_space<hbm>>
      tpu.wait_indirect_dma semaphore(%arg13 : memref<!tpu.dma_semaphore, #tpu.memory_space<semaphore_mem>>) src(%dma_wait3A_97 : memref<10000x128xf32, #tpu.memory_space<hbm>>) dst(%arg10 : memref<128x128xf32, #tpu.memory_space<vmem>>)
      %dma_start3A_98 = arith.constant 1 : i32
      %dma_start3A_99 = arith.constant 0 : i32
      %dma_start3A_100 = tpu.memref_slice %arg8[%select_n3A_23, %dma_start3A_98, %dma_start3A_99] : memref<2x8x128xi32, #tpu.memory_space<vmem>> -> memref<1x1x128xi32, #tpu.memory_space<vmem>>
      %dma_start3A_101 = tpu.memref_squeeze %dma_start3A_100 : memref<1x1x128xi32, #tpu.memory_space<vmem>> -> memref<128xi32, #tpu.memory_space<vmem>>
      %dma_start3A_102 = arith.constant 0 : i32
      %dma_start3A_103 = arith.constant 0 : i32
      %dma_start3A_104 = tpu.memref_slice %arg11[%dma_start3A_102, %dma_start3A_103] : memref<10240x128xf32, #tpu.memory_space<vmem_shared>> -> memref<10240x128xf32, #tpu.memory_space<vmem_shared>>
      tpu.enqueue_indirect_dma source(%arg10 : memref<128x128xf32, #tpu.memory_space<vmem>>) target(%dma_start3A_104 : memref<10240x128xf32, #tpu.memory_space<vmem_shared>>) offsets(%dma_start3A_101 : memref<128xi32, #tpu.memory_space<vmem>>) semaphore(%arg15 : memref<!tpu.dma_semaphore, #tpu.memory_space<semaphore_mem>>) {add = true}
      %dma_wait3A_105 = arith.constant 1 : i32
      %dma_wait3A_106 = arith.constant 0 : i32
      %dma_wait3A_107 = tpu.memref_slice %arg8[%select_n3A_23, %dma_wait3A_105, %dma_wait3A_106] : memref<2x8x128xi32, #tpu.memory_space<vmem>> -> memref<1x1x128xi32, #tpu.memory_space<vmem>>
      %dma_wait3A_108 = tpu.memref_squeeze %dma_wait3A_107 : memref<1x1x128xi32, #tpu.memory_space<vmem>> -> memref<128xi32, #tpu.memory_space<vmem>>
      %dma_wait3A_109 = arith.constant 0 : i32
      %dma_wait3A_110 = arith.constant 0 : i32
      %dma_wait3A_111 = tpu.memref_slice %arg11[%dma_wait3A_109, %dma_wait3A_110] : memref<10240x128xf32, #tpu.memory_space<vmem_shared>> -> memref<10240x128xf32, #tpu.memory_space<vmem_shared>>
      tpu.wait_indirect_dma semaphore(%arg15 : memref<!tpu.dma_semaphore, #tpu.memory_space<semaphore_mem>>) src(%arg10 : memref<128x128xf32, #tpu.memory_space<vmem>>) dst(%dma_wait3A_111 : memref<10240x128xf32, #tpu.memory_space<vmem_shared>>)
      %dma_start3A_112 = arith.constant 3 : i32
      %dma_start3A_113 = arith.constant 0 : i32
      %dma_start3A_114 = tpu.memref_slice %arg7[%select_n3A_23, %dma_start3A_112, %dma_start3A_113] : memref<2x8x128xi32, #tpu.memory_space<vmem>> -> memref<1x1x128xi32, #tpu.memory_space<vmem>>
      %dma_start3A_115 = tpu.memref_squeeze %dma_start3A_114 : memref<1x1x128xi32, #tpu.memory_space<vmem>> -> memref<128xi32, #tpu.memory_space<vmem>>
      %dma_start3A_116 = arith.constant 0 : i32
      %dma_start3A_117 = arith.constant 0 : i32
      %dma_start3A_118 = tpu.memref_slice %arg2[%dma_start3A_116, %dma_start3A_117] : memref<10000x128xf32, #tpu.memory_space<hbm>> -> memref<10000x128xf32, #tpu.memory_space<hbm>>
      tpu.enqueue_indirect_dma source(%dma_start3A_118 : memref<10000x128xf32, #tpu.memory_space<hbm>>) target(%arg10 : memref<128x128xf32, #tpu.memory_space<vmem>>) offsets(%dma_start3A_115 : memref<128xi32, #tpu.memory_space<vmem>>) semaphore(%arg13 : memref<!tpu.dma_semaphore, #tpu.memory_space<semaphore_mem>>)
      %dma_wait3A_119 = arith.constant 2 : i32
      %dma_wait3A_120 = arith.constant 0 : i32
      %dma_wait3A_121 = tpu.memref_slice %arg7[%select_n3A_23, %dma_wait3A_119, %dma_wait3A_120] : memref<2x8x128xi32, #tpu.memory_space<vmem>> -> memref<1x1x128xi32, #tpu.memory_space<vmem>>
      %dma_wait3A_122 = tpu.memref_squeeze %dma_wait3A_121 : memref<1x1x128xi32, #tpu.memory_space<vmem>> -> memref<128xi32, #tpu.memory_space<vmem>>
      %dma_wait3A_123 = arith.constant 0 : i32
      %dma_wait3A_124 = arith.constant 0 : i32
      %dma_wait3A_125 = tpu.memref_slice %arg2[%dma_wait3A_123, %dma_wait3A_124] : memref<10000x128xf32, #tpu.memory_space<hbm>> -> memref<10000x128xf32, #tpu.memory_space<hbm>>
      tpu.wait_indirect_dma semaphore(%arg12 : memref<!tpu.dma_semaphore, #tpu.memory_space<semaphore_mem>>) src(%dma_wait3A_125 : memref<10000x128xf32, #tpu.memory_space<hbm>>) dst(%arg9 : memref<128x128xf32, #tpu.memory_space<vmem>>)
      %dma_start3A_126 = arith.constant 2 : i32
      %dma_start3A_127 = arith.constant 0 : i32
      %dma_start3A_128 = tpu.memref_slice %arg8[%select_n3A_23, %dma_start3A_126, %dma_start3A_127] : memref<2x8x128xi32, #tpu.memory_space<vmem>> -> memref<1x1x128xi32, #tpu.memory_space<vmem>>
      %dma_start3A_129 = tpu.memref_squeeze %dma_start3A_128 : memref<1x1x128xi32, #tpu.memory_space<vmem>> -> memref<128xi32, #tpu.memory_space<vmem>>
      %dma_start3A_130 = arith.constant 0 : i32
      %dma_start3A_131 = arith.constant 0 : i32
      %dma_start3A_132 = tpu.memref_slice %arg11[%dma_start3A_130, %dma_start3A_131] : memref<10240x128xf32, #tpu.memory_space<vmem_shared>> -> memref<10240x128xf32, #tpu.memory_space<vmem_shared>>
      tpu.enqueue_indirect_dma source(%arg9 : memref<128x128xf32, #tpu.memory_space<vmem>>) target(%dma_start3A_132 : memref<10240x128xf32, #tpu.memory_space<vmem_shared>>) offsets(%dma_start3A_129 : memref<128xi32, #tpu.memory_space<vmem>>) semaphore(%arg14 : memref<!tpu.dma_semaphore, #tpu.memory_space<semaphore_mem>>) {add = true}
      %dma_wait3A_133 = arith.constant 2 : i32
      %dma_wait3A_134 = arith.constant 0 : i32
      %dma_wait3A_135 = tpu.memref_slice %arg8[%select_n3A_23, %dma_wait3A_133, %dma_wait3A_134] : memref<2x8x128xi32, #tpu.memory_space<vmem>> -> memref<1x1x128xi32, #tpu.memory_space<vmem>>
      %dma_wait3A_136 = tpu.memref_squeeze %dma_wait3A_135 : memref<1x1x128xi32, #tpu.memory_space<vmem>> -> memref<128xi32, #tpu.memory_space<vmem>>
      %dma_wait3A_137 = arith.constant 0 : i32
      %dma_wait3A_138 = arith.constant 0 : i32
      %dma_wait3A_139 = tpu.memref_slice %arg11[%dma_wait3A_137, %dma_wait3A_138] : memref<10240x128xf32, #tpu.memory_space<vmem_shared>> -> memref<10240x128xf32, #tpu.memory_space<vmem_shared>>
      tpu.wait_indirect_dma semaphore(%arg14 : memref<!tpu.dma_semaphore, #tpu.memory_space<semaphore_mem>>) src(%arg9 : memref<128x128xf32, #tpu.memory_space<vmem>>) dst(%dma_wait3A_139 : memref<10240x128xf32, #tpu.memory_space<vmem_shared>>)
      %dma_start3A_140 = arith.constant 4 : i32
      %dma_start3A_141 = arith.constant 0 : i32
      %dma_start3A_142 = tpu.memref_slice %arg7[%select_n3A_23, %dma_start3A_140, %dma_start3A_141] : memref<2x8x128xi32, #tpu.memory_space<vmem>> -> memref<1x1x128xi32, #tpu.memory_space<vmem>>
      %dma_start3A_143 = tpu.memref_squeeze %dma_start3A_142 : memref<1x1x128xi32, #tpu.memory_space<vmem>> -> memref<128xi32, #tpu.memory_space<vmem>>
      %dma_start3A_144 = arith.constant 0 : i32
      %dma_start3A_145 = arith.constant 0 : i32
      %dma_start3A_146 = tpu.memref_slice %arg2[%dma_start3A_144, %dma_start3A_145] : memref<10000x128xf32, #tpu.memory_space<hbm>> -> memref<10000x128xf32, #tpu.memory_space<hbm>>
      tpu.enqueue_indirect_dma source(%dma_start3A_146 : memref<10000x128xf32, #tpu.memory_space<hbm>>) target(%arg9 : memref<128x128xf32, #tpu.memory_space<vmem>>) offsets(%dma_start3A_143 : memref<128xi32, #tpu.memory_space<vmem>>) semaphore(%arg12 : memref<!tpu.dma_semaphore, #tpu.memory_space<semaphore_mem>>)
      %dma_wait3A_147 = arith.constant 3 : i32
      %dma_wait3A_148 = arith.constant 0 : i32
      %dma_wait3A_149 = tpu.memref_slice %arg7[%select_n3A_23, %dma_wait3A_147, %dma_wait3A_148] : memref<2x8x128xi32, #tpu.memory_space<vmem>> -> memref<1x1x128xi32, #tpu.memory_space<vmem>>
      %dma_wait3A_150 = tpu.memref_squeeze %dma_wait3A_149 : memref<1x1x128xi32, #tpu.memory_space<vmem>> -> memref<128xi32, #tpu.memory_space<vmem>>
      %dma_wait3A_151 = arith.constant 0 : i32
      %dma_wait3A_152 = arith.constant 0 : i32
      %dma_wait3A_153 = tpu.memref_slice %arg2[%dma_wait3A_151, %dma_wait3A_152] : memref<10000x128xf32, #tpu.memory_space<hbm>> -> memref<10000x128xf32, #tpu.memory_space<hbm>>
      tpu.wait_indirect_dma semaphore(%arg13 : memref<!tpu.dma_semaphore, #tpu.memory_space<semaphore_mem>>) src(%dma_wait3A_153 : memref<10000x128xf32, #tpu.memory_space<hbm>>) dst(%arg10 : memref<128x128xf32, #tpu.memory_space<vmem>>)
      %dma_start3A_154 = arith.constant 3 : i32
      %dma_start3A_155 = arith.constant 0 : i32
      %dma_start3A_156 = tpu.memref_slice %arg8[%select_n3A_23, %dma_start3A_154, %dma_start3A_155] : memref<2x8x128xi32, #tpu.memory_space<vmem>> -> memref<1x1x128xi32, #tpu.memory_space<vmem>>
      %dma_start3A_157 = tpu.memref_squeeze %dma_start3A_156 : memref<1x1x128xi32, #tpu.memory_space<vmem>> -> memref<128xi32, #tpu.memory_space<vmem>>
      %dma_start3A_158 = arith.constant 0 : i32
      %dma_start3A_159 = arith.constant 0 : i32
      %dma_start3A_160 = tpu.memref_slice %arg11[%dma_start3A_158, %dma_start3A_159] : memref<10240x128xf32, #tpu.memory_space<vmem_shared>> -> memref<10240x128xf32, #tpu.memory_space<vmem_shared>>
      tpu.enqueue_indirect_dma source(%arg10 : memref<128x128xf32, #tpu.memory_space<vmem>>) target(%dma_start3A_160 : memref<10240x128xf32, #tpu.memory_space<vmem_shared>>) offsets(%dma_start3A_157 : memref<128xi32, #tpu.memory_space<vmem>>) semaphore(%arg15 : memref<!tpu.dma_semaphore, #tpu.memory_space<semaphore_mem>>) {add = true}
      %dma_wait3A_161 = arith.constant 3 : i32
      %dma_wait3A_162 = arith.constant 0 : i32
      %dma_wait3A_163 = tpu.memref_slice %arg8[%select_n3A_23, %dma_wait3A_161, %dma_wait3A_162] : memref<2x8x128xi32, #tpu.memory_space<vmem>> -> memref<1x1x128xi32, #tpu.memory_space<vmem>>
      %dma_wait3A_164 = tpu.memref_squeeze %dma_wait3A_163 : memref<1x1x128xi32, #tpu.memory_space<vmem>> -> memref<128xi32, #tpu.memory_space<vmem>>
      %dma_wait3A_165 = arith.constant 0 : i32
      %dma_wait3A_166 = arith.constant 0 : i32
      %dma_wait3A_167 = tpu.memref_slice %arg11[%dma_wait3A_165, %dma_wait3A_166] : memref<10240x128xf32, #tpu.memory_space<vmem_shared>> -> memref<10240x128xf32, #tpu.memory_space<vmem_shared>>
      tpu.wait_indirect_dma semaphore(%arg15 : memref<!tpu.dma_semaphore, #tpu.memory_space<semaphore_mem>>) src(%arg10 : memref<128x128xf32, #tpu.memory_space<vmem>>) dst(%dma_wait3A_167 : memref<10240x128xf32, #tpu.memory_space<vmem_shared>>)
      %dma_start3A_168 = arith.constant 5 : i32
      %dma_start3A_169 = arith.constant 0 : i32
      %dma_start3A_170 = tpu.memref_slice %arg7[%select_n3A_23, %dma_start3A_168, %dma_start3A_169] : memref<2x8x128xi32, #tpu.memory_space<vmem>> -> memref<1x1x128xi32, #tpu.memory_space<vmem>>
      %dma_start3A_171 = tpu.memref_squeeze %dma_start3A_170 : memref<1x1x128xi32, #tpu.memory_space<vmem>> -> memref<128xi32, #tpu.memory_space<vmem>>
      %dma_start3A_172 = arith.constant 0 : i32
      %dma_start3A_173 = arith.constant 0 : i32
      %dma_start3A_174 = tpu.memref_slice %arg2[%dma_start3A_172, %dma_start3A_173] : memref<10000x128xf32, #tpu.memory_space<hbm>> -> memref<10000x128xf32, #tpu.memory_space<hbm>>
      tpu.enqueue_indirect_dma source(%dma_start3A_174 : memref<10000x128xf32, #tpu.memory_space<hbm>>) target(%arg10 : memref<128x128xf32, #tpu.memory_space<vmem>>) offsets(%dma_start3A_171 : memref<128xi32, #tpu.memory_space<vmem>>) semaphore(%arg13 : memref<!tpu.dma_semaphore, #tpu.memory_space<semaphore_mem>>)
      %dma_wait3A_175 = arith.constant 4 : i32
      %dma_wait3A_176 = arith.constant 0 : i32
      %dma_wait3A_177 = tpu.memref_slice %arg7[%select_n3A_23, %dma_wait3A_175, %dma_wait3A_176] : memref<2x8x128xi32, #tpu.memory_space<vmem>> -> memref<1x1x128xi32, #tpu.memory_space<vmem>>
      %dma_wait3A_178 = tpu.memref_squeeze %dma_wait3A_177 : memref<1x1x128xi32, #tpu.memory_space<vmem>> -> memref<128xi32, #tpu.memory_space<vmem>>
      %dma_wait3A_179 = arith.constant 0 : i32
      %dma_wait3A_180 = arith.constant 0 : i32
      %dma_wait3A_181 = tpu.memref_slice %arg2[%dma_wait3A_179, %dma_wait3A_180] : memref<10000x128xf32, #tpu.memory_space<hbm>> -> memref<10000x128xf32, #tpu.memory_space<hbm>>
      tpu.wait_indirect_dma semaphore(%arg12 : memref<!tpu.dma_semaphore, #tpu.memory_space<semaphore_mem>>) src(%dma_wait3A_181 : memref<10000x128xf32, #tpu.memory_space<hbm>>) dst(%arg9 : memref<128x128xf32, #tpu.memory_space<vmem>>)
      %dma_start3A_182 = arith.constant 4 : i32
      %dma_start3A_183 = arith.constant 0 : i32
      %dma_start3A_184 = tpu.memref_slice %arg8[%select_n3A_23, %dma_start3A_182, %dma_start3A_183] : memref<2x8x128xi32, #tpu.memory_space<vmem>> -> memref<1x1x128xi32, #tpu.memory_space<vmem>>
      %dma_start3A_185 = tpu.memref_squeeze %dma_start3A_184 : memref<1x1x128xi32, #tpu.memory_space<vmem>> -> memref<128xi32, #tpu.memory_space<vmem>>
      %dma_start3A_186 = arith.constant 0 : i32
      %dma_start3A_187 = arith.constant 0 : i32
      %dma_start3A_188 = tpu.memref_slice %arg11[%dma_start3A_186, %dma_start3A_187] : memref<10240x128xf32, #tpu.memory_space<vmem_shared>> -> memref<10240x128xf32, #tpu.memory_space<vmem_shared>>
      tpu.enqueue_indirect_dma source(%arg9 : memref<128x128xf32, #tpu.memory_space<vmem>>) target(%dma_start3A_188 : memref<10240x128xf32, #tpu.memory_space<vmem_shared>>) offsets(%dma_start3A_185 : memref<128xi32, #tpu.memory_space<vmem>>) semaphore(%arg14 : memref<!tpu.dma_semaphore, #tpu.memory_space<semaphore_mem>>) {add = true}
      %dma_wait3A_189 = arith.constant 4 : i32
      %dma_wait3A_190 = arith.constant 0 : i32
      %dma_wait3A_191 = tpu.memref_slice %arg8[%select_n3A_23, %dma_wait3A_189, %dma_wait3A_190] : memref<2x8x128xi32, #tpu.memory_space<vmem>> -> memref<1x1x128xi32, #tpu.memory_space<vmem>>
      %dma_wait3A_192 = tpu.memref_squeeze %dma_wait3A_191 : memref<1x1x128xi32, #tpu.memory_space<vmem>> -> memref<128xi32, #tpu.memory_space<vmem>>
      %dma_wait3A_193 = arith.constant 0 : i32
      %dma_wait3A_194 = arith.constant 0 : i32
      %dma_wait3A_195 = tpu.memref_slice %arg11[%dma_wait3A_193, %dma_wait3A_194] : memref<10240x128xf32, #tpu.memory_space<vmem_shared>> -> memref<10240x128xf32, #tpu.memory_space<vmem_shared>>
      tpu.wait_indirect_dma semaphore(%arg14 : memref<!tpu.dma_semaphore, #tpu.memory_space<semaphore_mem>>) src(%arg9 : memref<128x128xf32, #tpu.memory_space<vmem>>) dst(%dma_wait3A_195 : memref<10240x128xf32, #tpu.memory_space<vmem_shared>>)
      %dma_start3A_196 = arith.constant 6 : i32
      %dma_start3A_197 = arith.constant 0 : i32
      %dma_start3A_198 = tpu.memref_slice %arg7[%select_n3A_23, %dma_start3A_196, %dma_start3A_197] : memref<2x8x128xi32, #tpu.memory_space<vmem>> -> memref<1x1x128xi32, #tpu.memory_space<vmem>>
      %dma_start3A_199 = tpu.memref_squeeze %dma_start3A_198 : memref<1x1x128xi32, #tpu.memory_space<vmem>> -> memref<128xi32, #tpu.memory_space<vmem>>
      %dma_start3A_200 = arith.constant 0 : i32
      %dma_start3A_201 = arith.constant 0 : i32
      %dma_start3A_202 = tpu.memref_slice %arg2[%dma_start3A_200, %dma_start3A_201] : memref<10000x128xf32, #tpu.memory_space<hbm>> -> memref<10000x128xf32, #tpu.memory_space<hbm>>
      tpu.enqueue_indirect_dma source(%dma_start3A_202 : memref<10000x128xf32, #tpu.memory_space<hbm>>) target(%arg9 : memref<128x128xf32, #tpu.memory_space<vmem>>) offsets(%dma_start3A_199 : memref<128xi32, #tpu.memory_space<vmem>>) semaphore(%arg12 : memref<!tpu.dma_semaphore, #tpu.memory_space<semaphore_mem>>)
      %dma_wait3A_203 = arith.constant 5 : i32
      %dma_wait3A_204 = arith.constant 0 : i32
      %dma_wait3A_205 = tpu.memref_slice %arg7[%select_n3A_23, %dma_wait3A_203, %dma_wait3A_204] : memref<2x8x128xi32, #tpu.memory_space<vmem>> -> memref<1x1x128xi32, #tpu.memory_space<vmem>>
      %dma_wait3A_206 = tpu.memref_squeeze %dma_wait3A_205 : memref<1x1x128xi32, #tpu.memory_space<vmem>> -> memref<128xi32, #tpu.memory_space<vmem>>
      %dma_wait3A_207 = arith.constant 0 : i32
      %dma_wait3A_208 = arith.constant 0 : i32
      %dma_wait3A_209 = tpu.memref_slice %arg2[%dma_wait3A_207, %dma_wait3A_208] : memref<10000x128xf32, #tpu.memory_space<hbm>> -> memref<10000x128xf32, #tpu.memory_space<hbm>>
      tpu.wait_indirect_dma semaphore(%arg13 : memref<!tpu.dma_semaphore, #tpu.memory_space<semaphore_mem>>) src(%dma_wait3A_209 : memref<10000x128xf32, #tpu.memory_space<hbm>>) dst(%arg10 : memref<128x128xf32, #tpu.memory_space<vmem>>)
      %dma_start3A_210 = arith.constant 5 : i32
      %dma_start3A_211 = arith.constant 0 : i32
      %dma_start3A_212 = tpu.memref_slice %arg8[%select_n3A_23, %dma_start3A_210, %dma_start3A_211] : memref<2x8x128xi32, #tpu.memory_space<vmem>> -> memref<1x1x128xi32, #tpu.memory_space<vmem>>
      %dma_start3A_213 = tpu.memref_squeeze %dma_start3A_212 : memref<1x1x128xi32, #tpu.memory_space<vmem>> -> memref<128xi32, #tpu.memory_space<vmem>>
      %dma_start3A_214 = arith.constant 0 : i32
      %dma_start3A_215 = arith.constant 0 : i32
      %dma_start3A_216 = tpu.memref_slice %arg11[%dma_start3A_214, %dma_start3A_215] : memref<10240x128xf32, #tpu.memory_space<vmem_shared>> -> memref<10240x128xf32, #tpu.memory_space<vmem_shared>>
      tpu.enqueue_indirect_dma source(%arg10 : memref<128x128xf32, #tpu.memory_space<vmem>>) target(%dma_start3A_216 : memref<10240x128xf32, #tpu.memory_space<vmem_shared>>) offsets(%dma_start3A_213 : memref<128xi32, #tpu.memory_space<vmem>>) semaphore(%arg15 : memref<!tpu.dma_semaphore, #tpu.memory_space<semaphore_mem>>) {add = true}
      %dma_wait3A_217 = arith.constant 5 : i32
      %dma_wait3A_218 = arith.constant 0 : i32
      %dma_wait3A_219 = tpu.memref_slice %arg8[%select_n3A_23, %dma_wait3A_217, %dma_wait3A_218] : memref<2x8x128xi32, #tpu.memory_space<vmem>> -> memref<1x1x128xi32, #tpu.memory_space<vmem>>
      %dma_wait3A_220 = tpu.memref_squeeze %dma_wait3A_219 : memref<1x1x128xi32, #tpu.memory_space<vmem>> -> memref<128xi32, #tpu.memory_space<vmem>>
      %dma_wait3A_221 = arith.constant 0 : i32
      %dma_wait3A_222 = arith.constant 0 : i32
      %dma_wait3A_223 = tpu.memref_slice %arg11[%dma_wait3A_221, %dma_wait3A_222] : memref<10240x128xf32, #tpu.memory_space<vmem_shared>> -> memref<10240x128xf32, #tpu.memory_space<vmem_shared>>
      tpu.wait_indirect_dma semaphore(%arg15 : memref<!tpu.dma_semaphore, #tpu.memory_space<semaphore_mem>>) src(%arg10 : memref<128x128xf32, #tpu.memory_space<vmem>>) dst(%dma_wait3A_223 : memref<10240x128xf32, #tpu.memory_space<vmem_shared>>)
      %dma_start3A_224 = arith.constant 7 : i32
      %dma_start3A_225 = arith.constant 0 : i32
      %dma_start3A_226 = tpu.memref_slice %arg7[%select_n3A_23, %dma_start3A_224, %dma_start3A_225] : memref<2x8x128xi32, #tpu.memory_space<vmem>> -> memref<1x1x128xi32, #tpu.memory_space<vmem>>
      %dma_start3A_227 = tpu.memref_squeeze %dma_start3A_226 : memref<1x1x128xi32, #tpu.memory_space<vmem>> -> memref<128xi32, #tpu.memory_space<vmem>>
      %dma_start3A_228 = arith.constant 0 : i32
      %dma_start3A_229 = arith.constant 0 : i32
      %dma_start3A_230 = tpu.memref_slice %arg2[%dma_start3A_228, %dma_start3A_229] : memref<10000x128xf32, #tpu.memory_space<hbm>> -> memref<10000x128xf32, #tpu.memory_space<hbm>>
      tpu.enqueue_indirect_dma source(%dma_start3A_230 : memref<10000x128xf32, #tpu.memory_space<hbm>>) target(%arg10 : memref<128x128xf32, #tpu.memory_space<vmem>>) offsets(%dma_start3A_227 : memref<128xi32, #tpu.memory_space<vmem>>) semaphore(%arg13 : memref<!tpu.dma_semaphore, #tpu.memory_space<semaphore_mem>>)
      %dma_wait3A_231 = arith.constant 6 : i32
      %dma_wait3A_232 = arith.constant 0 : i32
      %dma_wait3A_233 = tpu.memref_slice %arg7[%select_n3A_23, %dma_wait3A_231, %dma_wait3A_232] : memref<2x8x128xi32, #tpu.memory_space<vmem>> -> memref<1x1x128xi32, #tpu.memory_space<vmem>>
      %dma_wait3A_234 = tpu.memref_squeeze %dma_wait3A_233 : memref<1x1x128xi32, #tpu.memory_space<vmem>> -> memref<128xi32, #tpu.memory_space<vmem>>
      %dma_wait3A_235 = arith.constant 0 : i32
      %dma_wait3A_236 = arith.constant 0 : i32
      %dma_wait3A_237 = tpu.memref_slice %arg2[%dma_wait3A_235, %dma_wait3A_236] : memref<10000x128xf32, #tpu.memory_space<hbm>> -> memref<10000x128xf32, #tpu.memory_space<hbm>>
      tpu.wait_indirect_dma semaphore(%arg12 : memref<!tpu.dma_semaphore, #tpu.memory_space<semaphore_mem>>) src(%dma_wait3A_237 : memref<10000x128xf32, #tpu.memory_space<hbm>>) dst(%arg9 : memref<128x128xf32, #tpu.memory_space<vmem>>)
      %dma_start3A_238 = arith.constant 6 : i32
      %dma_start3A_239 = arith.constant 0 : i32
      %dma_start3A_240 = tpu.memref_slice %arg8[%select_n3A_23, %dma_start3A_238, %dma_start3A_239] : memref<2x8x128xi32, #tpu.memory_space<vmem>> -> memref<1x1x128xi32, #tpu.memory_space<vmem>>
      %dma_start3A_241 = tpu.memref_squeeze %dma_start3A_240 : memref<1x1x128xi32, #tpu.memory_space<vmem>> -> memref<128xi32, #tpu.memory_space<vmem>>
      %dma_start3A_242 = arith.constant 0 : i32
      %dma_start3A_243 = arith.constant 0 : i32
      %dma_start3A_244 = tpu.memref_slice %arg11[%dma_start3A_242, %dma_start3A_243] : memref<10240x128xf32, #tpu.memory_space<vmem_shared>> -> memref<10240x128xf32, #tpu.memory_space<vmem_shared>>
      tpu.enqueue_indirect_dma source(%arg9 : memref<128x128xf32, #tpu.memory_space<vmem>>) target(%dma_start3A_244 : memref<10240x128xf32, #tpu.memory_space<vmem_shared>>) offsets(%dma_start3A_241 : memref<128xi32, #tpu.memory_space<vmem>>) semaphore(%arg14 : memref<!tpu.dma_semaphore, #tpu.memory_space<semaphore_mem>>) {add = true}
      %dma_wait3A_245 = arith.constant 7 : i32
      %dma_wait3A_246 = arith.constant 0 : i32
      %dma_wait3A_247 = tpu.memref_slice %arg7[%select_n3A_23, %dma_wait3A_245, %dma_wait3A_246] : memref<2x8x128xi32, #tpu.memory_space<vmem>> -> memref<1x1x128xi32, #tpu.memory_space<vmem>>
      %dma_wait3A_248 = tpu.memref_squeeze %dma_wait3A_247 : memref<1x1x128xi32, #tpu.memory_space<vmem>> -> memref<128xi32, #tpu.memory_space<vmem>>
      %dma_wait3A_249 = arith.constant 0 : i32
      %dma_wait3A_250 = arith.constant 0 : i32
      %dma_wait3A_251 = tpu.memref_slice %arg2[%dma_wait3A_249, %dma_wait3A_250] : memref<10000x128xf32, #tpu.memory_space<hbm>> -> memref<10000x128xf32, #tpu.memory_space<hbm>>
      tpu.wait_indirect_dma semaphore(%arg13 : memref<!tpu.dma_semaphore, #tpu.memory_space<semaphore_mem>>) src(%dma_wait3A_251 : memref<10000x128xf32, #tpu.memory_space<hbm>>) dst(%arg10 : memref<128x128xf32, #tpu.memory_space<vmem>>)
      %dma_start3A_252 = arith.constant 7 : i32
      %dma_start3A_253 = arith.constant 0 : i32
      %dma_start3A_254 = tpu.memref_slice %arg8[%select_n3A_23, %dma_start3A_252, %dma_start3A_253] : memref<2x8x128xi32, #tpu.memory_space<vmem>> -> memref<1x1x128xi32, #tpu.memory_space<vmem>>
      %dma_start3A_255 = tpu.memref_squeeze %dma_start3A_254 : memref<1x1x128xi32, #tpu.memory_space<vmem>> -> memref<128xi32, #tpu.memory_space<vmem>>
      %dma_start3A_256 = arith.constant 0 : i32
      %dma_start3A_257 = arith.constant 0 : i32
      %dma_start3A_258 = tpu.memref_slice %arg11[%dma_start3A_256, %dma_start3A_257] : memref<10240x128xf32, #tpu.memory_space<vmem_shared>> -> memref<10240x128xf32, #tpu.memory_space<vmem_shared>>
      tpu.enqueue_indirect_dma source(%arg10 : memref<128x128xf32, #tpu.memory_space<vmem>>) target(%dma_start3A_258 : memref<10240x128xf32, #tpu.memory_space<vmem_shared>>) offsets(%dma_start3A_255 : memref<128xi32, #tpu.memory_space<vmem>>) semaphore(%arg15 : memref<!tpu.dma_semaphore, #tpu.memory_space<semaphore_mem>>) {add = true}
      %dma_wait3A_259 = arith.constant 6 : i32
      %dma_wait3A_260 = arith.constant 0 : i32
      %dma_wait3A_261 = tpu.memref_slice %arg8[%select_n3A_23, %dma_wait3A_259, %dma_wait3A_260] : memref<2x8x128xi32, #tpu.memory_space<vmem>> -> memref<1x1x128xi32, #tpu.memory_space<vmem>>
      %dma_wait3A_262 = tpu.memref_squeeze %dma_wait3A_261 : memref<1x1x128xi32, #tpu.memory_space<vmem>> -> memref<128xi32, #tpu.memory_space<vmem>>
      %dma_wait3A_263 = arith.constant 0 : i32
      %dma_wait3A_264 = arith.constant 0 : i32
      %dma_wait3A_265 = tpu.memref_slice %arg11[%dma_wait3A_263, %dma_wait3A_264] : memref<10240x128xf32, #tpu.memory_space<vmem_shared>> -> memref<10240x128xf32, #tpu.memory_space<vmem_shared>>
      tpu.wait_indirect_dma semaphore(%arg14 : memref<!tpu.dma_semaphore, #tpu.memory_space<semaphore_mem>>) src(%arg9 : memref<128x128xf32, #tpu.memory_space<vmem>>) dst(%dma_wait3A_265 : memref<10240x128xf32, #tpu.memory_space<vmem_shared>>)
      %dma_wait3A_266 = arith.constant 7 : i32
      %dma_wait3A_267 = arith.constant 0 : i32
      %dma_wait3A_268 = tpu.memref_slice %arg8[%select_n3A_23, %dma_wait3A_266, %dma_wait3A_267] : memref<2x8x128xi32, #tpu.memory_space<vmem>> -> memref<1x1x128xi32, #tpu.memory_space<vmem>>
      %dma_wait3A_269 = tpu.memref_squeeze %dma_wait3A_268 : memref<1x1x128xi32, #tpu.memory_space<vmem>> -> memref<128xi32, #tpu.memory_space<vmem>>
      %dma_wait3A_270 = arith.constant 0 : i32
      %dma_wait3A_271 = arith.constant 0 : i32
      %dma_wait3A_272 = tpu.memref_slice %arg11[%dma_wait3A_270, %dma_wait3A_271] : memref<10240x128xf32, #tpu.memory_space<vmem_shared>> -> memref<10240x128xf32, #tpu.memory_space<vmem_shared>>
      tpu.wait_indirect_dma semaphore(%arg15 : memref<!tpu.dma_semaphore, #tpu.memory_space<semaphore_mem>>) src(%arg10 : memref<128x128xf32, #tpu.memory_space<vmem>>) dst(%dma_wait3A_272 : memref<10240x128xf32, #tpu.memory_space<vmem_shared>>)
    }
    %scan3A_8 = arith.constant 10 : i32
    %barrier3A_9 = arith.constant 0 : index
    tpu.barrier barrier_id(%barrier3A_9)
    %mul3A_10 = arith.constant 640 : i32
    %mul3A_11 = arith.muli %arg1, %mul3A_10 : i32
    %mul3A_12 = arith.constant 640 : i32
    %mul3A_13 = arith.muli %arg1, %mul3A_12 : i32
    "tpu.region"() ({
      %run_scoped3A_14 = tpu.sem_alloc : memref<!tpu.dma_semaphore, #tpu.memory_space<semaphore_mem>>
      %dma_start3A = arith.constant 0 : i32
      %dma_start3A_15 = tpu.memref_slice %arg6[%arg0, %mul3A_13, %dma_start3A] : memref<2x10240x128xf32, #tpu.memory_space<hbm>> -> memref<1x640x128xf32, #tpu.memory_space<hbm>>
      %dma_start3A_16 = tpu.memref_squeeze %dma_start3A_15 : memref<1x640x128xf32, #tpu.memory_space<hbm>> -> memref<640x128xf32, #tpu.memory_space<hbm>>
      %dma_start3A_17 = arith.constant 0 : i32
      %dma_start3A_18 = tpu.memref_slice %arg11[%mul3A_11, %dma_start3A_17] : memref<10240x128xf32, #tpu.memory_space<vmem_shared>> -> memref<640x128xf32, #tpu.memory_space<vmem_shared>>
      tpu.enqueue_dma source(%dma_start3A_18 : memref<640x128xf32, #tpu.memory_space<vmem_shared>>) target(%dma_start3A_16 : memref<640x128xf32, #tpu.memory_space<hbm>>) target_semaphore(%run_scoped3A_14 : memref<!tpu.dma_semaphore, #tpu.memory_space<semaphore_mem>>)
      %dma_wait3A = arith.constant 0 : i32
      %dma_wait3A_19 = tpu.memref_slice %arg6[%arg0, %mul3A_13, %dma_wait3A] : memref<2x10240x128xf32, #tpu.memory_space<hbm>> -> memref<1x640x128xf32, #tpu.memory_space<hbm>>
      %dma_wait3A_20 = tpu.memref_squeeze %dma_wait3A_19 : memref<1x640x128xf32, #tpu.memory_space<hbm>> -> memref<640x128xf32, #tpu.memory_space<hbm>>
      %dma_wait3A_21 = arith.constant 0 : i32
      %dma_wait3A_22 = tpu.memref_slice %arg11[%mul3A_11, %dma_wait3A_21] : memref<10240x128xf32, #tpu.memory_space<vmem_shared>> -> memref<640x128xf32, #tpu.memory_space<vmem_shared>>
      tpu.wait_dma2 semaphore(%run_scoped3A_14 : memref<!tpu.dma_semaphore, #tpu.memory_space<semaphore_mem>>) src(%dma_wait3A_22 : memref<640x128xf32, #tpu.memory_space<vmem_shared>>) dst(%dma_wait3A_20 : memref<640x128xf32, #tpu.memory_space<hbm>>)
      tpu.yield
    }) : () -> ()
    return
  }
}

#map = affine_map<(d0, d1) -> (0, 0, 0)>
#map1 = affine_map<(d0, d1) -> (0, 0)>
module attributes {stable_mosaic.version = 14 : i64} {
  func.func @body(%arg0: i32, %arg1: i32, %arg2: memref<32x80x128xi32, #tpu.memory_space<hbm>>, %arg3: memref<640x128xf32, #tpu.memory_space<hbm>>, %arg4: memref<128x128xf32, #tpu.memory_space<hbm>>, %arg5: memref<2x10240x128xf32, #tpu.memory_space<hbm>>, %arg6: memref<80x128xi32, #tpu.memory_space<vmem>>, %arg7: memref<128x128xf32, #tpu.memory_space<vmem>>, %arg8: memref<10240x128xf32, #tpu.memory_space<vmem_shared>>, %arg9: memref<!tpu.dma_semaphore, #tpu.memory_space<semaphore_mem>>) attributes {dimension_semantics = [#tpu.dimension_semantics<core_parallel>, #tpu.dimension_semantics<subcore_parallel>], iteration_bounds = array<i64: 2, 16>, scalar_prefetch = 0 : i64, scratch_operands = 4 : i64, tpu.core_type = #tpu.core_type<sc_vector_subcore>, window_params = [{transform_indices = #map}, {transform_indices = #map1}, {transform_indices = #map1}, {transform_indices = #map}]} {
    %mul3A = arith.constant 2 : i32
    %mul3A_0 = arith.muli %arg1, %mul3A : i32
    %add3A = arith.addi %mul3A_0, %arg0 : i32
    %mul3A_1 = arith.constant 640 : i32
    %mul3A_2 = arith.muli %arg1, %mul3A_1 : i32
    "tpu.region"() ({
      %run_scoped3A = tpu.sem_alloc : memref<!tpu.dma_semaphore, #tpu.memory_space<semaphore_mem>>
      %dma_start3A = arith.constant 0 : i32
      %dma_start3A_13 = tpu.memref_slice %arg8[%mul3A_2, %dma_start3A] : memref<10240x128xf32, #tpu.memory_space<vmem_shared>> -> memref<640x128xf32, #tpu.memory_space<vmem_shared>>
      tpu.enqueue_dma source(%arg3 : memref<640x128xf32, #tpu.memory_space<hbm>>) target(%dma_start3A_13 : memref<640x128xf32, #tpu.memory_space<vmem_shared>>) target_semaphore(%run_scoped3A : memref<!tpu.dma_semaphore, #tpu.memory_space<semaphore_mem>>)
      %dma_wait3A = arith.constant 0 : i32
      %dma_wait3A_14 = tpu.memref_slice %arg8[%mul3A_2, %dma_wait3A] : memref<10240x128xf32, #tpu.memory_space<vmem_shared>> -> memref<640x128xf32, #tpu.memory_space<vmem_shared>>
      tpu.wait_dma2 semaphore(%run_scoped3A : memref<!tpu.dma_semaphore, #tpu.memory_space<semaphore_mem>>) src(%arg3 : memref<640x128xf32, #tpu.memory_space<hbm>>) dst(%dma_wait3A_14 : memref<640x128xf32, #tpu.memory_space<vmem_shared>>)
      tpu.yield
    }) : () -> ()
    "tpu.region"() ({
      %run_scoped3A = tpu.sem_alloc : memref<!tpu.dma_semaphore, #tpu.memory_space<semaphore_mem>>
      %dma_start3A = arith.constant 0 : i32
      %dma_start3A_13 = arith.constant 0 : i32
      %dma_start3A_14 = tpu.memref_slice %arg2[%add3A, %dma_start3A, %dma_start3A_13] : memref<32x80x128xi32, #tpu.memory_space<hbm>> -> memref<1x80x128xi32, #tpu.memory_space<hbm>>
      %dma_start3A_15 = tpu.memref_squeeze %dma_start3A_14 : memref<1x80x128xi32, #tpu.memory_space<hbm>> -> memref<80x128xi32, #tpu.memory_space<hbm>>
      %dma_start3A_16 = arith.constant 0 : i32
      %dma_start3A_17 = arith.constant 0 : i32
      %dma_start3A_18 = tpu.memref_slice %arg2[%add3A, %dma_start3A_16, %dma_start3A_17] : memref<32x80x128xi32, #tpu.memory_space<hbm>> -> memref<1x80x128xi32, #tpu.memory_space<hbm>>
      %dma_start3A_19 = tpu.memref_squeeze %dma_start3A_18 : memref<1x80x128xi32, #tpu.memory_space<hbm>> -> memref<80x128xi32, #tpu.memory_space<hbm>>
      tpu.enqueue_dma source(%dma_start3A_19 : memref<80x128xi32, #tpu.memory_space<hbm>>) target(%arg6 : memref<80x128xi32, #tpu.memory_space<vmem>>) target_semaphore(%run_scoped3A : memref<!tpu.dma_semaphore, #tpu.memory_space<semaphore_mem>>)
      %dma_wait3A = arith.constant 0 : i32
      %dma_wait3A_20 = arith.constant 0 : i32
      %dma_wait3A_21 = tpu.memref_slice %arg2[%add3A, %dma_wait3A, %dma_wait3A_20] : memref<32x80x128xi32, #tpu.memory_space<hbm>> -> memref<1x80x128xi32, #tpu.memory_space<hbm>>
      %dma_wait3A_22 = tpu.memref_squeeze %dma_wait3A_21 : memref<1x80x128xi32, #tpu.memory_space<hbm>> -> memref<80x128xi32, #tpu.memory_space<hbm>>
      %dma_wait3A_23 = arith.constant 0 : i32
      %dma_wait3A_24 = arith.constant 0 : i32
      %dma_wait3A_25 = tpu.memref_slice %arg2[%add3A, %dma_wait3A_23, %dma_wait3A_24] : memref<32x80x128xi32, #tpu.memory_space<hbm>> -> memref<1x80x128xi32, #tpu.memory_space<hbm>>
      %dma_wait3A_26 = tpu.memref_squeeze %dma_wait3A_25 : memref<1x80x128xi32, #tpu.memory_space<hbm>> -> memref<80x128xi32, #tpu.memory_space<hbm>>
      tpu.wait_dma2 semaphore(%run_scoped3A : memref<!tpu.dma_semaphore, #tpu.memory_space<semaphore_mem>>) src(%dma_wait3A_26 : memref<80x128xi32, #tpu.memory_space<hbm>>) dst(%arg6 : memref<80x128xi32, #tpu.memory_space<vmem>>)
      tpu.yield
    }) : () -> ()
    "tpu.region"() ({
      %run_scoped3A = tpu.sem_alloc : memref<!tpu.dma_semaphore, #tpu.memory_space<semaphore_mem>>
      tpu.enqueue_dma source(%arg4 : memref<128x128xf32, #tpu.memory_space<hbm>>) target(%arg7 : memref<128x128xf32, #tpu.memory_space<vmem>>) target_semaphore(%run_scoped3A : memref<!tpu.dma_semaphore, #tpu.memory_space<semaphore_mem>>)
      tpu.wait_dma2 semaphore(%run_scoped3A : memref<!tpu.dma_semaphore, #tpu.memory_space<semaphore_mem>>) src(%arg4 : memref<128x128xf32, #tpu.memory_space<hbm>>) dst(%arg7 : memref<128x128xf32, #tpu.memory_space<vmem>>)
      tpu.yield
    }) : () -> ()
    %barrier3A = arith.constant 0 : index
    tpu.barrier barrier_id(%barrier3A)
    %scan3A = arith.constant 0 : i32
    %scan3A_3 = arith.constant 0 : i32
    %scan3A_4 = arith.constant 10 : i32
    %scan3A_5 = arith.addi %scan3A_3, %scan3A_4 : i32
    %scan3A_6 = arith.constant 1 : i32
    scf.for %scan3A_13 = %scan3A_3 to %scan3A_5 step %scan3A_6  : i32 {
      %mul3A_14 = arith.constant 8 : i32
      %mul3A_15 = arith.muli %scan3A_13, %mul3A_14 : i32
      %add3A_16 = arith.constant 0 : i32
      %add3A_17 = arith.addi %mul3A_15, %add3A_16 : i32
      %dma_start3A = arith.constant 0 : i32
      %dma_start3A_18 = tpu.memref_slice %arg6[%add3A_17, %dma_start3A] : memref<80x128xi32, #tpu.memory_space<vmem>> -> memref<1x128xi32, #tpu.memory_space<vmem>>
      %dma_start3A_19 = tpu.memref_squeeze %dma_start3A_18 : memref<1x128xi32, #tpu.memory_space<vmem>> -> memref<128xi32, #tpu.memory_space<vmem>>
      %dma_start3A_20 = arith.constant 0 : i32
      %dma_start3A_21 = arith.constant 0 : i32
      %dma_start3A_22 = tpu.memref_slice %arg8[%dma_start3A_20, %dma_start3A_21] : memref<10240x128xf32, #tpu.memory_space<vmem_shared>> -> memref<10240x128xf32, #tpu.memory_space<vmem_shared>>
      tpu.enqueue_indirect_dma source(%arg7 : memref<128x128xf32, #tpu.memory_space<vmem>>) target(%dma_start3A_22 : memref<10240x128xf32, #tpu.memory_space<vmem_shared>>) offsets(%dma_start3A_19 : memref<128xi32, #tpu.memory_space<vmem>>) semaphore(%arg9 : memref<!tpu.dma_semaphore, #tpu.memory_space<semaphore_mem>>) {add = true}
      %mul3A_23 = arith.constant 8 : i32
      %mul3A_24 = arith.muli %scan3A_13, %mul3A_23 : i32
      %add3A_25 = arith.constant 1 : i32
      %add3A_26 = arith.addi %mul3A_24, %add3A_25 : i32
      %dma_start3A_27 = arith.constant 0 : i32
      %dma_start3A_28 = tpu.memref_slice %arg6[%add3A_26, %dma_start3A_27] : memref<80x128xi32, #tpu.memory_space<vmem>> -> memref<1x128xi32, #tpu.memory_space<vmem>>
      %dma_start3A_29 = tpu.memref_squeeze %dma_start3A_28 : memref<1x128xi32, #tpu.memory_space<vmem>> -> memref<128xi32, #tpu.memory_space<vmem>>
      %dma_start3A_30 = arith.constant 0 : i32
      %dma_start3A_31 = arith.constant 0 : i32
      %dma_start3A_32 = tpu.memref_slice %arg8[%dma_start3A_30, %dma_start3A_31] : memref<10240x128xf32, #tpu.memory_space<vmem_shared>> -> memref<10240x128xf32, #tpu.memory_space<vmem_shared>>
      tpu.enqueue_indirect_dma source(%arg7 : memref<128x128xf32, #tpu.memory_space<vmem>>) target(%dma_start3A_32 : memref<10240x128xf32, #tpu.memory_space<vmem_shared>>) offsets(%dma_start3A_29 : memref<128xi32, #tpu.memory_space<vmem>>) semaphore(%arg9 : memref<!tpu.dma_semaphore, #tpu.memory_space<semaphore_mem>>) {add = true}
      %mul3A_33 = arith.constant 8 : i32
      %mul3A_34 = arith.muli %scan3A_13, %mul3A_33 : i32
      %add3A_35 = arith.constant 2 : i32
      %add3A_36 = arith.addi %mul3A_34, %add3A_35 : i32
      %dma_start3A_37 = arith.constant 0 : i32
      %dma_start3A_38 = tpu.memref_slice %arg6[%add3A_36, %dma_start3A_37] : memref<80x128xi32, #tpu.memory_space<vmem>> -> memref<1x128xi32, #tpu.memory_space<vmem>>
      %dma_start3A_39 = tpu.memref_squeeze %dma_start3A_38 : memref<1x128xi32, #tpu.memory_space<vmem>> -> memref<128xi32, #tpu.memory_space<vmem>>
      %dma_start3A_40 = arith.constant 0 : i32
      %dma_start3A_41 = arith.constant 0 : i32
      %dma_start3A_42 = tpu.memref_slice %arg8[%dma_start3A_40, %dma_start3A_41] : memref<10240x128xf32, #tpu.memory_space<vmem_shared>> -> memref<10240x128xf32, #tpu.memory_space<vmem_shared>>
      tpu.enqueue_indirect_dma source(%arg7 : memref<128x128xf32, #tpu.memory_space<vmem>>) target(%dma_start3A_42 : memref<10240x128xf32, #tpu.memory_space<vmem_shared>>) offsets(%dma_start3A_39 : memref<128xi32, #tpu.memory_space<vmem>>) semaphore(%arg9 : memref<!tpu.dma_semaphore, #tpu.memory_space<semaphore_mem>>) {add = true}
      %mul3A_43 = arith.constant 8 : i32
      %mul3A_44 = arith.muli %scan3A_13, %mul3A_43 : i32
      %add3A_45 = arith.constant 3 : i32
      %add3A_46 = arith.addi %mul3A_44, %add3A_45 : i32
      %dma_start3A_47 = arith.constant 0 : i32
      %dma_start3A_48 = tpu.memref_slice %arg6[%add3A_46, %dma_start3A_47] : memref<80x128xi32, #tpu.memory_space<vmem>> -> memref<1x128xi32, #tpu.memory_space<vmem>>
      %dma_start3A_49 = tpu.memref_squeeze %dma_start3A_48 : memref<1x128xi32, #tpu.memory_space<vmem>> -> memref<128xi32, #tpu.memory_space<vmem>>
      %dma_start3A_50 = arith.constant 0 : i32
      %dma_start3A_51 = arith.constant 0 : i32
      %dma_start3A_52 = tpu.memref_slice %arg8[%dma_start3A_50, %dma_start3A_51] : memref<10240x128xf32, #tpu.memory_space<vmem_shared>> -> memref<10240x128xf32, #tpu.memory_space<vmem_shared>>
      tpu.enqueue_indirect_dma source(%arg7 : memref<128x128xf32, #tpu.memory_space<vmem>>) target(%dma_start3A_52 : memref<10240x128xf32, #tpu.memory_space<vmem_shared>>) offsets(%dma_start3A_49 : memref<128xi32, #tpu.memory_space<vmem>>) semaphore(%arg9 : memref<!tpu.dma_semaphore, #tpu.memory_space<semaphore_mem>>) {add = true}
      %mul3A_53 = arith.constant 8 : i32
      %mul3A_54 = arith.muli %scan3A_13, %mul3A_53 : i32
      %add3A_55 = arith.constant 4 : i32
      %add3A_56 = arith.addi %mul3A_54, %add3A_55 : i32
      %dma_start3A_57 = arith.constant 0 : i32
      %dma_start3A_58 = tpu.memref_slice %arg6[%add3A_56, %dma_start3A_57] : memref<80x128xi32, #tpu.memory_space<vmem>> -> memref<1x128xi32, #tpu.memory_space<vmem>>
      %dma_start3A_59 = tpu.memref_squeeze %dma_start3A_58 : memref<1x128xi32, #tpu.memory_space<vmem>> -> memref<128xi32, #tpu.memory_space<vmem>>
      %dma_start3A_60 = arith.constant 0 : i32
      %dma_start3A_61 = arith.constant 0 : i32
      %dma_start3A_62 = tpu.memref_slice %arg8[%dma_start3A_60, %dma_start3A_61] : memref<10240x128xf32, #tpu.memory_space<vmem_shared>> -> memref<10240x128xf32, #tpu.memory_space<vmem_shared>>
      tpu.enqueue_indirect_dma source(%arg7 : memref<128x128xf32, #tpu.memory_space<vmem>>) target(%dma_start3A_62 : memref<10240x128xf32, #tpu.memory_space<vmem_shared>>) offsets(%dma_start3A_59 : memref<128xi32, #tpu.memory_space<vmem>>) semaphore(%arg9 : memref<!tpu.dma_semaphore, #tpu.memory_space<semaphore_mem>>) {add = true}
      %mul3A_63 = arith.constant 8 : i32
      %mul3A_64 = arith.muli %scan3A_13, %mul3A_63 : i32
      %add3A_65 = arith.constant 5 : i32
      %add3A_66 = arith.addi %mul3A_64, %add3A_65 : i32
      %dma_start3A_67 = arith.constant 0 : i32
      %dma_start3A_68 = tpu.memref_slice %arg6[%add3A_66, %dma_start3A_67] : memref<80x128xi32, #tpu.memory_space<vmem>> -> memref<1x128xi32, #tpu.memory_space<vmem>>
      %dma_start3A_69 = tpu.memref_squeeze %dma_start3A_68 : memref<1x128xi32, #tpu.memory_space<vmem>> -> memref<128xi32, #tpu.memory_space<vmem>>
      %dma_start3A_70 = arith.constant 0 : i32
      %dma_start3A_71 = arith.constant 0 : i32
      %dma_start3A_72 = tpu.memref_slice %arg8[%dma_start3A_70, %dma_start3A_71] : memref<10240x128xf32, #tpu.memory_space<vmem_shared>> -> memref<10240x128xf32, #tpu.memory_space<vmem_shared>>
      tpu.enqueue_indirect_dma source(%arg7 : memref<128x128xf32, #tpu.memory_space<vmem>>) target(%dma_start3A_72 : memref<10240x128xf32, #tpu.memory_space<vmem_shared>>) offsets(%dma_start3A_69 : memref<128xi32, #tpu.memory_space<vmem>>) semaphore(%arg9 : memref<!tpu.dma_semaphore, #tpu.memory_space<semaphore_mem>>) {add = true}
      %mul3A_73 = arith.constant 8 : i32
      %mul3A_74 = arith.muli %scan3A_13, %mul3A_73 : i32
      %add3A_75 = arith.constant 6 : i32
      %add3A_76 = arith.addi %mul3A_74, %add3A_75 : i32
      %dma_start3A_77 = arith.constant 0 : i32
      %dma_start3A_78 = tpu.memref_slice %arg6[%add3A_76, %dma_start3A_77] : memref<80x128xi32, #tpu.memory_space<vmem>> -> memref<1x128xi32, #tpu.memory_space<vmem>>
      %dma_start3A_79 = tpu.memref_squeeze %dma_start3A_78 : memref<1x128xi32, #tpu.memory_space<vmem>> -> memref<128xi32, #tpu.memory_space<vmem>>
      %dma_start3A_80 = arith.constant 0 : i32
      %dma_start3A_81 = arith.constant 0 : i32
      %dma_start3A_82 = tpu.memref_slice %arg8[%dma_start3A_80, %dma_start3A_81] : memref<10240x128xf32, #tpu.memory_space<vmem_shared>> -> memref<10240x128xf32, #tpu.memory_space<vmem_shared>>
      tpu.enqueue_indirect_dma source(%arg7 : memref<128x128xf32, #tpu.memory_space<vmem>>) target(%dma_start3A_82 : memref<10240x128xf32, #tpu.memory_space<vmem_shared>>) offsets(%dma_start3A_79 : memref<128xi32, #tpu.memory_space<vmem>>) semaphore(%arg9 : memref<!tpu.dma_semaphore, #tpu.memory_space<semaphore_mem>>) {add = true}
      %mul3A_83 = arith.constant 8 : i32
      %mul3A_84 = arith.muli %scan3A_13, %mul3A_83 : i32
      %add3A_85 = arith.constant 7 : i32
      %add3A_86 = arith.addi %mul3A_84, %add3A_85 : i32
      %dma_start3A_87 = arith.constant 0 : i32
      %dma_start3A_88 = tpu.memref_slice %arg6[%add3A_86, %dma_start3A_87] : memref<80x128xi32, #tpu.memory_space<vmem>> -> memref<1x128xi32, #tpu.memory_space<vmem>>
      %dma_start3A_89 = tpu.memref_squeeze %dma_start3A_88 : memref<1x128xi32, #tpu.memory_space<vmem>> -> memref<128xi32, #tpu.memory_space<vmem>>
      %dma_start3A_90 = arith.constant 0 : i32
      %dma_start3A_91 = arith.constant 0 : i32
      %dma_start3A_92 = tpu.memref_slice %arg8[%dma_start3A_90, %dma_start3A_91] : memref<10240x128xf32, #tpu.memory_space<vmem_shared>> -> memref<10240x128xf32, #tpu.memory_space<vmem_shared>>
      tpu.enqueue_indirect_dma source(%arg7 : memref<128x128xf32, #tpu.memory_space<vmem>>) target(%dma_start3A_92 : memref<10240x128xf32, #tpu.memory_space<vmem_shared>>) offsets(%dma_start3A_89 : memref<128xi32, #tpu.memory_space<vmem>>) semaphore(%arg9 : memref<!tpu.dma_semaphore, #tpu.memory_space<semaphore_mem>>) {add = true}
      %dma_wait3A = arith.constant 0 : i32
      %dma_wait3A_93 = tpu.memref_slice %arg6[%add3A_17, %dma_wait3A] : memref<80x128xi32, #tpu.memory_space<vmem>> -> memref<1x128xi32, #tpu.memory_space<vmem>>
      %dma_wait3A_94 = tpu.memref_squeeze %dma_wait3A_93 : memref<1x128xi32, #tpu.memory_space<vmem>> -> memref<128xi32, #tpu.memory_space<vmem>>
      %dma_wait3A_95 = arith.constant 0 : i32
      %dma_wait3A_96 = arith.constant 0 : i32
      %dma_wait3A_97 = tpu.memref_slice %arg8[%dma_wait3A_95, %dma_wait3A_96] : memref<10240x128xf32, #tpu.memory_space<vmem_shared>> -> memref<10240x128xf32, #tpu.memory_space<vmem_shared>>
      tpu.wait_indirect_dma semaphore(%arg9 : memref<!tpu.dma_semaphore, #tpu.memory_space<semaphore_mem>>) src(%arg7 : memref<128x128xf32, #tpu.memory_space<vmem>>) dst(%dma_wait3A_97 : memref<10240x128xf32, #tpu.memory_space<vmem_shared>>)
      %dma_wait3A_98 = arith.constant 0 : i32
      %dma_wait3A_99 = tpu.memref_slice %arg6[%add3A_26, %dma_wait3A_98] : memref<80x128xi32, #tpu.memory_space<vmem>> -> memref<1x128xi32, #tpu.memory_space<vmem>>
      %dma_wait3A_100 = tpu.memref_squeeze %dma_wait3A_99 : memref<1x128xi32, #tpu.memory_space<vmem>> -> memref<128xi32, #tpu.memory_space<vmem>>
      %dma_wait3A_101 = arith.constant 0 : i32
      %dma_wait3A_102 = arith.constant 0 : i32
      %dma_wait3A_103 = tpu.memref_slice %arg8[%dma_wait3A_101, %dma_wait3A_102] : memref<10240x128xf32, #tpu.memory_space<vmem_shared>> -> memref<10240x128xf32, #tpu.memory_space<vmem_shared>>
      tpu.wait_indirect_dma semaphore(%arg9 : memref<!tpu.dma_semaphore, #tpu.memory_space<semaphore_mem>>) src(%arg7 : memref<128x128xf32, #tpu.memory_space<vmem>>) dst(%dma_wait3A_103 : memref<10240x128xf32, #tpu.memory_space<vmem_shared>>)
      %dma_wait3A_104 = arith.constant 0 : i32
      %dma_wait3A_105 = tpu.memref_slice %arg6[%add3A_36, %dma_wait3A_104] : memref<80x128xi32, #tpu.memory_space<vmem>> -> memref<1x128xi32, #tpu.memory_space<vmem>>
      %dma_wait3A_106 = tpu.memref_squeeze %dma_wait3A_105 : memref<1x128xi32, #tpu.memory_space<vmem>> -> memref<128xi32, #tpu.memory_space<vmem>>
      %dma_wait3A_107 = arith.constant 0 : i32
      %dma_wait3A_108 = arith.constant 0 : i32
      %dma_wait3A_109 = tpu.memref_slice %arg8[%dma_wait3A_107, %dma_wait3A_108] : memref<10240x128xf32, #tpu.memory_space<vmem_shared>> -> memref<10240x128xf32, #tpu.memory_space<vmem_shared>>
      tpu.wait_indirect_dma semaphore(%arg9 : memref<!tpu.dma_semaphore, #tpu.memory_space<semaphore_mem>>) src(%arg7 : memref<128x128xf32, #tpu.memory_space<vmem>>) dst(%dma_wait3A_109 : memref<10240x128xf32, #tpu.memory_space<vmem_shared>>)
      %dma_wait3A_110 = arith.constant 0 : i32
      %dma_wait3A_111 = tpu.memref_slice %arg6[%add3A_46, %dma_wait3A_110] : memref<80x128xi32, #tpu.memory_space<vmem>> -> memref<1x128xi32, #tpu.memory_space<vmem>>
      %dma_wait3A_112 = tpu.memref_squeeze %dma_wait3A_111 : memref<1x128xi32, #tpu.memory_space<vmem>> -> memref<128xi32, #tpu.memory_space<vmem>>
      %dma_wait3A_113 = arith.constant 0 : i32
      %dma_wait3A_114 = arith.constant 0 : i32
      %dma_wait3A_115 = tpu.memref_slice %arg8[%dma_wait3A_113, %dma_wait3A_114] : memref<10240x128xf32, #tpu.memory_space<vmem_shared>> -> memref<10240x128xf32, #tpu.memory_space<vmem_shared>>
      tpu.wait_indirect_dma semaphore(%arg9 : memref<!tpu.dma_semaphore, #tpu.memory_space<semaphore_mem>>) src(%arg7 : memref<128x128xf32, #tpu.memory_space<vmem>>) dst(%dma_wait3A_115 : memref<10240x128xf32, #tpu.memory_space<vmem_shared>>)
      %dma_wait3A_116 = arith.constant 0 : i32
      %dma_wait3A_117 = tpu.memref_slice %arg6[%add3A_56, %dma_wait3A_116] : memref<80x128xi32, #tpu.memory_space<vmem>> -> memref<1x128xi32, #tpu.memory_space<vmem>>
      %dma_wait3A_118 = tpu.memref_squeeze %dma_wait3A_117 : memref<1x128xi32, #tpu.memory_space<vmem>> -> memref<128xi32, #tpu.memory_space<vmem>>
      %dma_wait3A_119 = arith.constant 0 : i32
      %dma_wait3A_120 = arith.constant 0 : i32
      %dma_wait3A_121 = tpu.memref_slice %arg8[%dma_wait3A_119, %dma_wait3A_120] : memref<10240x128xf32, #tpu.memory_space<vmem_shared>> -> memref<10240x128xf32, #tpu.memory_space<vmem_shared>>
      tpu.wait_indirect_dma semaphore(%arg9 : memref<!tpu.dma_semaphore, #tpu.memory_space<semaphore_mem>>) src(%arg7 : memref<128x128xf32, #tpu.memory_space<vmem>>) dst(%dma_wait3A_121 : memref<10240x128xf32, #tpu.memory_space<vmem_shared>>)
      %dma_wait3A_122 = arith.constant 0 : i32
      %dma_wait3A_123 = tpu.memref_slice %arg6[%add3A_66, %dma_wait3A_122] : memref<80x128xi32, #tpu.memory_space<vmem>> -> memref<1x128xi32, #tpu.memory_space<vmem>>
      %dma_wait3A_124 = tpu.memref_squeeze %dma_wait3A_123 : memref<1x128xi32, #tpu.memory_space<vmem>> -> memref<128xi32, #tpu.memory_space<vmem>>
      %dma_wait3A_125 = arith.constant 0 : i32
      %dma_wait3A_126 = arith.constant 0 : i32
      %dma_wait3A_127 = tpu.memref_slice %arg8[%dma_wait3A_125, %dma_wait3A_126] : memref<10240x128xf32, #tpu.memory_space<vmem_shared>> -> memref<10240x128xf32, #tpu.memory_space<vmem_shared>>
      tpu.wait_indirect_dma semaphore(%arg9 : memref<!tpu.dma_semaphore, #tpu.memory_space<semaphore_mem>>) src(%arg7 : memref<128x128xf32, #tpu.memory_space<vmem>>) dst(%dma_wait3A_127 : memref<10240x128xf32, #tpu.memory_space<vmem_shared>>)
      %dma_wait3A_128 = arith.constant 0 : i32
      %dma_wait3A_129 = tpu.memref_slice %arg6[%add3A_76, %dma_wait3A_128] : memref<80x128xi32, #tpu.memory_space<vmem>> -> memref<1x128xi32, #tpu.memory_space<vmem>>
      %dma_wait3A_130 = tpu.memref_squeeze %dma_wait3A_129 : memref<1x128xi32, #tpu.memory_space<vmem>> -> memref<128xi32, #tpu.memory_space<vmem>>
      %dma_wait3A_131 = arith.constant 0 : i32
      %dma_wait3A_132 = arith.constant 0 : i32
      %dma_wait3A_133 = tpu.memref_slice %arg8[%dma_wait3A_131, %dma_wait3A_132] : memref<10240x128xf32, #tpu.memory_space<vmem_shared>> -> memref<10240x128xf32, #tpu.memory_space<vmem_shared>>
      tpu.wait_indirect_dma semaphore(%arg9 : memref<!tpu.dma_semaphore, #tpu.memory_space<semaphore_mem>>) src(%arg7 : memref<128x128xf32, #tpu.memory_space<vmem>>) dst(%dma_wait3A_133 : memref<10240x128xf32, #tpu.memory_space<vmem_shared>>)
      %dma_wait3A_134 = arith.constant 0 : i32
      %dma_wait3A_135 = tpu.memref_slice %arg6[%add3A_86, %dma_wait3A_134] : memref<80x128xi32, #tpu.memory_space<vmem>> -> memref<1x128xi32, #tpu.memory_space<vmem>>
      %dma_wait3A_136 = tpu.memref_squeeze %dma_wait3A_135 : memref<1x128xi32, #tpu.memory_space<vmem>> -> memref<128xi32, #tpu.memory_space<vmem>>
      %dma_wait3A_137 = arith.constant 0 : i32
      %dma_wait3A_138 = arith.constant 0 : i32
      %dma_wait3A_139 = tpu.memref_slice %arg8[%dma_wait3A_137, %dma_wait3A_138] : memref<10240x128xf32, #tpu.memory_space<vmem_shared>> -> memref<10240x128xf32, #tpu.memory_space<vmem_shared>>
      tpu.wait_indirect_dma semaphore(%arg9 : memref<!tpu.dma_semaphore, #tpu.memory_space<semaphore_mem>>) src(%arg7 : memref<128x128xf32, #tpu.memory_space<vmem>>) dst(%dma_wait3A_139 : memref<10240x128xf32, #tpu.memory_space<vmem_shared>>)
    }
    %scan3A_7 = arith.constant 10 : i32
    %barrier3A_8 = arith.constant 0 : index
    tpu.barrier barrier_id(%barrier3A_8)
    %mul3A_9 = arith.constant 640 : i32
    %mul3A_10 = arith.muli %arg1, %mul3A_9 : i32
    %mul3A_11 = arith.constant 640 : i32
    %mul3A_12 = arith.muli %arg1, %mul3A_11 : i32
    "tpu.region"() ({
      %run_scoped3A = tpu.sem_alloc : memref<!tpu.dma_semaphore, #tpu.memory_space<semaphore_mem>>
      %dma_start3A = arith.constant 0 : i32
      %dma_start3A_13 = tpu.memref_slice %arg5[%arg0, %mul3A_12, %dma_start3A] : memref<2x10240x128xf32, #tpu.memory_space<hbm>> -> memref<1x640x128xf32, #tpu.memory_space<hbm>>
      %dma_start3A_14 = tpu.memref_squeeze %dma_start3A_13 : memref<1x640x128xf32, #tpu.memory_space<hbm>> -> memref<640x128xf32, #tpu.memory_space<hbm>>
      %dma_start3A_15 = arith.constant 0 : i32
      %dma_start3A_16 = tpu.memref_slice %arg8[%mul3A_10, %dma_start3A_15] : memref<10240x128xf32, #tpu.memory_space<vmem_shared>> -> memref<640x128xf32, #tpu.memory_space<vmem_shared>>
      tpu.enqueue_dma source(%dma_start3A_16 : memref<640x128xf32, #tpu.memory_space<vmem_shared>>) target(%dma_start3A_14 : memref<640x128xf32, #tpu.memory_space<hbm>>) target_semaphore(%run_scoped3A : memref<!tpu.dma_semaphore, #tpu.memory_space<semaphore_mem>>)
      %dma_wait3A = arith.constant 0 : i32
      %dma_wait3A_17 = tpu.memref_slice %arg5[%arg0, %mul3A_12, %dma_wait3A] : memref<2x10240x128xf32, #tpu.memory_space<hbm>> -> memref<1x640x128xf32, #tpu.memory_space<hbm>>
      %dma_wait3A_18 = tpu.memref_squeeze %dma_wait3A_17 : memref<1x640x128xf32, #tpu.memory_space<hbm>> -> memref<640x128xf32, #tpu.memory_space<hbm>>
      %dma_wait3A_19 = arith.constant 0 : i32
      %dma_wait3A_20 = tpu.memref_slice %arg8[%mul3A_10, %dma_wait3A_19] : memref<10240x128xf32, #tpu.memory_space<vmem_shared>> -> memref<640x128xf32, #tpu.memory_space<vmem_shared>>
      tpu.wait_dma2 semaphore(%run_scoped3A : memref<!tpu.dma_semaphore, #tpu.memory_space<semaphore_mem>>) src(%dma_wait3A_20 : memref<640x128xf32, #tpu.memory_space<vmem_shared>>) dst(%dma_wait3A_18 : memref<640x128xf32, #tpu.memory_space<hbm>>)
      tpu.yield
    }) : () -> ()
    return
  }
}

#map = affine_map<(d0, d1) -> (0, 0)>
#map1 = affine_map<(d0, d1) -> (0, 0, 0)>
module attributes {stable_mosaic.version = 14 : i64} {
  func.func @body(%arg0: i32, %arg1: i32, %arg2: memref<10000x128xf32, #tpu.memory_space<hbm>>, %arg3: memref<32x80x128xi32, #tpu.memory_space<hbm>>, %arg4: memref<32x80x128xi32, #tpu.memory_space<hbm>>, %arg5: memref<640x128xf32, #tpu.memory_space<hbm>>, %arg6: memref<2x10240x128xf32, #tpu.memory_space<hbm>>, %arg7: memref<2x8x128xi32, #tpu.memory_space<vmem>>, %arg8: memref<2x8x128xi32, #tpu.memory_space<vmem>>, %arg9: memref<128x128xf32, #tpu.memory_space<vmem>>, %arg10: memref<128x128xf32, #tpu.memory_space<vmem>>, %arg11: memref<10240x128xf32, #tpu.memory_space<vmem_shared>>, %arg12: memref<!tpu.dma_semaphore, #tpu.memory_space<semaphore_mem>>, %arg13: memref<!tpu.dma_semaphore, #tpu.memory_space<semaphore_mem>>, %arg14: memref<!tpu.dma_semaphore, #tpu.memory_space<semaphore_mem>>, %arg15: memref<!tpu.dma_semaphore, #tpu.memory_space<semaphore_mem>>, %arg16: memref<!tpu.dma_semaphore, #tpu.memory_space<semaphore_mem>>) attributes {dimension_semantics = [#tpu.dimension_semantics<core_parallel>, #tpu.dimension_semantics<subcore_parallel>], iteration_bounds = array<i64: 2, 16>, scalar_prefetch = 0 : i64, scratch_operands = 10 : i64, tpu.core_type = #tpu.core_type<sc_vector_subcore>, window_params = [{transform_indices = #map}, {transform_indices = #map1}, {transform_indices = #map1}, {transform_indices = #map}, {transform_indices = #map1}]} {
    %mul3A = arith.constant 2 : i32
    %mul3A_0 = arith.muli %arg1, %mul3A : i32
    %add3A = arith.addi %mul3A_0, %arg0 : i32
    %mul3A_1 = arith.constant 640 : i32
    %mul3A_2 = arith.muli %arg1, %mul3A_1 : i32
    "tpu.region"() ({
      %run_scoped3A_14 = tpu.sem_alloc : memref<!tpu.dma_semaphore, #tpu.memory_space<semaphore_mem>>
      %dma_start3A = arith.constant 0 : i32
      %dma_start3A_15 = tpu.memref_slice %arg11[%mul3A_2, %dma_start3A] : memref<10240x128xf32, #tpu.memory_space<vmem_shared>> -> memref<640x128xf32, #tpu.memory_space<vmem_shared>>
      tpu.enqueue_dma source(%arg5 : memref<640x128xf32, #tpu.memory_space<hbm>>) target(%dma_start3A_15 : memref<640x128xf32, #tpu.memory_space<vmem_shared>>) target_semaphore(%run_scoped3A_14 : memref<!tpu.dma_semaphore, #tpu.memory_space<semaphore_mem>>)
      %dma_wait3A = arith.constant 0 : i32
      %dma_wait3A_16 = tpu.memref_slice %arg11[%mul3A_2, %dma_wait3A] : memref<10240x128xf32, #tpu.memory_space<vmem_shared>> -> memref<640x128xf32, #tpu.memory_space<vmem_shared>>
      tpu.wait_dma2 semaphore(%run_scoped3A_14 : memref<!tpu.dma_semaphore, #tpu.memory_space<semaphore_mem>>) src(%arg5 : memref<640x128xf32, #tpu.memory_space<hbm>>) dst(%dma_wait3A_16 : memref<640x128xf32, #tpu.memory_space<vmem_shared>>)
      tpu.yield
    }) : () -> ()
    %run_scoped3A = arith.constant 0 : i32
    "tpu.region"() ({
      %run_scoped3A_14 = tpu.sem_alloc : memref<!tpu.dma_semaphore, #tpu.memory_space<semaphore_mem>>
      %dma_start3A = arith.constant 0 : i32
      %dma_start3A_15 = arith.constant 0 : i32
      %dma_start3A_16 = tpu.memref_slice %arg7[%run_scoped3A, %dma_start3A, %dma_start3A_15] : memref<2x8x128xi32, #tpu.memory_space<vmem>> -> memref<1x8x128xi32, #tpu.memory_space<vmem>>
      %dma_start3A_17 = tpu.memref_squeeze %dma_start3A_16 : memref<1x8x128xi32, #tpu.memory_space<vmem>> -> memref<8x128xi32, #tpu.memory_space<vmem>>
      %dma_start3A_18 = arith.constant 0 : i32
      %dma_start3A_19 = arith.constant 0 : i32
      %dma_start3A_20 = tpu.memref_slice %arg3[%add3A, %dma_start3A_18, %dma_start3A_19] : memref<32x80x128xi32, #tpu.memory_space<hbm>> -> memref<1x8x128xi32, #tpu.memory_space<hbm>>
      %dma_start3A_21 = tpu.memref_squeeze %dma_start3A_20 : memref<1x8x128xi32, #tpu.memory_space<hbm>> -> memref<8x128xi32, #tpu.memory_space<hbm>>
      %dma_start3A_22 = arith.constant 0 : i32
      %dma_start3A_23 = arith.constant 0 : i32
      %dma_start3A_24 = tpu.memref_slice %arg7[%run_scoped3A, %dma_start3A_22, %dma_start3A_23] : memref<2x8x128xi32, #tpu.memory_space<vmem>> -> memref<1x8x128xi32, #tpu.memory_space<vmem>>
      %dma_start3A_25 = tpu.memref_squeeze %dma_start3A_24 : memref<1x8x128xi32, #tpu.memory_space<vmem>> -> memref<8x128xi32, #tpu.memory_space<vmem>>
      %dma_start3A_26 = arith.constant 0 : i32
      %dma_start3A_27 = arith.constant 0 : i32
      %dma_start3A_28 = tpu.memref_slice %arg3[%add3A, %dma_start3A_26, %dma_start3A_27] : memref<32x80x128xi32, #tpu.memory_space<hbm>> -> memref<1x8x128xi32, #tpu.memory_space<hbm>>
      %dma_start3A_29 = tpu.memref_squeeze %dma_start3A_28 : memref<1x8x128xi32, #tpu.memory_space<hbm>> -> memref<8x128xi32, #tpu.memory_space<hbm>>
      tpu.enqueue_dma source(%dma_start3A_29 : memref<8x128xi32, #tpu.memory_space<hbm>>) target(%dma_start3A_25 : memref<8x128xi32, #tpu.memory_space<vmem>>) target_semaphore(%run_scoped3A_14 : memref<!tpu.dma_semaphore, #tpu.memory_space<semaphore_mem>>)
      %dma_wait3A = arith.constant 0 : i32
      %dma_wait3A_30 = arith.constant 0 : i32
      %dma_wait3A_31 = tpu.memref_slice %arg7[%run_scoped3A, %dma_wait3A, %dma_wait3A_30] : memref<2x8x128xi32, #tpu.memory_space<vmem>> -> memref<1x8x128xi32, #tpu.memory_space<vmem>>
      %dma_wait3A_32 = tpu.memref_squeeze %dma_wait3A_31 : memref<1x8x128xi32, #tpu.memory_space<vmem>> -> memref<8x128xi32, #tpu.memory_space<vmem>>
      %dma_wait3A_33 = arith.constant 0 : i32
      %dma_wait3A_34 = arith.constant 0 : i32
      %dma_wait3A_35 = tpu.memref_slice %arg3[%add3A, %dma_wait3A_33, %dma_wait3A_34] : memref<32x80x128xi32, #tpu.memory_space<hbm>> -> memref<1x8x128xi32, #tpu.memory_space<hbm>>
      %dma_wait3A_36 = tpu.memref_squeeze %dma_wait3A_35 : memref<1x8x128xi32, #tpu.memory_space<hbm>> -> memref<8x128xi32, #tpu.memory_space<hbm>>
      %dma_wait3A_37 = arith.constant 0 : i32
      %dma_wait3A_38 = arith.constant 0 : i32
      %dma_wait3A_39 = tpu.memref_slice %arg7[%run_scoped3A, %dma_wait3A_37, %dma_wait3A_38] : memref<2x8x128xi32, #tpu.memory_space<vmem>> -> memref<1x8x128xi32, #tpu.memory_space<vmem>>
      %dma_wait3A_40 = tpu.memref_squeeze %dma_wait3A_39 : memref<1x8x128xi32, #tpu.memory_space<vmem>> -> memref<8x128xi32, #tpu.memory_space<vmem>>
      %dma_wait3A_41 = arith.constant 0 : i32
      %dma_wait3A_42 = arith.constant 0 : i32
      %dma_wait3A_43 = tpu.memref_slice %arg3[%add3A, %dma_wait3A_41, %dma_wait3A_42] : memref<32x80x128xi32, #tpu.memory_space<hbm>> -> memref<1x8x128xi32, #tpu.memory_space<hbm>>
      %dma_wait3A_44 = tpu.memref_squeeze %dma_wait3A_43 : memref<1x8x128xi32, #tpu.memory_space<hbm>> -> memref<8x128xi32, #tpu.memory_space<hbm>>
      tpu.wait_dma2 semaphore(%run_scoped3A_14 : memref<!tpu.dma_semaphore, #tpu.memory_space<semaphore_mem>>) src(%dma_wait3A_44 : memref<8x128xi32, #tpu.memory_space<hbm>>) dst(%dma_wait3A_40 : memref<8x128xi32, #tpu.memory_space<vmem>>)
      tpu.yield
    }) : () -> ()
    %run_scoped3A_3 = arith.constant 0 : i32
    "tpu.region"() ({
      %run_scoped3A_14 = tpu.sem_alloc : memref<!tpu.dma_semaphore, #tpu.memory_space<semaphore_mem>>
      %dma_start3A = arith.constant 0 : i32
      %dma_start3A_15 = arith.constant 0 : i32
      %dma_start3A_16 = tpu.memref_slice %arg8[%run_scoped3A_3, %dma_start3A, %dma_start3A_15] : memref<2x8x128xi32, #tpu.memory_space<vmem>> -> memref<1x8x128xi32, #tpu.memory_space<vmem>>
      %dma_start3A_17 = tpu.memref_squeeze %dma_start3A_16 : memref<1x8x128xi32, #tpu.memory_space<vmem>> -> memref<8x128xi32, #tpu.memory_space<vmem>>
      %dma_start3A_18 = arith.constant 0 : i32
      %dma_start3A_19 = arith.constant 0 : i32
      %dma_start3A_20 = tpu.memref_slice %arg4[%add3A, %dma_start3A_18, %dma_start3A_19] : memref<32x80x128xi32, #tpu.memory_space<hbm>> -> memref<1x8x128xi32, #tpu.memory_space<hbm>>
      %dma_start3A_21 = tpu.memref_squeeze %dma_start3A_20 : memref<1x8x128xi32, #tpu.memory_space<hbm>> -> memref<8x128xi32, #tpu.memory_space<hbm>>
      %dma_start3A_22 = arith.constant 0 : i32
      %dma_start3A_23 = arith.constant 0 : i32
      %dma_start3A_24 = tpu.memref_slice %arg8[%run_scoped3A_3, %dma_start3A_22, %dma_start3A_23] : memref<2x8x128xi32, #tpu.memory_space<vmem>> -> memref<1x8x128xi32, #tpu.memory_space<vmem>>
      %dma_start3A_25 = tpu.memref_squeeze %dma_start3A_24 : memref<1x8x128xi32, #tpu.memory_space<vmem>> -> memref<8x128xi32, #tpu.memory_space<vmem>>
      %dma_start3A_26 = arith.constant 0 : i32
      %dma_start3A_27 = arith.constant 0 : i32
      %dma_start3A_28 = tpu.memref_slice %arg4[%add3A, %dma_start3A_26, %dma_start3A_27] : memref<32x80x128xi32, #tpu.memory_space<hbm>> -> memref<1x8x128xi32, #tpu.memory_space<hbm>>
      %dma_start3A_29 = tpu.memref_squeeze %dma_start3A_28 : memref<1x8x128xi32, #tpu.memory_space<hbm>> -> memref<8x128xi32, #tpu.memory_space<hbm>>
      tpu.enqueue_dma source(%dma_start3A_29 : memref<8x128xi32, #tpu.memory_space<hbm>>) target(%dma_start3A_25 : memref<8x128xi32, #tpu.memory_space<vmem>>) target_semaphore(%run_scoped3A_14 : memref<!tpu.dma_semaphore, #tpu.memory_space<semaphore_mem>>)
      %dma_wait3A = arith.constant 0 : i32
      %dma_wait3A_30 = arith.constant 0 : i32
      %dma_wait3A_31 = tpu.memref_slice %arg8[%run_scoped3A_3, %dma_wait3A, %dma_wait3A_30] : memref<2x8x128xi32, #tpu.memory_space<vmem>> -> memref<1x8x128xi32, #tpu.memory_space<vmem>>
      %dma_wait3A_32 = tpu.memref_squeeze %dma_wait3A_31 : memref<1x8x128xi32, #tpu.memory_space<vmem>> -> memref<8x128xi32, #tpu.memory_space<vmem>>
      %dma_wait3A_33 = arith.constant 0 : i32
      %dma_wait3A_34 = arith.constant 0 : i32
      %dma_wait3A_35 = tpu.memref_slice %arg4[%add3A, %dma_wait3A_33, %dma_wait3A_34] : memref<32x80x128xi32, #tpu.memory_space<hbm>> -> memref<1x8x128xi32, #tpu.memory_space<hbm>>
      %dma_wait3A_36 = tpu.memref_squeeze %dma_wait3A_35 : memref<1x8x128xi32, #tpu.memory_space<hbm>> -> memref<8x128xi32, #tpu.memory_space<hbm>>
      %dma_wait3A_37 = arith.constant 0 : i32
      %dma_wait3A_38 = arith.constant 0 : i32
      %dma_wait3A_39 = tpu.memref_slice %arg8[%run_scoped3A_3, %dma_wait3A_37, %dma_wait3A_38] : memref<2x8x128xi32, #tpu.memory_space<vmem>> -> memref<1x8x128xi32, #tpu.memory_space<vmem>>
      %dma_wait3A_40 = tpu.memref_squeeze %dma_wait3A_39 : memref<1x8x128xi32, #tpu.memory_space<vmem>> -> memref<8x128xi32, #tpu.memory_space<vmem>>
      %dma_wait3A_41 = arith.constant 0 : i32
      %dma_wait3A_42 = arith.constant 0 : i32
      %dma_wait3A_43 = tpu.memref_slice %arg4[%add3A, %dma_wait3A_41, %dma_wait3A_42] : memref<32x80x128xi32, #tpu.memory_space<hbm>> -> memref<1x8x128xi32, #tpu.memory_space<hbm>>
      %dma_wait3A_44 = tpu.memref_squeeze %dma_wait3A_43 : memref<1x8x128xi32, #tpu.memory_space<hbm>> -> memref<8x128xi32, #tpu.memory_space<hbm>>
      tpu.wait_dma2 semaphore(%run_scoped3A_14 : memref<!tpu.dma_semaphore, #tpu.memory_space<semaphore_mem>>) src(%dma_wait3A_44 : memref<8x128xi32, #tpu.memory_space<hbm>>) dst(%dma_wait3A_40 : memref<8x128xi32, #tpu.memory_space<vmem>>)
      tpu.yield
    }) : () -> ()
    %barrier3A = arith.constant 0 : index
    tpu.barrier barrier_id(%barrier3A)
    %scan3A = arith.constant 0 : i32
    %scan3A_4 = arith.constant 0 : i32
    %scan3A_5 = arith.constant 10 : i32
    %scan3A_6 = arith.addi %scan3A_4, %scan3A_5 : i32
    %scan3A_7 = arith.constant 1 : i32
    scf.for %scan3A_14 = %scan3A_4 to %scan3A_6 step %scan3A_7  : i32 {
      %jit3A = arith.constant 2 : i32
      %eq3A = arith.constant 0 : i32
      %eq3A_15 = arith.cmpi eq, %jit3A, %eq3A : i32
      %jit3A_16 = arith.constant 1 : i32
      %select_n3A = arith.select %eq3A_15, %jit3A_16, %jit3A : i32
      %rem3A = arith.remsi %scan3A_14, %select_n3A : i32
      %ne3A = arith.constant 0 : i32
      %ne3A_17 = arith.cmpi ne, %rem3A, %ne3A : i32
      %lt3A = arith.constant 0 : i32
      %lt3A_18 = arith.cmpi slt, %rem3A, %lt3A : i32
      %lt3A_19 = arith.constant 0 : i32
      %lt3A_20 = arith.cmpi slt, %select_n3A, %lt3A_19 : i32
      %ne3A_21 = arith.xori %lt3A_18, %lt3A_20 : i1
      %and3A = arith.andi %ne3A_21, %ne3A_17 : i1
      %add3A_22 = arith.addi %rem3A, %select_n3A : i32
      %select_n3A_23 = arith.select %and3A, %add3A_22, %rem3A : i32
      %add3A_24 = arith.constant 1 : i32
      %add3A_25 = arith.addi %scan3A_14, %add3A_24 : i32
      %jit3A_26 = arith.constant 2 : i32
      %eq3A_27 = arith.constant 0 : i32
      %eq3A_28 = arith.cmpi eq, %jit3A_26, %eq3A_27 : i32
      %jit3A_29 = arith.constant 1 : i32
      %select_n3A_30 = arith.select %eq3A_28, %jit3A_29, %jit3A_26 : i32
      %rem3A_31 = arith.remsi %add3A_25, %select_n3A_30 : i32
      %ne3A_32 = arith.constant 0 : i32
      %ne3A_33 = arith.cmpi ne, %rem3A_31, %ne3A_32 : i32
      %lt3A_34 = arith.constant 0 : i32
      %lt3A_35 = arith.cmpi slt, %rem3A_31, %lt3A_34 : i32
      %lt3A_36 = arith.constant 0 : i32
      %lt3A_37 = arith.cmpi slt, %select_n3A_30, %lt3A_36 : i32
      %ne3A_38 = arith.xori %lt3A_35, %lt3A_37 : i1
      %and3A_39 = arith.andi %ne3A_38, %ne3A_33 : i1
      %add3A_40 = arith.addi %rem3A_31, %select_n3A_30 : i32
      %select_n3A_41 = arith.select %and3A_39, %add3A_40, %rem3A_31 : i32
      %gt3A = arith.constant 0 : i32
      %gt3A_42 = arith.cmpi sgt, %scan3A_14, %gt3A : i32
      %convert_element_type3A = arith.extui %gt3A_42 : i1 to i32
      %cond3A = arith.constant 0 : i32
      %cond3A_43 = arith.cmpi ne, %convert_element_type3A, %cond3A : i32
      scf.if %cond3A_43 {
        %mul3A_273 = arith.constant 8 : i32
        %mul3A_274 = arith.muli %scan3A_14, %mul3A_273 : i32
        %dma_wait3A_275 = arith.constant 0 : i32
        %dma_wait3A_276 = arith.constant 0 : i32
        %dma_wait3A_277 = tpu.memref_slice %arg7[%select_n3A_23, %dma_wait3A_275, %dma_wait3A_276] : memref<2x8x128xi32, #tpu.memory_space<vmem>> -> memref<1x8x128xi32, #tpu.memory_space<vmem>>
        %dma_wait3A_278 = tpu.memref_squeeze %dma_wait3A_277 : memref<1x8x128xi32, #tpu.memory_space<vmem>> -> memref<8x128xi32, #tpu.memory_space<vmem>>
        %dma_wait3A_279 = arith.constant 0 : i32
        %dma_wait3A_280 = tpu.memref_slice %arg3[%add3A, %mul3A_274, %dma_wait3A_279] : memref<32x80x128xi32, #tpu.memory_space<hbm>> -> memref<1x8x128xi32, #tpu.memory_space<hbm>>
        %dma_wait3A_281 = tpu.memref_squeeze %dma_wait3A_280 : memref<1x8x128xi32, #tpu.memory_space<hbm>> -> memref<8x128xi32, #tpu.memory_space<hbm>>
        %dma_wait3A_282 = arith.constant 0 : i32
        %dma_wait3A_283 = arith.constant 0 : i32
        %dma_wait3A_284 = tpu.memref_slice %arg7[%select_n3A_23, %dma_wait3A_282, %dma_wait3A_283] : memref<2x8x128xi32, #tpu.memory_space<vmem>> -> memref<1x8x128xi32, #tpu.memory_space<vmem>>
        %dma_wait3A_285 = tpu.memref_squeeze %dma_wait3A_284 : memref<1x8x128xi32, #tpu.memory_space<vmem>> -> memref<8x128xi32, #tpu.memory_space<vmem>>
        %dma_wait3A_286 = arith.constant 0 : i32
        %dma_wait3A_287 = tpu.memref_slice %arg3[%add3A, %mul3A_274, %dma_wait3A_286] : memref<32x80x128xi32, #tpu.memory_space<hbm>> -> memref<1x8x128xi32, #tpu.memory_space<hbm>>
        %dma_wait3A_288 = tpu.memref_squeeze %dma_wait3A_287 : memref<1x8x128xi32, #tpu.memory_space<hbm>> -> memref<8x128xi32, #tpu.memory_space<hbm>>
        tpu.wait_dma2 semaphore(%arg16 : memref<!tpu.dma_semaphore, #tpu.memory_space<semaphore_mem>>) src(%dma_wait3A_288 : memref<8x128xi32, #tpu.memory_space<hbm>>) dst(%dma_wait3A_285 : memref<8x128xi32, #tpu.memory_space<vmem>>)
        %mul3A_289 = arith.constant 8 : i32
        %mul3A_290 = arith.muli %scan3A_14, %mul3A_289 : i32
        %dma_wait3A_291 = arith.constant 0 : i32
        %dma_wait3A_292 = arith.constant 0 : i32
        %dma_wait3A_293 = tpu.memref_slice %arg8[%select_n3A_23, %dma_wait3A_291, %dma_wait3A_292] : memref<2x8x128xi32, #tpu.memory_space<vmem>> -> memref<1x8x128xi32, #tpu.memory_space<vmem>>
        %dma_wait3A_294 = tpu.memref_squeeze %dma_wait3A_293 : memref<1x8x128xi32, #tpu.memory_space<vmem>> -> memref<8x128xi32, #tpu.memory_space<vmem>>
        %dma_wait3A_295 = arith.constant 0 : i32
        %dma_wait3A_296 = tpu.memref_slice %arg4[%add3A, %mul3A_290, %dma_wait3A_295] : memref<32x80x128xi32, #tpu.memory_space<hbm>> -> memref<1x8x128xi32, #tpu.memory_space<hbm>>
        %dma_wait3A_297 = tpu.memref_squeeze %dma_wait3A_296 : memref<1x8x128xi32, #tpu.memory_space<hbm>> -> memref<8x128xi32, #tpu.memory_space<hbm>>
        %dma_wait3A_298 = arith.constant 0 : i32
        %dma_wait3A_299 = arith.constant 0 : i32
        %dma_wait3A_300 = tpu.memref_slice %arg8[%select_n3A_23, %dma_wait3A_298, %dma_wait3A_299] : memref<2x8x128xi32, #tpu.memory_space<vmem>> -> memref<1x8x128xi32, #tpu.memory_space<vmem>>
        %dma_wait3A_301 = tpu.memref_squeeze %dma_wait3A_300 : memref<1x8x128xi32, #tpu.memory_space<vmem>> -> memref<8x128xi32, #tpu.memory_space<vmem>>
        %dma_wait3A_302 = arith.constant 0 : i32
        %dma_wait3A_303 = tpu.memref_slice %arg4[%add3A, %mul3A_290, %dma_wait3A_302] : memref<32x80x128xi32, #tpu.memory_space<hbm>> -> memref<1x8x128xi32, #tpu.memory_space<hbm>>
        %dma_wait3A_304 = tpu.memref_squeeze %dma_wait3A_303 : memref<1x8x128xi32, #tpu.memory_space<hbm>> -> memref<8x128xi32, #tpu.memory_space<hbm>>
        tpu.wait_dma2 semaphore(%arg16 : memref<!tpu.dma_semaphore, #tpu.memory_space<semaphore_mem>>) src(%dma_wait3A_304 : memref<8x128xi32, #tpu.memory_space<hbm>>) dst(%dma_wait3A_301 : memref<8x128xi32, #tpu.memory_space<vmem>>)
      } else {
      }
      %dma_start3A = arith.constant 0 : i32
      %dma_start3A_44 = arith.constant 0 : i32
      %dma_start3A_45 = tpu.memref_slice %arg7[%select_n3A_23, %dma_start3A, %dma_start3A_44] : memref<2x8x128xi32, #tpu.memory_space<vmem>> -> memref<1x1x128xi32, #tpu.memory_space<vmem>>
      %dma_start3A_46 = tpu.memref_squeeze %dma_start3A_45 : memref<1x1x128xi32, #tpu.memory_space<vmem>> -> memref<128xi32, #tpu.memory_space<vmem>>
      %dma_start3A_47 = arith.constant 0 : i32
      %dma_start3A_48 = arith.constant 0 : i32
      %dma_start3A_49 = tpu.memref_slice %arg2[%dma_start3A_47, %dma_start3A_48] : memref<10000x128xf32, #tpu.memory_space<hbm>> -> memref<10000x128xf32, #tpu.memory_space<hbm>>
      tpu.enqueue_indirect_dma source(%dma_start3A_49 : memref<10000x128xf32, #tpu.memory_space<hbm>>) target(%arg9 : memref<128x128xf32, #tpu.memory_space<vmem>>) offsets(%dma_start3A_46 : memref<128xi32, #tpu.memory_space<vmem>>) semaphore(%arg12 : memref<!tpu.dma_semaphore, #tpu.memory_space<semaphore_mem>>)
      %dma_start3A_50 = arith.constant 1 : i32
      %dma_start3A_51 = arith.constant 0 : i32
      %dma_start3A_52 = tpu.memref_slice %arg7[%select_n3A_23, %dma_start3A_50, %dma_start3A_51] : memref<2x8x128xi32, #tpu.memory_space<vmem>> -> memref<1x1x128xi32, #tpu.memory_space<vmem>>
      %dma_start3A_53 = tpu.memref_squeeze %dma_start3A_52 : memref<1x1x128xi32, #tpu.memory_space<vmem>> -> memref<128xi32, #tpu.memory_space<vmem>>
      %dma_start3A_54 = arith.constant 0 : i32
      %dma_start3A_55 = arith.constant 0 : i32
      %dma_start3A_56 = tpu.memref_slice %arg2[%dma_start3A_54, %dma_start3A_55] : memref<10000x128xf32, #tpu.memory_space<hbm>> -> memref<10000x128xf32, #tpu.memory_space<hbm>>
      tpu.enqueue_indirect_dma source(%dma_start3A_56 : memref<10000x128xf32, #tpu.memory_space<hbm>>) target(%arg10 : memref<128x128xf32, #tpu.memory_space<vmem>>) offsets(%dma_start3A_53 : memref<128xi32, #tpu.memory_space<vmem>>) semaphore(%arg13 : memref<!tpu.dma_semaphore, #tpu.memory_space<semaphore_mem>>)
      %add3A_57 = arith.constant 1 : i32
      %add3A_58 = arith.addi %scan3A_14, %add3A_57 : i32
      %lt3A_59 = arith.constant 10 : i32
      %lt3A_60 = arith.cmpi slt, %add3A_58, %lt3A_59 : i32
      %convert_element_type3A_61 = arith.extui %lt3A_60 : i1 to i32
      %cond3A_62 = arith.constant 0 : i32
      %cond3A_63 = arith.cmpi ne, %convert_element_type3A_61, %cond3A_62 : i32
      scf.if %cond3A_63 {
        %add3A_273 = arith.constant 1 : i32
        %add3A_274 = arith.addi %scan3A_14, %add3A_273 : i32
        %mul3A_275 = arith.constant 8 : i32
        %mul3A_276 = arith.muli %add3A_274, %mul3A_275 : i32
        %dma_start3A_277 = arith.constant 0 : i32
        %dma_start3A_278 = arith.constant 0 : i32
        %dma_start3A_279 = tpu.memref_slice %arg7[%select_n3A_41, %dma_start3A_277, %dma_start3A_278] : memref<2x8x128xi32, #tpu.memory_space<vmem>> -> memref<1x8x128xi32, #tpu.memory_space<vmem>>
        %dma_start3A_280 = tpu.memref_squeeze %dma_start3A_279 : memref<1x8x128xi32, #tpu.memory_space<vmem>> -> memref<8x128xi32, #tpu.memory_space<vmem>>
        %dma_start3A_281 = arith.constant 0 : i32
        %dma_start3A_282 = tpu.memref_slice %arg3[%add3A, %mul3A_276, %dma_start3A_281] : memref<32x80x128xi32, #tpu.memory_space<hbm>> -> memref<1x8x128xi32, #tpu.memory_space<hbm>>
        %dma_start3A_283 = tpu.memref_squeeze %dma_start3A_282 : memref<1x8x128xi32, #tpu.memory_space<hbm>> -> memref<8x128xi32, #tpu.memory_space<hbm>>
        %dma_start3A_284 = arith.constant 0 : i32
        %dma_start3A_285 = arith.constant 0 : i32
        %dma_start3A_286 = tpu.memref_slice %arg7[%select_n3A_41, %dma_start3A_284, %dma_start3A_285] : memref<2x8x128xi32, #tpu.memory_space<vmem>> -> memref<1x8x128xi32, #tpu.memory_space<vmem>>
        %dma_start3A_287 = tpu.memref_squeeze %dma_start3A_286 : memref<1x8x128xi32, #tpu.memory_space<vmem>> -> memref<8x128xi32, #tpu.memory_space<vmem>>
        %dma_start3A_288 = arith.constant 0 : i32
        %dma_start3A_289 = tpu.memref_slice %arg3[%add3A, %mul3A_276, %dma_start3A_288] : memref<32x80x128xi32, #tpu.memory_space<hbm>> -> memref<1x8x128xi32, #tpu.memory_space<hbm>>
        %dma_start3A_290 = tpu.memref_squeeze %dma_start3A_289 : memref<1x8x128xi32, #tpu.memory_space<hbm>> -> memref<8x128xi32, #tpu.memory_space<hbm>>
        tpu.enqueue_dma source(%dma_start3A_290 : memref<8x128xi32, #tpu.memory_space<hbm>>) target(%dma_start3A_287 : memref<8x128xi32, #tpu.memory_space<vmem>>) target_semaphore(%arg16 : memref<!tpu.dma_semaphore, #tpu.memory_space<semaphore_mem>>)
        %add3A_291 = arith.constant 1 : i32
        %add3A_292 = arith.addi %scan3A_14, %add3A_291 : i32
        %mul3A_293 = arith.constant 8 : i32
        %mul3A_294 = arith.muli %add3A_292, %mul3A_293 : i32
        %dma_start3A_295 = arith.constant 0 : i32
        %dma_start3A_296 = arith.constant 0 : i32
        %dma_start3A_297 = tpu.memref_slice %arg8[%select_n3A_41, %dma_start3A_295, %dma_start3A_296] : memref<2x8x128xi32, #tpu.memory_space<vmem>> -> memref<1x8x128xi32, #tpu.memory_space<vmem>>
        %dma_start3A_298 = tpu.memref_squeeze %dma_start3A_297 : memref<1x8x128xi32, #tpu.memory_space<vmem>> -> memref<8x128xi32, #tpu.memory_space<vmem>>
        %dma_start3A_299 = arith.constant 0 : i32
        %dma_start3A_300 = tpu.memref_slice %arg4[%add3A, %mul3A_294, %dma_start3A_299] : memref<32x80x128xi32, #tpu.memory_space<hbm>> -> memref<1x8x128xi32, #tpu.memory_space<hbm>>
        %dma_start3A_301 = tpu.memref_squeeze %dma_start3A_300 : memref<1x8x128xi32, #tpu.memory_space<hbm>> -> memref<8x128xi32, #tpu.memory_space<hbm>>
        %dma_start3A_302 = arith.constant 0 : i32
        %dma_start3A_303 = arith.constant 0 : i32
        %dma_start3A_304 = tpu.memref_slice %arg8[%select_n3A_41, %dma_start3A_302, %dma_start3A_303] : memref<2x8x128xi32, #tpu.memory_space<vmem>> -> memref<1x8x128xi32, #tpu.memory_space<vmem>>
        %dma_start3A_305 = tpu.memref_squeeze %dma_start3A_304 : memref<1x8x128xi32, #tpu.memory_space<vmem>> -> memref<8x128xi32, #tpu.memory_space<vmem>>
        %dma_start3A_306 = arith.constant 0 : i32
        %dma_start3A_307 = tpu.memref_slice %arg4[%add3A, %mul3A_294, %dma_start3A_306] : memref<32x80x128xi32, #tpu.memory_space<hbm>> -> memref<1x8x128xi32, #tpu.memory_space<hbm>>
        %dma_start3A_308 = tpu.memref_squeeze %dma_start3A_307 : memref<1x8x128xi32, #tpu.memory_space<hbm>> -> memref<8x128xi32, #tpu.memory_space<hbm>>
        tpu.enqueue_dma source(%dma_start3A_308 : memref<8x128xi32, #tpu.memory_space<hbm>>) target(%dma_start3A_305 : memref<8x128xi32, #tpu.memory_space<vmem>>) target_semaphore(%arg16 : memref<!tpu.dma_semaphore, #tpu.memory_space<semaphore_mem>>)
      } else {
      }
      %dma_wait3A = arith.constant 0 : i32
      %dma_wait3A_64 = arith.constant 0 : i32
      %dma_wait3A_65 = tpu.memref_slice %arg7[%select_n3A_23, %dma_wait3A, %dma_wait3A_64] : memref<2x8x128xi32, #tpu.memory_space<vmem>> -> memref<1x1x128xi32, #tpu.memory_space<vmem>>
      %dma_wait3A_66 = tpu.memref_squeeze %dma_wait3A_65 : memref<1x1x128xi32, #tpu.memory_space<vmem>> -> memref<128xi32, #tpu.memory_space<vmem>>
      %dma_wait3A_67 = arith.constant 0 : i32
      %dma_wait3A_68 = arith.constant 0 : i32
      %dma_wait3A_69 = tpu.memref_slice %arg2[%dma_wait3A_67, %dma_wait3A_68] : memref<10000x128xf32, #tpu.memory_space<hbm>> -> memref<10000x128xf32, #tpu.memory_space<hbm>>
      tpu.wait_indirect_dma semaphore(%arg12 : memref<!tpu.dma_semaphore, #tpu.memory_space<semaphore_mem>>) src(%dma_wait3A_69 : memref<10000x128xf32, #tpu.memory_space<hbm>>) dst(%arg9 : memref<128x128xf32, #tpu.memory_space<vmem>>)
      %dma_start3A_70 = arith.constant 0 : i32
      %dma_start3A_71 = arith.constant 0 : i32
      %dma_start3A_72 = tpu.memref_slice %arg8[%select_n3A_23, %dma_start3A_70, %dma_start3A_71] : memref<2x8x128xi32, #tpu.memory_space<vmem>> -> memref<1x1x128xi32, #tpu.memory_space<vmem>>
      %dma_start3A_73 = tpu.memref_squeeze %dma_start3A_72 : memref<1x1x128xi32, #tpu.memory_space<vmem>> -> memref<128xi32, #tpu.memory_space<vmem>>
      %dma_start3A_74 = arith.constant 0 : i32
      %dma_start3A_75 = arith.constant 0 : i32
      %dma_start3A_76 = tpu.memref_slice %arg11[%dma_start3A_74, %dma_start3A_75] : memref<10240x128xf32, #tpu.memory_space<vmem_shared>> -> memref<10240x128xf32, #tpu.memory_space<vmem_shared>>
      tpu.enqueue_indirect_dma source(%arg9 : memref<128x128xf32, #tpu.memory_space<vmem>>) target(%dma_start3A_76 : memref<10240x128xf32, #tpu.memory_space<vmem_shared>>) offsets(%dma_start3A_73 : memref<128xi32, #tpu.memory_space<vmem>>) semaphore(%arg14 : memref<!tpu.dma_semaphore, #tpu.memory_space<semaphore_mem>>) {add = true}
      %dma_wait3A_77 = arith.constant 0 : i32
      %dma_wait3A_78 = arith.constant 0 : i32
      %dma_wait3A_79 = tpu.memref_slice %arg8[%select_n3A_23, %dma_wait3A_77, %dma_wait3A_78] : memref<2x8x128xi32, #tpu.memory_space<vmem>> -> memref<1x1x128xi32, #tpu.memory_space<vmem>>
      %dma_wait3A_80 = tpu.memref_squeeze %dma_wait3A_79 : memref<1x1x128xi32, #tpu.memory_space<vmem>> -> memref<128xi32, #tpu.memory_space<vmem>>
      %dma_wait3A_81 = arith.constant 0 : i32
      %dma_wait3A_82 = arith.constant 0 : i32
      %dma_wait3A_83 = tpu.memref_slice %arg11[%dma_wait3A_81, %dma_wait3A_82] : memref<10240x128xf32, #tpu.memory_space<vmem_shared>> -> memref<10240x128xf32, #tpu.memory_space<vmem_shared>>
      tpu.wait_indirect_dma semaphore(%arg14 : memref<!tpu.dma_semaphore, #tpu.memory_space<semaphore_mem>>) src(%arg9 : memref<128x128xf32, #tpu.memory_space<vmem>>) dst(%dma_wait3A_83 : memref<10240x128xf32, #tpu.memory_space<vmem_shared>>)
      %dma_start3A_84 = arith.constant 2 : i32
      %dma_start3A_85 = arith.constant 0 : i32
      %dma_start3A_86 = tpu.memref_slice %arg7[%select_n3A_23, %dma_start3A_84, %dma_start3A_85] : memref<2x8x128xi32, #tpu.memory_space<vmem>> -> memref<1x1x128xi32, #tpu.memory_space<vmem>>
      %dma_start3A_87 = tpu.memref_squeeze %dma_start3A_86 : memref<1x1x128xi32, #tpu.memory_space<vmem>> -> memref<128xi32, #tpu.memory_space<vmem>>
      %dma_start3A_88 = arith.constant 0 : i32
      %dma_start3A_89 = arith.constant 0 : i32
      %dma_start3A_90 = tpu.memref_slice %arg2[%dma_start3A_88, %dma_start3A_89] : memref<10000x128xf32, #tpu.memory_space<hbm>> -> memref<10000x128xf32, #tpu.memory_space<hbm>>
      tpu.enqueue_indirect_dma source(%dma_start3A_90 : memref<10000x128xf32, #tpu.memory_space<hbm>>) target(%arg9 : memref<128x128xf32, #tpu.memory_space<vmem>>) offsets(%dma_start3A_87 : memref<128xi32, #tpu.memory_space<vmem>>) semaphore(%arg12 : memref<!tpu.dma_semaphore, #tpu.memory_space<semaphore_mem>>)
      %dma_wait3A_91 = arith.constant 1 : i32
      %dma_wait3A_92 = arith.constant 0 : i32
      %dma_wait3A_93 = tpu.memref_slice %arg7[%select_n3A_23, %dma_wait3A_91, %dma_wait3A_92] : memref<2x8x128xi32, #tpu.memory_space<vmem>> -> memref<1x1x128xi32, #tpu.memory_space<vmem>>
      %dma_wait3A_94 = tpu.memref_squeeze %dma_wait3A_93 : memref<1x1x128xi32, #tpu.memory_space<vmem>> -> memref<128xi32, #tpu.memory_space<vmem>>
      %dma_wait3A_95 = arith.constant 0 : i32
      %dma_wait3A_96 = arith.constant 0 : i32
      %dma_wait3A_97 = tpu.memref_slice %arg2[%dma_wait3A_95, %dma_wait3A_96] : memref<10000x128xf32, #tpu.memory_space<hbm>> -> memref<10000x128xf32, #tpu.memory_space<hbm>>
      tpu.wait_indirect_dma semaphore(%arg13 : memref<!tpu.dma_semaphore, #tpu.memory_space<semaphore_mem>>) src(%dma_wait3A_97 : memref<10000x128xf32, #tpu.memory_space<hbm>>) dst(%arg10 : memref<128x128xf32, #tpu.memory_space<vmem>>)
      %dma_start3A_98 = arith.constant 1 : i32
      %dma_start3A_99 = arith.constant 0 : i32
      %dma_start3A_100 = tpu.memref_slice %arg8[%select_n3A_23, %dma_start3A_98, %dma_start3A_99] : memref<2x8x128xi32, #tpu.memory_space<vmem>> -> memref<1x1x128xi32, #tpu.memory_space<vmem>>
      %dma_start3A_101 = tpu.memref_squeeze %dma_start3A_100 : memref<1x1x128xi32, #tpu.memory_space<vmem>> -> memref<128xi32, #tpu.memory_space<vmem>>
      %dma_start3A_102 = arith.constant 0 : i32
      %dma_start3A_103 = arith.constant 0 : i32
      %dma_start3A_104 = tpu.memref_slice %arg11[%dma_start3A_102, %dma_start3A_103] : memref<10240x128xf32, #tpu.memory_space<vmem_shared>> -> memref<10240x128xf32, #tpu.memory_space<vmem_shared>>
      tpu.enqueue_indirect_dma source(%arg10 : memref<128x128xf32, #tpu.memory_space<vmem>>) target(%dma_start3A_104 : memref<10240x128xf32, #tpu.memory_space<vmem_shared>>) offsets(%dma_start3A_101 : memref<128xi32, #tpu.memory_space<vmem>>) semaphore(%arg15 : memref<!tpu.dma_semaphore, #tpu.memory_space<semaphore_mem>>) {add = true}
      %dma_wait3A_105 = arith.constant 1 : i32
      %dma_wait3A_106 = arith.constant 0 : i32
      %dma_wait3A_107 = tpu.memref_slice %arg8[%select_n3A_23, %dma_wait3A_105, %dma_wait3A_106] : memref<2x8x128xi32, #tpu.memory_space<vmem>> -> memref<1x1x128xi32, #tpu.memory_space<vmem>>
      %dma_wait3A_108 = tpu.memref_squeeze %dma_wait3A_107 : memref<1x1x128xi32, #tpu.memory_space<vmem>> -> memref<128xi32, #tpu.memory_space<vmem>>
      %dma_wait3A_109 = arith.constant 0 : i32
      %dma_wait3A_110 = arith.constant 0 : i32
      %dma_wait3A_111 = tpu.memref_slice %arg11[%dma_wait3A_109, %dma_wait3A_110] : memref<10240x128xf32, #tpu.memory_space<vmem_shared>> -> memref<10240x128xf32, #tpu.memory_space<vmem_shared>>
      tpu.wait_indirect_dma semaphore(%arg15 : memref<!tpu.dma_semaphore, #tpu.memory_space<semaphore_mem>>) src(%arg10 : memref<128x128xf32, #tpu.memory_space<vmem>>) dst(%dma_wait3A_111 : memref<10240x128xf32, #tpu.memory_space<vmem_shared>>)
      %dma_start3A_112 = arith.constant 3 : i32
      %dma_start3A_113 = arith.constant 0 : i32
      %dma_start3A_114 = tpu.memref_slice %arg7[%select_n3A_23, %dma_start3A_112, %dma_start3A_113] : memref<2x8x128xi32, #tpu.memory_space<vmem>> -> memref<1x1x128xi32, #tpu.memory_space<vmem>>
      %dma_start3A_115 = tpu.memref_squeeze %dma_start3A_114 : memref<1x1x128xi32, #tpu.memory_space<vmem>> -> memref<128xi32, #tpu.memory_space<vmem>>
      %dma_start3A_116 = arith.constant 0 : i32
      %dma_start3A_117 = arith.constant 0 : i32
      %dma_start3A_118 = tpu.memref_slice %arg2[%dma_start3A_116, %dma_start3A_117] : memref<10000x128xf32, #tpu.memory_space<hbm>> -> memref<10000x128xf32, #tpu.memory_space<hbm>>
      tpu.enqueue_indirect_dma source(%dma_start3A_118 : memref<10000x128xf32, #tpu.memory_space<hbm>>) target(%arg10 : memref<128x128xf32, #tpu.memory_space<vmem>>) offsets(%dma_start3A_115 : memref<128xi32, #tpu.memory_space<vmem>>) semaphore(%arg13 : memref<!tpu.dma_semaphore, #tpu.memory_space<semaphore_mem>>)
      %dma_wait3A_119 = arith.constant 2 : i32
      %dma_wait3A_120 = arith.constant 0 : i32
      %dma_wait3A_121 = tpu.memref_slice %arg7[%select_n3A_23, %dma_wait3A_119, %dma_wait3A_120] : memref<2x8x128xi32, #tpu.memory_space<vmem>> -> memref<1x1x128xi32, #tpu.memory_space<vmem>>
      %dma_wait3A_122 = tpu.memref_squeeze %dma_wait3A_121 : memref<1x1x128xi32, #tpu.memory_space<vmem>> -> memref<128xi32, #tpu.memory_space<vmem>>
      %dma_wait3A_123 = arith.constant 0 : i32
      %dma_wait3A_124 = arith.constant 0 : i32
      %dma_wait3A_125 = tpu.memref_slice %arg2[%dma_wait3A_123, %dma_wait3A_124] : memref<10000x128xf32, #tpu.memory_space<hbm>> -> memref<10000x128xf32, #tpu.memory_space<hbm>>
      tpu.wait_indirect_dma semaphore(%arg12 : memref<!tpu.dma_semaphore, #tpu.memory_space<semaphore_mem>>) src(%dma_wait3A_125 : memref<10000x128xf32, #tpu.memory_space<hbm>>) dst(%arg9 : memref<128x128xf32, #tpu.memory_space<vmem>>)
      %dma_start3A_126 = arith.constant 2 : i32
      %dma_start3A_127 = arith.constant 0 : i32
      %dma_start3A_128 = tpu.memref_slice %arg8[%select_n3A_23, %dma_start3A_126, %dma_start3A_127] : memref<2x8x128xi32, #tpu.memory_space<vmem>> -> memref<1x1x128xi32, #tpu.memory_space<vmem>>
      %dma_start3A_129 = tpu.memref_squeeze %dma_start3A_128 : memref<1x1x128xi32, #tpu.memory_space<vmem>> -> memref<128xi32, #tpu.memory_space<vmem>>
      %dma_start3A_130 = arith.constant 0 : i32
      %dma_start3A_131 = arith.constant 0 : i32
      %dma_start3A_132 = tpu.memref_slice %arg11[%dma_start3A_130, %dma_start3A_131] : memref<10240x128xf32, #tpu.memory_space<vmem_shared>> -> memref<10240x128xf32, #tpu.memory_space<vmem_shared>>
      tpu.enqueue_indirect_dma source(%arg9 : memref<128x128xf32, #tpu.memory_space<vmem>>) target(%dma_start3A_132 : memref<10240x128xf32, #tpu.memory_space<vmem_shared>>) offsets(%dma_start3A_129 : memref<128xi32, #tpu.memory_space<vmem>>) semaphore(%arg14 : memref<!tpu.dma_semaphore, #tpu.memory_space<semaphore_mem>>) {add = true}
      %dma_wait3A_133 = arith.constant 2 : i32
      %dma_wait3A_134 = arith.constant 0 : i32
      %dma_wait3A_135 = tpu.memref_slice %arg8[%select_n3A_23, %dma_wait3A_133, %dma_wait3A_134] : memref<2x8x128xi32, #tpu.memory_space<vmem>> -> memref<1x1x128xi32, #tpu.memory_space<vmem>>
      %dma_wait3A_136 = tpu.memref_squeeze %dma_wait3A_135 : memref<1x1x128xi32, #tpu.memory_space<vmem>> -> memref<128xi32, #tpu.memory_space<vmem>>
      %dma_wait3A_137 = arith.constant 0 : i32
      %dma_wait3A_138 = arith.constant 0 : i32
      %dma_wait3A_139 = tpu.memref_slice %arg11[%dma_wait3A_137, %dma_wait3A_138] : memref<10240x128xf32, #tpu.memory_space<vmem_shared>> -> memref<10240x128xf32, #tpu.memory_space<vmem_shared>>
      tpu.wait_indirect_dma semaphore(%arg14 : memref<!tpu.dma_semaphore, #tpu.memory_space<semaphore_mem>>) src(%arg9 : memref<128x128xf32, #tpu.memory_space<vmem>>) dst(%dma_wait3A_139 : memref<10240x128xf32, #tpu.memory_space<vmem_shared>>)
      %dma_start3A_140 = arith.constant 4 : i32
      %dma_start3A_141 = arith.constant 0 : i32
      %dma_start3A_142 = tpu.memref_slice %arg7[%select_n3A_23, %dma_start3A_140, %dma_start3A_141] : memref<2x8x128xi32, #tpu.memory_space<vmem>> -> memref<1x1x128xi32, #tpu.memory_space<vmem>>
      %dma_start3A_143 = tpu.memref_squeeze %dma_start3A_142 : memref<1x1x128xi32, #tpu.memory_space<vmem>> -> memref<128xi32, #tpu.memory_space<vmem>>
      %dma_start3A_144 = arith.constant 0 : i32
      %dma_start3A_145 = arith.constant 0 : i32
      %dma_start3A_146 = tpu.memref_slice %arg2[%dma_start3A_144, %dma_start3A_145] : memref<10000x128xf32, #tpu.memory_space<hbm>> -> memref<10000x128xf32, #tpu.memory_space<hbm>>
      tpu.enqueue_indirect_dma source(%dma_start3A_146 : memref<10000x128xf32, #tpu.memory_space<hbm>>) target(%arg9 : memref<128x128xf32, #tpu.memory_space<vmem>>) offsets(%dma_start3A_143 : memref<128xi32, #tpu.memory_space<vmem>>) semaphore(%arg12 : memref<!tpu.dma_semaphore, #tpu.memory_space<semaphore_mem>>)
      %dma_wait3A_147 = arith.constant 3 : i32
      %dma_wait3A_148 = arith.constant 0 : i32
      %dma_wait3A_149 = tpu.memref_slice %arg7[%select_n3A_23, %dma_wait3A_147, %dma_wait3A_148] : memref<2x8x128xi32, #tpu.memory_space<vmem>> -> memref<1x1x128xi32, #tpu.memory_space<vmem>>
      %dma_wait3A_150 = tpu.memref_squeeze %dma_wait3A_149 : memref<1x1x128xi32, #tpu.memory_space<vmem>> -> memref<128xi32, #tpu.memory_space<vmem>>
      %dma_wait3A_151 = arith.constant 0 : i32
      %dma_wait3A_152 = arith.constant 0 : i32
      %dma_wait3A_153 = tpu.memref_slice %arg2[%dma_wait3A_151, %dma_wait3A_152] : memref<10000x128xf32, #tpu.memory_space<hbm>> -> memref<10000x128xf32, #tpu.memory_space<hbm>>
      tpu.wait_indirect_dma semaphore(%arg13 : memref<!tpu.dma_semaphore, #tpu.memory_space<semaphore_mem>>) src(%dma_wait3A_153 : memref<10000x128xf32, #tpu.memory_space<hbm>>) dst(%arg10 : memref<128x128xf32, #tpu.memory_space<vmem>>)
      %dma_start3A_154 = arith.constant 3 : i32
      %dma_start3A_155 = arith.constant 0 : i32
      %dma_start3A_156 = tpu.memref_slice %arg8[%select_n3A_23, %dma_start3A_154, %dma_start3A_155] : memref<2x8x128xi32, #tpu.memory_space<vmem>> -> memref<1x1x128xi32, #tpu.memory_space<vmem>>
      %dma_start3A_157 = tpu.memref_squeeze %dma_start3A_156 : memref<1x1x128xi32, #tpu.memory_space<vmem>> -> memref<128xi32, #tpu.memory_space<vmem>>
      %dma_start3A_158 = arith.constant 0 : i32
      %dma_start3A_159 = arith.constant 0 : i32
      %dma_start3A_160 = tpu.memref_slice %arg11[%dma_start3A_158, %dma_start3A_159] : memref<10240x128xf32, #tpu.memory_space<vmem_shared>> -> memref<10240x128xf32, #tpu.memory_space<vmem_shared>>
      tpu.enqueue_indirect_dma source(%arg10 : memref<128x128xf32, #tpu.memory_space<vmem>>) target(%dma_start3A_160 : memref<10240x128xf32, #tpu.memory_space<vmem_shared>>) offsets(%dma_start3A_157 : memref<128xi32, #tpu.memory_space<vmem>>) semaphore(%arg15 : memref<!tpu.dma_semaphore, #tpu.memory_space<semaphore_mem>>) {add = true}
      %dma_wait3A_161 = arith.constant 3 : i32
      %dma_wait3A_162 = arith.constant 0 : i32
      %dma_wait3A_163 = tpu.memref_slice %arg8[%select_n3A_23, %dma_wait3A_161, %dma_wait3A_162] : memref<2x8x128xi32, #tpu.memory_space<vmem>> -> memref<1x1x128xi32, #tpu.memory_space<vmem>>
      %dma_wait3A_164 = tpu.memref_squeeze %dma_wait3A_163 : memref<1x1x128xi32, #tpu.memory_space<vmem>> -> memref<128xi32, #tpu.memory_space<vmem>>
      %dma_wait3A_165 = arith.constant 0 : i32
      %dma_wait3A_166 = arith.constant 0 : i32
      %dma_wait3A_167 = tpu.memref_slice %arg11[%dma_wait3A_165, %dma_wait3A_166] : memref<10240x128xf32, #tpu.memory_space<vmem_shared>> -> memref<10240x128xf32, #tpu.memory_space<vmem_shared>>
      tpu.wait_indirect_dma semaphore(%arg15 : memref<!tpu.dma_semaphore, #tpu.memory_space<semaphore_mem>>) src(%arg10 : memref<128x128xf32, #tpu.memory_space<vmem>>) dst(%dma_wait3A_167 : memref<10240x128xf32, #tpu.memory_space<vmem_shared>>)
      %dma_start3A_168 = arith.constant 5 : i32
      %dma_start3A_169 = arith.constant 0 : i32
      %dma_start3A_170 = tpu.memref_slice %arg7[%select_n3A_23, %dma_start3A_168, %dma_start3A_169] : memref<2x8x128xi32, #tpu.memory_space<vmem>> -> memref<1x1x128xi32, #tpu.memory_space<vmem>>
      %dma_start3A_171 = tpu.memref_squeeze %dma_start3A_170 : memref<1x1x128xi32, #tpu.memory_space<vmem>> -> memref<128xi32, #tpu.memory_space<vmem>>
      %dma_start3A_172 = arith.constant 0 : i32
      %dma_start3A_173 = arith.constant 0 : i32
      %dma_start3A_174 = tpu.memref_slice %arg2[%dma_start3A_172, %dma_start3A_173] : memref<10000x128xf32, #tpu.memory_space<hbm>> -> memref<10000x128xf32, #tpu.memory_space<hbm>>
      tpu.enqueue_indirect_dma source(%dma_start3A_174 : memref<10000x128xf32, #tpu.memory_space<hbm>>) target(%arg10 : memref<128x128xf32, #tpu.memory_space<vmem>>) offsets(%dma_start3A_171 : memref<128xi32, #tpu.memory_space<vmem>>) semaphore(%arg13 : memref<!tpu.dma_semaphore, #tpu.memory_space<semaphore_mem>>)
      %dma_wait3A_175 = arith.constant 4 : i32
      %dma_wait3A_176 = arith.constant 0 : i32
      %dma_wait3A_177 = tpu.memref_slice %arg7[%select_n3A_23, %dma_wait3A_175, %dma_wait3A_176] : memref<2x8x128xi32, #tpu.memory_space<vmem>> -> memref<1x1x128xi32, #tpu.memory_space<vmem>>
      %dma_wait3A_178 = tpu.memref_squeeze %dma_wait3A_177 : memref<1x1x128xi32, #tpu.memory_space<vmem>> -> memref<128xi32, #tpu.memory_space<vmem>>
      %dma_wait3A_179 = arith.constant 0 : i32
      %dma_wait3A_180 = arith.constant 0 : i32
      %dma_wait3A_181 = tpu.memref_slice %arg2[%dma_wait3A_179, %dma_wait3A_180] : memref<10000x128xf32, #tpu.memory_space<hbm>> -> memref<10000x128xf32, #tpu.memory_space<hbm>>
      tpu.wait_indirect_dma semaphore(%arg12 : memref<!tpu.dma_semaphore, #tpu.memory_space<semaphore_mem>>) src(%dma_wait3A_181 : memref<10000x128xf32, #tpu.memory_space<hbm>>) dst(%arg9 : memref<128x128xf32, #tpu.memory_space<vmem>>)
      %dma_start3A_182 = arith.constant 4 : i32
      %dma_start3A_183 = arith.constant 0 : i32
      %dma_start3A_184 = tpu.memref_slice %arg8[%select_n3A_23, %dma_start3A_182, %dma_start3A_183] : memref<2x8x128xi32, #tpu.memory_space<vmem>> -> memref<1x1x128xi32, #tpu.memory_space<vmem>>
      %dma_start3A_185 = tpu.memref_squeeze %dma_start3A_184 : memref<1x1x128xi32, #tpu.memory_space<vmem>> -> memref<128xi32, #tpu.memory_space<vmem>>
      %dma_start3A_186 = arith.constant 0 : i32
      %dma_start3A_187 = arith.constant 0 : i32
      %dma_start3A_188 = tpu.memref_slice %arg11[%dma_start3A_186, %dma_start3A_187] : memref<10240x128xf32, #tpu.memory_space<vmem_shared>> -> memref<10240x128xf32, #tpu.memory_space<vmem_shared>>
      tpu.enqueue_indirect_dma source(%arg9 : memref<128x128xf32, #tpu.memory_space<vmem>>) target(%dma_start3A_188 : memref<10240x128xf32, #tpu.memory_space<vmem_shared>>) offsets(%dma_start3A_185 : memref<128xi32, #tpu.memory_space<vmem>>) semaphore(%arg14 : memref<!tpu.dma_semaphore, #tpu.memory_space<semaphore_mem>>) {add = true}
      %dma_wait3A_189 = arith.constant 4 : i32
      %dma_wait3A_190 = arith.constant 0 : i32
      %dma_wait3A_191 = tpu.memref_slice %arg8[%select_n3A_23, %dma_wait3A_189, %dma_wait3A_190] : memref<2x8x128xi32, #tpu.memory_space<vmem>> -> memref<1x1x128xi32, #tpu.memory_space<vmem>>
      %dma_wait3A_192 = tpu.memref_squeeze %dma_wait3A_191 : memref<1x1x128xi32, #tpu.memory_space<vmem>> -> memref<128xi32, #tpu.memory_space<vmem>>
      %dma_wait3A_193 = arith.constant 0 : i32
      %dma_wait3A_194 = arith.constant 0 : i32
      %dma_wait3A_195 = tpu.memref_slice %arg11[%dma_wait3A_193, %dma_wait3A_194] : memref<10240x128xf32, #tpu.memory_space<vmem_shared>> -> memref<10240x128xf32, #tpu.memory_space<vmem_shared>>
      tpu.wait_indirect_dma semaphore(%arg14 : memref<!tpu.dma_semaphore, #tpu.memory_space<semaphore_mem>>) src(%arg9 : memref<128x128xf32, #tpu.memory_space<vmem>>) dst(%dma_wait3A_195 : memref<10240x128xf32, #tpu.memory_space<vmem_shared>>)
      %dma_start3A_196 = arith.constant 6 : i32
      %dma_start3A_197 = arith.constant 0 : i32
      %dma_start3A_198 = tpu.memref_slice %arg7[%select_n3A_23, %dma_start3A_196, %dma_start3A_197] : memref<2x8x128xi32, #tpu.memory_space<vmem>> -> memref<1x1x128xi32, #tpu.memory_space<vmem>>
      %dma_start3A_199 = tpu.memref_squeeze %dma_start3A_198 : memref<1x1x128xi32, #tpu.memory_space<vmem>> -> memref<128xi32, #tpu.memory_space<vmem>>
      %dma_start3A_200 = arith.constant 0 : i32
      %dma_start3A_201 = arith.constant 0 : i32
      %dma_start3A_202 = tpu.memref_slice %arg2[%dma_start3A_200, %dma_start3A_201] : memref<10000x128xf32, #tpu.memory_space<hbm>> -> memref<10000x128xf32, #tpu.memory_space<hbm>>
      tpu.enqueue_indirect_dma source(%dma_start3A_202 : memref<10000x128xf32, #tpu.memory_space<hbm>>) target(%arg9 : memref<128x128xf32, #tpu.memory_space<vmem>>) offsets(%dma_start3A_199 : memref<128xi32, #tpu.memory_space<vmem>>) semaphore(%arg12 : memref<!tpu.dma_semaphore, #tpu.memory_space<semaphore_mem>>)
      %dma_wait3A_203 = arith.constant 5 : i32
      %dma_wait3A_204 = arith.constant 0 : i32
      %dma_wait3A_205 = tpu.memref_slice %arg7[%select_n3A_23, %dma_wait3A_203, %dma_wait3A_204] : memref<2x8x128xi32, #tpu.memory_space<vmem>> -> memref<1x1x128xi32, #tpu.memory_space<vmem>>
      %dma_wait3A_206 = tpu.memref_squeeze %dma_wait3A_205 : memref<1x1x128xi32, #tpu.memory_space<vmem>> -> memref<128xi32, #tpu.memory_space<vmem>>
      %dma_wait3A_207 = arith.constant 0 : i32
      %dma_wait3A_208 = arith.constant 0 : i32
      %dma_wait3A_209 = tpu.memref_slice %arg2[%dma_wait3A_207, %dma_wait3A_208] : memref<10000x128xf32, #tpu.memory_space<hbm>> -> memref<10000x128xf32, #tpu.memory_space<hbm>>
      tpu.wait_indirect_dma semaphore(%arg13 : memref<!tpu.dma_semaphore, #tpu.memory_space<semaphore_mem>>) src(%dma_wait3A_209 : memref<10000x128xf32, #tpu.memory_space<hbm>>) dst(%arg10 : memref<128x128xf32, #tpu.memory_space<vmem>>)
      %dma_start3A_210 = arith.constant 5 : i32
      %dma_start3A_211 = arith.constant 0 : i32
      %dma_start3A_212 = tpu.memref_slice %arg8[%select_n3A_23, %dma_start3A_210, %dma_start3A_211] : memref<2x8x128xi32, #tpu.memory_space<vmem>> -> memref<1x1x128xi32, #tpu.memory_space<vmem>>
      %dma_start3A_213 = tpu.memref_squeeze %dma_start3A_212 : memref<1x1x128xi32, #tpu.memory_space<vmem>> -> memref<128xi32, #tpu.memory_space<vmem>>
      %dma_start3A_214 = arith.constant 0 : i32
      %dma_start3A_215 = arith.constant 0 : i32
      %dma_start3A_216 = tpu.memref_slice %arg11[%dma_start3A_214, %dma_start3A_215] : memref<10240x128xf32, #tpu.memory_space<vmem_shared>> -> memref<10240x128xf32, #tpu.memory_space<vmem_shared>>
      tpu.enqueue_indirect_dma source(%arg10 : memref<128x128xf32, #tpu.memory_space<vmem>>) target(%dma_start3A_216 : memref<10240x128xf32, #tpu.memory_space<vmem_shared>>) offsets(%dma_start3A_213 : memref<128xi32, #tpu.memory_space<vmem>>) semaphore(%arg15 : memref<!tpu.dma_semaphore, #tpu.memory_space<semaphore_mem>>) {add = true}
      %dma_wait3A_217 = arith.constant 5 : i32
      %dma_wait3A_218 = arith.constant 0 : i32
      %dma_wait3A_219 = tpu.memref_slice %arg8[%select_n3A_23, %dma_wait3A_217, %dma_wait3A_218] : memref<2x8x128xi32, #tpu.memory_space<vmem>> -> memref<1x1x128xi32, #tpu.memory_space<vmem>>
      %dma_wait3A_220 = tpu.memref_squeeze %dma_wait3A_219 : memref<1x1x128xi32, #tpu.memory_space<vmem>> -> memref<128xi32, #tpu.memory_space<vmem>>
      %dma_wait3A_221 = arith.constant 0 : i32
      %dma_wait3A_222 = arith.constant 0 : i32
      %dma_wait3A_223 = tpu.memref_slice %arg11[%dma_wait3A_221, %dma_wait3A_222] : memref<10240x128xf32, #tpu.memory_space<vmem_shared>> -> memref<10240x128xf32, #tpu.memory_space<vmem_shared>>
      tpu.wait_indirect_dma semaphore(%arg15 : memref<!tpu.dma_semaphore, #tpu.memory_space<semaphore_mem>>) src(%arg10 : memref<128x128xf32, #tpu.memory_space<vmem>>) dst(%dma_wait3A_223 : memref<10240x128xf32, #tpu.memory_space<vmem_shared>>)
      %dma_start3A_224 = arith.constant 7 : i32
      %dma_start3A_225 = arith.constant 0 : i32
      %dma_start3A_226 = tpu.memref_slice %arg7[%select_n3A_23, %dma_start3A_224, %dma_start3A_225] : memref<2x8x128xi32, #tpu.memory_space<vmem>> -> memref<1x1x128xi32, #tpu.memory_space<vmem>>
      %dma_start3A_227 = tpu.memref_squeeze %dma_start3A_226 : memref<1x1x128xi32, #tpu.memory_space<vmem>> -> memref<128xi32, #tpu.memory_space<vmem>>
      %dma_start3A_228 = arith.constant 0 : i32
      %dma_start3A_229 = arith.constant 0 : i32
      %dma_start3A_230 = tpu.memref_slice %arg2[%dma_start3A_228, %dma_start3A_229] : memref<10000x128xf32, #tpu.memory_space<hbm>> -> memref<10000x128xf32, #tpu.memory_space<hbm>>
      tpu.enqueue_indirect_dma source(%dma_start3A_230 : memref<10000x128xf32, #tpu.memory_space<hbm>>) target(%arg10 : memref<128x128xf32, #tpu.memory_space<vmem>>) offsets(%dma_start3A_227 : memref<128xi32, #tpu.memory_space<vmem>>) semaphore(%arg13 : memref<!tpu.dma_semaphore, #tpu.memory_space<semaphore_mem>>)
      %dma_wait3A_231 = arith.constant 6 : i32
      %dma_wait3A_232 = arith.constant 0 : i32
      %dma_wait3A_233 = tpu.memref_slice %arg7[%select_n3A_23, %dma_wait3A_231, %dma_wait3A_232] : memref<2x8x128xi32, #tpu.memory_space<vmem>> -> memref<1x1x128xi32, #tpu.memory_space<vmem>>
      %dma_wait3A_234 = tpu.memref_squeeze %dma_wait3A_233 : memref<1x1x128xi32, #tpu.memory_space<vmem>> -> memref<128xi32, #tpu.memory_space<vmem>>
      %dma_wait3A_235 = arith.constant 0 : i32
      %dma_wait3A_236 = arith.constant 0 : i32
      %dma_wait3A_237 = tpu.memref_slice %arg2[%dma_wait3A_235, %dma_wait3A_236] : memref<10000x128xf32, #tpu.memory_space<hbm>> -> memref<10000x128xf32, #tpu.memory_space<hbm>>
      tpu.wait_indirect_dma semaphore(%arg12 : memref<!tpu.dma_semaphore, #tpu.memory_space<semaphore_mem>>) src(%dma_wait3A_237 : memref<10000x128xf32, #tpu.memory_space<hbm>>) dst(%arg9 : memref<128x128xf32, #tpu.memory_space<vmem>>)
      %dma_start3A_238 = arith.constant 6 : i32
      %dma_start3A_239 = arith.constant 0 : i32
      %dma_start3A_240 = tpu.memref_slice %arg8[%select_n3A_23, %dma_start3A_238, %dma_start3A_239] : memref<2x8x128xi32, #tpu.memory_space<vmem>> -> memref<1x1x128xi32, #tpu.memory_space<vmem>>
      %dma_start3A_241 = tpu.memref_squeeze %dma_start3A_240 : memref<1x1x128xi32, #tpu.memory_space<vmem>> -> memref<128xi32, #tpu.memory_space<vmem>>
      %dma_start3A_242 = arith.constant 0 : i32
      %dma_start3A_243 = arith.constant 0 : i32
      %dma_start3A_244 = tpu.memref_slice %arg11[%dma_start3A_242, %dma_start3A_243] : memref<10240x128xf32, #tpu.memory_space<vmem_shared>> -> memref<10240x128xf32, #tpu.memory_space<vmem_shared>>
      tpu.enqueue_indirect_dma source(%arg9 : memref<128x128xf32, #tpu.memory_space<vmem>>) target(%dma_start3A_244 : memref<10240x128xf32, #tpu.memory_space<vmem_shared>>) offsets(%dma_start3A_241 : memref<128xi32, #tpu.memory_space<vmem>>) semaphore(%arg14 : memref<!tpu.dma_semaphore, #tpu.memory_space<semaphore_mem>>) {add = true}
      %dma_wait3A_245 = arith.constant 7 : i32
      %dma_wait3A_246 = arith.constant 0 : i32
      %dma_wait3A_247 = tpu.memref_slice %arg7[%select_n3A_23, %dma_wait3A_245, %dma_wait3A_246] : memref<2x8x128xi32, #tpu.memory_space<vmem>> -> memref<1x1x128xi32, #tpu.memory_space<vmem>>
      %dma_wait3A_248 = tpu.memref_squeeze %dma_wait3A_247 : memref<1x1x128xi32, #tpu.memory_space<vmem>> -> memref<128xi32, #tpu.memory_space<vmem>>
      %dma_wait3A_249 = arith.constant 0 : i32
      %dma_wait3A_250 = arith.constant 0 : i32
      %dma_wait3A_251 = tpu.memref_slice %arg2[%dma_wait3A_249, %dma_wait3A_250] : memref<10000x128xf32, #tpu.memory_space<hbm>> -> memref<10000x128xf32, #tpu.memory_space<hbm>>
      tpu.wait_indirect_dma semaphore(%arg13 : memref<!tpu.dma_semaphore, #tpu.memory_space<semaphore_mem>>) src(%dma_wait3A_251 : memref<10000x128xf32, #tpu.memory_space<hbm>>) dst(%arg10 : memref<128x128xf32, #tpu.memory_space<vmem>>)
      %dma_start3A_252 = arith.constant 7 : i32
      %dma_start3A_253 = arith.constant 0 : i32
      %dma_start3A_254 = tpu.memref_slice %arg8[%select_n3A_23, %dma_start3A_252, %dma_start3A_253] : memref<2x8x128xi32, #tpu.memory_space<vmem>> -> memref<1x1x128xi32, #tpu.memory_space<vmem>>
      %dma_start3A_255 = tpu.memref_squeeze %dma_start3A_254 : memref<1x1x128xi32, #tpu.memory_space<vmem>> -> memref<128xi32, #tpu.memory_space<vmem>>
      %dma_start3A_256 = arith.constant 0 : i32
      %dma_start3A_257 = arith.constant 0 : i32
      %dma_start3A_258 = tpu.memref_slice %arg11[%dma_start3A_256, %dma_start3A_257] : memref<10240x128xf32, #tpu.memory_space<vmem_shared>> -> memref<10240x128xf32, #tpu.memory_space<vmem_shared>>
      tpu.enqueue_indirect_dma source(%arg10 : memref<128x128xf32, #tpu.memory_space<vmem>>) target(%dma_start3A_258 : memref<10240x128xf32, #tpu.memory_space<vmem_shared>>) offsets(%dma_start3A_255 : memref<128xi32, #tpu.memory_space<vmem>>) semaphore(%arg15 : memref<!tpu.dma_semaphore, #tpu.memory_space<semaphore_mem>>) {add = true}
      %dma_wait3A_259 = arith.constant 6 : i32
      %dma_wait3A_260 = arith.constant 0 : i32
      %dma_wait3A_261 = tpu.memref_slice %arg8[%select_n3A_23, %dma_wait3A_259, %dma_wait3A_260] : memref<2x8x128xi32, #tpu.memory_space<vmem>> -> memref<1x1x128xi32, #tpu.memory_space<vmem>>
      %dma_wait3A_262 = tpu.memref_squeeze %dma_wait3A_261 : memref<1x1x128xi32, #tpu.memory_space<vmem>> -> memref<128xi32, #tpu.memory_space<vmem>>
      %dma_wait3A_263 = arith.constant 0 : i32
      %dma_wait3A_264 = arith.constant 0 : i32
      %dma_wait3A_265 = tpu.memref_slice %arg11[%dma_wait3A_263, %dma_wait3A_264] : memref<10240x128xf32, #tpu.memory_space<vmem_shared>> -> memref<10240x128xf32, #tpu.memory_space<vmem_shared>>
      tpu.wait_indirect_dma semaphore(%arg14 : memref<!tpu.dma_semaphore, #tpu.memory_space<semaphore_mem>>) src(%arg9 : memref<128x128xf32, #tpu.memory_space<vmem>>) dst(%dma_wait3A_265 : memref<10240x128xf32, #tpu.memory_space<vmem_shared>>)
      %dma_wait3A_266 = arith.constant 7 : i32
      %dma_wait3A_267 = arith.constant 0 : i32
      %dma_wait3A_268 = tpu.memref_slice %arg8[%select_n3A_23, %dma_wait3A_266, %dma_wait3A_267] : memref<2x8x128xi32, #tpu.memory_space<vmem>> -> memref<1x1x128xi32, #tpu.memory_space<vmem>>
      %dma_wait3A_269 = tpu.memref_squeeze %dma_wait3A_268 : memref<1x1x128xi32, #tpu.memory_space<vmem>> -> memref<128xi32, #tpu.memory_space<vmem>>
      %dma_wait3A_270 = arith.constant 0 : i32
      %dma_wait3A_271 = arith.constant 0 : i32
      %dma_wait3A_272 = tpu.memref_slice %arg11[%dma_wait3A_270, %dma_wait3A_271] : memref<10240x128xf32, #tpu.memory_space<vmem_shared>> -> memref<10240x128xf32, #tpu.memory_space<vmem_shared>>
      tpu.wait_indirect_dma semaphore(%arg15 : memref<!tpu.dma_semaphore, #tpu.memory_space<semaphore_mem>>) src(%arg10 : memref<128x128xf32, #tpu.memory_space<vmem>>) dst(%dma_wait3A_272 : memref<10240x128xf32, #tpu.memory_space<vmem_shared>>)
    }
    %scan3A_8 = arith.constant 10 : i32
    %barrier3A_9 = arith.constant 0 : index
    tpu.barrier barrier_id(%barrier3A_9)
    %mul3A_10 = arith.constant 640 : i32
    %mul3A_11 = arith.muli %arg1, %mul3A_10 : i32
    %mul3A_12 = arith.constant 640 : i32
    %mul3A_13 = arith.muli %arg1, %mul3A_12 : i32
    "tpu.region"() ({
      %run_scoped3A_14 = tpu.sem_alloc : memref<!tpu.dma_semaphore, #tpu.memory_space<semaphore_mem>>
      %dma_start3A = arith.constant 0 : i32
      %dma_start3A_15 = tpu.memref_slice %arg6[%arg0, %mul3A_13, %dma_start3A] : memref<2x10240x128xf32, #tpu.memory_space<hbm>> -> memref<1x640x128xf32, #tpu.memory_space<hbm>>
      %dma_start3A_16 = tpu.memref_squeeze %dma_start3A_15 : memref<1x640x128xf32, #tpu.memory_space<hbm>> -> memref<640x128xf32, #tpu.memory_space<hbm>>
      %dma_start3A_17 = arith.constant 0 : i32
      %dma_start3A_18 = tpu.memref_slice %arg11[%mul3A_11, %dma_start3A_17] : memref<10240x128xf32, #tpu.memory_space<vmem_shared>> -> memref<640x128xf32, #tpu.memory_space<vmem_shared>>
      tpu.enqueue_dma source(%dma_start3A_18 : memref<640x128xf32, #tpu.memory_space<vmem_shared>>) target(%dma_start3A_16 : memref<640x128xf32, #tpu.memory_space<hbm>>) target_semaphore(%run_scoped3A_14 : memref<!tpu.dma_semaphore, #tpu.memory_space<semaphore_mem>>)
      %dma_wait3A = arith.constant 0 : i32
      %dma_wait3A_19 = tpu.memref_slice %arg6[%arg0, %mul3A_13, %dma_wait3A] : memref<2x10240x128xf32, #tpu.memory_space<hbm>> -> memref<1x640x128xf32, #tpu.memory_space<hbm>>
      %dma_wait3A_20 = tpu.memref_squeeze %dma_wait3A_19 : memref<1x640x128xf32, #tpu.memory_space<hbm>> -> memref<640x128xf32, #tpu.memory_space<hbm>>
      %dma_wait3A_21 = arith.constant 0 : i32
      %dma_wait3A_22 = tpu.memref_slice %arg11[%mul3A_11, %dma_wait3A_21] : memref<10240x128xf32, #tpu.memory_space<vmem_shared>> -> memref<640x128xf32, #tpu.memory_space<vmem_shared>>
      tpu.wait_dma2 semaphore(%run_scoped3A_14 : memref<!tpu.dma_semaphore, #tpu.memory_space<semaphore_mem>>) src(%dma_wait3A_22 : memref<640x128xf32, #tpu.memory_space<vmem_shared>>) dst(%dma_wait3A_20 : memref<640x128xf32, #tpu.memory_space<hbm>>)
      tpu.yield
    }) : () -> ()
    return
  }
}

module attributes {stable_mosaic.version = 14 : i64} {
  func.func @body(%arg0: i32, %arg1: memref<2000x128xf32, #tpu.memory_space<vmem>>, %arg2: memref<128x128xf32, #tpu.memory_space<vmem>>, %arg3: memref<128x128xf32, #tpu.memory_space<vmem>>, %arg4: memref<1x128xf32, #tpu.memory_space<vmem>>, %arg5: memref<2000x128xf32, #tpu.memory_space<vmem>>, %arg6: memref<2000x128xf32, #tpu.memory_space<vmem>>) attributes {dimension_semantics = [#tpu.dimension_semantics<arbitrary>], iteration_bounds = array<i64: 5>, scalar_prefetch = 0 : i64, scratch_operands = 0 : i64, tpu.core_type = #tpu.core_type<tc>, window_params = [{transform_indices = @transform_0, window_bounds = array<i64: 2000, 128>}, {pipeline_mode = #tpu.pipeline_mode<synchronous>, transform_indices = @transform_1, window_bounds = array<i64: 128, 128>}, {pipeline_mode = #tpu.pipeline_mode<synchronous>, transform_indices = @transform_2, window_bounds = array<i64: 128, 128>}, {pipeline_mode = #tpu.pipeline_mode<synchronous>, transform_indices = @transform_3, window_bounds = array<i64: 1, 128>}, {transform_indices = @transform_4, window_bounds = array<i64: 2000, 128>}, {transform_indices = @transform_5, window_bounds = array<i64: 2000, 128>}]} {
    %get3A = arith.constant 0 : index
    %get3A_0 = arith.constant 0 : index
    %get3A_1 = vector.load %arg1[%get3A, %get3A_0] : memref<2000x128xf32, #tpu.memory_space<vmem>>, vector<2000x128xf32>
    %get3A_2 = arith.constant 0 : index
    %get3A_3 = arith.constant 0 : index
    %get3A_4 = vector.load %arg2[%get3A_2, %get3A_3] : memref<128x128xf32, #tpu.memory_space<vmem>>, vector<128x128xf32>
    %dot_general3A = arith.constant dense<0.000000e+00> : vector<2000x128xf32>
    %dot_general3A_5 = tpu.matmul %get3A_1, %get3A_4, %dot_general3A {dimension_numbers = #tpu.dot_dimension_numbers<[1], [1], [0], [0], [0, 0, 1, 0], [], []>, transpose_lhs_hint = false} : vector<2000x128xf32>, vector<128x128xf32>, vector<2000x128xf32> -> vector<2000x128xf32>
    %swap3A = arith.constant 0 : index
    %swap3A_6 = arith.constant 0 : index
    %swap3A_7 = vector.load %arg5[%swap3A, %swap3A_6] : memref<2000x128xf32, #tpu.memory_space<vmem>>, vector<2000x128xf32>
    tpu.vector_store %arg5[%swap3A, %swap3A_6], %dot_general3A_5 {strides = array<i32>} : memref<2000x128xf32, #tpu.memory_space<vmem>>, vector<2000x128xf32>,
    %get3A_8 = arith.constant 0 : index
    %get3A_9 = arith.constant 0 : index
    %get3A_10 = vector.load %arg3[%get3A_8, %get3A_9] : memref<128x128xf32, #tpu.memory_space<vmem>>, vector<128x128xf32>
    %dot_general3A_11 = arith.constant dense<0.000000e+00> : vector<2000x128xf32>
    %dot_general3A_12 = tpu.matmul %get3A_1, %get3A_10, %dot_general3A_11 {dimension_numbers = #tpu.dot_dimension_numbers<[1], [1], [0], [0], [0, 0, 1, 0], [], []>, transpose_lhs_hint = false} : vector<2000x128xf32>, vector<128x128xf32>, vector<2000x128xf32> -> vector<2000x128xf32>
    %get3A_13 = arith.constant 0 : index
    %get3A_14 = arith.constant 0 : index
    %get3A_15 = vector.load %arg4[%get3A_13, %get3A_14] : memref<1x128xf32, #tpu.memory_space<vmem>>, vector<1x128xf32>
    %add3A = vector.broadcast %get3A_15 : vector<1x128xf32> to vector<2000x128xf32>
    %add3A_16 = arith.addf %dot_general3A_12, %add3A : vector<2000x128xf32>
    %swap3A_17 = arith.constant 0 : index
    %swap3A_18 = arith.constant 0 : index
    %swap3A_19 = vector.load %arg6[%swap3A_17, %swap3A_18] : memref<2000x128xf32, #tpu.memory_space<vmem>>, vector<2000x128xf32>
    tpu.vector_store %arg6[%swap3A_17, %swap3A_18], %add3A_16 {strides = array<i32>} : memref<2000x128xf32, #tpu.memory_space<vmem>>, vector<2000x128xf32>,
    return
  }
  func.func @transform_0(%arg0: i32) -> (i32, i32) {
    %c0_i32 = arith.constant 0 : i32
    %c0_i32_0 = arith.constant 0 : i32
    return %arg0, %c0_i32 : i32, i32
  }
  func.func @transform_1(%arg0: i32) -> (i32, i32) {
    %c0_i32 = arith.constant 0 : i32
    %c0_i32_0 = arith.constant 0 : i32
    %c0_i32_1 = arith.constant 0 : i32
    return %c0_i32, %c0_i32_0 : i32, i32
  }
  func.func @transform_2(%arg0: i32) -> (i32, i32) {
    %c0_i32 = arith.constant 0 : i32
    %c0_i32_0 = arith.constant 0 : i32
    %c0_i32_1 = arith.constant 0 : i32
    return %c0_i32, %c0_i32_0 : i32, i32
  }
  func.func @transform_3(%arg0: i32) -> (i32, i32) {
    %c0_i32 = arith.constant 0 : i32
    %c0_i32_0 = arith.constant 0 : i32
    %c0_i32_1 = arith.constant 0 : i32
    return %c0_i32, %c0_i32_0 : i32, i32
  }
  func.func @transform_4(%arg0: i32) -> (i32, i32) {
    %c0_i32 = arith.constant 0 : i32
    %c0_i32_0 = arith.constant 0 : i32
    return %arg0, %c0_i32 : i32, i32
  }
  func.func @transform_5(%arg0: i32) -> (i32, i32) {
    %c0_i32 = arith.constant 0 : i32
    %c0_i32_0 = arith.constant 0 : i32
    return %arg0, %c0_i32 : i32, i32
  }
}

module attributes {stable_mosaic.version = 14 : i64} {
  func.func @body(%arg0: i32, %arg1: memref<2x2000x128xf32, #tpu.memory_space<vmem>>, %arg2: memref<2x2000x128xf32, #tpu.memory_space<vmem>>, %arg3: memref<2000x128xf32, #tpu.memory_space<vmem>>, %arg4: memref<128x128xf32, #tpu.memory_space<vmem>>, %arg5: memref<128x128xf32, #tpu.memory_space<vmem>>, %arg6: memref<1x128xf32, #tpu.memory_space<vmem>>, %arg7: memref<2000x128xf32, #tpu.memory_space<vmem>>, %arg8: memref<2000x128xf32, #tpu.memory_space<vmem>>) attributes {dimension_semantics = [#tpu.dimension_semantics<arbitrary>], iteration_bounds = array<i64: 5>, scalar_prefetch = 0 : i64, scratch_operands = 0 : i64, tpu.core_type = #tpu.core_type<tc>, window_params = [{transform_indices = @transform_0, window_bounds = array<i64: 2, 2000, 128>}, {transform_indices = @transform_1, window_bounds = array<i64: 2, 2000, 128>}, {transform_indices = @transform_2, window_bounds = array<i64: 2000, 128>}, {pipeline_mode = #tpu.pipeline_mode<synchronous>, transform_indices = @transform_3, window_bounds = array<i64: 128, 128>}, {pipeline_mode = #tpu.pipeline_mode<synchronous>, transform_indices = @transform_4, window_bounds = array<i64: 128, 128>}, {pipeline_mode = #tpu.pipeline_mode<synchronous>, transform_indices = @transform_5, window_bounds = array<i64: 1, 128>}, {transform_indices = @transform_6, window_bounds = array<i64: 2000, 128>}, {transform_indices = @transform_7, window_bounds = array<i64: 2000, 128>}]} {
    %get3A = arith.constant 0 : index
    %get3A_0 = arith.constant 0 : index
    %get3A_1 = arith.constant 0 : index
    %get3A_2 = vector.load %arg1[%get3A, %get3A_0, %get3A_1] : memref<2x2000x128xf32, #tpu.memory_space<vmem>>, vector<1x2000x128xf32>
    %get3A_3 = vector.shape_cast %get3A_2 : vector<1x2000x128xf32> to vector<2000x128xf32>
    %get3A_4 = arith.constant 1 : index
    %get3A_5 = arith.constant 0 : index
    %get3A_6 = arith.constant 0 : index
    %get3A_7 = vector.load %arg1[%get3A_4, %get3A_5, %get3A_6] : memref<2x2000x128xf32, #tpu.memory_space<vmem>>, vector<1x2000x128xf32>
    %get3A_8 = vector.shape_cast %get3A_7 : vector<1x2000x128xf32> to vector<2000x128xf32>
    %add3A = arith.addf %get3A_3, %get3A_8 : vector<2000x128xf32>
    %get3A_9 = arith.constant 0 : index
    %get3A_10 = arith.constant 0 : index
    %get3A_11 = arith.constant 0 : index
    %get3A_12 = vector.load %arg2[%get3A_9, %get3A_10, %get3A_11] : memref<2x2000x128xf32, #tpu.memory_space<vmem>>, vector<1x2000x1xf32>
    %get3A_13 = vector.shape_cast %get3A_12 : vector<1x2000x1xf32> to vector<2000x1xf32>
    %get3A_14 = arith.constant 1 : index
    %get3A_15 = arith.constant 0 : index
    %get3A_16 = arith.constant 0 : index
    %get3A_17 = vector.load %arg2[%get3A_14, %get3A_15, %get3A_16] : memref<2x2000x128xf32, #tpu.memory_space<vmem>>, vector<1x2000x1xf32>
    %get3A_18 = vector.shape_cast %get3A_17 : vector<1x2000x1xf32> to vector<2000x1xf32>
    %add3A_19 = arith.addf %get3A_13, %get3A_18 : vector<2000x1xf32>
    %max3A = arith.constant 1.000000e+00 : f32
    %max3A_20 = vector.broadcast %max3A : f32 to vector<2000x1xf32>
    %max3A_21 = arith.maximumf %add3A_19, %max3A_20 : vector<2000x1xf32>
    %div3A = arith.constant 1.000000e+00 : f32
    %div3A_22 = vector.broadcast %div3A : f32 to vector<2000x1xf32>
    %div3A_23 = arith.divf %div3A_22, %max3A_21 : vector<2000x1xf32>
    %mul3A = vector.broadcast %div3A_23 : vector<2000x1xf32> to vector<2000x128xf32>
    %mul3A_24 = arith.mulf %add3A, %mul3A : vector<2000x128xf32>
    %get3A_25 = arith.constant 0 : index
    %get3A_26 = arith.constant 0 : index
    %get3A_27 = vector.load %arg3[%get3A_25, %get3A_26] : memref<2000x128xf32, #tpu.memory_space<vmem>>, vector<2000x128xf32>
    %add3A_28 = arith.addf %mul3A_24, %get3A_27 : vector<2000x128xf32>
    %max3A_29 = arith.constant 0.000000e+00 : f32
    %max3A_30 = vector.broadcast %max3A_29 : f32 to vector<2000x128xf32>
    %max3A_31 = arith.maximumf %add3A_28, %max3A_30 : vector<2000x128xf32>
    %get3A_32 = arith.constant 0 : index
    %get3A_33 = arith.constant 0 : index
    %get3A_34 = vector.load %arg4[%get3A_32, %get3A_33] : memref<128x128xf32, #tpu.memory_space<vmem>>, vector<128x128xf32>
    %dot_general3A = arith.constant dense<0.000000e+00> : vector<2000x128xf32>
    %dot_general3A_35 = tpu.matmul %max3A_31, %get3A_34, %dot_general3A {dimension_numbers = #tpu.dot_dimension_numbers<[1], [1], [0], [0], [0, 0, 1, 0], [], []>, transpose_lhs_hint = false} : vector<2000x128xf32>, vector<128x128xf32>, vector<2000x128xf32> -> vector<2000x128xf32>
    %swap3A = arith.constant 0 : index
    %swap3A_36 = arith.constant 0 : index
    %swap3A_37 = vector.load %arg7[%swap3A, %swap3A_36] : memref<2000x128xf32, #tpu.memory_space<vmem>>, vector<2000x128xf32>
    tpu.vector_store %arg7[%swap3A, %swap3A_36], %dot_general3A_35 {strides = array<i32>} : memref<2000x128xf32, #tpu.memory_space<vmem>>, vector<2000x128xf32>,
    %get3A_38 = arith.constant 0 : index
    %get3A_39 = arith.constant 0 : index
    %get3A_40 = vector.load %arg5[%get3A_38, %get3A_39] : memref<128x128xf32, #tpu.memory_space<vmem>>, vector<128x128xf32>
    %dot_general3A_41 = arith.constant dense<0.000000e+00> : vector<2000x128xf32>
    %dot_general3A_42 = tpu.matmul %max3A_31, %get3A_40, %dot_general3A_41 {dimension_numbers = #tpu.dot_dimension_numbers<[1], [1], [0], [0], [0, 0, 1, 0], [], []>, transpose_lhs_hint = false} : vector<2000x128xf32>, vector<128x128xf32>, vector<2000x128xf32> -> vector<2000x128xf32>
    %get3A_43 = arith.constant 0 : index
    %get3A_44 = arith.constant 0 : index
    %get3A_45 = vector.load %arg6[%get3A_43, %get3A_44] : memref<1x128xf32, #tpu.memory_space<vmem>>, vector<1x128xf32>
    %add3A_46 = vector.broadcast %get3A_45 : vector<1x128xf32> to vector<2000x128xf32>
    %add3A_47 = arith.addf %dot_general3A_42, %add3A_46 : vector<2000x128xf32>
    %swap3A_48 = arith.constant 0 : index
    %swap3A_49 = arith.constant 0 : index
    %swap3A_50 = vector.load %arg8[%swap3A_48, %swap3A_49] : memref<2000x128xf32, #tpu.memory_space<vmem>>, vector<2000x128xf32>
    tpu.vector_store %arg8[%swap3A_48, %swap3A_49], %add3A_47 {strides = array<i32>} : memref<2000x128xf32, #tpu.memory_space<vmem>>, vector<2000x128xf32>,
    return
  }
  func.func @transform_0(%arg0: i32) -> (i32, i32, i32) {
    %c0_i32 = arith.constant 0 : i32
    %c0_i32_0 = arith.constant 0 : i32
    %c0_i32_1 = arith.constant 0 : i32
    return %c0_i32, %arg0, %c0_i32_0 : i32, i32, i32
  }
  func.func @transform_1(%arg0: i32) -> (i32, i32, i32) {
    %c0_i32 = arith.constant 0 : i32
    %c0_i32_0 = arith.constant 0 : i32
    %c0_i32_1 = arith.constant 0 : i32
    return %c0_i32, %arg0, %c0_i32_0 : i32, i32, i32
  }
  func.func @transform_2(%arg0: i32) -> (i32, i32) {
    %c0_i32 = arith.constant 0 : i32
    %c0_i32_0 = arith.constant 0 : i32
    return %arg0, %c0_i32 : i32, i32
  }
  func.func @transform_3(%arg0: i32) -> (i32, i32) {
    %c0_i32 = arith.constant 0 : i32
    %c0_i32_0 = arith.constant 0 : i32
    %c0_i32_1 = arith.constant 0 : i32
    return %c0_i32, %c0_i32_0 : i32, i32
  }
  func.func @transform_4(%arg0: i32) -> (i32, i32) {
    %c0_i32 = arith.constant 0 : i32
    %c0_i32_0 = arith.constant 0 : i32
    %c0_i32_1 = arith.constant 0 : i32
    return %c0_i32, %c0_i32_0 : i32, i32
  }
  func.func @transform_5(%arg0: i32) -> (i32, i32) {
    %c0_i32 = arith.constant 0 : i32
    %c0_i32_0 = arith.constant 0 : i32
    %c0_i32_1 = arith.constant 0 : i32
    return %c0_i32, %c0_i32_0 : i32, i32
  }
  func.func @transform_6(%arg0: i32) -> (i32, i32) {
    %c0_i32 = arith.constant 0 : i32
    %c0_i32_0 = arith.constant 0 : i32
    return %arg0, %c0_i32 : i32, i32
  }
  func.func @transform_7(%arg0: i32) -> (i32, i32) {
    %c0_i32 = arith.constant 0 : i32
    %c0_i32_0 = arith.constant 0 : i32
    return %arg0, %c0_i32 : i32, i32
  }
}

module attributes {stable_mosaic.version = 14 : i64} {
  func.func @body(%arg0: i32, %arg1: memref<2x2000x128xf32, #tpu.memory_space<vmem>>, %arg2: memref<2x2000x128xf32, #tpu.memory_space<vmem>>, %arg3: memref<2000x64xf32, #tpu.memory_space<vmem>>, %arg4: memref<2000x64xf32, #tpu.memory_space<vmem>>) attributes {dimension_semantics = [#tpu.dimension_semantics<arbitrary>], iteration_bounds = array<i64: 5>, scalar_prefetch = 0 : i64, scratch_operands = 0 : i64, tpu.core_type = #tpu.core_type<tc>, window_params = [{transform_indices = @transform_0, window_bounds = array<i64: 2, 2000, 128>}, {transform_indices = @transform_1, window_bounds = array<i64: 2, 2000, 128>}, {transform_indices = @transform_2, window_bounds = array<i64: 2000, 64>}, {transform_indices = @transform_3, window_bounds = array<i64: 2000, 64>}]} {
    %get3A = arith.constant 0 : index
    %get3A_0 = arith.constant 0 : index
    %get3A_1 = arith.constant 0 : index
    %get3A_2 = vector.load %arg1[%get3A, %get3A_0, %get3A_1] : memref<2x2000x128xf32, #tpu.memory_space<vmem>>, vector<1x2000x64xf32>
    %get3A_3 = vector.shape_cast %get3A_2 : vector<1x2000x64xf32> to vector<2000x64xf32>
    %get3A_4 = arith.constant 1 : index
    %get3A_5 = arith.constant 0 : index
    %get3A_6 = arith.constant 0 : index
    %get3A_7 = vector.load %arg1[%get3A_4, %get3A_5, %get3A_6] : memref<2x2000x128xf32, #tpu.memory_space<vmem>>, vector<1x2000x64xf32>
    %get3A_8 = vector.shape_cast %get3A_7 : vector<1x2000x64xf32> to vector<2000x64xf32>
    %add3A = arith.addf %get3A_3, %get3A_8 : vector<2000x64xf32>
    %get3A_9 = arith.constant 0 : index
    %get3A_10 = arith.constant 0 : index
    %get3A_11 = arith.constant 0 : index
    %get3A_12 = vector.load %arg2[%get3A_9, %get3A_10, %get3A_11] : memref<2x2000x128xf32, #tpu.memory_space<vmem>>, vector<1x2000x1xf32>
    %get3A_13 = vector.shape_cast %get3A_12 : vector<1x2000x1xf32> to vector<2000x1xf32>
    %get3A_14 = arith.constant 1 : index
    %get3A_15 = arith.constant 0 : index
    %get3A_16 = arith.constant 0 : index
    %get3A_17 = vector.load %arg2[%get3A_14, %get3A_15, %get3A_16] : memref<2x2000x128xf32, #tpu.memory_space<vmem>>, vector<1x2000x1xf32>
    %get3A_18 = vector.shape_cast %get3A_17 : vector<1x2000x1xf32> to vector<2000x1xf32>
    %add3A_19 = arith.addf %get3A_13, %get3A_18 : vector<2000x1xf32>
    %max3A = arith.constant 1.000000e+00 : f32
    %max3A_20 = vector.broadcast %max3A : f32 to vector<2000x1xf32>
    %max3A_21 = arith.maximumf %add3A_19, %max3A_20 : vector<2000x1xf32>
    %div3A = arith.constant 1.000000e+00 : f32
    %div3A_22 = vector.broadcast %div3A : f32 to vector<2000x1xf32>
    %div3A_23 = arith.divf %div3A_22, %max3A_21 : vector<2000x1xf32>
    %mul3A = vector.broadcast %div3A_23 : vector<2000x1xf32> to vector<2000x64xf32>
    %mul3A_24 = arith.mulf %add3A, %mul3A : vector<2000x64xf32>
    %get3A_25 = arith.constant 0 : index
    %get3A_26 = arith.constant 0 : index
    %get3A_27 = vector.load %arg3[%get3A_25, %get3A_26] : memref<2000x64xf32, #tpu.memory_space<vmem>>, vector<2000x64xf32>
    %add3A_28 = arith.addf %mul3A_24, %get3A_27 : vector<2000x64xf32>
    %reduce_max3A = arith.constant dense<0xFF800000> : vector<2000xf32>
    %reduce_max3A_29 = vector.multi_reduction <maximumf>, %add3A_28, %reduce_max3A [1] : vector<2000x64xf32> to vector<2000xf32>
    %broadcast_in_dim3A = vector.shape_cast %reduce_max3A_29 : vector<2000xf32> to vector<2000x1xf32>
    %sub3A = vector.broadcast %broadcast_in_dim3A : vector<2000x1xf32> to vector<2000x64xf32>
    %sub3A_30 = arith.subf %add3A_28, %sub3A : vector<2000x64xf32>
    %exp3A = math.exp %sub3A_30 : vector<2000x64xf32>
    %sub3A_31 = vector.broadcast %broadcast_in_dim3A : vector<2000x1xf32> to vector<2000x64xf32>
    %sub3A_32 = arith.subf %add3A_28, %sub3A_31 : vector<2000x64xf32>
    %reduce_sum3A = arith.constant dense<0.000000e+00> : vector<2000xf32>
    %reduce_sum3A_33 = vector.multi_reduction <add>, %exp3A, %reduce_sum3A [1] : vector<2000x64xf32> to vector<2000xf32>
    %broadcast_in_dim3A_34 = vector.shape_cast %reduce_sum3A_33 : vector<2000xf32> to vector<2000x1xf32>
    %log3A = math.log %broadcast_in_dim3A_34 : vector<2000x1xf32>
    %sub3A_35 = vector.broadcast %log3A : vector<2000x1xf32> to vector<2000x64xf32>
    %sub3A_36 = arith.subf %sub3A_32, %sub3A_35 : vector<2000x64xf32>
    %swap3A = arith.constant 0 : index
    %swap3A_37 = arith.constant 0 : index
    %swap3A_38 = vector.load %arg4[%swap3A, %swap3A_37] : memref<2000x64xf32, #tpu.memory_space<vmem>>, vector<2000x64xf32>
    tpu.vector_store %arg4[%swap3A, %swap3A_37], %sub3A_36 {strides = array<i32>} : memref<2000x64xf32, #tpu.memory_space<vmem>>, vector<2000x64xf32>,
    return
  }
  func.func @transform_0(%arg0: i32) -> (i32, i32, i32) {
    %c0_i32 = arith.constant 0 : i32
    %c0_i32_0 = arith.constant 0 : i32
    %c0_i32_1 = arith.constant 0 : i32
    return %c0_i32, %arg0, %c0_i32_0 : i32, i32, i32
  }
  func.func @transform_1(%arg0: i32) -> (i32, i32, i32) {
    %c0_i32 = arith.constant 0 : i32
    %c0_i32_0 = arith.constant 0 : i32
    %c0_i32_1 = arith.constant 0 : i32
    return %c0_i32, %arg0, %c0_i32_0 : i32, i32, i32
  }
  func.func @transform_2(%arg0: i32) -> (i32, i32) {
    %c0_i32 = arith.constant 0 : i32
    %c0_i32_0 = arith.constant 0 : i32
    return %arg0, %c0_i32 : i32, i32
  }
  func.func @transform_3(%arg0: i32) -> (i32, i32) {
    %c0_i32 = arith.constant 0 : i32
    %c0_i32_0 = arith.constant 0 : i32
    return %arg0, %c0_i32 : i32, i32
  }
}

</mosaic_0001>

<sc_bundles>
// kernel: kernel.10.cloned.1.call-start
scs
__scs_entry_jumppad:
0x0: {  	(pc) =	sbr.rel $0x88, $3  }
0x1: {  	(tag) =	ssettag $0x0;
	lr =	simm.s32 $0x1  }
0x2: {  	[smem:$0x3F96] =	sst lr;
	_ =	strace $0xD0000000  }
0x3: {  	_ = 	snop  }
0x4: {  	_ = 	snop  }
0x5: {  	_ = 	snop  }
0x6: {  	_ = 	snop  }
0x7: {  	_ = 	snop  }
__scs_overlays_trampoline_lowered:
0x8: {  	[smem:$0x3FA5] =	sst s0  }
0x9: {  	[smem:$0x3FA6] =	sst s1  }
0xa: {  	[smem:$0x3FA7] =	sst s2  }
0xb: {  	[smem:$0x3FA8] =	sst s3  }
0xc: {  	[smem:$0x3FA9] =	sst s4  }
0xd: {  	[smem:$0x3FAA] =	sst s5  }
0xe: {  	[smem:$0x3FAB] =	sst s6  }
0xf: {  	[smem:$0x3FAC] =	sst s7  }
0x10: {  	[smem:$0x3FAD] =	sst s8  }
0x11: {  	[smem:$0x3FAE] =	sst s9;
	s0 =	simm.s32 @!p0 $0x0  }
0x12: {  	s1 =	sld [smem:$0x3F94];
	s0 =	simm.s32 @p0 $0x1  }
0x13: {  	[smem:$0x3FAF] =	sst s0;
	s0 =	simm.s32 @!p1 $0x0  }
0x14: {  	s2 =	sld [smem:$0x3F93];
	s0 =	simm.s32 @p1 $0x1  }
0x15: {  	[smem:$0x3FB0] =	sst s0;
	s0 =	simm.s32 @!p2 $0x0  }
0x16: {  	s3 =	sld [smem:$0x3FDB];
	s0 =	simm.s32 @p2 $0x1  }
0x17: {  	s4 =	simm.s32 $0x1BF5;
	[smem:$0x3FB2] =	sst s0  }
0x18: {  	s0 =	sld [smem:$0x3F95];
	_ =	swait.ge [sflag:s4], $0x0  }
0x19: {  	s7 =	sld [smem:$0x3F96]  }
0x1a: {  	s8 =	sadd.s32 $0xFFFFE003, lr  }
0x1b: {  	s9 =	sadd.s32 $0xFFFFFEF7, lr;
	s5 =	simm.s32 $0xFFFFFFFF;
	p2 =	slt.u32 s8, $0xFFFFF086  }
0x1c: {  	p1 =	slt.u32 s9, $0xF7A;
	s5 =	simm.s32 @!p2 $0x0  }
0x1d: {  	s5 =	simm.s32 @p1 $0x1;
	p0 =	seq.s32 s7, s2  }
0x1e: {  	s7 =	smul.u32 @!p0 $0xF7A, s2;
	p2 =	seq.s32 @!p0 s5, $0x0  }
0x1f: {  	s9 =	smul.u32 $0xF7A, s1;
	s8 =	simm.s32 @!p0 $0x1BF5;
	p2 =	por !p2, p0  }
0x20: {  	[sflag:s8] =	ssyncset.s32 @!p0 $0xFFFFF086;
	s6 =	sadd.s32 @!p0 s3, s7;
	s7 =	simm.s32 @!p0 $0x108  }
0x21: {  	s3 =	sadd.s32 s3, s9;
	s6 =	sadd.s32 @!p0 $0x88, s6;
	s7 =	simm.s32 @p2 $0x1082  }
0x22: {  	[simem:s7], [sflag:s8] =	dma.local @!p0 [hbm:s6], $0xF7A  }
0x23: {  	s9 =	sor.u32 $0xD0000000, s2;
	s6 =	simm.s32 $0x108;
	_ =	swait.ge @!p0 [sflag:s8], $0x0  }
0x24: {  	s3 =	sadd.s32 $0x88, s3;
	s6 =	simm.s32 @!p1 $0x1082;
	[sflag:s4] =	ssyncset.s32 $0xFFFFF086  }
0x25: {  	[simem:s6], [sflag:s4] =	dma.local [hbm:s3], $0xF7A  }
0x26: {  	[smem:$0x3F96] =	sst s1;
	(tag) =	ssettag s2;
	_ =	strace s9  }
0x27: {  	s1 =	sld [smem:$0x3FA6]  }
0x28: {  	s2 =	sld [smem:$0x3FA7]  }
0x29: {  	s4 =	sld [smem:$0x3FA9]  }
0x2a: {  	p0 =	seq.s32 s5, $0x0;
	s5 =	sld [smem:$0x3FAA]  }
0x2b: {  	s6 =	sld [smem:$0x3FAB]  }
0x2c: {  	s7 =	sld [smem:$0x3FAC]  }
0x2d: {  	s3 =	simm.s32 $0x108;
	s8 =	sld [smem:$0x3FAD]  }
0x2e: {  	s3 =	simm.s32 @!p0 $0x1082;
	s9 =	sld [smem:$0x3FAE]  }
0x2f: {  	lr =	sadd.s32 s0, s3;
	s0 =	sld [smem:$0x3FA5]  }
0x30: {  	s3 =	sld [smem:$0x3FA8]  }
0x31: {  	[smem:$0x3FB1] =	sst s10  }
0x32: {  	s10 =	sld [smem:$0x3FAF];
	_ =	sdelay $0x3  }
0x33: {  	p0 =	seq.s32 s10, $0x1;
	s10 =	sld [smem:$0x3FB1];
	_ =	sdelay $0x3  }
0x34: {  	[smem:$0x3FB1] =	sst s10  }
0x35: {  	s10 =	sld [smem:$0x3FB0];
	_ =	sdelay $0x3  }
0x36: {  	p1 =	seq.s32 s10, $0x1;
	s10 =	sld [smem:$0x3FB1];
	_ =	sdelay $0x3  }
0x37: {  	[smem:$0x3FB1] =	sst s10  }
0x38: {  	s10 =	sld [smem:$0x3FB2]  }
0x39: {  	_ = 	snop;
	(pc) =	sbr.ind lr, $3  }
0x3a: {  	_ = 	snop  }
0x3b: {  	_ = 	snop  }
0x3c: {  	p2 =	seq.s32 s10, $0x1;
	s10 =	sld [smem:$0x3FB1]  }
0x3d: {  	_ =	shalt  }
0x3e: {  	_ =	shalt  }
0x3f: {  	_ =	shalt  }
0x40: {  	_ =	shalt  }
0x41: {  	_ =	shalt  }
0x42: {  	_ =	shalt  }
0x43: {  	_ =	shalt  }
0x44: {  	_ =	shalt  }
0x45: {  	_ =	shalt  }
0x46: {  	_ =	shalt  }
0x47: {  	_ =	shalt  }
0x48: {  	_ =	shalt  }
0x49: {  	_ =	shalt  }
0x4a: {  	_ =	shalt  }
0x4b: {  	_ =	shalt  }
0x4c: {  	_ =	shalt  }
0x4d: {  	_ =	shalt  }
0x4e: {  	_ =	shalt  }
0x4f: {  	_ =	shalt  }
0x50: {  	_ =	shalt  }
0x51: {  	_ =	shalt  }
0x52: {  	_ =	shalt  }
0x53: {  	_ =	shalt  }
0x54: {  	_ =	shalt  }
0x55: {  	_ =	shalt  }
0x56: {  	_ =	shalt  }
0x57: {  	_ =	shalt  }
0x58: {  	_ =	shalt  }
0x59: {  	_ =	shalt  }
0x5a: {  	_ =	shalt  }
0x5b: {  	_ =	shalt  }
0x5c: {  	_ =	shalt  }
0x5d: {  	_ =	shalt  }
0x5e: {  	_ =	shalt  }
0x5f: {  	_ =	shalt  }
0x60: {  	_ =	shalt  }
0x61: {  	_ =	shalt  }
0x62: {  	_ =	shalt  }
0x63: {  	_ =	shalt  }
0x64: {  	_ =	shalt  }
0x65: {  	_ =	shalt  }
0x66: {  	_ =	shalt  }
0x67: {  	_ =	shalt  }
0x68: {  	_ =	shalt  }
0x69: {  	_ =	shalt  }
0x6a: {  	_ =	shalt  }
0x6b: {  	_ =	shalt  }
0x6c: {  	_ =	shalt  }
0x6d: {  	_ =	shalt  }
0x6e: {  	_ =	shalt  }
0x6f: {  	_ =	shalt  }
0x70: {  	_ =	shalt  }
0x71: {  	_ =	shalt  }
0x72: {  	_ =	shalt  }
0x73: {  	_ =	shalt  }
0x74: {  	_ =	shalt  }
0x75: {  	_ =	shalt  }
0x76: {  	_ =	shalt  }
0x77: {  	_ =	shalt  }
0x78: {  	_ =	shalt  }
0x79: {  	_ =	shalt  }
0x7a: {  	_ =	shalt  }
0x7b: {  	_ =	shalt  }
0x7c: {  	_ =	shalt  }
0x7d: {  	_ =	shalt  }
0x7e: {  	_ =	shalt  }
0x7f: {  	_ =	shalt  }
0x80: {  	_ =	shalt  }
0x81: {  	_ =	shalt  }
0x82: {  	_ =	shalt  }
0x83: {  	_ =	shalt  }
0x84: {  	_ =	shalt  }
0x85: {  	_ =	shalt  }
0x86: {  	_ =	shalt  }
0x87: {  	_ =	shalt  }
.Lfunc_end0:
.L_simem_size_0:
called_computation_lowered:
.L_overlay_start_0:
0x88: {  	s2 =	sld [smem:$0x3FD9]  }
0x89: {  	s3 =	sld [smem:$0x3FFE];
	_ =	sdelay $0x1  }
0x8a: {  	s1 =	srdreg.scid  }
0x8b: {  	s0 =	sand.u32 $0x1, s1  }
0x8c: {  	s17 =	sshll.u32 s0, $0xA;
	s2 =	sadd.s32 s3, s2  }
0x8d: {  	s2 =	sadd.s32 s2, s17  }
0x8e: {  	[smem:$0x3FBD] =	sst s2  }
0x8f: {  	_ = 	snop  }
0x90: {  	(tm) =	ssettm $0x1  }
0x91: {  	s18 =	sld [smem:$0x3FFB];
	_ =	sdelay $0x3  }
0x92: {  	_ =	strace s18  }
0x93: {  	s2 =	sld [smem:$0x3FFC];
	_ =	sdelay $0x3  }
0x94: {  	_ =	strace s2  }
0x95: {  	s2 =	sld [smem:$0x3FFD];
	_ =	sdelay $0x3  }
0x96: {  	_ =	strace s2  }
0x97: {  	_ =	strace $0x8FFFFFFF  }
0x98: {  	s19 =	sld [smem:$0x3FDB];
	_ =	sdelay $0x1  }
0x99: {  	s20 =	simm.s32 $_scs_section_size  }
0x9a: {  	s4 =	simm.s32 $_size__tile_overlayer_lowered;
	s5 =	simm.s32 $_tile_overlayer_lowered  }
0x9b: {  	s6 =	simm.s32 $0x1BFF;
	s21 =	sshll.u32 s5, $0x1;
	s3 =	sadd.s32 s20, s19  }
0x9c: {  	s22 =	simm.s32 $0x0;
	s4 =	sshll.u32 s4, $0x1;
	s5 =	sadd.s32 s21, s3  }
0x9d: {  	[timem:s22], [sflag:s6] =	dma.local [hbm:s5], s4  }
0x9e: {  	_ =	swait.ge [sflag:s6], s4  }
0x9f: {  	s4 =	ssub.s32 $0x0, s4;
	[sflag:s6] =	ssyncset.done $0x0  }
0xa0: {  	[sflag:s6] =	ssyncadd.s32 s4;
	_ =	sdelay $0x1  }
0xa1: {  	s23 =	simm.s32 $0x1B8B  }
0xa2: {  	_ =	swait.ge [sflag:s23], $0x1  }
0xa3: {  	[sflag:s23] =	ssyncset.done $0x0  }
0xa4: {  	[sflag:s23] =	ssyncadd.s32 $0xFFFFFFFF  }
0xa5: {  	s4 =	sld [smem:$0x0]  }
0xa6: {  	s5 =	sand.u32 $0xFFFFFFFE, s1  }
0xa7: {  	p0 =	sne.s32 s1, s5  }
0xa8: {  	s5 =	sshll.u32 @p0 s5, $0xE  }
0xa9: {  	s5 =	sadd.s32 @p0 $0x11B8D, s5;
	s6 =	sshll.u32 @p0 s4, $0x11  }
0xaa: {  	s5 =	sor.u32 @p0 s6, s5  }
0xab: {  	[sflag:s5] =	ssyncadd.remote.s32 @p0 $0x1;
	_ =	sdelay $0x1  }
0xac: {  	s5 =	simm.s32 @p0 $0x1B8D  }
0xad: {  	_ =	swait.eq @p0 [sflag:s5], $0x1  }
0xae: {  	[sflag:s5] =	ssyncadd.s32 @p0 $0xFFFFFFFF  }
0xaf: {  	s6 =	sshll.u32 @!p0 s1, $0xE  }
0xb0: {  	s6 =	sor.u32 @!p0 $0x4000, s6;
	s5 =	simm.s32 @!p0 $0x1B8D  }
0xb1: {  	s4 =	sshll.u32 @!p0 s4, $0x11;
	s6 =	sadd.s32 @!p0 $0x11B8D, s6;
	_ =	swait.eq @!p0 [sflag:s5], $0x1  }
0xb2: {  	s4 =	sor.u32 @!p0 s4, s6;
	[sflag:s5] =	ssyncadd.s32 @!p0 $0xFFFFFFFF  }
0xb3: {  	s25 =	simm.s32 $0x1B8E;
	s24 =	sld [smem:$0x3FFE];
	[sflag:s4] =	ssyncadd.remote.s32 @!p0 $0x1  }
0xb4: {  	s26 =	simm.s32 $execute0_lowered;
	[smem:$0x3FD2] =	sst s25  }
0xb5: {  	s5 =	sshll.u32 s26, $0x1;
	_ =	strace $0x80000049;
	[dreg:$0x1] =	wrdreg $0xFFFFFFFF  }
0xb6: {  	s28 =	simm.s32 $_size_execute0_lowered;
	s3 =	sadd.s32 s3, s5;
	[dreg:$0x0] =	wrdreg $0x0  }
0xb7: {  	s5 =	sshll.u32 s28, $0x1;
	[dreg:$0x2] =	wrdreg s3  }
0xb8: {  	[dreg:$0x3] =	wrdreg s5  }
0xb9: {  	[dreg:$0x4] =	wrdreg $0xC0  }
0xba: {  	_ =	task [dreg:s22], $0x5FFFF  }
0xbb: {  	[dreg:$0x1] =	wrdreg $0xFFFFFFFF  }
0xbc: {  	[dreg:$0x0] =	wrdreg $0x60  }
0xbd: {  	[dreg:$0x2] =	wrdreg s24  }
0xbe: {  	[dreg:$0x3] =	wrdreg $0x68000  }
0xbf: {  	[dreg:$0x4] =	wrdreg $0x9  }
0xc0: {  	_ =	task.clear_ibuf [dreg:s22], $0x5FFFF;
	_ =	strace $0x90000049  }
0xc1: {  	s29 =	simm.s32 $0x9;
	_ =	strace $0x8000004B  }
0xc2: {  	_ =	swait.ge [sflag:s29], $0x1  }
0xc3: {  	[sflag:s29] =	ssyncadd.s32 $0xFFFFFFFF  }
0xc4: {  	_ =	strace $0x9000004B  }
0xc5: {  	_ =	sfence  }
0xc6: {  	s30 =	sld [smem:$0x0];
	_ =	sdelay $0x2  }
0xc7: {  	s31 =	sshll.u32 s1, $0xD;
	s1 =	sshrl.u32 s1, $0x2  }
0xc8: {  	s4 =	sand.u32 $0x4000, s31;
	s1 =	sadd.s32 s1, s30  }
0xc9: {  	s0 =	sor.u32 s4, s0;
	s1 =	sshll.u32 s1, $0x11  }
0xca: {  	s0 =	sor.u32 s1, s0  }
0xcb: {  	s0 =	sadd.s32 $0x8F2B, s0  }
0xcc: {  	[sflag:s0] =	ssyncadd.remote.s32 $0x1  }
0xcd: {  	_ =	sfence.sel $0xFFFF  }
0xce: {  	[dreg:$0x0] =	wrdreg $0xFFFFFFFF;
	(pc) =	sbr.abs _section_cstart, $3  }
0xcf: {  	[dreg:$0x1] =	wrdreg $0xFFFFFFFF  }
0xd0: {  	_ =	task.clear_ibuf [dreg:s22], $0x2FFFF;
	_ =	strace $0x9FFFFFFF  }
0xd1: {  	(tm) =	ssettm $0x7FFFFFFF  }
tec
execute0_lowered:
.L_overlay_start_1:
0x0: {  	(tag) =	ssettag $0x1  }
0x1: {  	s1 =	srdreg.scid;
	s7 =	rddreg [dreg:$0x0]  }
0x2: {  	s0 =	stileid.u32;
	s2 =	rddreg [dreg:$0x1]  }
0x3: {  	s3 =	simm.s32 $0x0;
	s13 =	simm.s32 $0x80;
	s14 =	simm.s32 $0x1  }
0x4: {  	s15 =	simm.s32 $0x0;
	s6 =	sand.u32 $0x1, s1;
	s8 =	smul.u32 $0x14000, s0  }
0x5: {  	s30 =	sshll.u32 s0, $0x1;
	[smem:$0x7FF] =	sst s3;
	s10 =	smul.u32 $0x50000, s0  }
0x6: {  	s11 =	sshll.u32 s0, $0x6;
	s1 =	sor.u32 s6, s30;
	s5 =	smul.u32 $0x140000, s6  }
0x7: {  	s6 =	ssub.s32 $0x2, s6;
	s4 =	smul.u32 $0x500, s1;
	s1 =	rddreg [dreg:$0x2]  }
0x8: {  	_ =	strace $0x8000004A;
	s31 =	sshrl.u32 s6, $0x1;
	s10 =	sshrl.u32 s10, $0x2  }
0x9: {  	s5 =	sadd.s32 s8, s5;
	s12 =	ssub.s32 s6, s31;
	s10 =	sadd.s32 s10, s2  }
0xa: {  	s6 =	sor.u32 $0x1C02, s11;
	s11 =	simm.s32 $0x2;
	s9 =	sadd.s32 s4, s7  }
0xb: {  	s4 =	sadd.s32 $0x34200, s7;
	s8 =	sshrl.u32 s5, $0x3;
	s5 =	sadd.s32 $0x86A00, s7  }
0xc: {  	s10 =	sshrl.u32 s10, $0x3;
	s8 =	sadd.s32 s8, s7;
	s7 =	sadd.s32 $0x3000, s9  }
0xd: {  	s9 =	smax.u32 s12, $0x1;
	s12 =	simm.s32 $0x2800;
	s8 =	sadd.s32 $0x87200, s8  }
.LBB2_1:
0xe: {  	[spmem:s10], [sflag:s6] =	dma.local [hbm:s4], $0x2800  }
0xf: {  	_ =	swait.ge [sflag:s11], $0x2800  }
0x10: {  	[sflag:s11] =	ssyncset.done $0x0  }
0x11: {  	[sflag:s11] =	ssyncadd.s32 $0xFFFFD800  }
0x12: {  	[tilespmem:s3], [sflag:$0x2] =	stream.linear.gather [hbm4b:s7+s3], $0x2800, $0x38;
	[tilespmem:$0x1A800] =	vst v63  }
0x13: {  	_ =	swait.ge [sflag:s11], $0x2800  }
0x14: {  	[sflag:s11] =	ssyncset.done $0x0  }
0x15: {  	[sflag:s11] =	ssyncadd.s32 $0xFFFFD800  }
0x16: {  	[tilespmem:s12], [sflag:$0x2] =	stream.linear.gather [hbm4b:s5+s3], $0x4000, $0x38;
	[tilespmem:$0x1A800] =	vst v63  }
0x17: {  	_ =	swait.ge [sflag:s11], $0x4000  }
0x18: {  	[sflag:s11] =	ssyncset.done $0x0  }
0x19: {  	[sflag:s11] =	ssyncadd.s32 $0xFFFFC000  }
0x1a: {  	s16 =	simm.s32 $0x0;
	[bflag:$0x0] =	sbarrier.arrive $0xFFFF  }
0x1b: {  	[spmem:s2] =	stream.indirect.scatter.add.f32 [tilespmem:s12], [sflag:$0x1], $0x80, s16, s13, $0xb8;
	[tilespmem:$0x1A800] =	vst v63  }
0x1c: {  	s24 =	simm.s32 $0x80  }
0x1d: {  	[spmem:s2] =	stream.indirect.scatter.add.f32 [tilespmem:s12], [sflag:$0x1], $0x80, s24, s13, $0xb8;
	[tilespmem:$0x1A800] =	vst v63  }
0x1e: {  	s25 =	simm.s32 $0x100  }
0x1f: {  	[spmem:s2] =	stream.indirect.scatter.add.f32 [tilespmem:s12], [sflag:$0x1], $0x80, s25, s13, $0xb8;
	[tilespmem:$0x1A800] =	vst v63  }
0x20: {  	s26 =	simm.s32 $0x180  }
0x21: {  	[spmem:s2] =	stream.indirect.scatter.add.f32 [tilespmem:s12], [sflag:$0x1], $0x80, s26, s13, $0xb8;
	[tilespmem:$0x1A800] =	vst v63  }
0x22: {  	s28 =	simm.s32 $0x200  }
0x23: {  	[spmem:s2] =	stream.indirect.scatter.add.f32 [tilespmem:s12], [sflag:$0x1], $0x80, s28, s13, $0xb8;
	[tilespmem:$0x1A800] =	vst v63  }
0x24: {  	s29 =	simm.s32 $0x280  }
0x25: {  	[spmem:s2] =	stream.indirect.scatter.add.f32 [tilespmem:s12], [sflag:$0x1], $0x80, s29, s13, $0xb8;
	[tilespmem:$0x1A800] =	vst v63  }
0x26: {  	s30 =	simm.s32 $0x300  }
0x27: {  	[spmem:s2] =	stream.indirect.scatter.add.f32 [tilespmem:s12], [sflag:$0x1], $0x80, s30, s13, $0xb8;
	[tilespmem:$0x1A800] =	vst v63  }
0x28: {  	s31 =	simm.s32 $0x380  }
0x29: {  	[spmem:s2] =	stream.indirect.scatter.add.f32 [tilespmem:s12], [sflag:$0x1], $0x80, s31, s13, $0xb8;
	[tilespmem:$0x1A800] =	vst v63  }
0x2a: {  	_ =	swait.ge [sflag:s14], $0x4000  }
0x2b: {  	[sflag:s14] =	ssyncset.done $0x0  }
0x2c: {  	[sflag:s14] =	ssyncadd.s32 $0xFFFFC000  }
0x2d: {  	_ =	swait.ge [sflag:s14], $0x4000  }
0x2e: {  	[sflag:s14] =	ssyncset.done $0x0  }
0x2f: {  	[sflag:s14] =	ssyncadd.s32 $0xFFFFC000  }
0x30: {  	_ =	swait.ge [sflag:s14], $0x4000  }
0x31: {  	[sflag:s14] =	ssyncset.done $0x0  }
0x32: {  	[sflag:s14] =	ssyncadd.s32 $0xFFFFC000  }
0x33: {  	_ =	swait.ge [sflag:s14], $0x4000  }
0x34: {  	[sflag:s14] =	ssyncset.done $0x0  }
0x35: {  	[sflag:s14] =	ssyncadd.s32 $0xFFFFC000  }
0x36: {  	_ =	swait.ge [sflag:s14], $0x4000  }
0x37: {  	[sflag:s14] =	ssyncset.done $0x0  }
0x38: {  	[sflag:s14] =	ssyncadd.s32 $0xFFFFC000  }
0x39: {  	_ =	swait.ge [sflag:s14], $0x4000  }
0x3a: {  	[sflag:s14] =	ssyncset.done $0x0  }
0x3b: {  	[sflag:s14] =	ssyncadd.s32 $0xFFFFC000  }
0x3c: {  	_ =	swait.ge [sflag:s14], $0x4000  }
0x3d: {  	[sflag:s14] =	ssyncset.done $0x0  }
0x3e: {  	[sflag:s14] =	ssyncadd.s32 $0xFFFFC000  }
0x3f: {  	_ =	swait.ge [sflag:s14], $0x4000  }
0x40: {  	s18 =	simm.s32 $0x2000;
	s16 =	simm.s32 $0x1000;
	[sflag:s14] =	ssyncset.done $0x0  }
.LBB2_2:
0x41: {  	s19 =	sshra.s32 s16, $0x2  }
0x42: {  	[sflag:s14] =	ssyncadd.s32 $0xFFFFC000;
	s16 =	smov.u32 s18;
	s17 =	sadd.s32 $0x1000, s18  }
0x43: {  	[spmem:s2] =	stream.indirect.scatter.add.f32 [tilespmem:s12], [sflag:$0x1], $0x80, s19, s13, $0xb8;
	[tilespmem:$0x1A800] =	vst v63  }
0x44: {  	p0 =	sne.s32 s18, $0x9000;
	s18 =	sadd.s32 $0x80, s19  }
0x45: {  	[spmem:s2] =	stream.indirect.scatter.add.f32 [tilespmem:s12], [sflag:$0x1], $0x80, s18, s13, $0xb8;
	[tilespmem:$0x1A800] =	vst v63  }
0x46: {  	s18 =	sadd.s32 $0x100, s19  }
0x47: {  	[spmem:s2] =	stream.indirect.scatter.add.f32 [tilespmem:s12], [sflag:$0x1], $0x80, s18, s13, $0xb8;
	[tilespmem:$0x1A800] =	vst v63  }
0x48: {  	s18 =	sadd.s32 $0x180, s19  }
0x49: {  	[spmem:s2] =	stream.indirect.scatter.add.f32 [tilespmem:s12], [sflag:$0x1], $0x80, s18, s13, $0xb8;
	[tilespmem:$0x1A800] =	vst v63  }
0x4a: {  	s18 =	sadd.s32 $0x200, s19  }
0x4b: {  	[spmem:s2] =	stream.indirect.scatter.add.f32 [tilespmem:s12], [sflag:$0x1], $0x80, s18, s13, $0xb8;
	[tilespmem:$0x1A800] =	vst v63  }
0x4c: {  	s18 =	sadd.s32 $0x280, s19  }
0x4d: {  	[spmem:s2] =	stream.indirect.scatter.add.f32 [tilespmem:s12], [sflag:$0x1], $0x80, s18, s13, $0xb8;
	[tilespmem:$0x1A800] =	vst v63  }
0x4e: {  	s18 =	sadd.s32 $0x300, s19  }
0x4f: {  	[spmem:s2] =	stream.indirect.scatter.add.f32 [tilespmem:s12], [sflag:$0x1], $0x80, s18, s13, $0xb8;
	[tilespmem:$0x1A800] =	vst v63  }
0x50: {  	s18 =	sadd.s32 $0x380, s19  }
0x51: {  	[spmem:s2] =	stream.indirect.scatter.add.f32 [tilespmem:s12], [sflag:$0x1], $0x80, s18, s13, $0xb8;
	[tilespmem:$0x1A800] =	vst v63  }
0x52: {  	_ =	swait.ge [sflag:s14], $0x4000  }
0x53: {  	[sflag:s14] =	ssyncset.done $0x0  }
0x54: {  	[sflag:s14] =	ssyncadd.s32 $0xFFFFC000  }
0x55: {  	_ =	swait.ge [sflag:s14], $0x4000  }
0x56: {  	[sflag:s14] =	ssyncset.done $0x0  }
0x57: {  	[sflag:s14] =	ssyncadd.s32 $0xFFFFC000  }
0x58: {  	_ =	swait.ge [sflag:s14], $0x4000  }
0x59: {  	[sflag:s14] =	ssyncset.done $0x0  }
0x5a: {  	[sflag:s14] =	ssyncadd.s32 $0xFFFFC000  }
0x5b: {  	_ =	swait.ge [sflag:s14], $0x4000  }
0x5c: {  	[sflag:s14] =	ssyncset.done $0x0  }
0x5d: {  	[sflag:s14] =	ssyncadd.s32 $0xFFFFC000  }
0x5e: {  	_ =	swait.ge [sflag:s14], $0x4000  }
0x5f: {  	[sflag:s14] =	ssyncset.done $0x0  }
0x60: {  	[sflag:s14] =	ssyncadd.s32 $0xFFFFC000  }
0x61: {  	_ =	swait.ge [sflag:s14], $0x4000  }
0x62: {  	[sflag:s14] =	ssyncset.done $0x0  }
0x63: {  	[sflag:s14] =	ssyncadd.s32 $0xFFFFC000  }
.Ltmp0:
0x64: {  	_ =	swait.ge [sflag:s14], $0x4000;
	(pc) =	sbr.rel @p0 .LBB2_2-.Ltmp0, $4  }
0x65: {  	[sflag:s14] =	ssyncset.done $0x0  }
0x66: {  	[sflag:s14] =	ssyncadd.s32 $0xFFFFC000  }
0x67: {  	_ =	swait.ge [sflag:s14], $0x4000  }
0x68: {  	s18 =	smov.u32 s17;
	[sflag:s14] =	ssyncset.done $0x0  }
0x69: {  	s16 =	sshra.s32 s16, $0x2;
	[sflag:s14] =	ssyncadd.s32 $0xFFFFC000  }
0x6a: {  	[spmem:s2] =	stream.indirect.scatter.add.f32 [tilespmem:s12], [sflag:$0x1], $0x80, s16, s13, $0xb8;
	[tilespmem:$0x1A800] =	vst v63  }
0x6b: {  	s17 =	sadd.s32 $0x80, s16  }
0x6c: {  	[spmem:s2] =	stream.indirect.scatter.add.f32 [tilespmem:s12], [sflag:$0x1], $0x80, s17, s13, $0xb8;
	[tilespmem:$0x1A800] =	vst v63  }
0x6d: {  	s26 =	sadd.s32 $0x100, s16  }
0x6e: {  	[spmem:s2] =	stream.indirect.scatter.add.f32 [tilespmem:s12], [sflag:$0x1], $0x80, s26, s13, $0xb8;
	[tilespmem:$0x1A800] =	vst v63  }
0x6f: {  	s28 =	sadd.s32 $0x180, s16  }
0x70: {  	[spmem:s2] =	stream.indirect.scatter.add.f32 [tilespmem:s12], [sflag:$0x1], $0x80, s28, s13, $0xb8;
	[tilespmem:$0x1A800] =	vst v63  }
0x71: {  	s29 =	sadd.s32 $0x200, s16  }
0x72: {  	[spmem:s2] =	stream.indirect.scatter.add.f32 [tilespmem:s12], [sflag:$0x1], $0x80, s29, s13, $0xb8;
	[tilespmem:$0x1A800] =	vst v63  }
0x73: {  	s30 =	sadd.s32 $0x280, s16  }
0x74: {  	[spmem:s2] =	stream.indirect.scatter.add.f32 [tilespmem:s12], [sflag:$0x1], $0x80, s30, s13, $0xb8;
	[tilespmem:$0x1A800] =	vst v63  }
0x75: {  	s31 =	sadd.s32 $0x300, s16  }
0x76: {  	[spmem:s2] =	stream.indirect.scatter.add.f32 [tilespmem:s12], [sflag:$0x1], $0x80, s31, s13, $0xb8;
	[tilespmem:$0x1A800] =	vst v63  }
0x77: {  	s16 =	sadd.s32 $0x380, s16  }
0x78: {  	[spmem:s2] =	stream.indirect.scatter.add.f32 [tilespmem:s12], [sflag:$0x1], $0x80, s16, s13, $0xb8;
	[tilespmem:$0x1A800] =	vst v63  }
0x79: {  	_ =	swait.ge [sflag:s14], $0x4000  }
0x7a: {  	[sflag:s14] =	ssyncset.done $0x0  }
0x7b: {  	[sflag:s14] =	ssyncadd.s32 $0xFFFFC000  }
0x7c: {  	_ =	swait.ge [sflag:s14], $0x4000  }
0x7d: {  	[sflag:s14] =	ssyncset.done $0x0  }
0x7e: {  	[sflag:s14] =	ssyncadd.s32 $0xFFFFC000  }
0x7f: {  	_ =	swait.ge [sflag:s14], $0x4000  }
0x80: {  	[sflag:s14] =	ssyncset.done $0x0  }
0x81: {  	[sflag:s14] =	ssyncadd.s32 $0xFFFFC000  }
0x82: {  	_ =	swait.ge [sflag:s14], $0x4000  }
0x83: {  	[sflag:s14] =	ssyncset.done $0x0  }
0x84: {  	[sflag:s14] =	ssyncadd.s32 $0xFFFFC000  }
0x85: {  	_ =	swait.ge [sflag:s14], $0x4000  }
0x86: {  	[sflag:s14] =	ssyncset.done $0x0  }
0x87: {  	[sflag:s14] =	ssyncadd.s32 $0xFFFFC000  }
0x88: {  	_ =	swait.ge [sflag:s14], $0x4000  }
0x89: {  	[sflag:s14] =	ssyncset.done $0x0  }
0x8a: {  	[sflag:s14] =	ssyncadd.s32 $0xFFFFC000  }
0x8b: {  	_ =	swait.ge [sflag:s14], $0x4000  }
0x8c: {  	[sflag:s14] =	ssyncset.done $0x0  }
0x8d: {  	[sflag:s14] =	ssyncadd.s32 $0xFFFFC000  }
0x8e: {  	_ =	swait.ge [sflag:s14], $0x4000  }
0x8f: {  	s15 =	sadd.s32 $0x1, s15;
	[sflag:s14] =	ssyncset.done $0x0  }
0x90: {  	p0 =	sne.s32 s15, s9;
	[sflag:s14] =	ssyncadd.s32 $0xFFFFC000  }
.Ltmp1:
0x91: {  	[bflag:$0x0] =	sbarrier.arrive $0xFFFF;
	(pc) =	sbr.rel @p0 .LBB2_1-.Ltmp1, $4  }
0x92: {  	[hbm:s8], [sflag:s6] =	dma.local [spmem:s10], $0x2800  }
0x93: {  	_ =	swait.ge [sflag:s11], $0x2800  }
0x94: {  	[sflag:s11] =	ssyncset.done $0x0  }
0x95: {  	[sflag:s11] =	ssyncadd.s32 $0xFFFFD800  }
0x96: {  	_ =	sfence.sel $0x180000  }
0x97: {  	[bflag:$0x0] =	sbarrier.arrive $0xFFFF  }
0x98: {  	p0 =	sne.s32 s0, $0x0;
	_ =	strace $0x9000004A  }
0x99: {  	s0 =	sadd.s32 @!p0 $0x100000, s1;
	[bflag:$0x2] =	sbarrier.arrive $0xFFFF  }
0x9a: {  	[sflag:s0] =	ssyncadd.tile.s32 @!p0 $0x1;
	_ =	shalt  }
.Lfunc_end2:
_tile_overlayer_lowered:
.L_overlay_start_2:
0x9b: {  	(tag) =	ssettag $0x2  }
0x9c: {  	s0 =	rddreg [dreg:$0x0];
	s2 =	stileid.u32  }
0x9d: {  	s1 =	rddreg [dreg:$0x1];
	p0 =	sne.s32 s2, $0x0  }
0x9e: {  	s3 =	rddreg [dreg:$0x2];
	[bflag:$0x3] =	sbarrier.arrive $0xFFFF;
	s2 =	simm.s32 @!p0 $0x1C02  }
0x9f: {  	[timem:s3], [sflag:s2] =	dma.local @!p0 [hbm:s0], s1  }
0xa0: {  	s0 =	simm.s32 @!p0 $0x2  }
0xa1: {  	_ =	swait.ge @!p0 [sflag:s0], s1  }
0xa2: {  	s1 =	ssub.s32 @!p0 $0x0, s1;
	[sflag:s0] =	ssyncset.done @!p0 $0x0  }
0xa3: {  	[sflag:s0] =	ssyncadd.s32 @!p0 s1  }
0xa4: {  	[bflag:$0x3] =	sbarrier.arrive $0xFFFF  }
0xa5: {  	_ =	shalt  }

// kernel: kernel.13.cloned.1.call-start
scs
__scs_entry_jumppad:
0x0: {  	(pc) =	sbr.rel $0x88, $3  }
0x1: {  	(tag) =	ssettag $0x0;
	lr =	simm.s32 $0x1  }
0x2: {  	[smem:$0x3F96] =	sst lr;
	_ =	strace $0xD0000000  }
0x3: {  	_ = 	snop  }
0x4: {  	_ = 	snop  }
0x5: {  	_ = 	snop  }
0x6: {  	_ = 	snop  }
0x7: {  	_ = 	snop  }
__scs_overlays_trampoline_lowered:
0x8: {  	[smem:$0x3FA5] =	sst s0  }
0x9: {  	[smem:$0x3FA6] =	sst s1  }
0xa: {  	[smem:$0x3FA7] =	sst s2  }
0xb: {  	[smem:$0x3FA8] =	sst s3  }
0xc: {  	[smem:$0x3FA9] =	sst s4  }
0xd: {  	[smem:$0x3FAA] =	sst s5  }
0xe: {  	[smem:$0x3FAB] =	sst s6  }
0xf: {  	[smem:$0x3FAC] =	sst s7  }
0x10: {  	[smem:$0x3FAD] =	sst s8  }
0x11: {  	[smem:$0x3FAE] =	sst s9;
	s0 =	simm.s32 @!p0 $0x0  }
0x12: {  	s1 =	sld [smem:$0x3F94];
	s0 =	simm.s32 @p0 $0x1  }
0x13: {  	[smem:$0x3FAF] =	sst s0;
	s0 =	simm.s32 @!p1 $0x0  }
0x14: {  	s2 =	sld [smem:$0x3F93];
	s0 =	simm.s32 @p1 $0x1  }
0x15: {  	[smem:$0x3FB0] =	sst s0;
	s0 =	simm.s32 @!p2 $0x0  }
0x16: {  	s3 =	sld [smem:$0x3FDB];
	s0 =	simm.s32 @p2 $0x1  }
0x17: {  	s4 =	simm.s32 $0x1BF5;
	[smem:$0x3FB2] =	sst s0  }
0x18: {  	s0 =	sld [smem:$0x3F95];
	_ =	swait.ge [sflag:s4], $0x0  }
0x19: {  	s7 =	sld [smem:$0x3F96]  }
0x1a: {  	s8 =	sadd.s32 $0xFFFFE003, lr  }
0x1b: {  	s9 =	sadd.s32 $0xFFFFFEF7, lr;
	s5 =	simm.s32 $0xFFFFFFFF;
	p2 =	slt.u32 s8, $0xFFFFF086  }
0x1c: {  	p1 =	slt.u32 s9, $0xF7A;
	s5 =	simm.s32 @!p2 $0x0  }
0x1d: {  	s5 =	simm.s32 @p1 $0x1;
	p0 =	seq.s32 s7, s2  }
0x1e: {  	s7 =	smul.u32 @!p0 $0xF7A, s2;
	p2 =	seq.s32 @!p0 s5, $0x0  }
0x1f: {  	s9 =	smul.u32 $0xF7A, s1;
	s8 =	simm.s32 @!p0 $0x1BF5;
	p2 =	por !p2, p0  }
0x20: {  	[sflag:s8] =	ssyncset.s32 @!p0 $0xFFFFF086;
	s6 =	sadd.s32 @!p0 s3, s7;
	s7 =	simm.s32 @!p0 $0x108  }
0x21: {  	s3 =	sadd.s32 s3, s9;
	s6 =	sadd.s32 @!p0 $0x88, s6;
	s7 =	simm.s32 @p2 $0x1082  }
0x22: {  	[simem:s7], [sflag:s8] =	dma.local @!p0 [hbm:s6], $0xF7A  }
0x23: {  	s9 =	sor.u32 $0xD0000000, s2;
	s6 =	simm.s32 $0x108;
	_ =	swait.ge @!p0 [sflag:s8], $0x0  }
0x24: {  	s3 =	sadd.s32 $0x88, s3;
	s6 =	simm.s32 @!p1 $0x1082;
	[sflag:s4] =	ssyncset.s32 $0xFFFFF086  }
0x25: {  	[simem:s6], [sflag:s4] =	dma.local [hbm:s3], $0xF7A  }
0x26: {  	[smem:$0x3F96] =	sst s1;
	(tag) =	ssettag s2;
	_ =	strace s9  }
0x27: {  	s1 =	sld [smem:$0x3FA6]  }
0x28: {  	s2 =	sld [smem:$0x3FA7]  }
0x29: {  	s4 =	sld [smem:$0x3FA9]  }
0x2a: {  	p0 =	seq.s32 s5, $0x0;
	s5 =	sld [smem:$0x3FAA]  }
0x2b: {  	s6 =	sld [smem:$0x3FAB]  }
0x2c: {  	s7 =	sld [smem:$0x3FAC]  }
0x2d: {  	s3 =	simm.s32 $0x108;
	s8 =	sld [smem:$0x3FAD]  }
0x2e: {  	s3 =	simm.s32 @!p0 $0x1082;
	s9 =	sld [smem:$0x3FAE]  }
0x2f: {  	lr =	sadd.s32 s0, s3;
	s0 =	sld [smem:$0x3FA5]  }
0x30: {  	s3 =	sld [smem:$0x3FA8]  }
0x31: {  	[smem:$0x3FB1] =	sst s10  }
0x32: {  	s10 =	sld [smem:$0x3FAF];
	_ =	sdelay $0x3  }
0x33: {  	p0 =	seq.s32 s10, $0x1;
	s10 =	sld [smem:$0x3FB1];
	_ =	sdelay $0x3  }
0x34: {  	[smem:$0x3FB1] =	sst s10  }
0x35: {  	s10 =	sld [smem:$0x3FB0];
	_ =	sdelay $0x3  }
0x36: {  	p1 =	seq.s32 s10, $0x1;
	s10 =	sld [smem:$0x3FB1];
	_ =	sdelay $0x3  }
0x37: {  	[smem:$0x3FB1] =	sst s10  }
0x38: {  	s10 =	sld [smem:$0x3FB2]  }
0x39: {  	_ = 	snop;
	(pc) =	sbr.ind lr, $3  }
0x3a: {  	_ = 	snop  }
0x3b: {  	_ = 	snop  }
0x3c: {  	p2 =	seq.s32 s10, $0x1;
	s10 =	sld [smem:$0x3FB1]  }
0x3d: {  	_ =	shalt  }
0x3e: {  	_ =	shalt  }
0x3f: {  	_ =	shalt  }
0x40: {  	_ =	shalt  }
0x41: {  	_ =	shalt  }
0x42: {  	_ =	shalt  }
0x43: {  	_ =	shalt  }
0x44: {  	_ =	shalt  }
0x45: {  	_ =	shalt  }
0x46: {  	_ =	shalt  }
0x47: {  	_ =	shalt  }
0x48: {  	_ =	shalt  }
0x49: {  	_ =	shalt  }
0x4a: {  	_ =	shalt  }
0x4b: {  	_ =	shalt  }
0x4c: {  	_ =	shalt  }
0x4d: {  	_ =	shalt  }
0x4e: {  	_ =	shalt  }
0x4f: {  	_ =	shalt  }
0x50: {  	_ =	shalt  }
0x51: {  	_ =	shalt  }
0x52: {  	_ =	shalt  }
0x53: {  	_ =	shalt  }
0x54: {  	_ =	shalt  }
0x55: {  	_ =	shalt  }
0x56: {  	_ =	shalt  }
0x57: {  	_ =	shalt  }
0x58: {  	_ =	shalt  }
0x59: {  	_ =	shalt  }
0x5a: {  	_ =	shalt  }
0x5b: {  	_ =	shalt  }
0x5c: {  	_ =	shalt  }
0x5d: {  	_ =	shalt  }
0x5e: {  	_ =	shalt  }
0x5f: {  	_ =	shalt  }
0x60: {  	_ =	shalt  }
0x61: {  	_ =	shalt  }
0x62: {  	_ =	shalt  }
0x63: {  	_ =	shalt  }
0x64: {  	_ =	shalt  }
0x65: {  	_ =	shalt  }
0x66: {  	_ =	shalt  }
0x67: {  	_ =	shalt  }
0x68: {  	_ =	shalt  }
0x69: {  	_ =	shalt  }
0x6a: {  	_ =	shalt  }
0x6b: {  	_ =	shalt  }
0x6c: {  	_ =	shalt  }
0x6d: {  	_ =	shalt  }
0x6e: {  	_ =	shalt  }
0x6f: {  	_ =	shalt  }
0x70: {  	_ =	shalt  }
0x71: {  	_ =	shalt  }
0x72: {  	_ =	shalt  }
0x73: {  	_ =	shalt  }
0x74: {  	_ =	shalt  }
0x75: {  	_ =	shalt  }
0x76: {  	_ =	shalt  }
0x77: {  	_ =	shalt  }
0x78: {  	_ =	shalt  }
0x79: {  	_ =	shalt  }
0x7a: {  	_ =	shalt  }
0x7b: {  	_ =	shalt  }
0x7c: {  	_ =	shalt  }
0x7d: {  	_ =	shalt  }
0x7e: {  	_ =	shalt  }
0x7f: {  	_ =	shalt  }
0x80: {  	_ =	shalt  }
0x81: {  	_ =	shalt  }
0x82: {  	_ =	shalt  }
0x83: {  	_ =	shalt  }
0x84: {  	_ =	shalt  }
0x85: {  	_ =	shalt  }
0x86: {  	_ =	shalt  }
0x87: {  	_ =	shalt  }
.Lfunc_end0:
.L_simem_size_0:
called_computation.1_lowered:
.L_overlay_start_0:
0x88: {  	s2 =	sld [smem:$0x3FD9]  }
0x89: {  	s3 =	sld [smem:$0x3FFE];
	_ =	sdelay $0x1  }
0x8a: {  	s1 =	srdreg.scid  }
0x8b: {  	s0 =	sand.u32 $0x1, s1  }
0x8c: {  	s17 =	sshll.u32 s0, $0xA;
	s2 =	sadd.s32 s3, s2  }
0x8d: {  	s2 =	sadd.s32 s2, s17  }
0x8e: {  	[smem:$0x3FBD] =	sst s2  }
0x8f: {  	_ = 	snop  }
0x90: {  	s2 =	sld [smem:$0x3FD0];
	(tm) =	ssettm $0x1  }
0x91: {  	s18 =	sld [smem:$0x3FFB];
	_ =	sdelay $0x3  }
0x92: {  	_ =	strace s18  }
0x93: {  	s3 =	sld [smem:$0x3FFC];
	_ =	sdelay $0x3  }
0x94: {  	_ =	strace s3  }
0x95: {  	s3 =	sld [smem:$0x3FFD];
	_ =	sdelay $0x3  }
0x96: {  	_ =	strace s3  }
0x97: {  	_ =	strace $0x8FFFFFFF  }
0x98: {  	s19 =	sld [smem:$0x3FDB];
	_ =	sdelay $0x1  }
0x99: {  	s4 =	simm.s32 $_scs_section_size  }
0x9a: {  	s5 =	simm.s32 $_size__tile_overlayer_lowered;
	s6 =	simm.s32 $_tile_overlayer_lowered  }
0x9b: {  	s22 =	simm.s32 $0x1BFF;
	s21 =	sshll.u32 s6, $0x1;
	s3 =	sadd.s32 s4, s19  }
0x9c: {  	s7 =	simm.s32 $0x0;
	s20 =	sshll.u32 s5, $0x1;
	s5 =	sadd.s32 s21, s3  }
0x9d: {  	[timem:s7], [sflag:s22] =	dma.local [hbm:s5], s20  }
0x9e: {  	_ =	swait.ge [sflag:s22], s20  }
0x9f: {  	s4 =	ssub.s32 $0x0, s20;
	[sflag:s22] =	ssyncset.done $0x0  }
0xa0: {  	[sflag:s22] =	ssyncadd.s32 s4;
	_ =	sdelay $0x1  }
0xa1: {  	s23 =	simm.s32 $0x1B8B  }
0xa2: {  	_ =	swait.ge [sflag:s23], $0x1  }
0xa3: {  	[sflag:s23] =	ssyncset.done $0x0  }
0xa4: {  	s25 =	simm.s32 $0x1B8E;
	s24 =	sld [smem:$0x3FFE];
	[sflag:s23] =	ssyncadd.s32 $0xFFFFFFFF  }
0xa5: {  	s26 =	simm.s32 $execute0_lowered;
	[smem:$0x3FD2] =	sst s25  }
0xa6: {  	s5 =	sshll.u32 s26, $0x1;
	_ =	strace $0x80000046;
	[dreg:$0x1] =	wrdreg $0xFFFFFFFF  }
0xa7: {  	s28 =	simm.s32 $_size_execute0_lowered;
	s3 =	sadd.s32 s3, s5;
	[dreg:$0x0] =	wrdreg $0x0  }
0xa8: {  	s5 =	sshll.u32 s28, $0x1;
	[dreg:$0x2] =	wrdreg s3  }
0xa9: {  	[dreg:$0x3] =	wrdreg s5  }
0xaa: {  	[dreg:$0x4] =	wrdreg $0xC0  }
0xab: {  	_ =	task [dreg:s7], $0x5FFFF  }
0xac: {  	[dreg:$0x1] =	wrdreg $0xFFFFFFFF  }
0xad: {  	[dreg:$0x0] =	wrdreg $0x60  }
0xae: {  	[dreg:$0x2] =	wrdreg s24  }
0xaf: {  	[dreg:$0x3] =	wrdreg s2  }
0xb0: {  	[dreg:$0x4] =	wrdreg $0x90000  }
0xb1: {  	[dreg:$0x5] =	wrdreg $0xA  }
0xb2: {  	_ =	task.clear_ibuf [dreg:s7], $0x6FFFF;
	_ =	strace $0x90000046  }
0xb3: {  	s29 =	simm.s32 $0xA;
	_ =	strace $0x80000048  }
0xb4: {  	_ =	swait.ge [sflag:s29], $0x1  }
0xb5: {  	[sflag:s29] =	ssyncadd.s32 $0xFFFFFFFF  }
0xb6: {  	_ =	strace $0x90000048  }
0xb7: {  	_ =	sfence  }
0xb8: {  	s30 =	sld [smem:$0x0];
	_ =	sdelay $0x2  }
0xb9: {  	s31 =	sshll.u32 s1, $0xD;
	s1 =	sshrl.u32 s1, $0x2  }
0xba: {  	s3 =	sand.u32 $0x4000, s31;
	s1 =	sadd.s32 s1, s30  }
0xbb: {  	s0 =	sor.u32 s3, s0;
	s1 =	sshll.u32 s1, $0x11  }
0xbc: {  	s0 =	sor.u32 s1, s0  }
0xbd: {  	s0 =	sadd.s32 $0x8F2B, s0  }
0xbe: {  	[sflag:s0] =	ssyncadd.remote.s32 $0x1  }
0xbf: {  	_ =	sfence.sel $0xFFFF  }
0xc0: {  	[dreg:$0x0] =	wrdreg $0xFFFFFFFF;
	(pc) =	sbr.abs _section_cstart, $3  }
0xc1: {  	[dreg:$0x1] =	wrdreg $0xFFFFFFFF  }
0xc2: {  	_ =	task.clear_ibuf [dreg:s7], $0x2FFFF;
	_ =	strace $0x9FFFFFFF  }
0xc3: {  	(tm) =	ssettm $0x7FFFFFFF  }
tec
execute0_lowered:
.L_overlay_start_1:
0x0: {  	(tag) =	ssettag $0x1  }
0x1: {  	s6 =	rddreg [dreg:$0x0]  }
0x2: {  	s12 =	rddreg [dreg:$0x1];
	s0 =	srdreg.scid  }
0x3: {  	s2 =	rddreg [dreg:$0x2];
	s24 =	stileid.u32;
	s3 =	simm.s32 $0x0  }
0x4: {  	s16 =	simm.s32 $0x80;
	s17 =	simm.s32 $0x1000;
	s18 =	simm.s32 $0x5000  }
0x5: {  	s19 =	simm.s32 $0x1;
	s20 =	simm.s32 $0x3;
	s21 =	simm.s32 $0x2  }
0x6: {  	s22 =	simm.s32 $0x4;
	s23 =	simm.s32 $0x0;
	s5 =	smul.u32 $0x14000, s24  }
0x7: {  	s7 =	sand.u32 $0x1, s0;
	[smem:$0x7FF] =	sst s3;
	s25 =	smul.u32 $0x50000, s24  }
0x8: {  	s11 =	sadd.s32 $0x3000, s6;
	s10 =	sshll.u32 s24, $0x1;
	s13 =	smul.u32 $0x5000, s24  }
0x9: {  	s29 =	sshll.u32 s24, $0x6;
	s4 =	smul.u32 $0x140000, s7;
	_ =	strace $0x80000047  }
0xa: {  	s26 =	ssub.s32 $0x2, s7;
	s10 =	sor.u32 s7, s10;
	s7 =	smul.u32 $0x2800, s7  }
0xb: {  	s14 =	sshrl.u32 s26, $0x1;
	s28 =	smul.u32 $0x2800, s10;
	s5 =	sadd.s32 s5, s4  }
0xc: {  	s4 =	sadd.s32 $0xD000, s6;
	s14 =	ssub.s32 s26, s14;
	s7 =	sadd.s32 s7, s13  }
0xd: {  	s8 =	sshrl.u32 s5, $0x3;
	s5 =	sadd.s32 $0x34200, s6;
	s30 =	sor.u32 $0x400, s7  }
0xe: {  	s10 =	smax.u32 s14, $0x1;
	s14 =	simm.s32 $0x6;
	s9 =	sadd.s32 s8, s6  }
0xf: {  	s6 =	sshrl.u32 s25, $0x2;
	s8 =	sshrl.u32 s28, $0x3;
	s31 =	sshrl.u32 s30, $0x3  }
0x10: {  	s15 =	sadd.s32 s6, s2;
	s6 =	sor.u32 $0x1C06, s29;
	s7 =	sadd.s32 s12, s8  }
0x11: {  	s8 =	sadd.s32 s11, s8;
	s9 =	sadd.s32 $0x36A00, s9;
	s11 =	sadd.s32 s31, s11  }
0x12: {  	s12 =	sadd.s32 s31, s12;
	s13 =	sshrl.u32 s15, $0x3;
	s15 =	simm.s32 $0x800  }
.LBB2_1:
0x13: {  	[spmem:s13], [sflag:s6] =	dma.local [hbm:s5], $0x2800  }
0x14: {  	_ =	swait.ge [sflag:s14], $0x2800  }
0x15: {  	[sflag:s14] =	ssyncset.done $0x0  }
0x16: {  	[sflag:s14] =	ssyncadd.s32 $0xFFFFD800  }
0x17: {  	[tilespmem:s3], [sflag:$0x6] =	stream.linear.gather [hbm4b:s7+s3], $0x400, $0x38;
	[tilespmem:$0x1D000] =	vst v63  }
0x18: {  	_ =	swait.ge [sflag:s14], $0x400  }
0x19: {  	[sflag:s14] =	ssyncset.done $0x0  }
0x1a: {  	[sflag:s14] =	ssyncadd.s32 $0xFFFFFC00  }
0x1b: {  	[tilespmem:s15], [sflag:$0x6] =	stream.linear.gather [hbm4b:s8+s3], $0x400, $0x38;
	[tilespmem:$0x1D000] =	vst v63  }
0x1c: {  	_ =	swait.ge [sflag:s14], $0x400  }
0x1d: {  	[sflag:s14] =	ssyncset.done $0x0  }
0x1e: {  	p0 =	por $0x1, $0x1;
	[sflag:s14] =	ssyncadd.s32 $0xFFFFFC00  }
0x1f: {  	s24 =	simm.s32 @!p0 $0x5;
	[bflag:$0x0] =	sbarrier.arrive $0xFFFF  }
0x20: {  	_ =	swait.ge @!p0 [sflag:s24], $0x400  }
0x21: {  	[sflag:s24] =	ssyncset.done @!p0 $0x0  }
0x22: {  	[sflag:s24] =	ssyncadd.s32 @!p0 $0xFFFFFC00  }
0x23: {  	_ =	swait.ge @!p0 [sflag:s24], $0x400  }
0x24: {  	[sflag:s24] =	ssyncset.done @!p0 $0x0  }
0x25: {  	[sflag:s24] =	ssyncadd.s32 @!p0 $0xFFFFFC00;
	s24 =	sand.u32 $0x400, s3;
	p0 =	por $0x0, $0x0  }
0x26: {  	[tilespmem:s17], [sflag:$0x1] =	stream.indirect.gather [hbm4b:s4+s16], $0x80, s24, s16, $0xb8;
	[tilespmem:$0x1D000] =	vst v63  }
0x27: {  	s25 =	sor.u32 $0x80, s24;
	s26 =	sxor.u32 @!p0 $0xFFFFFFFF, s3  }
0x28: {  	[tilespmem:s18], [sflag:$0x2] =	stream.indirect.gather [hbm4b:s4+s16], $0x80, s25, s16, $0xb8;
	[tilespmem:$0x1D000] =	vst v63  }
0x29: {  	s28 =	simm.s32 @!p0 $0x0;
	s26 =	sand.u32 @!p0 $0x400, s26  }
0x2a: {  	[tilespmem:s26], [sflag:$0x5] =	stream.linear.gather @!p0 [hbm4b:s12+s28], $0x400, $0x38;
	[tilespmem:$0x1D000] =	vst v63  }
0x2b: {  	s26 =	sor.u32 @!p0 $0x800, s26  }
0x2c: {  	[tilespmem:s26], [sflag:$0x5] =	stream.linear.gather @!p0 [hbm4b:s11+s28], $0x400, $0x38;
	[tilespmem:$0x1D000] =	vst v63  }
0x2d: {  	_ =	swait.ge [sflag:s19], $0x4000  }
0x2e: {  	[sflag:s19] =	ssyncset.done $0x0  }
0x2f: {  	s0 =	sor.u32 $0x800, s24;
	[sflag:s19] =	ssyncadd.s32 $0xFFFFC000  }
0x30: {  	[spmem:s2] =	stream.indirect.scatter.add.f32 [tilespmem:s17], [sflag:$0x3], $0x80, s0, s16, $0xb8;
	[tilespmem:$0x1D000] =	vst v63  }
0x31: {  	_ =	swait.ge [sflag:s20], $0x4000  }
0x32: {  	[sflag:s20] =	ssyncset.done $0x0  }
0x33: {  	s1 =	sor.u32 $0x100, s24;
	[sflag:s20] =	ssyncadd.s32 $0xFFFFC000  }
0x34: {  	[tilespmem:s17], [sflag:$0x1] =	stream.indirect.gather [hbm4b:s4+s16], $0x80, s1, s16, $0xb8;
	[tilespmem:$0x1D000] =	vst v63  }
0x35: {  	_ =	swait.ge [sflag:s21], $0x4000  }
0x36: {  	[sflag:s21] =	ssyncset.done $0x0  }
0x37: {  	s25 =	sor.u32 $0x800, s25;
	[sflag:s21] =	ssyncadd.s32 $0xFFFFC000  }
0x38: {  	[spmem:s2] =	stream.indirect.scatter.add.f32 [tilespmem:s18], [sflag:$0x4], $0x80, s25, s16, $0xb8;
	[tilespmem:$0x1D000] =	vst v63  }
0x39: {  	_ =	swait.ge [sflag:s22], $0x4000  }
0x3a: {  	[sflag:s22] =	ssyncset.done $0x0  }
0x3b: {  	s26 =	sor.u32 $0x180, s24;
	[sflag:s22] =	ssyncadd.s32 $0xFFFFC000  }
0x3c: {  	[tilespmem:s18], [sflag:$0x2] =	stream.indirect.gather [hbm4b:s4+s16], $0x80, s26, s16, $0xb8;
	[tilespmem:$0x1D000] =	vst v63  }
0x3d: {  	_ =	swait.ge [sflag:s19], $0x4000  }
0x3e: {  	[sflag:s19] =	ssyncset.done $0x0  }
0x3f: {  	s29 =	sor.u32 $0x900, s24;
	[sflag:s19] =	ssyncadd.s32 $0xFFFFC000  }
0x40: {  	[spmem:s2] =	stream.indirect.scatter.add.f32 [tilespmem:s17], [sflag:$0x3], $0x80, s29, s16, $0xb8;
	[tilespmem:$0x1D000] =	vst v63  }
0x41: {  	_ =	swait.ge [sflag:s20], $0x4000  }
0x42: {  	[sflag:s20] =	ssyncset.done $0x0  }
0x43: {  	s30 =	sor.u32 $0x200, s24;
	[sflag:s20] =	ssyncadd.s32 $0xFFFFC000  }
0x44: {  	[tilespmem:s17], [sflag:$0x1] =	stream.indirect.gather [hbm4b:s4+s16], $0x80, s30, s16, $0xb8;
	[tilespmem:$0x1D000] =	vst v63  }
0x45: {  	_ =	swait.ge [sflag:s21], $0x4000  }
0x46: {  	[sflag:s21] =	ssyncset.done $0x0  }
0x47: {  	s31 =	sor.u32 $0x980, s24;
	[sflag:s21] =	ssyncadd.s32 $0xFFFFC000  }
0x48: {  	[spmem:s2] =	stream.indirect.scatter.add.f32 [tilespmem:s18], [sflag:$0x4], $0x80, s31, s16, $0xb8;
	[tilespmem:$0x1D000] =	vst v63  }
0x49: {  	_ =	swait.ge [sflag:s22], $0x4000  }
0x4a: {  	[sflag:s22] =	ssyncset.done $0x0  }
0x4b: {  	s0 =	sor.u32 $0x280, s24;
	[sflag:s22] =	ssyncadd.s32 $0xFFFFC000  }
0x4c: {  	[tilespmem:s18], [sflag:$0x2] =	stream.indirect.gather [hbm4b:s4+s16], $0x80, s0, s16, $0xb8;
	[tilespmem:$0x1D000] =	vst v63  }
0x4d: {  	_ =	swait.ge [sflag:s19], $0x4000  }
0x4e: {  	[sflag:s19] =	ssyncset.done $0x0  }
0x4f: {  	s1 =	sor.u32 $0xA00, s24;
	[sflag:s19] =	ssyncadd.s32 $0xFFFFC000  }
0x50: {  	[spmem:s2] =	stream.indirect.scatter.add.f32 [tilespmem:s17], [sflag:$0x3], $0x80, s1, s16, $0xb8;
	[tilespmem:$0x1D000] =	vst v63  }
0x51: {  	_ =	swait.ge [sflag:s20], $0x4000  }
0x52: {  	[sflag:s20] =	ssyncset.done $0x0  }
0x53: {  	s26 =	sor.u32 $0x300, s24;
	[sflag:s20] =	ssyncadd.s32 $0xFFFFC000  }
0x54: {  	[tilespmem:s17], [sflag:$0x1] =	stream.indirect.gather [hbm4b:s4+s16], $0x80, s26, s16, $0xb8;
	[tilespmem:$0x1D000] =	vst v63  }
0x55: {  	_ =	swait.ge [sflag:s21], $0x4000  }
0x56: {  	[sflag:s21] =	ssyncset.done $0x0  }
0x57: {  	s29 =	sor.u32 $0xA80, s24;
	[sflag:s21] =	ssyncadd.s32 $0xFFFFC000  }
0x58: {  	[spmem:s2] =	stream.indirect.scatter.add.f32 [tilespmem:s18], [sflag:$0x4], $0x80, s29, s16, $0xb8;
	[tilespmem:$0x1D000] =	vst v63  }
0x59: {  	_ =	swait.ge [sflag:s22], $0x4000  }
0x5a: {  	[sflag:s22] =	ssyncset.done $0x0  }
0x5b: {  	s30 =	sor.u32 $0x380, s24;
	[sflag:s22] =	ssyncadd.s32 $0xFFFFC000  }
0x5c: {  	[tilespmem:s18], [sflag:$0x2] =	stream.indirect.gather [hbm4b:s4+s16], $0x80, s30, s16, $0xb8;
	[tilespmem:$0x1D000] =	vst v63  }
0x5d: {  	_ =	swait.ge [sflag:s19], $0x4000  }
0x5e: {  	[sflag:s19] =	ssyncset.done $0x0  }
0x5f: {  	s31 =	sor.u32 $0xB00, s24;
	[sflag:s19] =	ssyncadd.s32 $0xFFFFC000  }
0x60: {  	[spmem:s2] =	stream.indirect.scatter.add.f32 [tilespmem:s17], [sflag:$0x3], $0x80, s31, s16, $0xb8;
	[tilespmem:$0x1D000] =	vst v63  }
0x61: {  	_ =	swait.ge [sflag:s21], $0x4000  }
0x62: {  	[sflag:s21] =	ssyncset.done $0x0  }
0x63: {  	s24 =	sor.u32 $0xB80, s24;
	[sflag:s21] =	ssyncadd.s32 $0xFFFFC000  }
0x64: {  	[spmem:s2] =	stream.indirect.scatter.add.f32 [tilespmem:s18], [sflag:$0x4], $0x80, s24, s16, $0xb8;
	[tilespmem:$0x1D000] =	vst v63  }
0x65: {  	_ =	swait.ge [sflag:s20], $0x4000  }
0x66: {  	[sflag:s20] =	ssyncset.done $0x0  }
0x67: {  	s28 =	simm.s32 $0x800;
	s25 =	simm.s32 $0x400;
	[sflag:s20] =	ssyncadd.s32 $0xFFFFC000  }
0x68: {  	s26 =	sadd.s32 $0x80, s12;
	s24 =	sadd.s32 $0x80, s11;
	_ =	swait.ge [sflag:s22], $0x4000  }
.LBB2_2:
0x69: {  	p1 =	seq.s32 s25, $0x0  }
0x6a: {  	[sflag:s22] =	ssyncset.done $0x0;
	s30 =	smov.u32 s28;
	s28 =	sadd.s32 $0x400, s28  }
0x6b: {  	p0 =	sne.s32 s28, $0x2800;
	s29 =	simm.s32 @!p1 $0x5;
	[sflag:s22] =	ssyncadd.s32 $0xFFFFC000  }
0x6c: {  	_ =	swait.ge @!p1 [sflag:s29], $0x400  }
0x6d: {  	[sflag:s29] =	ssyncset.done @!p1 $0x0  }
0x6e: {  	[sflag:s29] =	ssyncadd.s32 @!p1 $0xFFFFFC00  }
0x6f: {  	_ =	swait.ge @!p1 [sflag:s29], $0x400  }
0x70: {  	[sflag:s29] =	ssyncset.done @!p1 $0x0  }
0x71: {  	[sflag:s29] =	ssyncadd.s32 @!p1 $0xFFFFFC00;
	s29 =	sand.u32 $0x400, s25  }
0x72: {  	[tilespmem:s17], [sflag:$0x1] =	stream.indirect.gather [hbm4b:s4+s16], $0x80, s29, s16, $0xb8;
	[tilespmem:$0x1D000] =	vst v63  }
0x73: {  	p1 =	seq.s32 s25, $0x2400;
	s31 =	sor.u32 $0x80, s29  }
0x74: {  	[tilespmem:s18], [sflag:$0x2] =	stream.indirect.gather [hbm4b:s4+s16], $0x80, s31, s16, $0xb8;
	[tilespmem:$0x1D000] =	vst v63  }
0x75: {  	s0 =	sxor.u32 @!p1 $0xFFFFFFFF, s25;
	s1 =	simm.s32 @!p1 $0x0;
	s25 =	smov.u32 s30  }
0x76: {  	s0 =	sand.u32 @!p1 $0x400, s0  }
0x77: {  	[tilespmem:s0], [sflag:$0x5] =	stream.linear.gather @!p1 [hbm4b:s26+s1], $0x400, $0x38;
	[tilespmem:$0x1D000] =	vst v63  }
0x78: {  	s0 =	sor.u32 @!p1 $0x800, s0  }
0x79: {  	[tilespmem:s0], [sflag:$0x5] =	stream.linear.gather @!p1 [hbm4b:s24+s1], $0x400, $0x38;
	[tilespmem:$0x1D000] =	vst v63  }
0x7a: {  	_ =	swait.ge [sflag:s19], $0x4000  }
0x7b: {  	s0 =	sor.u32 $0x800, s29;
	[sflag:s19] =	ssyncset.done $0x0  }
0x7c: {  	[sflag:s19] =	ssyncadd.s32 $0xFFFFC000  }
0x7d: {  	[spmem:s2] =	stream.indirect.scatter.add.f32 [tilespmem:s17], [sflag:$0x3], $0x80, s0, s16, $0xb8;
	[tilespmem:$0x1D000] =	vst v63  }
0x7e: {  	_ =	swait.ge [sflag:s20], $0x4000  }
0x7f: {  	s0 =	sor.u32 $0x100, s29;
	[sflag:s20] =	ssyncset.done $0x0  }
0x80: {  	[sflag:s20] =	ssyncadd.s32 $0xFFFFC000  }
0x81: {  	[tilespmem:s17], [sflag:$0x1] =	stream.indirect.gather [hbm4b:s4+s16], $0x80, s0, s16, $0xb8;
	[tilespmem:$0x1D000] =	vst v63  }
0x82: {  	_ =	swait.ge [sflag:s21], $0x4000  }
0x83: {  	s0 =	sor.u32 $0x800, s31;
	[sflag:s21] =	ssyncset.done $0x0  }
0x84: {  	[sflag:s21] =	ssyncadd.s32 $0xFFFFC000  }
0x85: {  	[spmem:s2] =	stream.indirect.scatter.add.f32 [tilespmem:s18], [sflag:$0x4], $0x80, s0, s16, $0xb8;
	[tilespmem:$0x1D000] =	vst v63  }
0x86: {  	_ =	swait.ge [sflag:s22], $0x4000  }
0x87: {  	s0 =	sor.u32 $0x180, s29;
	[sflag:s22] =	ssyncset.done $0x0  }
0x88: {  	[sflag:s22] =	ssyncadd.s32 $0xFFFFC000  }
0x89: {  	[tilespmem:s18], [sflag:$0x2] =	stream.indirect.gather [hbm4b:s4+s16], $0x80, s0, s16, $0xb8;
	[tilespmem:$0x1D000] =	vst v63  }
0x8a: {  	_ =	swait.ge [sflag:s19], $0x4000  }
0x8b: {  	s0 =	sor.u32 $0x900, s29;
	[sflag:s19] =	ssyncset.done $0x0  }
0x8c: {  	[sflag:s19] =	ssyncadd.s32 $0xFFFFC000  }
0x8d: {  	[spmem:s2] =	stream.indirect.scatter.add.f32 [tilespmem:s17], [sflag:$0x3], $0x80, s0, s16, $0xb8;
	[tilespmem:$0x1D000] =	vst v63  }
0x8e: {  	_ =	swait.ge [sflag:s20], $0x4000  }
0x8f: {  	s0 =	sor.u32 $0x200, s29;
	[sflag:s20] =	ssyncset.done $0x0  }
0x90: {  	[sflag:s20] =	ssyncadd.s32 $0xFFFFC000  }
0x91: {  	[tilespmem:s17], [sflag:$0x1] =	stream.indirect.gather [hbm4b:s4+s16], $0x80, s0, s16, $0xb8;
	[tilespmem:$0x1D000] =	vst v63  }
0x92: {  	_ =	swait.ge [sflag:s21], $0x4000  }
0x93: {  	s0 =	sor.u32 $0x980, s29;
	[sflag:s21] =	ssyncset.done $0x0  }
0x94: {  	[sflag:s21] =	ssyncadd.s32 $0xFFFFC000  }
0x95: {  	[spmem:s2] =	stream.indirect.scatter.add.f32 [tilespmem:s18], [sflag:$0x4], $0x80, s0, s16, $0xb8;
	[tilespmem:$0x1D000] =	vst v63  }
0x96: {  	_ =	swait.ge [sflag:s22], $0x4000  }
0x97: {  	s0 =	sor.u32 $0x280, s29;
	[sflag:s22] =	ssyncset.done $0x0  }
0x98: {  	[sflag:s22] =	ssyncadd.s32 $0xFFFFC000  }
0x99: {  	[tilespmem:s18], [sflag:$0x2] =	stream.indirect.gather [hbm4b:s4+s16], $0x80, s0, s16, $0xb8;
	[tilespmem:$0x1D000] =	vst v63  }
0x9a: {  	_ =	swait.ge [sflag:s19], $0x4000  }
0x9b: {  	s0 =	sor.u32 $0xA00, s29;
	[sflag:s19] =	ssyncset.done $0x0  }
0x9c: {  	[sflag:s19] =	ssyncadd.s32 $0xFFFFC000  }
0x9d: {  	[spmem:s2] =	stream.indirect.scatter.add.f32 [tilespmem:s17], [sflag:$0x3], $0x80, s0, s16, $0xb8;
	[tilespmem:$0x1D000] =	vst v63  }
0x9e: {  	_ =	swait.ge [sflag:s20], $0x4000  }
0x9f: {  	s0 =	sor.u32 $0x300, s29;
	[sflag:s20] =	ssyncset.done $0x0  }
0xa0: {  	[sflag:s20] =	ssyncadd.s32 $0xFFFFC000  }
0xa1: {  	[tilespmem:s17], [sflag:$0x1] =	stream.indirect.gather [hbm4b:s4+s16], $0x80, s0, s16, $0xb8;
	[tilespmem:$0x1D000] =	vst v63  }
0xa2: {  	_ =	swait.ge [sflag:s21], $0x4000  }
0xa3: {  	s0 =	sor.u32 $0xA80, s29;
	[sflag:s21] =	ssyncset.done $0x0  }
0xa4: {  	[sflag:s21] =	ssyncadd.s32 $0xFFFFC000  }
0xa5: {  	[spmem:s2] =	stream.indirect.scatter.add.f32 [tilespmem:s18], [sflag:$0x4], $0x80, s0, s16, $0xb8;
	[tilespmem:$0x1D000] =	vst v63  }
0xa6: {  	_ =	swait.ge [sflag:s22], $0x4000  }
0xa7: {  	s0 =	sor.u32 $0x380, s29;
	[sflag:s22] =	ssyncset.done $0x0  }
0xa8: {  	[sflag:s22] =	ssyncadd.s32 $0xFFFFC000  }
0xa9: {  	[tilespmem:s18], [sflag:$0x2] =	stream.indirect.gather [hbm4b:s4+s16], $0x80, s0, s16, $0xb8;
	[tilespmem:$0x1D000] =	vst v63  }
0xaa: {  	_ =	swait.ge [sflag:s19], $0x4000  }
0xab: {  	s0 =	sor.u32 $0xB00, s29;
	[sflag:s19] =	ssyncset.done $0x0  }
0xac: {  	[sflag:s19] =	ssyncadd.s32 $0xFFFFC000  }
0xad: {  	[spmem:s2] =	stream.indirect.scatter.add.f32 [tilespmem:s17], [sflag:$0x3], $0x80, s0, s16, $0xb8;
	[tilespmem:$0x1D000] =	vst v63  }
0xae: {  	_ =	swait.ge [sflag:s21], $0x4000  }
0xaf: {  	s0 =	sor.u32 $0xB80, s29;
	[sflag:s21] =	ssyncset.done $0x0  }
0xb0: {  	[sflag:s21] =	ssyncadd.s32 $0xFFFFC000  }
0xb1: {  	[spmem:s2] =	stream.indirect.scatter.add.f32 [tilespmem:s18], [sflag:$0x4], $0x80, s0, s16, $0xb8;
	[tilespmem:$0x1D000] =	vst v63  }
.Ltmp0:
0xb2: {  	_ = 	snop;
	(pc) =	sbr.rel @p0 .LBB2_2-.Ltmp0, $4  }
0xb3: {  	_ =	swait.ge [sflag:s20], $0x4000  }
0xb4: {  	[sflag:s20] =	ssyncset.done $0x0  }
0xb5: {  	[sflag:s20] =	ssyncadd.s32 $0xFFFFC000  }
0xb6: {  	s26 =	sadd.s32 $0x80, s26;
	s24 =	sadd.s32 $0x80, s24;
	_ =	swait.ge [sflag:s22], $0x4000  }
0xb7: {  	p0 =	seq.s32 s25, $0x0;
	[sflag:s22] =	ssyncset.done $0x0  }
0xb8: {  	s0 =	simm.s32 @!p0 $0x5;
	[sflag:s22] =	ssyncadd.s32 $0xFFFFC000  }
0xb9: {  	_ =	swait.ge @!p0 [sflag:s0], $0x400  }
0xba: {  	[sflag:s0] =	ssyncset.done @!p0 $0x0  }
0xbb: {  	[sflag:s0] =	ssyncadd.s32 @!p0 $0xFFFFFC00  }
0xbc: {  	_ =	swait.ge @!p0 [sflag:s0], $0x400  }
0xbd: {  	[sflag:s0] =	ssyncset.done @!p0 $0x0  }
0xbe: {  	s28 =	sand.u32 $0x400, s25;
	[sflag:s0] =	ssyncadd.s32 @!p0 $0xFFFFFC00;
	p0 =	seq.s32 s25, $0x2400  }
0xbf: {  	[tilespmem:s17], [sflag:$0x1] =	stream.indirect.gather [hbm4b:s4+s16], $0x80, s28, s16, $0xb8;
	[tilespmem:$0x1D000] =	vst v63  }
0xc0: {  	s31 =	sor.u32 $0x80, s28;
	s1 =	sxor.u32 @!p0 $0xFFFFFFFF, s25  }
0xc1: {  	[tilespmem:s18], [sflag:$0x2] =	stream.indirect.gather [hbm4b:s4+s16], $0x80, s31, s16, $0xb8;
	[tilespmem:$0x1D000] =	vst v63  }
0xc2: {  	s25 =	simm.s32 @!p0 $0x0;
	s1 =	sand.u32 @!p0 $0x400, s1  }
0xc3: {  	[tilespmem:s1], [sflag:$0x5] =	stream.linear.gather @!p0 [hbm4b:s26+s25], $0x400, $0x38;
	[tilespmem:$0x1D000] =	vst v63  }
0xc4: {  	s1 =	sor.u32 @!p0 $0x800, s1  }
0xc5: {  	[tilespmem:s1], [sflag:$0x5] =	stream.linear.gather @!p0 [hbm4b:s24+s25], $0x400, $0x38;
	[tilespmem:$0x1D000] =	vst v63  }
0xc6: {  	_ =	swait.ge [sflag:s19], $0x4000  }
0xc7: {  	[sflag:s19] =	ssyncset.done $0x0  }
0xc8: {  	s24 =	sor.u32 $0x800, s28;
	[sflag:s19] =	ssyncadd.s32 $0xFFFFC000  }
0xc9: {  	[spmem:s2] =	stream.indirect.scatter.add.f32 [tilespmem:s17], [sflag:$0x3], $0x80, s24, s16, $0xb8;
	[tilespmem:$0x1D000] =	vst v63  }
0xca: {  	_ =	swait.ge [sflag:s20], $0x4000  }
0xcb: {  	[sflag:s20] =	ssyncset.done $0x0  }
0xcc: {  	s25 =	sor.u32 $0x100, s28;
	[sflag:s20] =	ssyncadd.s32 $0xFFFFC000  }
0xcd: {  	[tilespmem:s17], [sflag:$0x1] =	stream.indirect.gather [hbm4b:s4+s16], $0x80, s25, s16, $0xb8;
	[tilespmem:$0x1D000] =	vst v63  }
0xce: {  	_ =	swait.ge [sflag:s21], $0x4000  }
0xcf: {  	[sflag:s21] =	ssyncset.done $0x0  }
0xd0: {  	s0 =	sor.u32 $0x800, s31;
	[sflag:s21] =	ssyncadd.s32 $0xFFFFC000  }
0xd1: {  	[spmem:s2] =	stream.indirect.scatter.add.f32 [tilespmem:s18], [sflag:$0x4], $0x80, s0, s16, $0xb8;
	[tilespmem:$0x1D000] =	vst v63  }
0xd2: {  	_ =	swait.ge [sflag:s22], $0x4000  }
0xd3: {  	[sflag:s22] =	ssyncset.done $0x0  }
0xd4: {  	s26 =	sor.u32 $0x180, s28;
	[sflag:s22] =	ssyncadd.s32 $0xFFFFC000  }
0xd5: {  	[tilespmem:s18], [sflag:$0x2] =	stream.indirect.gather [hbm4b:s4+s16], $0x80, s26, s16, $0xb8;
	[tilespmem:$0x1D000] =	vst v63  }
0xd6: {  	_ =	swait.ge [sflag:s19], $0x4000  }
0xd7: {  	[sflag:s19] =	ssyncset.done $0x0  }
0xd8: {  	s29 =	sor.u32 $0x900, s28;
	[sflag:s19] =	ssyncadd.s32 $0xFFFFC000  }
0xd9: {  	[spmem:s2] =	stream.indirect.scatter.add.f32 [tilespmem:s17], [sflag:$0x3], $0x80, s29, s16, $0xb8;
	[tilespmem:$0x1D000] =	vst v63  }
0xda: {  	_ =	swait.ge [sflag:s20], $0x4000  }
0xdb: {  	[sflag:s20] =	ssyncset.done $0x0  }
0xdc: {  	s30 =	sor.u32 $0x200, s28;
	[sflag:s20] =	ssyncadd.s32 $0xFFFFC000  }
0xdd: {  	[tilespmem:s17], [sflag:$0x1] =	stream.indirect.gather [hbm4b:s4+s16], $0x80, s30, s16, $0xb8;
	[tilespmem:$0x1D000] =	vst v63  }
0xde: {  	_ =	swait.ge [sflag:s21], $0x4000  }
0xdf: {  	[sflag:s21] =	ssyncset.done $0x0  }
0xe0: {  	s31 =	sor.u32 $0x980, s28;
	[sflag:s21] =	ssyncadd.s32 $0xFFFFC000  }
0xe1: {  	[spmem:s2] =	stream.indirect.scatter.add.f32 [tilespmem:s18], [sflag:$0x4], $0x80, s31, s16, $0xb8;
	[tilespmem:$0x1D000] =	vst v63  }
0xe2: {  	_ =	swait.ge [sflag:s22], $0x4000  }
0xe3: {  	[sflag:s22] =	ssyncset.done $0x0  }
0xe4: {  	s1 =	sor.u32 $0x280, s28;
	[sflag:s22] =	ssyncadd.s32 $0xFFFFC000  }
0xe5: {  	[tilespmem:s18], [sflag:$0x2] =	stream.indirect.gather [hbm4b:s4+s16], $0x80, s1, s16, $0xb8;
	[tilespmem:$0x1D000] =	vst v63  }
0xe6: {  	_ =	swait.ge [sflag:s19], $0x4000  }
0xe7: {  	[sflag:s19] =	ssyncset.done $0x0  }
0xe8: {  	s24 =	sor.u32 $0xA00, s28;
	[sflag:s19] =	ssyncadd.s32 $0xFFFFC000  }
0xe9: {  	[spmem:s2] =	stream.indirect.scatter.add.f32 [tilespmem:s17], [sflag:$0x3], $0x80, s24, s16, $0xb8;
	[tilespmem:$0x1D000] =	vst v63  }
0xea: {  	_ =	swait.ge [sflag:s20], $0x4000  }
0xeb: {  	[sflag:s20] =	ssyncset.done $0x0  }
0xec: {  	s25 =	sor.u32 $0x300, s28;
	[sflag:s20] =	ssyncadd.s32 $0xFFFFC000  }
0xed: {  	[tilespmem:s17], [sflag:$0x1] =	stream.indirect.gather [hbm4b:s4+s16], $0x80, s25, s16, $0xb8;
	[tilespmem:$0x1D000] =	vst v63  }
0xee: {  	_ =	swait.ge [sflag:s21], $0x4000  }
0xef: {  	[sflag:s21] =	ssyncset.done $0x0  }
0xf0: {  	s26 =	sor.u32 $0xA80, s28;
	[sflag:s21] =	ssyncadd.s32 $0xFFFFC000  }
0xf1: {  	[spmem:s2] =	stream.indirect.scatter.add.f32 [tilespmem:s18], [sflag:$0x4], $0x80, s26, s16, $0xb8;
	[tilespmem:$0x1D000] =	vst v63  }
0xf2: {  	_ =	swait.ge [sflag:s22], $0x4000  }
0xf3: {  	[sflag:s22] =	ssyncset.done $0x0  }
0xf4: {  	s29 =	sor.u32 $0x380, s28;
	[sflag:s22] =	ssyncadd.s32 $0xFFFFC000  }
0xf5: {  	[tilespmem:s18], [sflag:$0x2] =	stream.indirect.gather [hbm4b:s4+s16], $0x80, s29, s16, $0xb8;
	[tilespmem:$0x1D000] =	vst v63  }
0xf6: {  	_ =	swait.ge [sflag:s19], $0x4000  }
0xf7: {  	[sflag:s19] =	ssyncset.done $0x0  }
0xf8: {  	s30 =	sor.u32 $0xB00, s28;
	[sflag:s19] =	ssyncadd.s32 $0xFFFFC000  }
0xf9: {  	[spmem:s2] =	stream.indirect.scatter.add.f32 [tilespmem:s17], [sflag:$0x3], $0x80, s30, s16, $0xb8;
	[tilespmem:$0x1D000] =	vst v63  }
0xfa: {  	_ =	swait.ge [sflag:s21], $0x4000  }
0xfb: {  	[sflag:s21] =	ssyncset.done $0x0  }
0xfc: {  	s31 =	sor.u32 $0xB80, s28;
	[sflag:s21] =	ssyncadd.s32 $0xFFFFC000  }
0xfd: {  	[spmem:s2] =	stream.indirect.scatter.add.f32 [tilespmem:s18], [sflag:$0x4], $0x80, s31, s16, $0xb8;
	[tilespmem:$0x1D000] =	vst v63  }
0xfe: {  	_ =	swait.ge [sflag:s20], $0x4000  }
0xff: {  	[sflag:s20] =	ssyncset.done $0x0  }
0x100: {  	[sflag:s20] =	ssyncadd.s32 $0xFFFFC000  }
0x101: {  	_ =	swait.ge [sflag:s22], $0x4000  }
0x102: {  	s23 =	sadd.s32 $0x1, s23;
	[sflag:s22] =	ssyncset.done $0x0  }
0x103: {  	p0 =	sne.s32 s23, s10;
	[sflag:s22] =	ssyncadd.s32 $0xFFFFC000  }
.Ltmp1:
0x104: {  	[bflag:$0x0] =	sbarrier.arrive $0xFFFF;
	(pc) =	sbr.rel @p0 .LBB2_1-.Ltmp1, $4  }
0x105: {  	[hbm:s9], [sflag:s6] =	dma.local [spmem:s13], $0x2800  }
0x106: {  	_ =	swait.ge [sflag:s14], $0x2800  }
0x107: {  	[sflag:s14] =	ssyncset.done $0x0  }
0x108: {  	[sflag:s14] =	ssyncadd.s32 $0xFFFFD800  }
0x109: {  	_ =	sfence.sel $0x180000  }
0x10a: {  	[bflag:$0x0] =	sbarrier.arrive $0xFFFF  }
0x10b: {  	_ =	strace $0x90000047  }
0x10c: {  	s0 =	stileid.u32;
	[bflag:$0x2] =	sbarrier.arrive $0xFFFF  }
0x10d: {  	p0 =	sne.s32 s0, $0x0;
	s0 =	rddreg [dreg:$0x3]  }
0x10e: {  	s0 =	sadd.s32 @!p0 $0x100000, s0  }
0x10f: {  	[sflag:s0] =	ssyncadd.tile.s32 @!p0 $0x1;
	_ =	shalt  }
.Lfunc_end2:
_tile_overlayer_lowered:
.L_overlay_start_2:
0x110: {  	(tag) =	ssettag $0x2  }
0x111: {  	s0 =	rddreg [dreg:$0x0];
	s2 =	stileid.u32  }
0x112: {  	s1 =	rddreg [dreg:$0x1];
	p0 =	sne.s32 s2, $0x0  }
0x113: {  	s3 =	rddreg [dreg:$0x2];
	[bflag:$0x3] =	sbarrier.arrive $0xFFFF;
	s2 =	simm.s32 @!p0 $0x1C06  }
0x114: {  	[timem:s3], [sflag:s2] =	dma.local @!p0 [hbm:s0], s1  }
0x115: {  	s0 =	simm.s32 @!p0 $0x6  }
0x116: {  	_ =	swait.ge @!p0 [sflag:s0], s1  }
0x117: {  	s1 =	ssub.s32 @!p0 $0x0, s1;
	[sflag:s0] =	ssyncset.done @!p0 $0x0  }
0x118: {  	[sflag:s0] =	ssyncadd.s32 @!p0 s1  }
0x119: {  	[bflag:$0x3] =	sbarrier.arrive $0xFFFF  }
0x11a: {  	_ =	shalt  }

// kernel: kernel.16.cloned.1.call-start
scs
__scs_entry_jumppad:
0x0: {  	(pc) =	sbr.rel $0x88, $3  }
0x1: {  	(tag) =	ssettag $0x0;
	lr =	simm.s32 $0x1  }
0x2: {  	[smem:$0x3F96] =	sst lr;
	_ =	strace $0xD0000000  }
0x3: {  	_ = 	snop  }
0x4: {  	_ = 	snop  }
0x5: {  	_ = 	snop  }
0x6: {  	_ = 	snop  }
0x7: {  	_ = 	snop  }
__scs_overlays_trampoline_lowered:
0x8: {  	[smem:$0x3FA5] =	sst s0  }
0x9: {  	[smem:$0x3FA6] =	sst s1  }
0xa: {  	[smem:$0x3FA7] =	sst s2  }
0xb: {  	[smem:$0x3FA8] =	sst s3  }
0xc: {  	[smem:$0x3FA9] =	sst s4  }
0xd: {  	[smem:$0x3FAA] =	sst s5  }
0xe: {  	[smem:$0x3FAB] =	sst s6  }
0xf: {  	[smem:$0x3FAC] =	sst s7  }
0x10: {  	[smem:$0x3FAD] =	sst s8  }
0x11: {  	[smem:$0x3FAE] =	sst s9;
	s0 =	simm.s32 @!p0 $0x0  }
0x12: {  	s1 =	sld [smem:$0x3F94];
	s0 =	simm.s32 @p0 $0x1  }
0x13: {  	[smem:$0x3FAF] =	sst s0;
	s0 =	simm.s32 @!p1 $0x0  }
0x14: {  	s2 =	sld [smem:$0x3F93];
	s0 =	simm.s32 @p1 $0x1  }
0x15: {  	[smem:$0x3FB0] =	sst s0;
	s0 =	simm.s32 @!p2 $0x0  }
0x16: {  	s3 =	sld [smem:$0x3FDB];
	s0 =	simm.s32 @p2 $0x1  }
0x17: {  	s4 =	simm.s32 $0x1BF5;
	[smem:$0x3FB2] =	sst s0  }
0x18: {  	s0 =	sld [smem:$0x3F95];
	_ =	swait.ge [sflag:s4], $0x0  }
0x19: {  	s7 =	sld [smem:$0x3F96]  }
0x1a: {  	s8 =	sadd.s32 $0xFFFFE003, lr  }
0x1b: {  	s9 =	sadd.s32 $0xFFFFFEF7, lr;
	s5 =	simm.s32 $0xFFFFFFFF;
	p2 =	slt.u32 s8, $0xFFFFF086  }
0x1c: {  	p1 =	slt.u32 s9, $0xF7A;
	s5 =	simm.s32 @!p2 $0x0  }
0x1d: {  	s5 =	simm.s32 @p1 $0x1;
	p0 =	seq.s32 s7, s2  }
0x1e: {  	s7 =	smul.u32 @!p0 $0xF7A, s2;
	p2 =	seq.s32 @!p0 s5, $0x0  }
0x1f: {  	s9 =	smul.u32 $0xF7A, s1;
	s8 =	simm.s32 @!p0 $0x1BF5;
	p2 =	por !p2, p0  }
0x20: {  	[sflag:s8] =	ssyncset.s32 @!p0 $0xFFFFF086;
	s6 =	sadd.s32 @!p0 s3, s7;
	s7 =	simm.s32 @!p0 $0x108  }
0x21: {  	s3 =	sadd.s32 s3, s9;
	s6 =	sadd.s32 @!p0 $0x88, s6;
	s7 =	simm.s32 @p2 $0x1082  }
0x22: {  	[simem:s7], [sflag:s8] =	dma.local @!p0 [hbm:s6], $0xF7A  }
0x23: {  	s9 =	sor.u32 $0xD0000000, s2;
	s6 =	simm.s32 $0x108;
	_ =	swait.ge @!p0 [sflag:s8], $0x0  }
0x24: {  	s3 =	sadd.s32 $0x88, s3;
	s6 =	simm.s32 @!p1 $0x1082;
	[sflag:s4] =	ssyncset.s32 $0xFFFFF086  }
0x25: {  	[simem:s6], [sflag:s4] =	dma.local [hbm:s3], $0xF7A  }
0x26: {  	[smem:$0x3F96] =	sst s1;
	(tag) =	ssettag s2;
	_ =	strace s9  }
0x27: {  	s1 =	sld [smem:$0x3FA6]  }
0x28: {  	s2 =	sld [smem:$0x3FA7]  }
0x29: {  	s4 =	sld [smem:$0x3FA9]  }
0x2a: {  	p0 =	seq.s32 s5, $0x0;
	s5 =	sld [smem:$0x3FAA]  }
0x2b: {  	s6 =	sld [smem:$0x3FAB]  }
0x2c: {  	s7 =	sld [smem:$0x3FAC]  }
0x2d: {  	s3 =	simm.s32 $0x108;
	s8 =	sld [smem:$0x3FAD]  }
0x2e: {  	s3 =	simm.s32 @!p0 $0x1082;
	s9 =	sld [smem:$0x3FAE]  }
0x2f: {  	lr =	sadd.s32 s0, s3;
	s0 =	sld [smem:$0x3FA5]  }
0x30: {  	s3 =	sld [smem:$0x3FA8]  }
0x31: {  	[smem:$0x3FB1] =	sst s10  }
0x32: {  	s10 =	sld [smem:$0x3FAF];
	_ =	sdelay $0x3  }
0x33: {  	p0 =	seq.s32 s10, $0x1;
	s10 =	sld [smem:$0x3FB1];
	_ =	sdelay $0x3  }
0x34: {  	[smem:$0x3FB1] =	sst s10  }
0x35: {  	s10 =	sld [smem:$0x3FB0];
	_ =	sdelay $0x3  }
0x36: {  	p1 =	seq.s32 s10, $0x1;
	s10 =	sld [smem:$0x3FB1];
	_ =	sdelay $0x3  }
0x37: {  	[smem:$0x3FB1] =	sst s10  }
0x38: {  	s10 =	sld [smem:$0x3FB2]  }
0x39: {  	_ = 	snop;
	(pc) =	sbr.ind lr, $3  }
0x3a: {  	_ = 	snop  }
0x3b: {  	_ = 	snop  }
0x3c: {  	p2 =	seq.s32 s10, $0x1;
	s10 =	sld [smem:$0x3FB1]  }
0x3d: {  	_ =	shalt  }
0x3e: {  	_ =	shalt  }
0x3f: {  	_ =	shalt  }
0x40: {  	_ =	shalt  }
0x41: {  	_ =	shalt  }
0x42: {  	_ =	shalt  }
0x43: {  	_ =	shalt  }
0x44: {  	_ =	shalt  }
0x45: {  	_ =	shalt  }
0x46: {  	_ =	shalt  }
0x47: {  	_ =	shalt  }
0x48: {  	_ =	shalt  }
0x49: {  	_ =	shalt  }
0x4a: {  	_ =	shalt  }
0x4b: {  	_ =	shalt  }
0x4c: {  	_ =	shalt  }
0x4d: {  	_ =	shalt  }
0x4e: {  	_ =	shalt  }
0x4f: {  	_ =	shalt  }
0x50: {  	_ =	shalt  }
0x51: {  	_ =	shalt  }
0x52: {  	_ =	shalt  }
0x53: {  	_ =	shalt  }
0x54: {  	_ =	shalt  }
0x55: {  	_ =	shalt  }
0x56: {  	_ =	shalt  }
0x57: {  	_ =	shalt  }
0x58: {  	_ =	shalt  }
0x59: {  	_ =	shalt  }
0x5a: {  	_ =	shalt  }
0x5b: {  	_ =	shalt  }
0x5c: {  	_ =	shalt  }
0x5d: {  	_ =	shalt  }
0x5e: {  	_ =	shalt  }
0x5f: {  	_ =	shalt  }
0x60: {  	_ =	shalt  }
0x61: {  	_ =	shalt  }
0x62: {  	_ =	shalt  }
0x63: {  	_ =	shalt  }
0x64: {  	_ =	shalt  }
0x65: {  	_ =	shalt  }
0x66: {  	_ =	shalt  }
0x67: {  	_ =	shalt  }
0x68: {  	_ =	shalt  }
0x69: {  	_ =	shalt  }
0x6a: {  	_ =	shalt  }
0x6b: {  	_ =	shalt  }
0x6c: {  	_ =	shalt  }
0x6d: {  	_ =	shalt  }
0x6e: {  	_ =	shalt  }
0x6f: {  	_ =	shalt  }
0x70: {  	_ =	shalt  }
0x71: {  	_ =	shalt  }
0x72: {  	_ =	shalt  }
0x73: {  	_ =	shalt  }
0x74: {  	_ =	shalt  }
0x75: {  	_ =	shalt  }
0x76: {  	_ =	shalt  }
0x77: {  	_ =	shalt  }
0x78: {  	_ =	shalt  }
0x79: {  	_ =	shalt  }
0x7a: {  	_ =	shalt  }
0x7b: {  	_ =	shalt  }
0x7c: {  	_ =	shalt  }
0x7d: {  	_ =	shalt  }
0x7e: {  	_ =	shalt  }
0x7f: {  	_ =	shalt  }
0x80: {  	_ =	shalt  }
0x81: {  	_ =	shalt  }
0x82: {  	_ =	shalt  }
0x83: {  	_ =	shalt  }
0x84: {  	_ =	shalt  }
0x85: {  	_ =	shalt  }
0x86: {  	_ =	shalt  }
0x87: {  	_ =	shalt  }
.Lfunc_end0:
.L_simem_size_0:
called_computation.2_lowered:
.L_overlay_start_0:
0x88: {  	s2 =	sld [smem:$0x3FD9]  }
0x89: {  	s3 =	sld [smem:$0x3FFE];
	_ =	sdelay $0x1  }
0x8a: {  	s1 =	srdreg.scid  }
0x8b: {  	s0 =	sand.u32 $0x1, s1  }
0x8c: {  	s17 =	sshll.u32 s0, $0xA;
	s2 =	sadd.s32 s3, s2  }
0x8d: {  	s2 =	sadd.s32 s2, s17  }
0x8e: {  	[smem:$0x3FBD] =	sst s2  }
0x8f: {  	_ = 	snop  }
0x90: {  	s2 =	sld [smem:$0x3FD0];
	(tm) =	ssettm $0x1  }
0x91: {  	s18 =	sld [smem:$0x3FFB];
	_ =	sdelay $0x3  }
0x92: {  	_ =	strace s18  }
0x93: {  	s3 =	sld [smem:$0x3FFC];
	_ =	sdelay $0x3  }
0x94: {  	_ =	strace s3  }
0x95: {  	s3 =	sld [smem:$0x3FFD];
	_ =	sdelay $0x3  }
0x96: {  	_ =	strace s3  }
0x97: {  	_ =	strace $0x8FFFFFFF  }
0x98: {  	s19 =	sld [smem:$0x3FDB];
	_ =	sdelay $0x1  }
0x99: {  	s4 =	simm.s32 $_scs_section_size  }
0x9a: {  	s5 =	simm.s32 $_size__tile_overlayer_lowered;
	s6 =	simm.s32 $_tile_overlayer_lowered  }
0x9b: {  	s22 =	simm.s32 $0x1BFF;
	s21 =	sshll.u32 s6, $0x1;
	s3 =	sadd.s32 s4, s19  }
0x9c: {  	s7 =	simm.s32 $0x0;
	s20 =	sshll.u32 s5, $0x1;
	s5 =	sadd.s32 s21, s3  }
0x9d: {  	[timem:s7], [sflag:s22] =	dma.local [hbm:s5], s20  }
0x9e: {  	_ =	swait.ge [sflag:s22], s20  }
0x9f: {  	s4 =	ssub.s32 $0x0, s20;
	[sflag:s22] =	ssyncset.done $0x0  }
0xa0: {  	[sflag:s22] =	ssyncadd.s32 s4;
	_ =	sdelay $0x1  }
0xa1: {  	s23 =	simm.s32 $0x1B8B  }
0xa2: {  	_ =	swait.ge [sflag:s23], $0x1  }
0xa3: {  	[sflag:s23] =	ssyncset.done $0x0  }
0xa4: {  	s25 =	simm.s32 $0x1B8E;
	s24 =	sld [smem:$0x3FFE];
	[sflag:s23] =	ssyncadd.s32 $0xFFFFFFFF  }
0xa5: {  	s26 =	simm.s32 $execute0_lowered;
	[smem:$0x3FD2] =	sst s25  }
0xa6: {  	s5 =	sshll.u32 s26, $0x1;
	_ =	strace $0x8000004C;
	[dreg:$0x1] =	wrdreg $0xFFFFFFFF  }
0xa7: {  	s28 =	simm.s32 $_size_execute0_lowered;
	s3 =	sadd.s32 s3, s5;
	[dreg:$0x0] =	wrdreg $0x0  }
0xa8: {  	s5 =	sshll.u32 s28, $0x1;
	[dreg:$0x2] =	wrdreg s3  }
0xa9: {  	[dreg:$0x3] =	wrdreg s5  }
0xaa: {  	[dreg:$0x4] =	wrdreg $0xC0  }
0xab: {  	_ =	task [dreg:s7], $0x5FFFF  }
0xac: {  	[dreg:$0x1] =	wrdreg $0xFFFFFFFF  }
0xad: {  	[dreg:$0x0] =	wrdreg $0x60  }
0xae: {  	[dreg:$0x2] =	wrdreg s24  }
0xaf: {  	[dreg:$0x3] =	wrdreg s2  }
0xb0: {  	[dreg:$0x4] =	wrdreg $0x90000  }
0xb1: {  	[dreg:$0x5] =	wrdreg $0x9  }
0xb2: {  	_ =	task.clear_ibuf [dreg:s7], $0x6FFFF;
	_ =	strace $0x9000004C  }
0xb3: {  	s29 =	simm.s32 $0x9;
	_ =	strace $0x8000004E  }
0xb4: {  	_ =	swait.ge [sflag:s29], $0x1  }
0xb5: {  	[sflag:s29] =	ssyncadd.s32 $0xFFFFFFFF  }
0xb6: {  	_ =	strace $0x9000004E  }
0xb7: {  	_ =	sfence  }
0xb8: {  	s30 =	sld [smem:$0x0];
	_ =	sdelay $0x2  }
0xb9: {  	s31 =	sshll.u32 s1, $0xD;
	s1 =	sshrl.u32 s1, $0x2  }
0xba: {  	s3 =	sand.u32 $0x4000, s31;
	s1 =	sadd.s32 s1, s30  }
0xbb: {  	s0 =	sor.u32 s3, s0;
	s1 =	sshll.u32 s1, $0x11  }
0xbc: {  	s0 =	sor.u32 s1, s0  }
0xbd: {  	s0 =	sadd.s32 $0x8F2B, s0  }
0xbe: {  	[sflag:s0] =	ssyncadd.remote.s32 $0x1  }
0xbf: {  	_ =	sfence.sel $0xFFFF  }
0xc0: {  	[dreg:$0x0] =	wrdreg $0xFFFFFFFF;
	(pc) =	sbr.abs _section_cstart, $3  }
0xc1: {  	[dreg:$0x1] =	wrdreg $0xFFFFFFFF  }
0xc2: {  	_ =	task.clear_ibuf [dreg:s7], $0x2FFFF;
	_ =	strace $0x9FFFFFFF  }
0xc3: {  	(tm) =	ssettm $0x7FFFFFFF  }
tec
execute0_lowered:
.L_overlay_start_1:
0x0: {  	(tag) =	ssettag $0x1  }
0x1: {  	s6 =	rddreg [dreg:$0x0]  }
0x2: {  	s12 =	rddreg [dreg:$0x1];
	s0 =	srdreg.scid  }
0x3: {  	s2 =	rddreg [dreg:$0x2];
	s24 =	stileid.u32;
	s3 =	simm.s32 $0x0  }
0x4: {  	s16 =	simm.s32 $0x80;
	s17 =	simm.s32 $0x1000;
	s18 =	simm.s32 $0x5000  }
0x5: {  	s19 =	simm.s32 $0x1;
	s20 =	simm.s32 $0x3;
	s21 =	simm.s32 $0x2  }
0x6: {  	s22 =	simm.s32 $0x4;
	s23 =	simm.s32 $0x0;
	s5 =	smul.u32 $0x14000, s24  }
0x7: {  	s7 =	sand.u32 $0x1, s0;
	[smem:$0x7FF] =	sst s3;
	s25 =	smul.u32 $0x50000, s24  }
0x8: {  	s11 =	sadd.s32 $0x3000, s6;
	s10 =	sshll.u32 s24, $0x1;
	s13 =	smul.u32 $0x5000, s24  }
0x9: {  	s29 =	sshll.u32 s24, $0x6;
	s4 =	smul.u32 $0x140000, s7;
	_ =	strace $0x8000004D  }
0xa: {  	s26 =	ssub.s32 $0x2, s7;
	s10 =	sor.u32 s7, s10;
	s7 =	smul.u32 $0x2800, s7  }
0xb: {  	s14 =	sshrl.u32 s26, $0x1;
	s28 =	smul.u32 $0x2800, s10;
	s5 =	sadd.s32 s5, s4  }
0xc: {  	s4 =	sadd.s32 $0xD000, s6;
	s14 =	ssub.s32 s26, s14;
	s7 =	sadd.s32 s7, s13  }
0xd: {  	s8 =	sshrl.u32 s5, $0x3;
	s5 =	sadd.s32 $0x34200, s6;
	s30 =	sor.u32 $0x400, s7  }
0xe: {  	s10 =	smax.u32 s14, $0x1;
	s14 =	simm.s32 $0x6;
	s9 =	sadd.s32 s8, s6  }
0xf: {  	s6 =	sshrl.u32 s25, $0x2;
	s8 =	sshrl.u32 s28, $0x3;
	s31 =	sshrl.u32 s30, $0x3  }
0x10: {  	s15 =	sadd.s32 s6, s2;
	s6 =	sor.u32 $0x1C06, s29;
	s7 =	sadd.s32 s12, s8  }
0x11: {  	s8 =	sadd.s32 s11, s8;
	s9 =	sadd.s32 $0x36A00, s9;
	s11 =	sadd.s32 s31, s11  }
0x12: {  	s12 =	sadd.s32 s31, s12;
	s13 =	sshrl.u32 s15, $0x3;
	s15 =	simm.s32 $0x800  }
.LBB2_1:
0x13: {  	[spmem:s13], [sflag:s6] =	dma.local [hbm:s5], $0x2800  }
0x14: {  	_ =	swait.ge [sflag:s14], $0x2800  }
0x15: {  	[sflag:s14] =	ssyncset.done $0x0  }
0x16: {  	[sflag:s14] =	ssyncadd.s32 $0xFFFFD800  }
0x17: {  	[tilespmem:s3], [sflag:$0x6] =	stream.linear.gather [hbm4b:s7+s3], $0x400, $0x38;
	[tilespmem:$0x1D000] =	vst v63  }
0x18: {  	_ =	swait.ge [sflag:s14], $0x400  }
0x19: {  	[sflag:s14] =	ssyncset.done $0x0  }
0x1a: {  	[sflag:s14] =	ssyncadd.s32 $0xFFFFFC00  }
0x1b: {  	[tilespmem:s15], [sflag:$0x6] =	stream.linear.gather [hbm4b:s8+s3], $0x400, $0x38;
	[tilespmem:$0x1D000] =	vst v63  }
0x1c: {  	_ =	swait.ge [sflag:s14], $0x400  }
0x1d: {  	[sflag:s14] =	ssyncset.done $0x0  }
0x1e: {  	p0 =	por $0x1, $0x1;
	[sflag:s14] =	ssyncadd.s32 $0xFFFFFC00  }
0x1f: {  	s24 =	simm.s32 @!p0 $0x5;
	[bflag:$0x0] =	sbarrier.arrive $0xFFFF  }
0x20: {  	_ =	swait.ge @!p0 [sflag:s24], $0x400  }
0x21: {  	[sflag:s24] =	ssyncset.done @!p0 $0x0  }
0x22: {  	[sflag:s24] =	ssyncadd.s32 @!p0 $0xFFFFFC00  }
0x23: {  	_ =	swait.ge @!p0 [sflag:s24], $0x400  }
0x24: {  	[sflag:s24] =	ssyncset.done @!p0 $0x0  }
0x25: {  	[sflag:s24] =	ssyncadd.s32 @!p0 $0xFFFFFC00;
	s24 =	sand.u32 $0x400, s3;
	p0 =	por $0x0, $0x0  }
0x26: {  	[tilespmem:s17], [sflag:$0x1] =	stream.indirect.gather [hbm4b:s4+s16], $0x80, s24, s16, $0xb8;
	[tilespmem:$0x1D000] =	vst v63  }
0x27: {  	s25 =	sor.u32 $0x80, s24;
	s26 =	sxor.u32 @!p0 $0xFFFFFFFF, s3  }
0x28: {  	[tilespmem:s18], [sflag:$0x2] =	stream.indirect.gather [hbm4b:s4+s16], $0x80, s25, s16, $0xb8;
	[tilespmem:$0x1D000] =	vst v63  }
0x29: {  	s28 =	simm.s32 @!p0 $0x0;
	s26 =	sand.u32 @!p0 $0x400, s26  }
0x2a: {  	[tilespmem:s26], [sflag:$0x5] =	stream.linear.gather @!p0 [hbm4b:s12+s28], $0x400, $0x38;
	[tilespmem:$0x1D000] =	vst v63  }
0x2b: {  	s26 =	sor.u32 @!p0 $0x800, s26  }
0x2c: {  	[tilespmem:s26], [sflag:$0x5] =	stream.linear.gather @!p0 [hbm4b:s11+s28], $0x400, $0x38;
	[tilespmem:$0x1D000] =	vst v63  }
0x2d: {  	_ =	swait.ge [sflag:s19], $0x4000  }
0x2e: {  	[sflag:s19] =	ssyncset.done $0x0  }
0x2f: {  	s0 =	sor.u32 $0x800, s24;
	[sflag:s19] =	ssyncadd.s32 $0xFFFFC000  }
0x30: {  	[spmem:s2] =	stream.indirect.scatter.add.f32 [tilespmem:s17], [sflag:$0x3], $0x80, s0, s16, $0xb8;
	[tilespmem:$0x1D000] =	vst v63  }
0x31: {  	_ =	swait.ge [sflag:s20], $0x4000  }
0x32: {  	[sflag:s20] =	ssyncset.done $0x0  }
0x33: {  	s1 =	sor.u32 $0x100, s24;
	[sflag:s20] =	ssyncadd.s32 $0xFFFFC000  }
0x34: {  	[tilespmem:s17], [sflag:$0x1] =	stream.indirect.gather [hbm4b:s4+s16], $0x80, s1, s16, $0xb8;
	[tilespmem:$0x1D000] =	vst v63  }
0x35: {  	_ =	swait.ge [sflag:s21], $0x4000  }
0x36: {  	[sflag:s21] =	ssyncset.done $0x0  }
0x37: {  	s25 =	sor.u32 $0x800, s25;
	[sflag:s21] =	ssyncadd.s32 $0xFFFFC000  }
0x38: {  	[spmem:s2] =	stream.indirect.scatter.add.f32 [tilespmem:s18], [sflag:$0x4], $0x80, s25, s16, $0xb8;
	[tilespmem:$0x1D000] =	vst v63  }
0x39: {  	_ =	swait.ge [sflag:s22], $0x4000  }
0x3a: {  	[sflag:s22] =	ssyncset.done $0x0  }
0x3b: {  	s26 =	sor.u32 $0x180, s24;
	[sflag:s22] =	ssyncadd.s32 $0xFFFFC000  }
0x3c: {  	[tilespmem:s18], [sflag:$0x2] =	stream.indirect.gather [hbm4b:s4+s16], $0x80, s26, s16, $0xb8;
	[tilespmem:$0x1D000] =	vst v63  }
0x3d: {  	_ =	swait.ge [sflag:s19], $0x4000  }
0x3e: {  	[sflag:s19] =	ssyncset.done $0x0  }
0x3f: {  	s29 =	sor.u32 $0x900, s24;
	[sflag:s19] =	ssyncadd.s32 $0xFFFFC000  }
0x40: {  	[spmem:s2] =	stream.indirect.scatter.add.f32 [tilespmem:s17], [sflag:$0x3], $0x80, s29, s16, $0xb8;
	[tilespmem:$0x1D000] =	vst v63  }
0x41: {  	_ =	swait.ge [sflag:s20], $0x4000  }
0x42: {  	[sflag:s20] =	ssyncset.done $0x0  }
0x43: {  	s30 =	sor.u32 $0x200, s24;
	[sflag:s20] =	ssyncadd.s32 $0xFFFFC000  }
0x44: {  	[tilespmem:s17], [sflag:$0x1] =	stream.indirect.gather [hbm4b:s4+s16], $0x80, s30, s16, $0xb8;
	[tilespmem:$0x1D000] =	vst v63  }
0x45: {  	_ =	swait.ge [sflag:s21], $0x4000  }
0x46: {  	[sflag:s21] =	ssyncset.done $0x0  }
0x47: {  	s31 =	sor.u32 $0x980, s24;
	[sflag:s21] =	ssyncadd.s32 $0xFFFFC000  }
0x48: {  	[spmem:s2] =	stream.indirect.scatter.add.f32 [tilespmem:s18], [sflag:$0x4], $0x80, s31, s16, $0xb8;
	[tilespmem:$0x1D000] =	vst v63  }
0x49: {  	_ =	swait.ge [sflag:s22], $0x4000  }
0x4a: {  	[sflag:s22] =	ssyncset.done $0x0  }
0x4b: {  	s0 =	sor.u32 $0x280, s24;
	[sflag:s22] =	ssyncadd.s32 $0xFFFFC000  }
0x4c: {  	[tilespmem:s18], [sflag:$0x2] =	stream.indirect.gather [hbm4b:s4+s16], $0x80, s0, s16, $0xb8;
	[tilespmem:$0x1D000] =	vst v63  }
0x4d: {  	_ =	swait.ge [sflag:s19], $0x4000  }
0x4e: {  	[sflag:s19] =	ssyncset.done $0x0  }
0x4f: {  	s1 =	sor.u32 $0xA00, s24;
	[sflag:s19] =	ssyncadd.s32 $0xFFFFC000  }
0x50: {  	[spmem:s2] =	stream.indirect.scatter.add.f32 [tilespmem:s17], [sflag:$0x3], $0x80, s1, s16, $0xb8;
	[tilespmem:$0x1D000] =	vst v63  }
0x51: {  	_ =	swait.ge [sflag:s20], $0x4000  }
0x52: {  	[sflag:s20] =	ssyncset.done $0x0  }
0x53: {  	s26 =	sor.u32 $0x300, s24;
	[sflag:s20] =	ssyncadd.s32 $0xFFFFC000  }
0x54: {  	[tilespmem:s17], [sflag:$0x1] =	stream.indirect.gather [hbm4b:s4+s16], $0x80, s26, s16, $0xb8;
	[tilespmem:$0x1D000] =	vst v63  }
0x55: {  	_ =	swait.ge [sflag:s21], $0x4000  }
0x56: {  	[sflag:s21] =	ssyncset.done $0x0  }
0x57: {  	s29 =	sor.u32 $0xA80, s24;
	[sflag:s21] =	ssyncadd.s32 $0xFFFFC000  }
0x58: {  	[spmem:s2] =	stream.indirect.scatter.add.f32 [tilespmem:s18], [sflag:$0x4], $0x80, s29, s16, $0xb8;
	[tilespmem:$0x1D000] =	vst v63  }
0x59: {  	_ =	swait.ge [sflag:s22], $0x4000  }
0x5a: {  	[sflag:s22] =	ssyncset.done $0x0  }
0x5b: {  	s30 =	sor.u32 $0x380, s24;
	[sflag:s22] =	ssyncadd.s32 $0xFFFFC000  }
0x5c: {  	[tilespmem:s18], [sflag:$0x2] =	stream.indirect.gather [hbm4b:s4+s16], $0x80, s30, s16, $0xb8;
	[tilespmem:$0x1D000] =	vst v63  }
0x5d: {  	_ =	swait.ge [sflag:s19], $0x4000  }
0x5e: {  	[sflag:s19] =	ssyncset.done $0x0  }
0x5f: {  	s31 =	sor.u32 $0xB00, s24;
	[sflag:s19] =	ssyncadd.s32 $0xFFFFC000  }
0x60: {  	[spmem:s2] =	stream.indirect.scatter.add.f32 [tilespmem:s17], [sflag:$0x3], $0x80, s31, s16, $0xb8;
	[tilespmem:$0x1D000] =	vst v63  }
0x61: {  	_ =	swait.ge [sflag:s21], $0x4000  }
0x62: {  	[sflag:s21] =	ssyncset.done $0x0  }
0x63: {  	s24 =	sor.u32 $0xB80, s24;
	[sflag:s21] =	ssyncadd.s32 $0xFFFFC000  }
0x64: {  	[spmem:s2] =	stream.indirect.scatter.add.f32 [tilespmem:s18], [sflag:$0x4], $0x80, s24, s16, $0xb8;
	[tilespmem:$0x1D000] =	vst v63  }
0x65: {  	_ =	swait.ge [sflag:s20], $0x4000  }
0x66: {  	[sflag:s20] =	ssyncset.done $0x0  }
0x67: {  	s28 =	simm.s32 $0x800;
	s25 =	simm.s32 $0x400;
	[sflag:s20] =	ssyncadd.s32 $0xFFFFC000  }
0x68: {  	s26 =	sadd.s32 $0x80, s12;
	s24 =	sadd.s32 $0x80, s11;
	_ =	swait.ge [sflag:s22], $0x4000  }
.LBB2_2:
0x69: {  	p1 =	seq.s32 s25, $0x0  }
0x6a: {  	[sflag:s22] =	ssyncset.done $0x0;
	s30 =	smov.u32 s28;
	s28 =	sadd.s32 $0x400, s28  }
0x6b: {  	p0 =	sne.s32 s28, $0x2800;
	s29 =	simm.s32 @!p1 $0x5;
	[sflag:s22] =	ssyncadd.s32 $0xFFFFC000  }
0x6c: {  	_ =	swait.ge @!p1 [sflag:s29], $0x400  }
0x6d: {  	[sflag:s29] =	ssyncset.done @!p1 $0x0  }
0x6e: {  	[sflag:s29] =	ssyncadd.s32 @!p1 $0xFFFFFC00  }
0x6f: {  	_ =	swait.ge @!p1 [sflag:s29], $0x400  }
0x70: {  	[sflag:s29] =	ssyncset.done @!p1 $0x0  }
0x71: {  	[sflag:s29] =	ssyncadd.s32 @!p1 $0xFFFFFC00;
	s29 =	sand.u32 $0x400, s25  }
0x72: {  	[tilespmem:s17], [sflag:$0x1] =	stream.indirect.gather [hbm4b:s4+s16], $0x80, s29, s16, $0xb8;
	[tilespmem:$0x1D000] =	vst v63  }
0x73: {  	p1 =	seq.s32 s25, $0x2400;
	s31 =	sor.u32 $0x80, s29  }
0x74: {  	[tilespmem:s18], [sflag:$0x2] =	stream.indirect.gather [hbm4b:s4+s16], $0x80, s31, s16, $0xb8;
	[tilespmem:$0x1D000] =	vst v63  }
0x75: {  	s0 =	sxor.u32 @!p1 $0xFFFFFFFF, s25;
	s1 =	simm.s32 @!p1 $0x0;
	s25 =	smov.u32 s30  }
0x76: {  	s0 =	sand.u32 @!p1 $0x400, s0  }
0x77: {  	[tilespmem:s0], [sflag:$0x5] =	stream.linear.gather @!p1 [hbm4b:s26+s1], $0x400, $0x38;
	[tilespmem:$0x1D000] =	vst v63  }
0x78: {  	s0 =	sor.u32 @!p1 $0x800, s0  }
0x79: {  	[tilespmem:s0], [sflag:$0x5] =	stream.linear.gather @!p1 [hbm4b:s24+s1], $0x400, $0x38;
	[tilespmem:$0x1D000] =	vst v63  }
0x7a: {  	_ =	swait.ge [sflag:s19], $0x4000  }
0x7b: {  	s0 =	sor.u32 $0x800, s29;
	[sflag:s19] =	ssyncset.done $0x0  }
0x7c: {  	[sflag:s19] =	ssyncadd.s32 $0xFFFFC000  }
0x7d: {  	[spmem:s2] =	stream.indirect.scatter.add.f32 [tilespmem:s17], [sflag:$0x3], $0x80, s0, s16, $0xb8;
	[tilespmem:$0x1D000] =	vst v63  }
0x7e: {  	_ =	swait.ge [sflag:s20], $0x4000  }
0x7f: {  	s0 =	sor.u32 $0x100, s29;
	[sflag:s20] =	ssyncset.done $0x0  }
0x80: {  	[sflag:s20] =	ssyncadd.s32 $0xFFFFC000  }
0x81: {  	[tilespmem:s17], [sflag:$0x1] =	stream.indirect.gather [hbm4b:s4+s16], $0x80, s0, s16, $0xb8;
	[tilespmem:$0x1D000] =	vst v63  }
0x82: {  	_ =	swait.ge [sflag:s21], $0x4000  }
0x83: {  	s0 =	sor.u32 $0x800, s31;
	[sflag:s21] =	ssyncset.done $0x0  }
0x84: {  	[sflag:s21] =	ssyncadd.s32 $0xFFFFC000  }
0x85: {  	[spmem:s2] =	stream.indirect.scatter.add.f32 [tilespmem:s18], [sflag:$0x4], $0x80, s0, s16, $0xb8;
	[tilespmem:$0x1D000] =	vst v63  }
0x86: {  	_ =	swait.ge [sflag:s22], $0x4000  }
0x87: {  	s0 =	sor.u32 $0x180, s29;
	[sflag:s22] =	ssyncset.done $0x0  }
0x88: {  	[sflag:s22] =	ssyncadd.s32 $0xFFFFC000  }
0x89: {  	[tilespmem:s18], [sflag:$0x2] =	stream.indirect.gather [hbm4b:s4+s16], $0x80, s0, s16, $0xb8;
	[tilespmem:$0x1D000] =	vst v63  }
0x8a: {  	_ =	swait.ge [sflag:s19], $0x4000  }
0x8b: {  	s0 =	sor.u32 $0x900, s29;
	[sflag:s19] =	ssyncset.done $0x0  }
0x8c: {  	[sflag:s19] =	ssyncadd.s32 $0xFFFFC000  }
0x8d: {  	[spmem:s2] =	stream.indirect.scatter.add.f32 [tilespmem:s17], [sflag:$0x3], $0x80, s0, s16, $0xb8;
	[tilespmem:$0x1D000] =	vst v63  }
0x8e: {  	_ =	swait.ge [sflag:s20], $0x4000  }
0x8f: {  	s0 =	sor.u32 $0x200, s29;
	[sflag:s20] =	ssyncset.done $0x0  }
0x90: {  	[sflag:s20] =	ssyncadd.s32 $0xFFFFC000  }
0x91: {  	[tilespmem:s17], [sflag:$0x1] =	stream.indirect.gather [hbm4b:s4+s16], $0x80, s0, s16, $0xb8;
	[tilespmem:$0x1D000] =	vst v63  }
0x92: {  	_ =	swait.ge [sflag:s21], $0x4000  }
0x93: {  	s0 =	sor.u32 $0x980, s29;
	[sflag:s21] =	ssyncset.done $0x0  }
0x94: {  	[sflag:s21] =	ssyncadd.s32 $0xFFFFC000  }
0x95: {  	[spmem:s2] =	stream.indirect.scatter.add.f32 [tilespmem:s18], [sflag:$0x4], $0x80, s0, s16, $0xb8;
	[tilespmem:$0x1D000] =	vst v63  }
0x96: {  	_ =	swait.ge [sflag:s22], $0x4000  }
0x97: {  	s0 =	sor.u32 $0x280, s29;
	[sflag:s22] =	ssyncset.done $0x0  }
0x98: {  	[sflag:s22] =	ssyncadd.s32 $0xFFFFC000  }
0x99: {  	[tilespmem:s18], [sflag:$0x2] =	stream.indirect.gather [hbm4b:s4+s16], $0x80, s0, s16, $0xb8;
	[tilespmem:$0x1D000] =	vst v63  }
0x9a: {  	_ =	swait.ge [sflag:s19], $0x4000  }
0x9b: {  	s0 =	sor.u32 $0xA00, s29;
	[sflag:s19] =	ssyncset.done $0x0  }
0x9c: {  	[sflag:s19] =	ssyncadd.s32 $0xFFFFC000  }
0x9d: {  	[spmem:s2] =	stream.indirect.scatter.add.f32 [tilespmem:s17], [sflag:$0x3], $0x80, s0, s16, $0xb8;
	[tilespmem:$0x1D000] =	vst v63  }
0x9e: {  	_ =	swait.ge [sflag:s20], $0x4000  }
0x9f: {  	s0 =	sor.u32 $0x300, s29;
	[sflag:s20] =	ssyncset.done $0x0  }
0xa0: {  	[sflag:s20] =	ssyncadd.s32 $0xFFFFC000  }
0xa1: {  	[tilespmem:s17], [sflag:$0x1] =	stream.indirect.gather [hbm4b:s4+s16], $0x80, s0, s16, $0xb8;
	[tilespmem:$0x1D000] =	vst v63  }
0xa2: {  	_ =	swait.ge [sflag:s21], $0x4000  }
0xa3: {  	s0 =	sor.u32 $0xA80, s29;
	[sflag:s21] =	ssyncset.done $0x0  }
0xa4: {  	[sflag:s21] =	ssyncadd.s32 $0xFFFFC000  }
0xa5: {  	[spmem:s2] =	stream.indirect.scatter.add.f32 [tilespmem:s18], [sflag:$0x4], $0x80, s0, s16, $0xb8;
	[tilespmem:$0x1D000] =	vst v63  }
0xa6: {  	_ =	swait.ge [sflag:s22], $0x4000  }
0xa7: {  	s0 =	sor.u32 $0x380, s29;
	[sflag:s22] =	ssyncset.done $0x0  }
0xa8: {  	[sflag:s22] =	ssyncadd.s32 $0xFFFFC000  }
0xa9: {  	[tilespmem:s18], [sflag:$0x2] =	stream.indirect.gather [hbm4b:s4+s16], $0x80, s0, s16, $0xb8;
	[tilespmem:$0x1D000] =	vst v63  }
0xaa: {  	_ =	swait.ge [sflag:s19], $0x4000  }
0xab: {  	s0 =	sor.u32 $0xB00, s29;
	[sflag:s19] =	ssyncset.done $0x0  }
0xac: {  	[sflag:s19] =	ssyncadd.s32 $0xFFFFC000  }
0xad: {  	[spmem:s2] =	stream.indirect.scatter.add.f32 [tilespmem:s17], [sflag:$0x3], $0x80, s0, s16, $0xb8;
	[tilespmem:$0x1D000] =	vst v63  }
0xae: {  	_ =	swait.ge [sflag:s21], $0x4000  }
0xaf: {  	s0 =	sor.u32 $0xB80, s29;
	[sflag:s21] =	ssyncset.done $0x0  }
0xb0: {  	[sflag:s21] =	ssyncadd.s32 $0xFFFFC000  }
0xb1: {  	[spmem:s2] =	stream.indirect.scatter.add.f32 [tilespmem:s18], [sflag:$0x4], $0x80, s0, s16, $0xb8;
	[tilespmem:$0x1D000] =	vst v63  }
.Ltmp0:
0xb2: {  	_ = 	snop;
	(pc) =	sbr.rel @p0 .LBB2_2-.Ltmp0, $4  }
0xb3: {  	_ =	swait.ge [sflag:s20], $0x4000  }
0xb4: {  	[sflag:s20] =	ssyncset.done $0x0  }
0xb5: {  	[sflag:s20] =	ssyncadd.s32 $0xFFFFC000  }
0xb6: {  	s26 =	sadd.s32 $0x80, s26;
	s24 =	sadd.s32 $0x80, s24;
	_ =	swait.ge [sflag:s22], $0x4000  }
0xb7: {  	p0 =	seq.s32 s25, $0x0;
	[sflag:s22] =	ssyncset.done $0x0  }
0xb8: {  	s0 =	simm.s32 @!p0 $0x5;
	[sflag:s22] =	ssyncadd.s32 $0xFFFFC000  }
0xb9: {  	_ =	swait.ge @!p0 [sflag:s0], $0x400  }
0xba: {  	[sflag:s0] =	ssyncset.done @!p0 $0x0  }
0xbb: {  	[sflag:s0] =	ssyncadd.s32 @!p0 $0xFFFFFC00  }
0xbc: {  	_ =	swait.ge @!p0 [sflag:s0], $0x400  }
0xbd: {  	[sflag:s0] =	ssyncset.done @!p0 $0x0  }
0xbe: {  	s28 =	sand.u32 $0x400, s25;
	[sflag:s0] =	ssyncadd.s32 @!p0 $0xFFFFFC00;
	p0 =	seq.s32 s25, $0x2400  }
0xbf: {  	[tilespmem:s17], [sflag:$0x1] =	stream.indirect.gather [hbm4b:s4+s16], $0x80, s28, s16, $0xb8;
	[tilespmem:$0x1D000] =	vst v63  }
0xc0: {  	s31 =	sor.u32 $0x80, s28;
	s1 =	sxor.u32 @!p0 $0xFFFFFFFF, s25  }
0xc1: {  	[tilespmem:s18], [sflag:$0x2] =	stream.indirect.gather [hbm4b:s4+s16], $0x80, s31, s16, $0xb8;
	[tilespmem:$0x1D000] =	vst v63  }
0xc2: {  	s25 =	simm.s32 @!p0 $0x0;
	s1 =	sand.u32 @!p0 $0x400, s1  }
0xc3: {  	[tilespmem:s1], [sflag:$0x5] =	stream.linear.gather @!p0 [hbm4b:s26+s25], $0x400, $0x38;
	[tilespmem:$0x1D000] =	vst v63  }
0xc4: {  	s1 =	sor.u32 @!p0 $0x800, s1  }
0xc5: {  	[tilespmem:s1], [sflag:$0x5] =	stream.linear.gather @!p0 [hbm4b:s24+s25], $0x400, $0x38;
	[tilespmem:$0x1D000] =	vst v63  }
0xc6: {  	_ =	swait.ge [sflag:s19], $0x4000  }
0xc7: {  	[sflag:s19] =	ssyncset.done $0x0  }
0xc8: {  	s24 =	sor.u32 $0x800, s28;
	[sflag:s19] =	ssyncadd.s32 $0xFFFFC000  }
0xc9: {  	[spmem:s2] =	stream.indirect.scatter.add.f32 [tilespmem:s17], [sflag:$0x3], $0x80, s24, s16, $0xb8;
	[tilespmem:$0x1D000] =	vst v63  }
0xca: {  	_ =	swait.ge [sflag:s20], $0x4000  }
0xcb: {  	[sflag:s20] =	ssyncset.done $0x0  }
0xcc: {  	s25 =	sor.u32 $0x100, s28;
	[sflag:s20] =	ssyncadd.s32 $0xFFFFC000  }
0xcd: {  	[tilespmem:s17], [sflag:$0x1] =	stream.indirect.gather [hbm4b:s4+s16], $0x80, s25, s16, $0xb8;
	[tilespmem:$0x1D000] =	vst v63  }
0xce: {  	_ =	swait.ge [sflag:s21], $0x4000  }
0xcf: {  	[sflag:s21] =	ssyncset.done $0x0  }
0xd0: {  	s0 =	sor.u32 $0x800, s31;
	[sflag:s21] =	ssyncadd.s32 $0xFFFFC000  }
0xd1: {  	[spmem:s2] =	stream.indirect.scatter.add.f32 [tilespmem:s18], [sflag:$0x4], $0x80, s0, s16, $0xb8;
	[tilespmem:$0x1D000] =	vst v63  }
0xd2: {  	_ =	swait.ge [sflag:s22], $0x4000  }
0xd3: {  	[sflag:s22] =	ssyncset.done $0x0  }
0xd4: {  	s26 =	sor.u32 $0x180, s28;
	[sflag:s22] =	ssyncadd.s32 $0xFFFFC000  }
0xd5: {  	[tilespmem:s18], [sflag:$0x2] =	stream.indirect.gather [hbm4b:s4+s16], $0x80, s26, s16, $0xb8;
	[tilespmem:$0x1D000] =	vst v63  }
0xd6: {  	_ =	swait.ge [sflag:s19], $0x4000  }
0xd7: {  	[sflag:s19] =	ssyncset.done $0x0  }
0xd8: {  	s29 =	sor.u32 $0x900, s28;
	[sflag:s19] =	ssyncadd.s32 $0xFFFFC000  }
0xd9: {  	[spmem:s2] =	stream.indirect.scatter.add.f32 [tilespmem:s17], [sflag:$0x3], $0x80, s29, s16, $0xb8;
	[tilespmem:$0x1D000] =	vst v63  }
0xda: {  	_ =	swait.ge [sflag:s20], $0x4000  }
0xdb: {  	[sflag:s20] =	ssyncset.done $0x0  }
0xdc: {  	s30 =	sor.u32 $0x200, s28;
	[sflag:s20] =	ssyncadd.s32 $0xFFFFC000  }
0xdd: {  	[tilespmem:s17], [sflag:$0x1] =	stream.indirect.gather [hbm4b:s4+s16], $0x80, s30, s16, $0xb8;
	[tilespmem:$0x1D000] =	vst v63  }
0xde: {  	_ =	swait.ge [sflag:s21], $0x4000  }
0xdf: {  	[sflag:s21] =	ssyncset.done $0x0  }
0xe0: {  	s31 =	sor.u32 $0x980, s28;
	[sflag:s21] =	ssyncadd.s32 $0xFFFFC000  }
0xe1: {  	[spmem:s2] =	stream.indirect.scatter.add.f32 [tilespmem:s18], [sflag:$0x4], $0x80, s31, s16, $0xb8;
	[tilespmem:$0x1D000] =	vst v63  }
0xe2: {  	_ =	swait.ge [sflag:s22], $0x4000  }
0xe3: {  	[sflag:s22] =	ssyncset.done $0x0  }
0xe4: {  	s1 =	sor.u32 $0x280, s28;
	[sflag:s22] =	ssyncadd.s32 $0xFFFFC000  }
0xe5: {  	[tilespmem:s18], [sflag:$0x2] =	stream.indirect.gather [hbm4b:s4+s16], $0x80, s1, s16, $0xb8;
	[tilespmem:$0x1D000] =	vst v63  }
0xe6: {  	_ =	swait.ge [sflag:s19], $0x4000  }
0xe7: {  	[sflag:s19] =	ssyncset.done $0x0  }
0xe8: {  	s24 =	sor.u32 $0xA00, s28;
	[sflag:s19] =	ssyncadd.s32 $0xFFFFC000  }
0xe9: {  	[spmem:s2] =	stream.indirect.scatter.add.f32 [tilespmem:s17], [sflag:$0x3], $0x80, s24, s16, $0xb8;
	[tilespmem:$0x1D000] =	vst v63  }
0xea: {  	_ =	swait.ge [sflag:s20], $0x4000  }
0xeb: {  	[sflag:s20] =	ssyncset.done $0x0  }
0xec: {  	s25 =	sor.u32 $0x300, s28;
	[sflag:s20] =	ssyncadd.s32 $0xFFFFC000  }
0xed: {  	[tilespmem:s17], [sflag:$0x1] =	stream.indirect.gather [hbm4b:s4+s16], $0x80, s25, s16, $0xb8;
	[tilespmem:$0x1D000] =	vst v63  }
0xee: {  	_ =	swait.ge [sflag:s21], $0x4000  }
0xef: {  	[sflag:s21] =	ssyncset.done $0x0  }
0xf0: {  	s26 =	sor.u32 $0xA80, s28;
	[sflag:s21] =	ssyncadd.s32 $0xFFFFC000  }
0xf1: {  	[spmem:s2] =	stream.indirect.scatter.add.f32 [tilespmem:s18], [sflag:$0x4], $0x80, s26, s16, $0xb8;
	[tilespmem:$0x1D000] =	vst v63  }
0xf2: {  	_ =	swait.ge [sflag:s22], $0x4000  }
0xf3: {  	[sflag:s22] =	ssyncset.done $0x0  }
0xf4: {  	s29 =	sor.u32 $0x380, s28;
	[sflag:s22] =	ssyncadd.s32 $0xFFFFC000  }
0xf5: {  	[tilespmem:s18], [sflag:$0x2] =	stream.indirect.gather [hbm4b:s4+s16], $0x80, s29, s16, $0xb8;
	[tilespmem:$0x1D000] =	vst v63  }
0xf6: {  	_ =	swait.ge [sflag:s19], $0x4000  }
0xf7: {  	[sflag:s19] =	ssyncset.done $0x0  }
0xf8: {  	s30 =	sor.u32 $0xB00, s28;
	[sflag:s19] =	ssyncadd.s32 $0xFFFFC000  }
0xf9: {  	[spmem:s2] =	stream.indirect.scatter.add.f32 [tilespmem:s17], [sflag:$0x3], $0x80, s30, s16, $0xb8;
	[tilespmem:$0x1D000] =	vst v63  }
0xfa: {  	_ =	swait.ge [sflag:s21], $0x4000  }
0xfb: {  	[sflag:s21] =	ssyncset.done $0x0  }
0xfc: {  	s31 =	sor.u32 $0xB80, s28;
	[sflag:s21] =	ssyncadd.s32 $0xFFFFC000  }
0xfd: {  	[spmem:s2] =	stream.indirect.scatter.add.f32 [tilespmem:s18], [sflag:$0x4], $0x80, s31, s16, $0xb8;
	[tilespmem:$0x1D000] =	vst v63  }
0xfe: {  	_ =	swait.ge [sflag:s20], $0x4000  }
0xff: {  	[sflag:s20] =	ssyncset.done $0x0  }
0x100: {  	[sflag:s20] =	ssyncadd.s32 $0xFFFFC000  }
0x101: {  	_ =	swait.ge [sflag:s22], $0x4000  }
0x102: {  	s23 =	sadd.s32 $0x1, s23;
	[sflag:s22] =	ssyncset.done $0x0  }
0x103: {  	p0 =	sne.s32 s23, s10;
	[sflag:s22] =	ssyncadd.s32 $0xFFFFC000  }
.Ltmp1:
0x104: {  	[bflag:$0x0] =	sbarrier.arrive $0xFFFF;
	(pc) =	sbr.rel @p0 .LBB2_1-.Ltmp1, $4  }
0x105: {  	[hbm:s9], [sflag:s6] =	dma.local [spmem:s13], $0x2800  }
0x106: {  	_ =	swait.ge [sflag:s14], $0x2800  }
0x107: {  	[sflag:s14] =	ssyncset.done $0x0  }
0x108: {  	[sflag:s14] =	ssyncadd.s32 $0xFFFFD800  }
0x109: {  	_ =	sfence.sel $0x180000  }
0x10a: {  	[bflag:$0x0] =	sbarrier.arrive $0xFFFF  }
0x10b: {  	_ =	strace $0x9000004D  }
0x10c: {  	s0 =	stileid.u32;
	[bflag:$0x2] =	sbarrier.arrive $0xFFFF  }
0x10d: {  	p0 =	sne.s32 s0, $0x0;
	s0 =	rddreg [dreg:$0x3]  }
0x10e: {  	s0 =	sadd.s32 @!p0 $0x100000, s0  }
0x10f: {  	[sflag:s0] =	ssyncadd.tile.s32 @!p0 $0x1;
	_ =	shalt  }
.Lfunc_end2:
_tile_overlayer_lowered:
.L_overlay_start_2:
0x110: {  	(tag) =	ssettag $0x2  }
0x111: {  	s0 =	rddreg [dreg:$0x0];
	s2 =	stileid.u32  }
0x112: {  	s1 =	rddreg [dreg:$0x1];
	p0 =	sne.s32 s2, $0x0  }
0x113: {  	s3 =	rddreg [dreg:$0x2];
	[bflag:$0x3] =	sbarrier.arrive $0xFFFF;
	s2 =	simm.s32 @!p0 $0x1C06  }
0x114: {  	[timem:s3], [sflag:s2] =	dma.local @!p0 [hbm:s0], s1  }
0x115: {  	s0 =	simm.s32 @!p0 $0x6  }
0x116: {  	_ =	swait.ge @!p0 [sflag:s0], s1  }
0x117: {  	s1 =	ssub.s32 @!p0 $0x0, s1;
	[sflag:s0] =	ssyncset.done @!p0 $0x0  }
0x118: {  	[sflag:s0] =	ssyncadd.s32 @!p0 s1  }
0x119: {  	[bflag:$0x3] =	sbarrier.arrive $0xFFFF  }
0x11a: {  	_ =	shalt  }

// kernel: kernel.19.cloned.1.call-start
scs
__scs_entry_jumppad:
0x0: {  	(pc) =	sbr.rel $0x88, $3  }
0x1: {  	(tag) =	ssettag $0x0;
	lr =	simm.s32 $0x1  }
0x2: {  	[smem:$0x3F96] =	sst lr;
	_ =	strace $0xD0000000  }
0x3: {  	_ = 	snop  }
0x4: {  	_ = 	snop  }
0x5: {  	_ = 	snop  }
0x6: {  	_ = 	snop  }
0x7: {  	_ = 	snop  }
__scs_overlays_trampoline_lowered:
0x8: {  	[smem:$0x3FA5] =	sst s0  }
0x9: {  	[smem:$0x3FA6] =	sst s1  }
0xa: {  	[smem:$0x3FA7] =	sst s2  }
0xb: {  	[smem:$0x3FA8] =	sst s3  }
0xc: {  	[smem:$0x3FA9] =	sst s4  }
0xd: {  	[smem:$0x3FAA] =	sst s5  }
0xe: {  	[smem:$0x3FAB] =	sst s6  }
0xf: {  	[smem:$0x3FAC] =	sst s7  }
0x10: {  	[smem:$0x3FAD] =	sst s8  }
0x11: {  	[smem:$0x3FAE] =	sst s9;
	s0 =	simm.s32 @!p0 $0x0  }
0x12: {  	s1 =	sld [smem:$0x3F94];
	s0 =	simm.s32 @p0 $0x1  }
0x13: {  	[smem:$0x3FAF] =	sst s0;
	s0 =	simm.s32 @!p1 $0x0  }
0x14: {  	s2 =	sld [smem:$0x3F93];
	s0 =	simm.s32 @p1 $0x1  }
0x15: {  	[smem:$0x3FB0] =	sst s0;
	s0 =	simm.s32 @!p2 $0x0  }
0x16: {  	s3 =	sld [smem:$0x3FDB];
	s0 =	simm.s32 @p2 $0x1  }
0x17: {  	s4 =	simm.s32 $0x1BF5;
	[smem:$0x3FB2] =	sst s0  }
0x18: {  	s0 =	sld [smem:$0x3F95];
	_ =	swait.ge [sflag:s4], $0x0  }
0x19: {  	s7 =	sld [smem:$0x3F96]  }
0x1a: {  	s8 =	sadd.s32 $0xFFFFE003, lr  }
0x1b: {  	s9 =	sadd.s32 $0xFFFFFEF7, lr;
	s5 =	simm.s32 $0xFFFFFFFF;
	p2 =	slt.u32 s8, $0xFFFFF086  }
0x1c: {  	p1 =	slt.u32 s9, $0xF7A;
	s5 =	simm.s32 @!p2 $0x0  }
0x1d: {  	s5 =	simm.s32 @p1 $0x1;
	p0 =	seq.s32 s7, s2  }
0x1e: {  	s7 =	smul.u32 @!p0 $0xF7A, s2;
	p2 =	seq.s32 @!p0 s5, $0x0  }
0x1f: {  	s9 =	smul.u32 $0xF7A, s1;
	s8 =	simm.s32 @!p0 $0x1BF5;
	p2 =	por !p2, p0  }
0x20: {  	[sflag:s8] =	ssyncset.s32 @!p0 $0xFFFFF086;
	s6 =	sadd.s32 @!p0 s3, s7;
	s7 =	simm.s32 @!p0 $0x108  }
0x21: {  	s3 =	sadd.s32 s3, s9;
	s6 =	sadd.s32 @!p0 $0x88, s6;
	s7 =	simm.s32 @p2 $0x1082  }
0x22: {  	[simem:s7], [sflag:s8] =	dma.local @!p0 [hbm:s6], $0xF7A  }
0x23: {  	s9 =	sor.u32 $0xD0000000, s2;
	s6 =	simm.s32 $0x108;
	_ =	swait.ge @!p0 [sflag:s8], $0x0  }
0x24: {  	s3 =	sadd.s32 $0x88, s3;
	s6 =	simm.s32 @!p1 $0x1082;
	[sflag:s4] =	ssyncset.s32 $0xFFFFF086  }
0x25: {  	[simem:s6], [sflag:s4] =	dma.local [hbm:s3], $0xF7A  }
0x26: {  	[smem:$0x3F96] =	sst s1;
	(tag) =	ssettag s2;
	_ =	strace s9  }
0x27: {  	s1 =	sld [smem:$0x3FA6]  }
0x28: {  	s2 =	sld [smem:$0x3FA7]  }
0x29: {  	s4 =	sld [smem:$0x3FA9]  }
0x2a: {  	p0 =	seq.s32 s5, $0x0;
	s5 =	sld [smem:$0x3FAA]  }
0x2b: {  	s6 =	sld [smem:$0x3FAB]  }
0x2c: {  	s7 =	sld [smem:$0x3FAC]  }
0x2d: {  	s3 =	simm.s32 $0x108;
	s8 =	sld [smem:$0x3FAD]  }
0x2e: {  	s3 =	simm.s32 @!p0 $0x1082;
	s9 =	sld [smem:$0x3FAE]  }
0x2f: {  	lr =	sadd.s32 s0, s3;
	s0 =	sld [smem:$0x3FA5]  }
0x30: {  	s3 =	sld [smem:$0x3FA8]  }
0x31: {  	[smem:$0x3FB1] =	sst s10  }
0x32: {  	s10 =	sld [smem:$0x3FAF];
	_ =	sdelay $0x3  }
0x33: {  	p0 =	seq.s32 s10, $0x1;
	s10 =	sld [smem:$0x3FB1];
	_ =	sdelay $0x3  }
0x34: {  	[smem:$0x3FB1] =	sst s10  }
0x35: {  	s10 =	sld [smem:$0x3FB0];
	_ =	sdelay $0x3  }
0x36: {  	p1 =	seq.s32 s10, $0x1;
	s10 =	sld [smem:$0x3FB1];
	_ =	sdelay $0x3  }
0x37: {  	[smem:$0x3FB1] =	sst s10  }
0x38: {  	s10 =	sld [smem:$0x3FB2]  }
0x39: {  	_ = 	snop;
	(pc) =	sbr.ind lr, $3  }
0x3a: {  	_ = 	snop  }
0x3b: {  	_ = 	snop  }
0x3c: {  	p2 =	seq.s32 s10, $0x1;
	s10 =	sld [smem:$0x3FB1]  }
0x3d: {  	_ =	shalt  }
0x3e: {  	_ =	shalt  }
0x3f: {  	_ =	shalt  }
0x40: {  	_ =	shalt  }
0x41: {  	_ =	shalt  }
0x42: {  	_ =	shalt  }
0x43: {  	_ =	shalt  }
0x44: {  	_ =	shalt  }
0x45: {  	_ =	shalt  }
0x46: {  	_ =	shalt  }
0x47: {  	_ =	shalt  }
0x48: {  	_ =	shalt  }
0x49: {  	_ =	shalt  }
0x4a: {  	_ =	shalt  }
0x4b: {  	_ =	shalt  }
0x4c: {  	_ =	shalt  }
0x4d: {  	_ =	shalt  }
0x4e: {  	_ =	shalt  }
0x4f: {  	_ =	shalt  }
0x50: {  	_ =	shalt  }
0x51: {  	_ =	shalt  }
0x52: {  	_ =	shalt  }
0x53: {  	_ =	shalt  }
0x54: {  	_ =	shalt  }
0x55: {  	_ =	shalt  }
0x56: {  	_ =	shalt  }
0x57: {  	_ =	shalt  }
0x58: {  	_ =	shalt  }
0x59: {  	_ =	shalt  }
0x5a: {  	_ =	shalt  }
0x5b: {  	_ =	shalt  }
0x5c: {  	_ =	shalt  }
0x5d: {  	_ =	shalt  }
0x5e: {  	_ =	shalt  }
0x5f: {  	_ =	shalt  }
0x60: {  	_ =	shalt  }
0x61: {  	_ =	shalt  }
0x62: {  	_ =	shalt  }
0x63: {  	_ =	shalt  }
0x64: {  	_ =	shalt  }
0x65: {  	_ =	shalt  }
0x66: {  	_ =	shalt  }
0x67: {  	_ =	shalt  }
0x68: {  	_ =	shalt  }
0x69: {  	_ =	shalt  }
0x6a: {  	_ =	shalt  }
0x6b: {  	_ =	shalt  }
0x6c: {  	_ =	shalt  }
0x6d: {  	_ =	shalt  }
0x6e: {  	_ =	shalt  }
0x6f: {  	_ =	shalt  }
0x70: {  	_ =	shalt  }
0x71: {  	_ =	shalt  }
0x72: {  	_ =	shalt  }
0x73: {  	_ =	shalt  }
0x74: {  	_ =	shalt  }
0x75: {  	_ =	shalt  }
0x76: {  	_ =	shalt  }
0x77: {  	_ =	shalt  }
0x78: {  	_ =	shalt  }
0x79: {  	_ =	shalt  }
0x7a: {  	_ =	shalt  }
0x7b: {  	_ =	shalt  }
0x7c: {  	_ =	shalt  }
0x7d: {  	_ =	shalt  }
0x7e: {  	_ =	shalt  }
0x7f: {  	_ =	shalt  }
0x80: {  	_ =	shalt  }
0x81: {  	_ =	shalt  }
0x82: {  	_ =	shalt  }
0x83: {  	_ =	shalt  }
0x84: {  	_ =	shalt  }
0x85: {  	_ =	shalt  }
0x86: {  	_ =	shalt  }
0x87: {  	_ =	shalt  }
.Lfunc_end0:
.L_simem_size_0:
called_computation.3_lowered:
.L_overlay_start_0:
0x88: {  	s2 =	sld [smem:$0x3FD9]  }
0x89: {  	s3 =	sld [smem:$0x3FFE];
	_ =	sdelay $0x1  }
0x8a: {  	s1 =	srdreg.scid  }
0x8b: {  	s0 =	sand.u32 $0x1, s1  }
0x8c: {  	s17 =	sshll.u32 s0, $0xA;
	s2 =	sadd.s32 s3, s2  }
0x8d: {  	s2 =	sadd.s32 s2, s17  }
0x8e: {  	[smem:$0x3FBD] =	sst s2  }
0x8f: {  	_ = 	snop  }
0x90: {  	s2 =	sld [smem:$0x3FD0];
	(tm) =	ssettm $0x1  }
0x91: {  	s18 =	sld [smem:$0x3FFB];
	_ =	sdelay $0x3  }
0x92: {  	_ =	strace s18  }
0x93: {  	s3 =	sld [smem:$0x3FFC];
	_ =	sdelay $0x3  }
0x94: {  	_ =	strace s3  }
0x95: {  	s3 =	sld [smem:$0x3FFD];
	_ =	sdelay $0x3  }
0x96: {  	_ =	strace s3  }
0x97: {  	_ =	strace $0x8FFFFFFF  }
0x98: {  	s19 =	sld [smem:$0x3FDB];
	_ =	sdelay $0x1  }
0x99: {  	s4 =	simm.s32 $_scs_section_size  }
0x9a: {  	s5 =	simm.s32 $_size__tile_overlayer_lowered;
	s6 =	simm.s32 $_tile_overlayer_lowered  }
0x9b: {  	s22 =	simm.s32 $0x1BFF;
	s21 =	sshll.u32 s6, $0x1;
	s3 =	sadd.s32 s4, s19  }
0x9c: {  	s7 =	simm.s32 $0x0;
	s20 =	sshll.u32 s5, $0x1;
	s5 =	sadd.s32 s21, s3  }
0x9d: {  	[timem:s7], [sflag:s22] =	dma.local [hbm:s5], s20  }
0x9e: {  	_ =	swait.ge [sflag:s22], s20  }
0x9f: {  	s4 =	ssub.s32 $0x0, s20;
	[sflag:s22] =	ssyncset.done $0x0  }
0xa0: {  	[sflag:s22] =	ssyncadd.s32 s4;
	_ =	sdelay $0x1  }
0xa1: {  	s23 =	simm.s32 $0x1B8B  }
0xa2: {  	_ =	swait.ge [sflag:s23], $0x1  }
0xa3: {  	[sflag:s23] =	ssyncset.done $0x0  }
0xa4: {  	s25 =	simm.s32 $0x1B8E;
	s24 =	sld [smem:$0x3FFE];
	[sflag:s23] =	ssyncadd.s32 $0xFFFFFFFF  }
0xa5: {  	s26 =	simm.s32 $execute0_lowered;
	[smem:$0x3FD2] =	sst s25  }
0xa6: {  	s5 =	sshll.u32 s26, $0x1;
	_ =	strace $0x8000004F;
	[dreg:$0x1] =	wrdreg $0xFFFFFFFF  }
0xa7: {  	s28 =	simm.s32 $_size_execute0_lowered;
	s3 =	sadd.s32 s3, s5;
	[dreg:$0x0] =	wrdreg $0x0  }
0xa8: {  	s5 =	sshll.u32 s28, $0x1;
	[dreg:$0x2] =	wrdreg s3  }
0xa9: {  	[dreg:$0x3] =	wrdreg s5  }
0xaa: {  	[dreg:$0x4] =	wrdreg $0xC0  }
0xab: {  	_ =	task [dreg:s7], $0x5FFFF  }
0xac: {  	[dreg:$0x1] =	wrdreg $0xFFFFFFFF  }
0xad: {  	[dreg:$0x0] =	wrdreg $0x60  }
0xae: {  	[dreg:$0x2] =	wrdreg s24  }
0xaf: {  	[dreg:$0x3] =	wrdreg s2  }
0xb0: {  	[dreg:$0x4] =	wrdreg $0x90000  }
0xb1: {  	[dreg:$0x5] =	wrdreg $0x9  }
0xb2: {  	_ =	task.clear_ibuf [dreg:s7], $0x6FFFF;
	_ =	strace $0x9000004F  }
0xb3: {  	s29 =	simm.s32 $0x9;
	_ =	strace $0x80000051  }
0xb4: {  	_ =	swait.ge [sflag:s29], $0x1  }
0xb5: {  	[sflag:s29] =	ssyncadd.s32 $0xFFFFFFFF  }
0xb6: {  	_ =	strace $0x90000051  }
0xb7: {  	_ =	sfence  }
0xb8: {  	s30 =	sld [smem:$0x0];
	_ =	sdelay $0x2  }
0xb9: {  	s31 =	sshll.u32 s1, $0xD;
	s1 =	sshrl.u32 s1, $0x2  }
0xba: {  	s3 =	sand.u32 $0x4000, s31;
	s1 =	sadd.s32 s1, s30  }
0xbb: {  	s0 =	sor.u32 s3, s0;
	s1 =	sshll.u32 s1, $0x11  }
0xbc: {  	s0 =	sor.u32 s1, s0  }
0xbd: {  	s0 =	sadd.s32 $0x8F2B, s0  }
0xbe: {  	[sflag:s0] =	ssyncadd.remote.s32 $0x1  }
0xbf: {  	_ =	sfence.sel $0xFFFF  }
0xc0: {  	[dreg:$0x0] =	wrdreg $0xFFFFFFFF;
	(pc) =	sbr.abs _section_cstart, $3  }
0xc1: {  	[dreg:$0x1] =	wrdreg $0xFFFFFFFF  }
0xc2: {  	_ =	task.clear_ibuf [dreg:s7], $0x2FFFF;
	_ =	strace $0x9FFFFFFF  }
0xc3: {  	(tm) =	ssettm $0x7FFFFFFF  }
tec
execute0_lowered:
.L_overlay_start_1:
0x0: {  	(tag) =	ssettag $0x1  }
0x1: {  	s6 =	rddreg [dreg:$0x0]  }
0x2: {  	s12 =	rddreg [dreg:$0x1];
	s0 =	srdreg.scid  }
0x3: {  	s2 =	rddreg [dreg:$0x2];
	s24 =	stileid.u32;
	s3 =	simm.s32 $0x0  }
0x4: {  	s16 =	simm.s32 $0x80;
	s17 =	simm.s32 $0x1000;
	s18 =	simm.s32 $0x5000  }
0x5: {  	s19 =	simm.s32 $0x1;
	s20 =	simm.s32 $0x3;
	s21 =	simm.s32 $0x2  }
0x6: {  	s22 =	simm.s32 $0x4;
	s23 =	simm.s32 $0x0;
	s5 =	smul.u32 $0x14000, s24  }
0x7: {  	s7 =	sand.u32 $0x1, s0;
	[smem:$0x7FF] =	sst s3;
	s25 =	smul.u32 $0x50000, s24  }
0x8: {  	s11 =	sadd.s32 $0x3000, s6;
	s10 =	sshll.u32 s24, $0x1;
	s13 =	smul.u32 $0x5000, s24  }
0x9: {  	s29 =	sshll.u32 s24, $0x6;
	s4 =	smul.u32 $0x140000, s7;
	_ =	strace $0x80000050  }
0xa: {  	s26 =	ssub.s32 $0x2, s7;
	s10 =	sor.u32 s7, s10;
	s7 =	smul.u32 $0x2800, s7  }
0xb: {  	s14 =	sshrl.u32 s26, $0x1;
	s28 =	smul.u32 $0x2800, s10;
	s5 =	sadd.s32 s5, s4  }
0xc: {  	s4 =	sadd.s32 $0xD000, s6;
	s14 =	ssub.s32 s26, s14;
	s7 =	sadd.s32 s7, s13  }
0xd: {  	s8 =	sshrl.u32 s5, $0x3;
	s5 =	sadd.s32 $0x34200, s6;
	s30 =	sor.u32 $0x400, s7  }
0xe: {  	s10 =	smax.u32 s14, $0x1;
	s14 =	simm.s32 $0x6;
	s9 =	sadd.s32 s8, s6  }
0xf: {  	s6 =	sshrl.u32 s25, $0x2;
	s8 =	sshrl.u32 s28, $0x3;
	s31 =	sshrl.u32 s30, $0x3  }
0x10: {  	s15 =	sadd.s32 s6, s2;
	s6 =	sor.u32 $0x1C06, s29;
	s7 =	sadd.s32 s12, s8  }
0x11: {  	s8 =	sadd.s32 s11, s8;
	s9 =	sadd.s32 $0x36A00, s9;
	s11 =	sadd.s32 s31, s11  }
0x12: {  	s12 =	sadd.s32 s31, s12;
	s13 =	sshrl.u32 s15, $0x3;
	s15 =	simm.s32 $0x800  }
.LBB2_1:
0x13: {  	[spmem:s13], [sflag:s6] =	dma.local [hbm:s5], $0x2800  }
0x14: {  	_ =	swait.ge [sflag:s14], $0x2800  }
0x15: {  	[sflag:s14] =	ssyncset.done $0x0  }
0x16: {  	[sflag:s14] =	ssyncadd.s32 $0xFFFFD800  }
0x17: {  	[tilespmem:s3], [sflag:$0x6] =	stream.linear.gather [hbm4b:s7+s3], $0x400, $0x38;
	[tilespmem:$0x1D000] =	vst v63  }
0x18: {  	_ =	swait.ge [sflag:s14], $0x400  }
0x19: {  	[sflag:s14] =	ssyncset.done $0x0  }
0x1a: {  	[sflag:s14] =	ssyncadd.s32 $0xFFFFFC00  }
0x1b: {  	[tilespmem:s15], [sflag:$0x6] =	stream.linear.gather [hbm4b:s8+s3], $0x400, $0x38;
	[tilespmem:$0x1D000] =	vst v63  }
0x1c: {  	_ =	swait.ge [sflag:s14], $0x400  }
0x1d: {  	[sflag:s14] =	ssyncset.done $0x0  }
0x1e: {  	p0 =	por $0x1, $0x1;
	[sflag:s14] =	ssyncadd.s32 $0xFFFFFC00  }
0x1f: {  	s24 =	simm.s32 @!p0 $0x5;
	[bflag:$0x0] =	sbarrier.arrive $0xFFFF  }
0x20: {  	_ =	swait.ge @!p0 [sflag:s24], $0x400  }
0x21: {  	[sflag:s24] =	ssyncset.done @!p0 $0x0  }
0x22: {  	[sflag:s24] =	ssyncadd.s32 @!p0 $0xFFFFFC00  }
0x23: {  	_ =	swait.ge @!p0 [sflag:s24], $0x400  }
0x24: {  	[sflag:s24] =	ssyncset.done @!p0 $0x0  }
0x25: {  	[sflag:s24] =	ssyncadd.s32 @!p0 $0xFFFFFC00;
	s24 =	sand.u32 $0x400, s3;
	p0 =	por $0x0, $0x0  }
0x26: {  	[tilespmem:s17], [sflag:$0x1] =	stream.indirect.gather [hbm4b:s4+s16], $0x80, s24, s16, $0xb8;
	[tilespmem:$0x1D000] =	vst v63  }
0x27: {  	s25 =	sor.u32 $0x80, s24;
	s26 =	sxor.u32 @!p0 $0xFFFFFFFF, s3  }
0x28: {  	[tilespmem:s18], [sflag:$0x2] =	stream.indirect.gather [hbm4b:s4+s16], $0x80, s25, s16, $0xb8;
	[tilespmem:$0x1D000] =	vst v63  }
0x29: {  	s28 =	simm.s32 @!p0 $0x0;
	s26 =	sand.u32 @!p0 $0x400, s26  }
0x2a: {  	[tilespmem:s26], [sflag:$0x5] =	stream.linear.gather @!p0 [hbm4b:s12+s28], $0x400, $0x38;
	[tilespmem:$0x1D000] =	vst v63  }
0x2b: {  	s26 =	sor.u32 @!p0 $0x800, s26  }
0x2c: {  	[tilespmem:s26], [sflag:$0x5] =	stream.linear.gather @!p0 [hbm4b:s11+s28], $0x400, $0x38;
	[tilespmem:$0x1D000] =	vst v63  }
0x2d: {  	_ =	swait.ge [sflag:s19], $0x4000  }
0x2e: {  	[sflag:s19] =	ssyncset.done $0x0  }
0x2f: {  	s0 =	sor.u32 $0x800, s24;
	[sflag:s19] =	ssyncadd.s32 $0xFFFFC000  }
0x30: {  	[spmem:s2] =	stream.indirect.scatter.add.f32 [tilespmem:s17], [sflag:$0x3], $0x80, s0, s16, $0xb8;
	[tilespmem:$0x1D000] =	vst v63  }
0x31: {  	_ =	swait.ge [sflag:s20], $0x4000  }
0x32: {  	[sflag:s20] =	ssyncset.done $0x0  }
0x33: {  	s1 =	sor.u32 $0x100, s24;
	[sflag:s20] =	ssyncadd.s32 $0xFFFFC000  }
0x34: {  	[tilespmem:s17], [sflag:$0x1] =	stream.indirect.gather [hbm4b:s4+s16], $0x80, s1, s16, $0xb8;
	[tilespmem:$0x1D000] =	vst v63  }
0x35: {  	_ =	swait.ge [sflag:s21], $0x4000  }
0x36: {  	[sflag:s21] =	ssyncset.done $0x0  }
0x37: {  	s25 =	sor.u32 $0x800, s25;
	[sflag:s21] =	ssyncadd.s32 $0xFFFFC000  }
0x38: {  	[spmem:s2] =	stream.indirect.scatter.add.f32 [tilespmem:s18], [sflag:$0x4], $0x80, s25, s16, $0xb8;
	[tilespmem:$0x1D000] =	vst v63  }
0x39: {  	_ =	swait.ge [sflag:s22], $0x4000  }
0x3a: {  	[sflag:s22] =	ssyncset.done $0x0  }
0x3b: {  	s26 =	sor.u32 $0x180, s24;
	[sflag:s22] =	ssyncadd.s32 $0xFFFFC000  }
0x3c: {  	[tilespmem:s18], [sflag:$0x2] =	stream.indirect.gather [hbm4b:s4+s16], $0x80, s26, s16, $0xb8;
	[tilespmem:$0x1D000] =	vst v63  }
0x3d: {  	_ =	swait.ge [sflag:s19], $0x4000  }
0x3e: {  	[sflag:s19] =	ssyncset.done $0x0  }
0x3f: {  	s29 =	sor.u32 $0x900, s24;
	[sflag:s19] =	ssyncadd.s32 $0xFFFFC000  }
0x40: {  	[spmem:s2] =	stream.indirect.scatter.add.f32 [tilespmem:s17], [sflag:$0x3], $0x80, s29, s16, $0xb8;
	[tilespmem:$0x1D000] =	vst v63  }
0x41: {  	_ =	swait.ge [sflag:s20], $0x4000  }
0x42: {  	[sflag:s20] =	ssyncset.done $0x0  }
0x43: {  	s30 =	sor.u32 $0x200, s24;
	[sflag:s20] =	ssyncadd.s32 $0xFFFFC000  }
0x44: {  	[tilespmem:s17], [sflag:$0x1] =	stream.indirect.gather [hbm4b:s4+s16], $0x80, s30, s16, $0xb8;
	[tilespmem:$0x1D000] =	vst v63  }
0x45: {  	_ =	swait.ge [sflag:s21], $0x4000  }
0x46: {  	[sflag:s21] =	ssyncset.done $0x0  }
0x47: {  	s31 =	sor.u32 $0x980, s24;
	[sflag:s21] =	ssyncadd.s32 $0xFFFFC000  }
0x48: {  	[spmem:s2] =	stream.indirect.scatter.add.f32 [tilespmem:s18], [sflag:$0x4], $0x80, s31, s16, $0xb8;
	[tilespmem:$0x1D000] =	vst v63  }
0x49: {  	_ =	swait.ge [sflag:s22], $0x4000  }
0x4a: {  	[sflag:s22] =	ssyncset.done $0x0  }
0x4b: {  	s0 =	sor.u32 $0x280, s24;
	[sflag:s22] =	ssyncadd.s32 $0xFFFFC000  }
0x4c: {  	[tilespmem:s18], [sflag:$0x2] =	stream.indirect.gather [hbm4b:s4+s16], $0x80, s0, s16, $0xb8;
	[tilespmem:$0x1D000] =	vst v63  }
0x4d: {  	_ =	swait.ge [sflag:s19], $0x4000  }
0x4e: {  	[sflag:s19] =	ssyncset.done $0x0  }
0x4f: {  	s1 =	sor.u32 $0xA00, s24;
	[sflag:s19] =	ssyncadd.s32 $0xFFFFC000  }
0x50: {  	[spmem:s2] =	stream.indirect.scatter.add.f32 [tilespmem:s17], [sflag:$0x3], $0x80, s1, s16, $0xb8;
	[tilespmem:$0x1D000] =	vst v63  }
0x51: {  	_ =	swait.ge [sflag:s20], $0x4000  }
0x52: {  	[sflag:s20] =	ssyncset.done $0x0  }
0x53: {  	s26 =	sor.u32 $0x300, s24;
	[sflag:s20] =	ssyncadd.s32 $0xFFFFC000  }
0x54: {  	[tilespmem:s17], [sflag:$0x1] =	stream.indirect.gather [hbm4b:s4+s16], $0x80, s26, s16, $0xb8;
	[tilespmem:$0x1D000] =	vst v63  }
0x55: {  	_ =	swait.ge [sflag:s21], $0x4000  }
0x56: {  	[sflag:s21] =	ssyncset.done $0x0  }
0x57: {  	s29 =	sor.u32 $0xA80, s24;
	[sflag:s21] =	ssyncadd.s32 $0xFFFFC000  }
0x58: {  	[spmem:s2] =	stream.indirect.scatter.add.f32 [tilespmem:s18], [sflag:$0x4], $0x80, s29, s16, $0xb8;
	[tilespmem:$0x1D000] =	vst v63  }
0x59: {  	_ =	swait.ge [sflag:s22], $0x4000  }
0x5a: {  	[sflag:s22] =	ssyncset.done $0x0  }
0x5b: {  	s30 =	sor.u32 $0x380, s24;
	[sflag:s22] =	ssyncadd.s32 $0xFFFFC000  }
0x5c: {  	[tilespmem:s18], [sflag:$0x2] =	stream.indirect.gather [hbm4b:s4+s16], $0x80, s30, s16, $0xb8;
	[tilespmem:$0x1D000] =	vst v63  }
0x5d: {  	_ =	swait.ge [sflag:s19], $0x4000  }
0x5e: {  	[sflag:s19] =	ssyncset.done $0x0  }
0x5f: {  	s31 =	sor.u32 $0xB00, s24;
	[sflag:s19] =	ssyncadd.s32 $0xFFFFC000  }
0x60: {  	[spmem:s2] =	stream.indirect.scatter.add.f32 [tilespmem:s17], [sflag:$0x3], $0x80, s31, s16, $0xb8;
	[tilespmem:$0x1D000] =	vst v63  }
0x61: {  	_ =	swait.ge [sflag:s21], $0x4000  }
0x62: {  	[sflag:s21] =	ssyncset.done $0x0  }
0x63: {  	s24 =	sor.u32 $0xB80, s24;
	[sflag:s21] =	ssyncadd.s32 $0xFFFFC000  }
0x64: {  	[spmem:s2] =	stream.indirect.scatter.add.f32 [tilespmem:s18], [sflag:$0x4], $0x80, s24, s16, $0xb8;
	[tilespmem:$0x1D000] =	vst v63  }
0x65: {  	_ =	swait.ge [sflag:s20], $0x4000  }
0x66: {  	[sflag:s20] =	ssyncset.done $0x0  }
0x67: {  	s28 =	simm.s32 $0x800;
	s25 =	simm.s32 $0x400;
	[sflag:s20] =	ssyncadd.s32 $0xFFFFC000  }
0x68: {  	s26 =	sadd.s32 $0x80, s12;
	s24 =	sadd.s32 $0x80, s11;
	_ =	swait.ge [sflag:s22], $0x4000  }
.LBB2_2:
0x69: {  	p1 =	seq.s32 s25, $0x0  }
0x6a: {  	[sflag:s22] =	ssyncset.done $0x0;
	s30 =	smov.u32 s28;
	s28 =	sadd.s32 $0x400, s28  }
0x6b: {  	p0 =	sne.s32 s28, $0x2800;
	s29 =	simm.s32 @!p1 $0x5;
	[sflag:s22] =	ssyncadd.s32 $0xFFFFC000  }
0x6c: {  	_ =	swait.ge @!p1 [sflag:s29], $0x400  }
0x6d: {  	[sflag:s29] =	ssyncset.done @!p1 $0x0  }
0x6e: {  	[sflag:s29] =	ssyncadd.s32 @!p1 $0xFFFFFC00  }
0x6f: {  	_ =	swait.ge @!p1 [sflag:s29], $0x400  }
0x70: {  	[sflag:s29] =	ssyncset.done @!p1 $0x0  }
0x71: {  	[sflag:s29] =	ssyncadd.s32 @!p1 $0xFFFFFC00;
	s29 =	sand.u32 $0x400, s25  }
0x72: {  	[tilespmem:s17], [sflag:$0x1] =	stream.indirect.gather [hbm4b:s4+s16], $0x80, s29, s16, $0xb8;
	[tilespmem:$0x1D000] =	vst v63  }
0x73: {  	p1 =	seq.s32 s25, $0x2400;
	s31 =	sor.u32 $0x80, s29  }
0x74: {  	[tilespmem:s18], [sflag:$0x2] =	stream.indirect.gather [hbm4b:s4+s16], $0x80, s31, s16, $0xb8;
	[tilespmem:$0x1D000] =	vst v63  }
0x75: {  	s0 =	sxor.u32 @!p1 $0xFFFFFFFF, s25;
	s1 =	simm.s32 @!p1 $0x0;
	s25 =	smov.u32 s30  }
0x76: {  	s0 =	sand.u32 @!p1 $0x400, s0  }
0x77: {  	[tilespmem:s0], [sflag:$0x5] =	stream.linear.gather @!p1 [hbm4b:s26+s1], $0x400, $0x38;
	[tilespmem:$0x1D000] =	vst v63  }
0x78: {  	s0 =	sor.u32 @!p1 $0x800, s0  }
0x79: {  	[tilespmem:s0], [sflag:$0x5] =	stream.linear.gather @!p1 [hbm4b:s24+s1], $0x400, $0x38;
	[tilespmem:$0x1D000] =	vst v63  }
0x7a: {  	_ =	swait.ge [sflag:s19], $0x4000  }
0x7b: {  	s0 =	sor.u32 $0x800, s29;
	[sflag:s19] =	ssyncset.done $0x0  }
0x7c: {  	[sflag:s19] =	ssyncadd.s32 $0xFFFFC000  }
0x7d: {  	[spmem:s2] =	stream.indirect.scatter.add.f32 [tilespmem:s17], [sflag:$0x3], $0x80, s0, s16, $0xb8;
	[tilespmem:$0x1D000] =	vst v63  }
0x7e: {  	_ =	swait.ge [sflag:s20], $0x4000  }
0x7f: {  	s0 =	sor.u32 $0x100, s29;
	[sflag:s20] =	ssyncset.done $0x0  }
0x80: {  	[sflag:s20] =	ssyncadd.s32 $0xFFFFC000  }
0x81: {  	[tilespmem:s17], [sflag:$0x1] =	stream.indirect.gather [hbm4b:s4+s16], $0x80, s0, s16, $0xb8;
	[tilespmem:$0x1D000] =	vst v63  }
0x82: {  	_ =	swait.ge [sflag:s21], $0x4000  }
0x83: {  	s0 =	sor.u32 $0x800, s31;
	[sflag:s21] =	ssyncset.done $0x0  }
0x84: {  	[sflag:s21] =	ssyncadd.s32 $0xFFFFC000  }
0x85: {  	[spmem:s2] =	stream.indirect.scatter.add.f32 [tilespmem:s18], [sflag:$0x4], $0x80, s0, s16, $0xb8;
	[tilespmem:$0x1D000] =	vst v63  }
0x86: {  	_ =	swait.ge [sflag:s22], $0x4000  }
0x87: {  	s0 =	sor.u32 $0x180, s29;
	[sflag:s22] =	ssyncset.done $0x0  }
0x88: {  	[sflag:s22] =	ssyncadd.s32 $0xFFFFC000  }
0x89: {  	[tilespmem:s18], [sflag:$0x2] =	stream.indirect.gather [hbm4b:s4+s16], $0x80, s0, s16, $0xb8;
	[tilespmem:$0x1D000] =	vst v63  }
0x8a: {  	_ =	swait.ge [sflag:s19], $0x4000  }
0x8b: {  	s0 =	sor.u32 $0x900, s29;
	[sflag:s19] =	ssyncset.done $0x0  }
0x8c: {  	[sflag:s19] =	ssyncadd.s32 $0xFFFFC000  }
0x8d: {  	[spmem:s2] =	stream.indirect.scatter.add.f32 [tilespmem:s17], [sflag:$0x3], $0x80, s0, s16, $0xb8;
	[tilespmem:$0x1D000] =	vst v63  }
0x8e: {  	_ =	swait.ge [sflag:s20], $0x4000  }
0x8f: {  	s0 =	sor.u32 $0x200, s29;
	[sflag:s20] =	ssyncset.done $0x0  }
0x90: {  	[sflag:s20] =	ssyncadd.s32 $0xFFFFC000  }
0x91: {  	[tilespmem:s17], [sflag:$0x1] =	stream.indirect.gather [hbm4b:s4+s16], $0x80, s0, s16, $0xb8;
	[tilespmem:$0x1D000] =	vst v63  }
0x92: {  	_ =	swait.ge [sflag:s21], $0x4000  }
0x93: {  	s0 =	sor.u32 $0x980, s29;
	[sflag:s21] =	ssyncset.done $0x0  }
0x94: {  	[sflag:s21] =	ssyncadd.s32 $0xFFFFC000  }
0x95: {  	[spmem:s2] =	stream.indirect.scatter.add.f32 [tilespmem:s18], [sflag:$0x4], $0x80, s0, s16, $0xb8;
	[tilespmem:$0x1D000] =	vst v63  }
0x96: {  	_ =	swait.ge [sflag:s22], $0x4000  }
0x97: {  	s0 =	sor.u32 $0x280, s29;
	[sflag:s22] =	ssyncset.done $0x0  }
0x98: {  	[sflag:s22] =	ssyncadd.s32 $0xFFFFC000  }
0x99: {  	[tilespmem:s18], [sflag:$0x2] =	stream.indirect.gather [hbm4b:s4+s16], $0x80, s0, s16, $0xb8;
	[tilespmem:$0x1D000] =	vst v63  }
0x9a: {  	_ =	swait.ge [sflag:s19], $0x4000  }
0x9b: {  	s0 =	sor.u32 $0xA00, s29;
	[sflag:s19] =	ssyncset.done $0x0  }
0x9c: {  	[sflag:s19] =	ssyncadd.s32 $0xFFFFC000  }
0x9d: {  	[spmem:s2] =	stream.indirect.scatter.add.f32 [tilespmem:s17], [sflag:$0x3], $0x80, s0, s16, $0xb8;
	[tilespmem:$0x1D000] =	vst v63  }
0x9e: {  	_ =	swait.ge [sflag:s20], $0x4000  }
0x9f: {  	s0 =	sor.u32 $0x300, s29;
	[sflag:s20] =	ssyncset.done $0x0  }
0xa0: {  	[sflag:s20] =	ssyncadd.s32 $0xFFFFC000  }
0xa1: {  	[tilespmem:s17], [sflag:$0x1] =	stream.indirect.gather [hbm4b:s4+s16], $0x80, s0, s16, $0xb8;
	[tilespmem:$0x1D000] =	vst v63  }
0xa2: {  	_ =	swait.ge [sflag:s21], $0x4000  }
0xa3: {  	s0 =	sor.u32 $0xA80, s29;
	[sflag:s21] =	ssyncset.done $0x0  }
0xa4: {  	[sflag:s21] =	ssyncadd.s32 $0xFFFFC000  }
0xa5: {  	[spmem:s2] =	stream.indirect.scatter.add.f32 [tilespmem:s18], [sflag:$0x4], $0x80, s0, s16, $0xb8;
	[tilespmem:$0x1D000] =	vst v63  }
0xa6: {  	_ =	swait.ge [sflag:s22], $0x4000  }
0xa7: {  	s0 =	sor.u32 $0x380, s29;
	[sflag:s22] =	ssyncset.done $0x0  }
0xa8: {  	[sflag:s22] =	ssyncadd.s32 $0xFFFFC000  }
0xa9: {  	[tilespmem:s18], [sflag:$0x2] =	stream.indirect.gather [hbm4b:s4+s16], $0x80, s0, s16, $0xb8;
	[tilespmem:$0x1D000] =	vst v63  }
0xaa: {  	_ =	swait.ge [sflag:s19], $0x4000  }
0xab: {  	s0 =	sor.u32 $0xB00, s29;
	[sflag:s19] =	ssyncset.done $0x0  }
0xac: {  	[sflag:s19] =	ssyncadd.s32 $0xFFFFC000  }
0xad: {  	[spmem:s2] =	stream.indirect.scatter.add.f32 [tilespmem:s17], [sflag:$0x3], $0x80, s0, s16, $0xb8;
	[tilespmem:$0x1D000] =	vst v63  }
0xae: {  	_ =	swait.ge [sflag:s21], $0x4000  }
0xaf: {  	s0 =	sor.u32 $0xB80, s29;
	[sflag:s21] =	ssyncset.done $0x0  }
0xb0: {  	[sflag:s21] =	ssyncadd.s32 $0xFFFFC000  }
0xb1: {  	[spmem:s2] =	stream.indirect.scatter.add.f32 [tilespmem:s18], [sflag:$0x4], $0x80, s0, s16, $0xb8;
	[tilespmem:$0x1D000] =	vst v63  }
.Ltmp0:
0xb2: {  	_ = 	snop;
	(pc) =	sbr.rel @p0 .LBB2_2-.Ltmp0, $4  }
0xb3: {  	_ =	swait.ge [sflag:s20], $0x4000  }
0xb4: {  	[sflag:s20] =	ssyncset.done $0x0  }
0xb5: {  	[sflag:s20] =	ssyncadd.s32 $0xFFFFC000  }
0xb6: {  	s26 =	sadd.s32 $0x80, s26;
	s24 =	sadd.s32 $0x80, s24;
	_ =	swait.ge [sflag:s22], $0x4000  }
0xb7: {  	p0 =	seq.s32 s25, $0x0;
	[sflag:s22] =	ssyncset.done $0x0  }
0xb8: {  	s0 =	simm.s32 @!p0 $0x5;
	[sflag:s22] =	ssyncadd.s32 $0xFFFFC000  }
0xb9: {  	_ =	swait.ge @!p0 [sflag:s0], $0x400  }
0xba: {  	[sflag:s0] =	ssyncset.done @!p0 $0x0  }
0xbb: {  	[sflag:s0] =	ssyncadd.s32 @!p0 $0xFFFFFC00  }
0xbc: {  	_ =	swait.ge @!p0 [sflag:s0], $0x400  }
0xbd: {  	[sflag:s0] =	ssyncset.done @!p0 $0x0  }
0xbe: {  	s28 =	sand.u32 $0x400, s25;
	[sflag:s0] =	ssyncadd.s32 @!p0 $0xFFFFFC00;
	p0 =	seq.s32 s25, $0x2400  }
0xbf: {  	[tilespmem:s17], [sflag:$0x1] =	stream.indirect.gather [hbm4b:s4+s16], $0x80, s28, s16, $0xb8;
	[tilespmem:$0x1D000] =	vst v63  }
0xc0: {  	s31 =	sor.u32 $0x80, s28;
	s1 =	sxor.u32 @!p0 $0xFFFFFFFF, s25  }
0xc1: {  	[tilespmem:s18], [sflag:$0x2] =	stream.indirect.gather [hbm4b:s4+s16], $0x80, s31, s16, $0xb8;
	[tilespmem:$0x1D000] =	vst v63  }
0xc2: {  	s25 =	simm.s32 @!p0 $0x0;
	s1 =	sand.u32 @!p0 $0x400, s1  }
0xc3: {  	[tilespmem:s1], [sflag:$0x5] =	stream.linear.gather @!p0 [hbm4b:s26+s25], $0x400, $0x38;
	[tilespmem:$0x1D000] =	vst v63  }
0xc4: {  	s1 =	sor.u32 @!p0 $0x800, s1  }
0xc5: {  	[tilespmem:s1], [sflag:$0x5] =	stream.linear.gather @!p0 [hbm4b:s24+s25], $0x400, $0x38;
	[tilespmem:$0x1D000] =	vst v63  }
0xc6: {  	_ =	swait.ge [sflag:s19], $0x4000  }
0xc7: {  	[sflag:s19] =	ssyncset.done $0x0  }
0xc8: {  	s24 =	sor.u32 $0x800, s28;
	[sflag:s19] =	ssyncadd.s32 $0xFFFFC000  }
0xc9: {  	[spmem:s2] =	stream.indirect.scatter.add.f32 [tilespmem:s17], [sflag:$0x3], $0x80, s24, s16, $0xb8;
	[tilespmem:$0x1D000] =	vst v63  }
0xca: {  	_ =	swait.ge [sflag:s20], $0x4000  }
0xcb: {  	[sflag:s20] =	ssyncset.done $0x0  }
0xcc: {  	s25 =	sor.u32 $0x100, s28;
	[sflag:s20] =	ssyncadd.s32 $0xFFFFC000  }
0xcd: {  	[tilespmem:s17], [sflag:$0x1] =	stream.indirect.gather [hbm4b:s4+s16], $0x80, s25, s16, $0xb8;
	[tilespmem:$0x1D000] =	vst v63  }
0xce: {  	_ =	swait.ge [sflag:s21], $0x4000  }
0xcf: {  	[sflag:s21] =	ssyncset.done $0x0  }
0xd0: {  	s0 =	sor.u32 $0x800, s31;
	[sflag:s21] =	ssyncadd.s32 $0xFFFFC000  }
0xd1: {  	[spmem:s2] =	stream.indirect.scatter.add.f32 [tilespmem:s18], [sflag:$0x4], $0x80, s0, s16, $0xb8;
	[tilespmem:$0x1D000] =	vst v63  }
0xd2: {  	_ =	swait.ge [sflag:s22], $0x4000  }
0xd3: {  	[sflag:s22] =	ssyncset.done $0x0  }
0xd4: {  	s26 =	sor.u32 $0x180, s28;
	[sflag:s22] =	ssyncadd.s32 $0xFFFFC000  }
0xd5: {  	[tilespmem:s18], [sflag:$0x2] =	stream.indirect.gather [hbm4b:s4+s16], $0x80, s26, s16, $0xb8;
	[tilespmem:$0x1D000] =	vst v63  }
0xd6: {  	_ =	swait.ge [sflag:s19], $0x4000  }
0xd7: {  	[sflag:s19] =	ssyncset.done $0x0  }
0xd8: {  	s29 =	sor.u32 $0x900, s28;
	[sflag:s19] =	ssyncadd.s32 $0xFFFFC000  }
0xd9: {  	[spmem:s2] =	stream.indirect.scatter.add.f32 [tilespmem:s17], [sflag:$0x3], $0x80, s29, s16, $0xb8;
	[tilespmem:$0x1D000] =	vst v63  }
0xda: {  	_ =	swait.ge [sflag:s20], $0x4000  }
0xdb: {  	[sflag:s20] =	ssyncset.done $0x0  }
0xdc: {  	s30 =	sor.u32 $0x200, s28;
	[sflag:s20] =	ssyncadd.s32 $0xFFFFC000  }
0xdd: {  	[tilespmem:s17], [sflag:$0x1] =	stream.indirect.gather [hbm4b:s4+s16], $0x80, s30, s16, $0xb8;
	[tilespmem:$0x1D000] =	vst v63  }
0xde: {  	_ =	swait.ge [sflag:s21], $0x4000  }
0xdf: {  	[sflag:s21] =	ssyncset.done $0x0  }
0xe0: {  	s31 =	sor.u32 $0x980, s28;
	[sflag:s21] =	ssyncadd.s32 $0xFFFFC000  }
0xe1: {  	[spmem:s2] =	stream.indirect.scatter.add.f32 [tilespmem:s18], [sflag:$0x4], $0x80, s31, s16, $0xb8;
	[tilespmem:$0x1D000] =	vst v63  }
0xe2: {  	_ =	swait.ge [sflag:s22], $0x4000  }
0xe3: {  	[sflag:s22] =	ssyncset.done $0x0  }
0xe4: {  	s1 =	sor.u32 $0x280, s28;
	[sflag:s22] =	ssyncadd.s32 $0xFFFFC000  }
0xe5: {  	[tilespmem:s18], [sflag:$0x2] =	stream.indirect.gather [hbm4b:s4+s16], $0x80, s1, s16, $0xb8;
	[tilespmem:$0x1D000] =	vst v63  }
0xe6: {  	_ =	swait.ge [sflag:s19], $0x4000  }
0xe7: {  	[sflag:s19] =	ssyncset.done $0x0  }
0xe8: {  	s24 =	sor.u32 $0xA00, s28;
	[sflag:s19] =	ssyncadd.s32 $0xFFFFC000  }
0xe9: {  	[spmem:s2] =	stream.indirect.scatter.add.f32 [tilespmem:s17], [sflag:$0x3], $0x80, s24, s16, $0xb8;
	[tilespmem:$0x1D000] =	vst v63  }
0xea: {  	_ =	swait.ge [sflag:s20], $0x4000  }
0xeb: {  	[sflag:s20] =	ssyncset.done $0x0  }
0xec: {  	s25 =	sor.u32 $0x300, s28;
	[sflag:s20] =	ssyncadd.s32 $0xFFFFC000  }
0xed: {  	[tilespmem:s17], [sflag:$0x1] =	stream.indirect.gather [hbm4b:s4+s16], $0x80, s25, s16, $0xb8;
	[tilespmem:$0x1D000] =	vst v63  }
0xee: {  	_ =	swait.ge [sflag:s21], $0x4000  }
0xef: {  	[sflag:s21] =	ssyncset.done $0x0  }
0xf0: {  	s26 =	sor.u32 $0xA80, s28;
	[sflag:s21] =	ssyncadd.s32 $0xFFFFC000  }
0xf1: {  	[spmem:s2] =	stream.indirect.scatter.add.f32 [tilespmem:s18], [sflag:$0x4], $0x80, s26, s16, $0xb8;
	[tilespmem:$0x1D000] =	vst v63  }
0xf2: {  	_ =	swait.ge [sflag:s22], $0x4000  }
0xf3: {  	[sflag:s22] =	ssyncset.done $0x0  }
0xf4: {  	s29 =	sor.u32 $0x380, s28;
	[sflag:s22] =	ssyncadd.s32 $0xFFFFC000  }
0xf5: {  	[tilespmem:s18], [sflag:$0x2] =	stream.indirect.gather [hbm4b:s4+s16], $0x80, s29, s16, $0xb8;
	[tilespmem:$0x1D000] =	vst v63  }
0xf6: {  	_ =	swait.ge [sflag:s19], $0x4000  }
0xf7: {  	[sflag:s19] =	ssyncset.done $0x0  }
0xf8: {  	s30 =	sor.u32 $0xB00, s28;
	[sflag:s19] =	ssyncadd.s32 $0xFFFFC000  }
0xf9: {  	[spmem:s2] =	stream.indirect.scatter.add.f32 [tilespmem:s17], [sflag:$0x3], $0x80, s30, s16, $0xb8;
	[tilespmem:$0x1D000] =	vst v63  }
0xfa: {  	_ =	swait.ge [sflag:s21], $0x4000  }
0xfb: {  	[sflag:s21] =	ssyncset.done $0x0  }
0xfc: {  	s31 =	sor.u32 $0xB80, s28;
	[sflag:s21] =	ssyncadd.s32 $0xFFFFC000  }
0xfd: {  	[spmem:s2] =	stream.indirect.scatter.add.f32 [tilespmem:s18], [sflag:$0x4], $0x80, s31, s16, $0xb8;
	[tilespmem:$0x1D000] =	vst v63  }
0xfe: {  	_ =	swait.ge [sflag:s20], $0x4000  }
0xff: {  	[sflag:s20] =	ssyncset.done $0x0  }
0x100: {  	[sflag:s20] =	ssyncadd.s32 $0xFFFFC000  }
0x101: {  	_ =	swait.ge [sflag:s22], $0x4000  }
0x102: {  	s23 =	sadd.s32 $0x1, s23;
	[sflag:s22] =	ssyncset.done $0x0  }
0x103: {  	p0 =	sne.s32 s23, s10;
	[sflag:s22] =	ssyncadd.s32 $0xFFFFC000  }
.Ltmp1:
0x104: {  	[bflag:$0x0] =	sbarrier.arrive $0xFFFF;
	(pc) =	sbr.rel @p0 .LBB2_1-.Ltmp1, $4  }
0x105: {  	[hbm:s9], [sflag:s6] =	dma.local [spmem:s13], $0x2800  }
0x106: {  	_ =	swait.ge [sflag:s14], $0x2800  }
0x107: {  	[sflag:s14] =	ssyncset.done $0x0  }
0x108: {  	[sflag:s14] =	ssyncadd.s32 $0xFFFFD800  }
0x109: {  	_ =	sfence.sel $0x180000  }
0x10a: {  	[bflag:$0x0] =	sbarrier.arrive $0xFFFF  }
0x10b: {  	_ =	strace $0x90000050  }
0x10c: {  	s0 =	stileid.u32;
	[bflag:$0x2] =	sbarrier.arrive $0xFFFF  }
0x10d: {  	p0 =	sne.s32 s0, $0x0;
	s0 =	rddreg [dreg:$0x3]  }
0x10e: {  	s0 =	sadd.s32 @!p0 $0x100000, s0  }
0x10f: {  	[sflag:s0] =	ssyncadd.tile.s32 @!p0 $0x1;
	_ =	shalt  }
.Lfunc_end2:
_tile_overlayer_lowered:
.L_overlay_start_2:
0x110: {  	(tag) =	ssettag $0x2  }
0x111: {  	s0 =	rddreg [dreg:$0x0];
	s2 =	stileid.u32  }
0x112: {  	s1 =	rddreg [dreg:$0x1];
	p0 =	sne.s32 s2, $0x0  }
0x113: {  	s3 =	rddreg [dreg:$0x2];
	[bflag:$0x3] =	sbarrier.arrive $0xFFFF;
	s2 =	simm.s32 @!p0 $0x1C06  }
0x114: {  	[timem:s3], [sflag:s2] =	dma.local @!p0 [hbm:s0], s1  }
0x115: {  	s0 =	simm.s32 @!p0 $0x6  }
0x116: {  	_ =	swait.ge @!p0 [sflag:s0], s1  }
0x117: {  	s1 =	ssub.s32 @!p0 $0x0, s1;
	[sflag:s0] =	ssyncset.done @!p0 $0x0  }
0x118: {  	[sflag:s0] =	ssyncadd.s32 @!p0 s1  }
0x119: {  	[bflag:$0x3] =	sbarrier.arrive $0xFFFF  }
0x11a: {  	_ =	shalt  }

</sc_bundles>
